<compile_context>
chip_gen: v7x
topology: tpu7x:2x2x1
jax: 0.10.2.dev20260603
libtpu: 0.0.44.dev20260713+nightly
codegen_flags: <defaults>
</compile_context>

<pallas_src>
import functools

import jax
import jax.numpy as jnp
from jax import lax
from jax.experimental import pallas as pl
from jax.experimental.pallas import tpu as pltpu
from jax.experimental.pallas import tpu_sc as plsc

LANES = 16

_GATHER_DNUMS = lax.GatherDimensionNumbers(
    offset_dims=(), collapsed_slice_dims=(0,), start_index_map=(0,))


def _lane_shuffle(v, perm):
    return lax.gather(v, perm.reshape(LANES, 1), _GATHER_DNUMS,
                      slice_sizes=(1,),
                      mode=lax.GatherScatterMode.PROMISE_IN_BOUNDS)


_LANE = None


def _merge(a, b, s):
    lane = jnp.arange(LANES, dtype=jnp.int32)
    m = (lane & s) != 0
    sel = jnp.where(m, b, a)
    alt = jnp.where(m, a, b)
    return sel + _lane_shuffle(alt, lane ^ s)


def kernel(x_track, x_playlist, track_playlist_edge):
    n_edges = track_playlist_edge.shape[1]
    d_feat = x_track.shape[1]

    info = plsc.get_sparse_core_info()
    n_workers = info.num_cores * info.num_subcores

    assert n_edges % n_workers == 0
    e_per_w = n_edges // n_workers

    blk = 80
    assert e_per_w % blk == 0 and blk % LANES == 0 and blk <= 128
    n_blk = e_per_w // blk
    nbuf = 4

    mesh = plsc.VectorSubcoreMesh(core_axis_name="c", subcore_axis_name="s")

    @functools.partial(
        pl.kernel,
        mesh=mesh,
        out_type=jax.ShapeDtypeStruct((n_edges,), jnp.float32),
        scratch_types=[
            pltpu.VMEM((e_per_w,), jnp.int32),
            pltpu.VMEM((e_per_w,), jnp.int32),
            pltpu.VMEM((e_per_w,), jnp.float32),
        ] + [pltpu.VMEM((blk, d_feat), jnp.float32)] * (2 * nbuf)
          + [pltpu.SemaphoreType.DMA] * (2 * nbuf),
    )
    def run(xt_hbm, xp_hbm, ti_hbm, pi_hbm, out_hbm,
            idx_t, idx_p, out_v, *bufs_and_sems):
        rows_t = bufs_and_sems[0:nbuf]
        rows_p = bufs_and_sems[nbuf:2 * nbuf]
        sem_t = bufs_and_sems[2 * nbuf:3 * nbuf]
        sem_p = bufs_and_sems[3 * nbuf:4 * nbuf]
        wid = lax.axis_index("s") * info.num_cores + lax.axis_index("c")
        base = pl.multiple_of(wid * e_per_w, 8)

        pltpu.sync_copy(ti_hbm.at[pl.ds(base, e_per_w)], idx_t)
        pltpu.sync_copy(pi_hbm.at[pl.ds(base, e_per_w)], idx_p)

        def copies(b, slot):
            off = pl.multiple_of(b * blk, 8)
            return (
                pltpu.make_async_copy(
                    xt_hbm.at[idx_t.at[pl.ds(off, blk)]], rows_t[slot],
                    sem_t[slot]),
                pltpu.make_async_copy(
                    xp_hbm.at[idx_p.at[pl.ds(off, blk)]], rows_p[slot],
                    sem_p[slot]),
            )

        def start(b, slot):
            for c in copies(b, slot):
                c.start()

        def wait(b, slot):
            for c in copies(b, slot):
                c.wait()

        def compute(b, slot):
            def edge_vec(e):
                ms = [rows_t[slot][e, pl.ds(j * LANES, LANES)]
                      * rows_p[slot][e, pl.ds(j * LANES, LANES)]
                      for j in range(d_feat // LANES)]
                while len(ms) > 1:
                    ms = [ms[2 * i] + ms[2 * i + 1]
                          for i in range(len(ms) // 2)]
                return ms[0]

            def reduce_span(e0, span):
                if span == 1:
                    return edge_vec(e0)
                half = span // 2
                return _merge(reduce_span(e0, half),
                              reduce_span(e0 + half, half), half)

            lane = jnp.arange(LANES, dtype=jnp.int32)

            def grp_body(g, carry):
                def sub_body(k, scores):
                    q = reduce_span(g * LANES + k * 4, 4)
                    q = q + _lane_shuffle(q, lane ^ 4)
                    q = q + _lane_shuffle(q, lane ^ 8)
                    return jnp.where((lane >> 2) == k, q, scores)

                scores = lax.fori_loop(
                    0, 4, sub_body, jnp.zeros((LANES,), jnp.float32))
                off = pl.multiple_of(b * blk + g * LANES, 8)
                out_v[pl.ds(off, LANES)] = scores
                return carry

            lax.fori_loop(0, blk // LANES, grp_body, 0)

        for b in range(nbuf - 1):
            start(b, b)

        main_iters = (n_blk - nbuf + 1) // nbuf

        def ring(i, carry):
            for b in range(nbuf):
                blk_id = i * nbuf + b
                wait(blk_id, b)
                start(blk_id + nbuf - 1, (b + nbuf - 1) % nbuf)
                compute(blk_id, b)
            return carry

        lax.fori_loop(0, main_iters, ring, 0)

        for blk_id in range(main_iters * nbuf, n_blk):
            slot = blk_id % nbuf
            wait(blk_id, slot)
            if blk_id + nbuf - 1 < n_blk:
                start(blk_id + nbuf - 1, (blk_id + nbuf - 1) % nbuf)
            compute(blk_id, slot)

        pltpu.sync_copy(out_v, out_hbm.at[pl.ds(base, e_per_w)])

    return run(x_track, x_playlist,
               track_playlist_edge[0], track_playlist_edge[1])

# --- scband reference (transcript-rebuilt; emitter-appended) ---
"""Pipeline reference for scband-link-predictor-927712936633 (READ-ONLY COPY).

The authoritative reference and input builder live on the scoring server;
editing this copy changes nothing except your own understanding.
"""

import jax, jax.numpy as jnp
import numpy as np

N_TRACK = 10000
N_PLAYLIST = 10000
D_FEAT = 128
N_EDGES = 320000


def setup_inputs(seed: int = 0) -> dict:
    key = jax.random.key(seed)
    k1, k2, k3 = jax.random.split(key, 3)
    x_track = jax.random.normal(k1, (N_TRACK, D_FEAT), dtype=jnp.float32)
    x_playlist = jax.random.normal(k2, (N_PLAYLIST, D_FEAT), dtype=jnp.float32)
    track_playlist_edge = jax.random.randint(k3, (2, N_EDGES), 0, N_TRACK, dtype=jnp.int32)
    return {
        "x_track": x_track,
        "x_playlist": x_playlist,
        "track_playlist_edge": track_playlist_edge,
    }


def reference(x_track, x_playlist, track_playlist_edge):
    # gather per-edge embeddings (SparseCore gather)
    track_embedding = jnp.take(x_track, track_playlist_edge[0], axis=0)
    playlist_embedding = jnp.take(x_playlist, track_playlist_edge[1], axis=0)
    # elementwise product + reduce over feature dim -> per-edge dot product score
    return (track_embedding * playlist_embedding).sum(axis=-1)

if __name__ == "__main__":
    import jax
    _d = setup_inputs()
    print(jax.jit(kernel)(*tuple(_d.values())))

</pallas_src>

<mosaic_0001>
#map = affine_map<(d0, d1) -> (0, 0)>
#map1 = affine_map<(d0, d1) -> (0)>
module attributes {stable_mosaic.version = 14 : i64} {
  func.func @run(%arg0: i32, %arg1: i32, %arg2: memref<10000x128xf32, #tpu.memory_space<hbm>>, %arg3: memref<10000x128xf32, #tpu.memory_space<hbm>>, %arg4: memref<320000xi32, #tpu.memory_space<hbm>>, %arg5: memref<320000xi32, #tpu.memory_space<hbm>>, %arg6: memref<320000xf32, #tpu.memory_space<hbm>>, %arg7: memref<10000xi32, #tpu.memory_space<vmem>>, %arg8: memref<10000xi32, #tpu.memory_space<vmem>>, %arg9: memref<10000xf32, #tpu.memory_space<vmem>>, %arg10: memref<80x128xf32, #tpu.memory_space<vmem>>, %arg11: memref<80x128xf32, #tpu.memory_space<vmem>>, %arg12: memref<80x128xf32, #tpu.memory_space<vmem>>, %arg13: memref<80x128xf32, #tpu.memory_space<vmem>>, %arg14: memref<80x128xf32, #tpu.memory_space<vmem>>, %arg15: memref<80x128xf32, #tpu.memory_space<vmem>>, %arg16: memref<80x128xf32, #tpu.memory_space<vmem>>, %arg17: memref<80x128xf32, #tpu.memory_space<vmem>>, %arg18: memref<!tpu.dma_semaphore, #tpu.memory_space<semaphore_mem>>, %arg19: memref<!tpu.dma_semaphore, #tpu.memory_space<semaphore_mem>>, %arg20: memref<!tpu.dma_semaphore, #tpu.memory_space<semaphore_mem>>, %arg21: memref<!tpu.dma_semaphore, #tpu.memory_space<semaphore_mem>>, %arg22: memref<!tpu.dma_semaphore, #tpu.memory_space<semaphore_mem>>, %arg23: memref<!tpu.dma_semaphore, #tpu.memory_space<semaphore_mem>>, %arg24: memref<!tpu.dma_semaphore, #tpu.memory_space<semaphore_mem>>, %arg25: memref<!tpu.dma_semaphore, #tpu.memory_space<semaphore_mem>>) attributes {dimension_semantics = [#tpu.dimension_semantics<core_parallel>, #tpu.dimension_semantics<subcore_parallel>], iteration_bounds = array<i64: 2, 16>, scalar_prefetch = 0 : i64, scratch_operands = 19 : i64, tpu.core_type = #tpu.core_type<sc_vector_subcore>, window_params = [{transform_indices = #map}, {transform_indices = #map}, {transform_indices = #map1}, {transform_indices = #map1}, {transform_indices = #map1}]} {
    %mul3A = arith.constant 2 : i32
    %mul3A_0 = arith.muli %arg1, %mul3A : i32
    %add3A = arith.addi %mul3A_0, %arg0 : i32
    %mul3A_1 = arith.constant 10000 : i32
    %mul3A_2 = arith.muli %add3A, %mul3A_1 : i32
    %multiple_of3A = tpu.assume_multiple %mul3A_2, 8 : i32
    "tpu.region"() ({
      %run_scoped3A = tpu.sem_alloc : memref<!tpu.dma_semaphore, #tpu.memory_space<semaphore_mem>>
      %dma_start3A_140 = tpu.memref_slice %arg4[%multiple_of3A] : memref<320000xi32, #tpu.memory_space<hbm>> -> memref<10000xi32, #tpu.memory_space<hbm>>
      %dma_start3A_141 = tpu.memref_slice %arg4[%multiple_of3A] : memref<320000xi32, #tpu.memory_space<hbm>> -> memref<10000xi32, #tpu.memory_space<hbm>>
      tpu.enqueue_dma source(%dma_start3A_141 : memref<10000xi32, #tpu.memory_space<hbm>>) target(%arg7 : memref<10000xi32, #tpu.memory_space<vmem>>) target_semaphore(%run_scoped3A : memref<!tpu.dma_semaphore, #tpu.memory_space<semaphore_mem>>)
      %dma_wait3A_142 = tpu.memref_slice %arg4[%multiple_of3A] : memref<320000xi32, #tpu.memory_space<hbm>> -> memref<10000xi32, #tpu.memory_space<hbm>>
      %dma_wait3A_143 = tpu.memref_slice %arg4[%multiple_of3A] : memref<320000xi32, #tpu.memory_space<hbm>> -> memref<10000xi32, #tpu.memory_space<hbm>>
      tpu.wait_dma2 semaphore(%run_scoped3A : memref<!tpu.dma_semaphore, #tpu.memory_space<semaphore_mem>>) src(%dma_wait3A_143 : memref<10000xi32, #tpu.memory_space<hbm>>) dst(%arg7 : memref<10000xi32, #tpu.memory_space<vmem>>)
      tpu.yield
    }) : () -> ()
    "tpu.region"() ({
      %run_scoped3A = tpu.sem_alloc : memref<!tpu.dma_semaphore, #tpu.memory_space<semaphore_mem>>
      %dma_start3A_140 = tpu.memref_slice %arg5[%multiple_of3A] : memref<320000xi32, #tpu.memory_space<hbm>> -> memref<10000xi32, #tpu.memory_space<hbm>>
      %dma_start3A_141 = tpu.memref_slice %arg5[%multiple_of3A] : memref<320000xi32, #tpu.memory_space<hbm>> -> memref<10000xi32, #tpu.memory_space<hbm>>
      tpu.enqueue_dma source(%dma_start3A_141 : memref<10000xi32, #tpu.memory_space<hbm>>) target(%arg8 : memref<10000xi32, #tpu.memory_space<vmem>>) target_semaphore(%run_scoped3A : memref<!tpu.dma_semaphore, #tpu.memory_space<semaphore_mem>>)
      %dma_wait3A_142 = tpu.memref_slice %arg5[%multiple_of3A] : memref<320000xi32, #tpu.memory_space<hbm>> -> memref<10000xi32, #tpu.memory_space<hbm>>
      %dma_wait3A_143 = tpu.memref_slice %arg5[%multiple_of3A] : memref<320000xi32, #tpu.memory_space<hbm>> -> memref<10000xi32, #tpu.memory_space<hbm>>
      tpu.wait_dma2 semaphore(%run_scoped3A : memref<!tpu.dma_semaphore, #tpu.memory_space<semaphore_mem>>) src(%dma_wait3A_143 : memref<10000xi32, #tpu.memory_space<hbm>>) dst(%arg8 : memref<10000xi32, #tpu.memory_space<vmem>>)
      tpu.yield
    }) : () -> ()
    %multiple_of3A_3 = arith.constant 0 : i32
    %multiple_of3A_4 = tpu.assume_multiple %multiple_of3A_3, 8 : i32
    %dma_start3A = tpu.memref_slice %arg7[%multiple_of3A_4] : memref<10000xi32, #tpu.memory_space<vmem>> -> memref<80xi32, #tpu.memory_space<vmem>>
    %dma_start3A_5 = arith.constant 0 : i32
    %dma_start3A_6 = arith.constant 0 : i32
    %dma_start3A_7 = tpu.memref_slice %arg2[%dma_start3A_5, %dma_start3A_6] : memref<10000x128xf32, #tpu.memory_space<hbm>> -> memref<10000x128xf32, #tpu.memory_space<hbm>>
    tpu.enqueue_indirect_dma source(%dma_start3A_7 : memref<10000x128xf32, #tpu.memory_space<hbm>>) target(%arg10 : memref<80x128xf32, #tpu.memory_space<vmem>>) offsets(%dma_start3A : memref<80xi32, #tpu.memory_space<vmem>>) semaphore(%arg18 : memref<!tpu.dma_semaphore, #tpu.memory_space<semaphore_mem>>)
    %dma_start3A_8 = tpu.memref_slice %arg8[%multiple_of3A_4] : memref<10000xi32, #tpu.memory_space<vmem>> -> memref<80xi32, #tpu.memory_space<vmem>>
    %dma_start3A_9 = arith.constant 0 : i32
    %dma_start3A_10 = arith.constant 0 : i32
    %dma_start3A_11 = tpu.memref_slice %arg3[%dma_start3A_9, %dma_start3A_10] : memref<10000x128xf32, #tpu.memory_space<hbm>> -> memref<10000x128xf32, #tpu.memory_space<hbm>>
    tpu.enqueue_indirect_dma source(%dma_start3A_11 : memref<10000x128xf32, #tpu.memory_space<hbm>>) target(%arg14 : memref<80x128xf32, #tpu.memory_space<vmem>>) offsets(%dma_start3A_8 : memref<80xi32, #tpu.memory_space<vmem>>) semaphore(%arg22 : memref<!tpu.dma_semaphore, #tpu.memory_space<semaphore_mem>>)
    %multiple_of3A_12 = arith.constant 80 : i32
    %multiple_of3A_13 = tpu.assume_multiple %multiple_of3A_12, 8 : i32
    %dma_start3A_14 = tpu.memref_slice %arg7[%multiple_of3A_13] : memref<10000xi32, #tpu.memory_space<vmem>> -> memref<80xi32, #tpu.memory_space<vmem>>
    %dma_start3A_15 = arith.constant 0 : i32
    %dma_start3A_16 = arith.constant 0 : i32
    %dma_start3A_17 = tpu.memref_slice %arg2[%dma_start3A_15, %dma_start3A_16] : memref<10000x128xf32, #tpu.memory_space<hbm>> -> memref<10000x128xf32, #tpu.memory_space<hbm>>
    tpu.enqueue_indirect_dma source(%dma_start3A_17 : memref<10000x128xf32, #tpu.memory_space<hbm>>) target(%arg11 : memref<80x128xf32, #tpu.memory_space<vmem>>) offsets(%dma_start3A_14 : memref<80xi32, #tpu.memory_space<vmem>>) semaphore(%arg19 : memref<!tpu.dma_semaphore, #tpu.memory_space<semaphore_mem>>)
    %dma_start3A_18 = tpu.memref_slice %arg8[%multiple_of3A_13] : memref<10000xi32, #tpu.memory_space<vmem>> -> memref<80xi32, #tpu.memory_space<vmem>>
    %dma_start3A_19 = arith.constant 0 : i32
    %dma_start3A_20 = arith.constant 0 : i32
    %dma_start3A_21 = tpu.memref_slice %arg3[%dma_start3A_19, %dma_start3A_20] : memref<10000x128xf32, #tpu.memory_space<hbm>> -> memref<10000x128xf32, #tpu.memory_space<hbm>>
    tpu.enqueue_indirect_dma source(%dma_start3A_21 : memref<10000x128xf32, #tpu.memory_space<hbm>>) target(%arg15 : memref<80x128xf32, #tpu.memory_space<vmem>>) offsets(%dma_start3A_18 : memref<80xi32, #tpu.memory_space<vmem>>) semaphore(%arg23 : memref<!tpu.dma_semaphore, #tpu.memory_space<semaphore_mem>>)
    %multiple_of3A_22 = arith.constant 160 : i32
    %multiple_of3A_23 = tpu.assume_multiple %multiple_of3A_22, 8 : i32
    %dma_start3A_24 = tpu.memref_slice %arg7[%multiple_of3A_23] : memref<10000xi32, #tpu.memory_space<vmem>> -> memref<80xi32, #tpu.memory_space<vmem>>
    %dma_start3A_25 = arith.constant 0 : i32
    %dma_start3A_26 = arith.constant 0 : i32
    %dma_start3A_27 = tpu.memref_slice %arg2[%dma_start3A_25, %dma_start3A_26] : memref<10000x128xf32, #tpu.memory_space<hbm>> -> memref<10000x128xf32, #tpu.memory_space<hbm>>
    tpu.enqueue_indirect_dma source(%dma_start3A_27 : memref<10000x128xf32, #tpu.memory_space<hbm>>) target(%arg12 : memref<80x128xf32, #tpu.memory_space<vmem>>) offsets(%dma_start3A_24 : memref<80xi32, #tpu.memory_space<vmem>>) semaphore(%arg20 : memref<!tpu.dma_semaphore, #tpu.memory_space<semaphore_mem>>)
    %dma_start3A_28 = tpu.memref_slice %arg8[%multiple_of3A_23] : memref<10000xi32, #tpu.memory_space<vmem>> -> memref<80xi32, #tpu.memory_space<vmem>>
    %dma_start3A_29 = arith.constant 0 : i32
    %dma_start3A_30 = arith.constant 0 : i32
    %dma_start3A_31 = tpu.memref_slice %arg3[%dma_start3A_29, %dma_start3A_30] : memref<10000x128xf32, #tpu.memory_space<hbm>> -> memref<10000x128xf32, #tpu.memory_space<hbm>>
    tpu.enqueue_indirect_dma source(%dma_start3A_31 : memref<10000x128xf32, #tpu.memory_space<hbm>>) target(%arg16 : memref<80x128xf32, #tpu.memory_space<vmem>>) offsets(%dma_start3A_28 : memref<80xi32, #tpu.memory_space<vmem>>) semaphore(%arg24 : memref<!tpu.dma_semaphore, #tpu.memory_space<semaphore_mem>>)
    %scan3A = arith.constant 0 : i32
    %scan3A_32 = arith.constant 0 : i32
    %scan3A_33 = arith.constant 30 : i32
    %scan3A_34 = arith.addi %scan3A_32, %scan3A_33 : i32
    %scan3A_35 = arith.constant 1 : i32
    scf.for %scan3A_140 = %scan3A_32 to %scan3A_34 step %scan3A_35  : i32 {
      %mul3A_141 = arith.constant 4 : i32
      %mul3A_142 = arith.muli %scan3A_140, %mul3A_141 : i32
      %add3A_143 = arith.constant 0 : i32
      %add3A_144 = arith.addi %mul3A_142, %add3A_143 : i32
      %mul3A_145 = arith.constant 80 : i32
      %mul3A_146 = arith.muli %add3A_144, %mul3A_145 : i32
      %multiple_of3A_147 = tpu.assume_multiple %mul3A_146, 8 : i32
      %dma_wait3A_148 = tpu.memref_slice %arg7[%multiple_of3A_147] : memref<10000xi32, #tpu.memory_space<vmem>> -> memref<80xi32, #tpu.memory_space<vmem>>
      %dma_wait3A_149 = arith.constant 0 : i32
      %dma_wait3A_150 = arith.constant 0 : i32
      %dma_wait3A_151 = tpu.memref_slice %arg2[%dma_wait3A_149, %dma_wait3A_150] : memref<10000x128xf32, #tpu.memory_space<hbm>> -> memref<10000x128xf32, #tpu.memory_space<hbm>>
      tpu.wait_indirect_dma semaphore(%arg18 : memref<!tpu.dma_semaphore, #tpu.memory_space<semaphore_mem>>) src(%dma_wait3A_151 : memref<10000x128xf32, #tpu.memory_space<hbm>>) dst(%arg10 : memref<80x128xf32, #tpu.memory_space<vmem>>)
      %dma_wait3A_152 = tpu.memref_slice %arg8[%multiple_of3A_147] : memref<10000xi32, #tpu.memory_space<vmem>> -> memref<80xi32, #tpu.memory_space<vmem>>
      %dma_wait3A_153 = arith.constant 0 : i32
      %dma_wait3A_154 = arith.constant 0 : i32
      %dma_wait3A_155 = tpu.memref_slice %arg3[%dma_wait3A_153, %dma_wait3A_154] : memref<10000x128xf32, #tpu.memory_space<hbm>> -> memref<10000x128xf32, #tpu.memory_space<hbm>>
      tpu.wait_indirect_dma semaphore(%arg22 : memref<!tpu.dma_semaphore, #tpu.memory_space<semaphore_mem>>) src(%dma_wait3A_155 : memref<10000x128xf32, #tpu.memory_space<hbm>>) dst(%arg14 : memref<80x128xf32, #tpu.memory_space<vmem>>)
      %add3A_156 = arith.constant 4 : i32
      %add3A_157 = arith.addi %add3A_144, %add3A_156 : i32
      %sub3A = arith.constant 1 : i32
      %sub3A_158 = arith.subi %add3A_157, %sub3A : i32
      %mul3A_159 = arith.constant 80 : i32
      %mul3A_160 = arith.muli %sub3A_158, %mul3A_159 : i32
      %multiple_of3A_161 = tpu.assume_multiple %mul3A_160, 8 : i32
      %dma_start3A_162 = tpu.memref_slice %arg7[%multiple_of3A_161] : memref<10000xi32, #tpu.memory_space<vmem>> -> memref<80xi32, #tpu.memory_space<vmem>>
      %dma_start3A_163 = arith.constant 0 : i32
      %dma_start3A_164 = arith.constant 0 : i32
      %dma_start3A_165 = tpu.memref_slice %arg2[%dma_start3A_163, %dma_start3A_164] : memref<10000x128xf32, #tpu.memory_space<hbm>> -> memref<10000x128xf32, #tpu.memory_space<hbm>>
      tpu.enqueue_indirect_dma source(%dma_start3A_165 : memref<10000x128xf32, #tpu.memory_space<hbm>>) target(%arg13 : memref<80x128xf32, #tpu.memory_space<vmem>>) offsets(%dma_start3A_162 : memref<80xi32, #tpu.memory_space<vmem>>) semaphore(%arg21 : memref<!tpu.dma_semaphore, #tpu.memory_space<semaphore_mem>>)
      %dma_start3A_166 = tpu.memref_slice %arg8[%multiple_of3A_161] : memref<10000xi32, #tpu.memory_space<vmem>> -> memref<80xi32, #tpu.memory_space<vmem>>
      %dma_start3A_167 = arith.constant 0 : i32
      %dma_start3A_168 = arith.constant 0 : i32
      %dma_start3A_169 = tpu.memref_slice %arg3[%dma_start3A_167, %dma_start3A_168] : memref<10000x128xf32, #tpu.memory_space<hbm>> -> memref<10000x128xf32, #tpu.memory_space<hbm>>
      tpu.enqueue_indirect_dma source(%dma_start3A_169 : memref<10000x128xf32, #tpu.memory_space<hbm>>) target(%arg17 : memref<80x128xf32, #tpu.memory_space<vmem>>) offsets(%dma_start3A_166 : memref<80xi32, #tpu.memory_space<vmem>>) semaphore(%arg25 : memref<!tpu.dma_semaphore, #tpu.memory_space<semaphore_mem>>)
      %iota3A_170 = tpu.iota {dimensions = array<i32: 0>} : vector<16xi32>
      %scan3A_171 = arith.constant 0 : i32
      %scan3A_172 = arith.constant 0 : i32
      %scan3A_173 = arith.constant 5 : i32
      %scan3A_174 = arith.addi %scan3A_172, %scan3A_173 : i32
      %scan3A_175 = arith.constant 1 : i32
      scf.for %scan3A_288 = %scan3A_172 to %scan3A_174 step %scan3A_175  : i32 {
        %broadcast_in_dim3A = arith.constant 0.000000e+00 : f32
        %broadcast_in_dim3A_289 = vector.broadcast %broadcast_in_dim3A : f32 to vector<16xf32>
        %scan3A_290 = arith.constant 0 : i32
        %scan3A_291 = arith.constant 4 : i32
        %scan3A_292 = arith.addi %scan3A_290, %scan3A_291 : i32
        %scan3A_293 = arith.constant 1 : i32
        %scan3A_294 = scf.for %scan3A_305 = %scan3A_290 to %scan3A_292 step %scan3A_293 iter_args(%scan3A_306 = %broadcast_in_dim3A_289) -> (vector<16xf32>)  : i32 {
          %mul3A_307 = arith.constant 16 : i32
          %mul3A_308 = arith.muli %scan3A_288, %mul3A_307 : i32
          %mul3A_309 = arith.constant 4 : i32
          %mul3A_310 = arith.muli %scan3A_305, %mul3A_309 : i32
          %add3A_311 = arith.addi %mul3A_308, %mul3A_310 : i32
          %get3A = arith.index_cast %add3A_311 : i32 to index
          %get3A_312 = arith.constant 0 : index
          %get3A_313 = tpu.vector_load %arg10[%get3A, %get3A_312] {strides = array<i32>} : memref<80x128xf32, #tpu.memory_space<vmem>>, vector<1x16xf32>,
          %get3A_314 = vector.shape_cast %get3A_313 : vector<1x16xf32> to vector<16xf32>
          %get3A_315 = arith.index_cast %add3A_311 : i32 to index
          %get3A_316 = arith.constant 0 : index
          %get3A_317 = tpu.vector_load %arg14[%get3A_315, %get3A_316] {strides = array<i32>} : memref<80x128xf32, #tpu.memory_space<vmem>>, vector<1x16xf32>,
          %get3A_318 = vector.shape_cast %get3A_317 : vector<1x16xf32> to vector<16xf32>
          %mul3A_319 = arith.mulf %get3A_314, %get3A_318 : vector<16xf32>
          %get3A_320 = arith.index_cast %add3A_311 : i32 to index
          %get3A_321 = arith.constant 16 : index
          %get3A_322 = tpu.vector_load %arg10[%get3A_320, %get3A_321] {strides = array<i32>} : memref<80x128xf32, #tpu.memory_space<vmem>>, vector<1x16xf32>,
          %get3A_323 = vector.shape_cast %get3A_322 : vector<1x16xf32> to vector<16xf32>
          %get3A_324 = arith.index_cast %add3A_311 : i32 to index
          %get3A_325 = arith.constant 16 : index
          %get3A_326 = tpu.vector_load %arg14[%get3A_324, %get3A_325] {strides = array<i32>} : memref<80x128xf32, #tpu.memory_space<vmem>>, vector<1x16xf32>,
          %get3A_327 = vector.shape_cast %get3A_326 : vector<1x16xf32> to vector<16xf32>
          %mul3A_328 = arith.mulf %get3A_323, %get3A_327 : vector<16xf32>
          %get3A_329 = arith.index_cast %add3A_311 : i32 to index
          %get3A_330 = arith.constant 32 : index
          %get3A_331 = tpu.vector_load %arg10[%get3A_329, %get3A_330] {strides = array<i32>} : memref<80x128xf32, #tpu.memory_space<vmem>>, vector<1x16xf32>,
          %get3A_332 = vector.shape_cast %get3A_331 : vector<1x16xf32> to vector<16xf32>
          %get3A_333 = arith.index_cast %add3A_311 : i32 to index
          %get3A_334 = arith.constant 32 : index
          %get3A_335 = tpu.vector_load %arg14[%get3A_333, %get3A_334] {strides = array<i32>} : memref<80x128xf32, #tpu.memory_space<vmem>>, vector<1x16xf32>,
          %get3A_336 = vector.shape_cast %get3A_335 : vector<1x16xf32> to vector<16xf32>
          %mul3A_337 = arith.mulf %get3A_332, %get3A_336 : vector<16xf32>
          %get3A_338 = arith.index_cast %add3A_311 : i32 to index
          %get3A_339 = arith.constant 48 : index
          %get3A_340 = tpu.vector_load %arg10[%get3A_338, %get3A_339] {strides = array<i32>} : memref<80x128xf32, #tpu.memory_space<vmem>>, vector<1x16xf32>,
          %get3A_341 = vector.shape_cast %get3A_340 : vector<1x16xf32> to vector<16xf32>
          %get3A_342 = arith.index_cast %add3A_311 : i32 to index
          %get3A_343 = arith.constant 48 : index
          %get3A_344 = tpu.vector_load %arg14[%get3A_342, %get3A_343] {strides = array<i32>} : memref<80x128xf32, #tpu.memory_space<vmem>>, vector<1x16xf32>,
          %get3A_345 = vector.shape_cast %get3A_344 : vector<1x16xf32> to vector<16xf32>
          %mul3A_346 = arith.mulf %get3A_341, %get3A_345 : vector<16xf32>
          %get3A_347 = arith.index_cast %add3A_311 : i32 to index
          %get3A_348 = arith.constant 64 : index
          %get3A_349 = tpu.vector_load %arg10[%get3A_347, %get3A_348] {strides = array<i32>} : memref<80x128xf32, #tpu.memory_space<vmem>>, vector<1x16xf32>,
          %get3A_350 = vector.shape_cast %get3A_349 : vector<1x16xf32> to vector<16xf32>
          %get3A_351 = arith.index_cast %add3A_311 : i32 to index
          %get3A_352 = arith.constant 64 : index
          %get3A_353 = tpu.vector_load %arg14[%get3A_351, %get3A_352] {strides = array<i32>} : memref<80x128xf32, #tpu.memory_space<vmem>>, vector<1x16xf32>,
          %get3A_354 = vector.shape_cast %get3A_353 : vector<1x16xf32> to vector<16xf32>
          %mul3A_355 = arith.mulf %get3A_350, %get3A_354 : vector<16xf32>
          %get3A_356 = arith.index_cast %add3A_311 : i32 to index
          %get3A_357 = arith.constant 80 : index
          %get3A_358 = tpu.vector_load %arg10[%get3A_356, %get3A_357] {strides = array<i32>} : memref<80x128xf32, #tpu.memory_space<vmem>>, vector<1x16xf32>,
          %get3A_359 = vector.shape_cast %get3A_358 : vector<1x16xf32> to vector<16xf32>
          %get3A_360 = arith.index_cast %add3A_311 : i32 to index
          %get3A_361 = arith.constant 80 : index
          %get3A_362 = tpu.vector_load %arg14[%get3A_360, %get3A_361] {strides = array<i32>} : memref<80x128xf32, #tpu.memory_space<vmem>>, vector<1x16xf32>,
          %get3A_363 = vector.shape_cast %get3A_362 : vector<1x16xf32> to vector<16xf32>
          %mul3A_364 = arith.mulf %get3A_359, %get3A_363 : vector<16xf32>
          %get3A_365 = arith.index_cast %add3A_311 : i32 to index
          %get3A_366 = arith.constant 96 : index
          %get3A_367 = tpu.vector_load %arg10[%get3A_365, %get3A_366] {strides = array<i32>} : memref<80x128xf32, #tpu.memory_space<vmem>>, vector<1x16xf32>,
          %get3A_368 = vector.shape_cast %get3A_367 : vector<1x16xf32> to vector<16xf32>
          %get3A_369 = arith.index_cast %add3A_311 : i32 to index
          %get3A_370 = arith.constant 96 : index
          %get3A_371 = tpu.vector_load %arg14[%get3A_369, %get3A_370] {strides = array<i32>} : memref<80x128xf32, #tpu.memory_space<vmem>>, vector<1x16xf32>,
          %get3A_372 = vector.shape_cast %get3A_371 : vector<1x16xf32> to vector<16xf32>
          %mul3A_373 = arith.mulf %get3A_368, %get3A_372 : vector<16xf32>
          %get3A_374 = arith.index_cast %add3A_311 : i32 to index
          %get3A_375 = arith.constant 112 : index
          %get3A_376 = tpu.vector_load %arg10[%get3A_374, %get3A_375] {strides = array<i32>} : memref<80x128xf32, #tpu.memory_space<vmem>>, vector<1x16xf32>,
          %get3A_377 = vector.shape_cast %get3A_376 : vector<1x16xf32> to vector<16xf32>
          %get3A_378 = arith.index_cast %add3A_311 : i32 to index
          %get3A_379 = arith.constant 112 : index
          %get3A_380 = tpu.vector_load %arg14[%get3A_378, %get3A_379] {strides = array<i32>} : memref<80x128xf32, #tpu.memory_space<vmem>>, vector<1x16xf32>,
          %get3A_381 = vector.shape_cast %get3A_380 : vector<1x16xf32> to vector<16xf32>
          %mul3A_382 = arith.mulf %get3A_377, %get3A_381 : vector<16xf32>
          %add3A_383 = arith.addf %mul3A_319, %mul3A_328 : vector<16xf32>
          %add3A_384 = arith.addf %mul3A_337, %mul3A_346 : vector<16xf32>
          %add3A_385 = arith.addf %mul3A_355, %mul3A_364 : vector<16xf32>
          %add3A_386 = arith.addf %mul3A_373, %mul3A_382 : vector<16xf32>
          %add3A_387 = arith.addf %add3A_383, %add3A_384 : vector<16xf32>
          %add3A_388 = arith.addf %add3A_385, %add3A_386 : vector<16xf32>
          %add3A_389 = arith.addf %add3A_387, %add3A_388 : vector<16xf32>
          %add3A_390 = arith.constant 1 : i32
          %add3A_391 = arith.addi %add3A_311, %add3A_390 : i32
          %get3A_392 = arith.index_cast %add3A_391 : i32 to index
          %get3A_393 = arith.constant 0 : index
          %get3A_394 = tpu.vector_load %arg10[%get3A_392, %get3A_393] {strides = array<i32>} : memref<80x128xf32, #tpu.memory_space<vmem>>, vector<1x16xf32>,
          %get3A_395 = vector.shape_cast %get3A_394 : vector<1x16xf32> to vector<16xf32>
          %get3A_396 = arith.index_cast %add3A_391 : i32 to index
          %get3A_397 = arith.constant 0 : index
          %get3A_398 = tpu.vector_load %arg14[%get3A_396, %get3A_397] {strides = array<i32>} : memref<80x128xf32, #tpu.memory_space<vmem>>, vector<1x16xf32>,
          %get3A_399 = vector.shape_cast %get3A_398 : vector<1x16xf32> to vector<16xf32>
          %mul3A_400 = arith.mulf %get3A_395, %get3A_399 : vector<16xf32>
          %get3A_401 = arith.index_cast %add3A_391 : i32 to index
          %get3A_402 = arith.constant 16 : index
          %get3A_403 = tpu.vector_load %arg10[%get3A_401, %get3A_402] {strides = array<i32>} : memref<80x128xf32, #tpu.memory_space<vmem>>, vector<1x16xf32>,
          %get3A_404 = vector.shape_cast %get3A_403 : vector<1x16xf32> to vector<16xf32>
          %get3A_405 = arith.index_cast %add3A_391 : i32 to index
          %get3A_406 = arith.constant 16 : index
          %get3A_407 = tpu.vector_load %arg14[%get3A_405, %get3A_406] {strides = array<i32>} : memref<80x128xf32, #tpu.memory_space<vmem>>, vector<1x16xf32>,
          %get3A_408 = vector.shape_cast %get3A_407 : vector<1x16xf32> to vector<16xf32>
          %mul3A_409 = arith.mulf %get3A_404, %get3A_408 : vector<16xf32>
          %get3A_410 = arith.index_cast %add3A_391 : i32 to index
          %get3A_411 = arith.constant 32 : index
          %get3A_412 = tpu.vector_load %arg10[%get3A_410, %get3A_411] {strides = array<i32>} : memref<80x128xf32, #tpu.memory_space<vmem>>, vector<1x16xf32>,
          %get3A_413 = vector.shape_cast %get3A_412 : vector<1x16xf32> to vector<16xf32>
          %get3A_414 = arith.index_cast %add3A_391 : i32 to index
          %get3A_415 = arith.constant 32 : index
          %get3A_416 = tpu.vector_load %arg14[%get3A_414, %get3A_415] {strides = array<i32>} : memref<80x128xf32, #tpu.memory_space<vmem>>, vector<1x16xf32>,
          %get3A_417 = vector.shape_cast %get3A_416 : vector<1x16xf32> to vector<16xf32>
          %mul3A_418 = arith.mulf %get3A_413, %get3A_417 : vector<16xf32>
          %get3A_419 = arith.index_cast %add3A_391 : i32 to index
          %get3A_420 = arith.constant 48 : index
          %get3A_421 = tpu.vector_load %arg10[%get3A_419, %get3A_420] {strides = array<i32>} : memref<80x128xf32, #tpu.memory_space<vmem>>, vector<1x16xf32>,
          %get3A_422 = vector.shape_cast %get3A_421 : vector<1x16xf32> to vector<16xf32>
          %get3A_423 = arith.index_cast %add3A_391 : i32 to index
          %get3A_424 = arith.constant 48 : index
          %get3A_425 = tpu.vector_load %arg14[%get3A_423, %get3A_424] {strides = array<i32>} : memref<80x128xf32, #tpu.memory_space<vmem>>, vector<1x16xf32>,
          %get3A_426 = vector.shape_cast %get3A_425 : vector<1x16xf32> to vector<16xf32>
          %mul3A_427 = arith.mulf %get3A_422, %get3A_426 : vector<16xf32>
          %get3A_428 = arith.index_cast %add3A_391 : i32 to index
          %get3A_429 = arith.constant 64 : index
          %get3A_430 = tpu.vector_load %arg10[%get3A_428, %get3A_429] {strides = array<i32>} : memref<80x128xf32, #tpu.memory_space<vmem>>, vector<1x16xf32>,
          %get3A_431 = vector.shape_cast %get3A_430 : vector<1x16xf32> to vector<16xf32>
          %get3A_432 = arith.index_cast %add3A_391 : i32 to index
          %get3A_433 = arith.constant 64 : index
          %get3A_434 = tpu.vector_load %arg14[%get3A_432, %get3A_433] {strides = array<i32>} : memref<80x128xf32, #tpu.memory_space<vmem>>, vector<1x16xf32>,
          %get3A_435 = vector.shape_cast %get3A_434 : vector<1x16xf32> to vector<16xf32>
          %mul3A_436 = arith.mulf %get3A_431, %get3A_435 : vector<16xf32>
          %get3A_437 = arith.index_cast %add3A_391 : i32 to index
          %get3A_438 = arith.constant 80 : index
          %get3A_439 = tpu.vector_load %arg10[%get3A_437, %get3A_438] {strides = array<i32>} : memref<80x128xf32, #tpu.memory_space<vmem>>, vector<1x16xf32>,
          %get3A_440 = vector.shape_cast %get3A_439 : vector<1x16xf32> to vector<16xf32>
          %get3A_441 = arith.index_cast %add3A_391 : i32 to index
          %get3A_442 = arith.constant 80 : index
          %get3A_443 = tpu.vector_load %arg14[%get3A_441, %get3A_442] {strides = array<i32>} : memref<80x128xf32, #tpu.memory_space<vmem>>, vector<1x16xf32>,
          %get3A_444 = vector.shape_cast %get3A_443 : vector<1x16xf32> to vector<16xf32>
          %mul3A_445 = arith.mulf %get3A_440, %get3A_444 : vector<16xf32>
          %get3A_446 = arith.index_cast %add3A_391 : i32 to index
          %get3A_447 = arith.constant 96 : index
          %get3A_448 = tpu.vector_load %arg10[%get3A_446, %get3A_447] {strides = array<i32>} : memref<80x128xf32, #tpu.memory_space<vmem>>, vector<1x16xf32>,
          %get3A_449 = vector.shape_cast %get3A_448 : vector<1x16xf32> to vector<16xf32>
          %get3A_450 = arith.index_cast %add3A_391 : i32 to index
          %get3A_451 = arith.constant 96 : index
          %get3A_452 = tpu.vector_load %arg14[%get3A_450, %get3A_451] {strides = array<i32>} : memref<80x128xf32, #tpu.memory_space<vmem>>, vector<1x16xf32>,
          %get3A_453 = vector.shape_cast %get3A_452 : vector<1x16xf32> to vector<16xf32>
          %mul3A_454 = arith.mulf %get3A_449, %get3A_453 : vector<16xf32>
          %get3A_455 = arith.index_cast %add3A_391 : i32 to index
          %get3A_456 = arith.constant 112 : index
          %get3A_457 = tpu.vector_load %arg10[%get3A_455, %get3A_456] {strides = array<i32>} : memref<80x128xf32, #tpu.memory_space<vmem>>, vector<1x16xf32>,
          %get3A_458 = vector.shape_cast %get3A_457 : vector<1x16xf32> to vector<16xf32>
          %get3A_459 = arith.index_cast %add3A_391 : i32 to index
          %get3A_460 = arith.constant 112 : index
          %get3A_461 = tpu.vector_load %arg14[%get3A_459, %get3A_460] {strides = array<i32>} : memref<80x128xf32, #tpu.memory_space<vmem>>, vector<1x16xf32>,
          %get3A_462 = vector.shape_cast %get3A_461 : vector<1x16xf32> to vector<16xf32>
          %mul3A_463 = arith.mulf %get3A_458, %get3A_462 : vector<16xf32>
          %add3A_464 = arith.addf %mul3A_400, %mul3A_409 : vector<16xf32>
          %add3A_465 = arith.addf %mul3A_418, %mul3A_427 : vector<16xf32>
          %add3A_466 = arith.addf %mul3A_436, %mul3A_445 : vector<16xf32>
          %add3A_467 = arith.addf %mul3A_454, %mul3A_463 : vector<16xf32>
          %add3A_468 = arith.addf %add3A_464, %add3A_465 : vector<16xf32>
          %add3A_469 = arith.addf %add3A_466, %add3A_467 : vector<16xf32>
          %add3A_470 = arith.addf %add3A_468, %add3A_469 : vector<16xf32>
          %iota3A_471 = tpu.iota {dimensions = array<i32: 0>} : vector<16xi32>
          %and3A = arith.constant 1 : i32
          %and3A_472 = vector.broadcast %and3A : i32 to vector<16xi32>
          %and3A_473 = arith.andi %iota3A_471, %and3A_472 : vector<16xi32>
          %ne3A = arith.constant 0 : i32
          %ne3A_474 = vector.broadcast %ne3A : i32 to vector<16xi32>
          %ne3A_475 = arith.cmpi ne, %and3A_473, %ne3A_474 : vector<16xi32>
          %select_n3A = arith.select %ne3A_475, %add3A_470, %add3A_389 : vector<16xi1>, vector<16xf32>
          %select_n3A_476 = arith.select %ne3A_475, %add3A_389, %add3A_470 : vector<16xi1>, vector<16xf32>
          %xor3A = arith.constant 1 : i32
          %xor3A_477 = vector.broadcast %xor3A : i32 to vector<16xi32>
          %xor3A_478 = arith.xori %iota3A_471, %xor3A_477 : vector<16xi32>
          %reshape3A = vector.shape_cast %xor3A_478 : vector<16xi32> to vector<16x1xi32>
          %gather3A = vector.shape_cast %reshape3A : vector<16x1xi32> to vector<16xi32>
          %gather3A_479 = tpu.dynamic_gather %select_n3A_476[%gather3A] in [0] : vector<16xf32>, vector<16xi32> -> vector<16xf32>
          %add3A_480 = arith.addf %select_n3A, %gather3A_479 : vector<16xf32>
          %add3A_481 = arith.constant 2 : i32
          %add3A_482 = arith.addi %add3A_311, %add3A_481 : i32
          %get3A_483 = arith.index_cast %add3A_482 : i32 to index
          %get3A_484 = arith.constant 0 : index
          %get3A_485 = tpu.vector_load %arg10[%get3A_483, %get3A_484] {strides = array<i32>} : memref<80x128xf32, #tpu.memory_space<vmem>>, vector<1x16xf32>,
          %get3A_486 = vector.shape_cast %get3A_485 : vector<1x16xf32> to vector<16xf32>
          %get3A_487 = arith.index_cast %add3A_482 : i32 to index
          %get3A_488 = arith.constant 0 : index
          %get3A_489 = tpu.vector_load %arg14[%get3A_487, %get3A_488] {strides = array<i32>} : memref<80x128xf32, #tpu.memory_space<vmem>>, vector<1x16xf32>,
          %get3A_490 = vector.shape_cast %get3A_489 : vector<1x16xf32> to vector<16xf32>
          %mul3A_491 = arith.mulf %get3A_486, %get3A_490 : vector<16xf32>
          %get3A_492 = arith.index_cast %add3A_482 : i32 to index
          %get3A_493 = arith.constant 16 : index
          %get3A_494 = tpu.vector_load %arg10[%get3A_492, %get3A_493] {strides = array<i32>} : memref<80x128xf32, #tpu.memory_space<vmem>>, vector<1x16xf32>,
          %get3A_495 = vector.shape_cast %get3A_494 : vector<1x16xf32> to vector<16xf32>
          %get3A_496 = arith.index_cast %add3A_482 : i32 to index
          %get3A_497 = arith.constant 16 : index
          %get3A_498 = tpu.vector_load %arg14[%get3A_496, %get3A_497] {strides = array<i32>} : memref<80x128xf32, #tpu.memory_space<vmem>>, vector<1x16xf32>,
          %get3A_499 = vector.shape_cast %get3A_498 : vector<1x16xf32> to vector<16xf32>
          %mul3A_500 = arith.mulf %get3A_495, %get3A_499 : vector<16xf32>
          %get3A_501 = arith.index_cast %add3A_482 : i32 to index
          %get3A_502 = arith.constant 32 : index
          %get3A_503 = tpu.vector_load %arg10[%get3A_501, %get3A_502] {strides = array<i32>} : memref<80x128xf32, #tpu.memory_space<vmem>>, vector<1x16xf32>,
          %get3A_504 = vector.shape_cast %get3A_503 : vector<1x16xf32> to vector<16xf32>
          %get3A_505 = arith.index_cast %add3A_482 : i32 to index
          %get3A_506 = arith.constant 32 : index
          %get3A_507 = tpu.vector_load %arg14[%get3A_505, %get3A_506] {strides = array<i32>} : memref<80x128xf32, #tpu.memory_space<vmem>>, vector<1x16xf32>,
          %get3A_508 = vector.shape_cast %get3A_507 : vector<1x16xf32> to vector<16xf32>
          %mul3A_509 = arith.mulf %get3A_504, %get3A_508 : vector<16xf32>
          %get3A_510 = arith.index_cast %add3A_482 : i32 to index
          %get3A_511 = arith.constant 48 : index
          %get3A_512 = tpu.vector_load %arg10[%get3A_510, %get3A_511] {strides = array<i32>} : memref<80x128xf32, #tpu.memory_space<vmem>>, vector<1x16xf32>,
          %get3A_513 = vector.shape_cast %get3A_512 : vector<1x16xf32> to vector<16xf32>
          %get3A_514 = arith.index_cast %add3A_482 : i32 to index
          %get3A_515 = arith.constant 48 : index
          %get3A_516 = tpu.vector_load %arg14[%get3A_514, %get3A_515] {strides = array<i32>} : memref<80x128xf32, #tpu.memory_space<vmem>>, vector<1x16xf32>,
          %get3A_517 = vector.shape_cast %get3A_516 : vector<1x16xf32> to vector<16xf32>
          %mul3A_518 = arith.mulf %get3A_513, %get3A_517 : vector<16xf32>
          %get3A_519 = arith.index_cast %add3A_482 : i32 to index
          %get3A_520 = arith.constant 64 : index
          %get3A_521 = tpu.vector_load %arg10[%get3A_519, %get3A_520] {strides = array<i32>} : memref<80x128xf32, #tpu.memory_space<vmem>>, vector<1x16xf32>,
          %get3A_522 = vector.shape_cast %get3A_521 : vector<1x16xf32> to vector<16xf32>
          %get3A_523 = arith.index_cast %add3A_482 : i32 to index
          %get3A_524 = arith.constant 64 : index
          %get3A_525 = tpu.vector_load %arg14[%get3A_523, %get3A_524] {strides = array<i32>} : memref<80x128xf32, #tpu.memory_space<vmem>>, vector<1x16xf32>,
          %get3A_526 = vector.shape_cast %get3A_525 : vector<1x16xf32> to vector<16xf32>
          %mul3A_527 = arith.mulf %get3A_522, %get3A_526 : vector<16xf32>
          %get3A_528 = arith.index_cast %add3A_482 : i32 to index
          %get3A_529 = arith.constant 80 : index
          %get3A_530 = tpu.vector_load %arg10[%get3A_528, %get3A_529] {strides = array<i32>} : memref<80x128xf32, #tpu.memory_space<vmem>>, vector<1x16xf32>,
          %get3A_531 = vector.shape_cast %get3A_530 : vector<1x16xf32> to vector<16xf32>
          %get3A_532 = arith.index_cast %add3A_482 : i32 to index
          %get3A_533 = arith.constant 80 : index
          %get3A_534 = tpu.vector_load %arg14[%get3A_532, %get3A_533] {strides = array<i32>} : memref<80x128xf32, #tpu.memory_space<vmem>>, vector<1x16xf32>,
          %get3A_535 = vector.shape_cast %get3A_534 : vector<1x16xf32> to vector<16xf32>
          %mul3A_536 = arith.mulf %get3A_531, %get3A_535 : vector<16xf32>
          %get3A_537 = arith.index_cast %add3A_482 : i32 to index
          %get3A_538 = arith.constant 96 : index
          %get3A_539 = tpu.vector_load %arg10[%get3A_537, %get3A_538] {strides = array<i32>} : memref<80x128xf32, #tpu.memory_space<vmem>>, vector<1x16xf32>,
          %get3A_540 = vector.shape_cast %get3A_539 : vector<1x16xf32> to vector<16xf32>
          %get3A_541 = arith.index_cast %add3A_482 : i32 to index
          %get3A_542 = arith.constant 96 : index
          %get3A_543 = tpu.vector_load %arg14[%get3A_541, %get3A_542] {strides = array<i32>} : memref<80x128xf32, #tpu.memory_space<vmem>>, vector<1x16xf32>,
          %get3A_544 = vector.shape_cast %get3A_543 : vector<1x16xf32> to vector<16xf32>
          %mul3A_545 = arith.mulf %get3A_540, %get3A_544 : vector<16xf32>
          %get3A_546 = arith.index_cast %add3A_482 : i32 to index
          %get3A_547 = arith.constant 112 : index
          %get3A_548 = tpu.vector_load %arg10[%get3A_546, %get3A_547] {strides = array<i32>} : memref<80x128xf32, #tpu.memory_space<vmem>>, vector<1x16xf32>,
          %get3A_549 = vector.shape_cast %get3A_548 : vector<1x16xf32> to vector<16xf32>
          %get3A_550 = arith.index_cast %add3A_482 : i32 to index
          %get3A_551 = arith.constant 112 : index
          %get3A_552 = tpu.vector_load %arg14[%get3A_550, %get3A_551] {strides = array<i32>} : memref<80x128xf32, #tpu.memory_space<vmem>>, vector<1x16xf32>,
          %get3A_553 = vector.shape_cast %get3A_552 : vector<1x16xf32> to vector<16xf32>
          %mul3A_554 = arith.mulf %get3A_549, %get3A_553 : vector<16xf32>
          %add3A_555 = arith.addf %mul3A_491, %mul3A_500 : vector<16xf32>
          %add3A_556 = arith.addf %mul3A_509, %mul3A_518 : vector<16xf32>
          %add3A_557 = arith.addf %mul3A_527, %mul3A_536 : vector<16xf32>
          %add3A_558 = arith.addf %mul3A_545, %mul3A_554 : vector<16xf32>
          %add3A_559 = arith.addf %add3A_555, %add3A_556 : vector<16xf32>
          %add3A_560 = arith.addf %add3A_557, %add3A_558 : vector<16xf32>
          %add3A_561 = arith.addf %add3A_559, %add3A_560 : vector<16xf32>
          %add3A_562 = arith.constant 1 : i32
          %add3A_563 = arith.addi %add3A_482, %add3A_562 : i32
          %get3A_564 = arith.index_cast %add3A_563 : i32 to index
          %get3A_565 = arith.constant 0 : index
          %get3A_566 = tpu.vector_load %arg10[%get3A_564, %get3A_565] {strides = array<i32>} : memref<80x128xf32, #tpu.memory_space<vmem>>, vector<1x16xf32>,
          %get3A_567 = vector.shape_cast %get3A_566 : vector<1x16xf32> to vector<16xf32>
          %get3A_568 = arith.index_cast %add3A_563 : i32 to index
          %get3A_569 = arith.constant 0 : index
          %get3A_570 = tpu.vector_load %arg14[%get3A_568, %get3A_569] {strides = array<i32>} : memref<80x128xf32, #tpu.memory_space<vmem>>, vector<1x16xf32>,
          %get3A_571 = vector.shape_cast %get3A_570 : vector<1x16xf32> to vector<16xf32>
          %mul3A_572 = arith.mulf %get3A_567, %get3A_571 : vector<16xf32>
          %get3A_573 = arith.index_cast %add3A_563 : i32 to index
          %get3A_574 = arith.constant 16 : index
          %get3A_575 = tpu.vector_load %arg10[%get3A_573, %get3A_574] {strides = array<i32>} : memref<80x128xf32, #tpu.memory_space<vmem>>, vector<1x16xf32>,
          %get3A_576 = vector.shape_cast %get3A_575 : vector<1x16xf32> to vector<16xf32>
          %get3A_577 = arith.index_cast %add3A_563 : i32 to index
          %get3A_578 = arith.constant 16 : index
          %get3A_579 = tpu.vector_load %arg14[%get3A_577, %get3A_578] {strides = array<i32>} : memref<80x128xf32, #tpu.memory_space<vmem>>, vector<1x16xf32>,
          %get3A_580 = vector.shape_cast %get3A_579 : vector<1x16xf32> to vector<16xf32>
          %mul3A_581 = arith.mulf %get3A_576, %get3A_580 : vector<16xf32>
          %get3A_582 = arith.index_cast %add3A_563 : i32 to index
          %get3A_583 = arith.constant 32 : index
          %get3A_584 = tpu.vector_load %arg10[%get3A_582, %get3A_583] {strides = array<i32>} : memref<80x128xf32, #tpu.memory_space<vmem>>, vector<1x16xf32>,
          %get3A_585 = vector.shape_cast %get3A_584 : vector<1x16xf32> to vector<16xf32>
          %get3A_586 = arith.index_cast %add3A_563 : i32 to index
          %get3A_587 = arith.constant 32 : index
          %get3A_588 = tpu.vector_load %arg14[%get3A_586, %get3A_587] {strides = array<i32>} : memref<80x128xf32, #tpu.memory_space<vmem>>, vector<1x16xf32>,
          %get3A_589 = vector.shape_cast %get3A_588 : vector<1x16xf32> to vector<16xf32>
          %mul3A_590 = arith.mulf %get3A_585, %get3A_589 : vector<16xf32>
          %get3A_591 = arith.index_cast %add3A_563 : i32 to index
          %get3A_592 = arith.constant 48 : index
          %get3A_593 = tpu.vector_load %arg10[%get3A_591, %get3A_592] {strides = array<i32>} : memref<80x128xf32, #tpu.memory_space<vmem>>, vector<1x16xf32>,
          %get3A_594 = vector.shape_cast %get3A_593 : vector<1x16xf32> to vector<16xf32>
          %get3A_595 = arith.index_cast %add3A_563 : i32 to index
          %get3A_596 = arith.constant 48 : index
          %get3A_597 = tpu.vector_load %arg14[%get3A_595, %get3A_596] {strides = array<i32>} : memref<80x128xf32, #tpu.memory_space<vmem>>, vector<1x16xf32>,
          %get3A_598 = vector.shape_cast %get3A_597 : vector<1x16xf32> to vector<16xf32>
          %mul3A_599 = arith.mulf %get3A_594, %get3A_598 : vector<16xf32>
          %get3A_600 = arith.index_cast %add3A_563 : i32 to index
          %get3A_601 = arith.constant 64 : index
          %get3A_602 = tpu.vector_load %arg10[%get3A_600, %get3A_601] {strides = array<i32>} : memref<80x128xf32, #tpu.memory_space<vmem>>, vector<1x16xf32>,
          %get3A_603 = vector.shape_cast %get3A_602 : vector<1x16xf32> to vector<16xf32>
          %get3A_604 = arith.index_cast %add3A_563 : i32 to index
          %get3A_605 = arith.constant 64 : index
          %get3A_606 = tpu.vector_load %arg14[%get3A_604, %get3A_605] {strides = array<i32>} : memref<80x128xf32, #tpu.memory_space<vmem>>, vector<1x16xf32>,
          %get3A_607 = vector.shape_cast %get3A_606 : vector<1x16xf32> to vector<16xf32>
          %mul3A_608 = arith.mulf %get3A_603, %get3A_607 : vector<16xf32>
          %get3A_609 = arith.index_cast %add3A_563 : i32 to index
          %get3A_610 = arith.constant 80 : index
          %get3A_611 = tpu.vector_load %arg10[%get3A_609, %get3A_610] {strides = array<i32>} : memref<80x128xf32, #tpu.memory_space<vmem>>, vector<1x16xf32>,
          %get3A_612 = vector.shape_cast %get3A_611 : vector<1x16xf32> to vector<16xf32>
          %get3A_613 = arith.index_cast %add3A_563 : i32 to index
          %get3A_614 = arith.constant 80 : index
          %get3A_615 = tpu.vector_load %arg14[%get3A_613, %get3A_614] {strides = array<i32>} : memref<80x128xf32, #tpu.memory_space<vmem>>, vector<1x16xf32>,
          %get3A_616 = vector.shape_cast %get3A_615 : vector<1x16xf32> to vector<16xf32>
          %mul3A_617 = arith.mulf %get3A_612, %get3A_616 : vector<16xf32>
          %get3A_618 = arith.index_cast %add3A_563 : i32 to index
          %get3A_619 = arith.constant 96 : index
          %get3A_620 = tpu.vector_load %arg10[%get3A_618, %get3A_619] {strides = array<i32>} : memref<80x128xf32, #tpu.memory_space<vmem>>, vector<1x16xf32>,
          %get3A_621 = vector.shape_cast %get3A_620 : vector<1x16xf32> to vector<16xf32>
          %get3A_622 = arith.index_cast %add3A_563 : i32 to index
          %get3A_623 = arith.constant 96 : index
          %get3A_624 = tpu.vector_load %arg14[%get3A_622, %get3A_623] {strides = array<i32>} : memref<80x128xf32, #tpu.memory_space<vmem>>, vector<1x16xf32>,
          %get3A_625 = vector.shape_cast %get3A_624 : vector<1x16xf32> to vector<16xf32>
          %mul3A_626 = arith.mulf %get3A_621, %get3A_625 : vector<16xf32>
          %get3A_627 = arith.index_cast %add3A_563 : i32 to index
          %get3A_628 = arith.constant 112 : index
          %get3A_629 = tpu.vector_load %arg10[%get3A_627, %get3A_628] {strides = array<i32>} : memref<80x128xf32, #tpu.memory_space<vmem>>, vector<1x16xf32>,
          %get3A_630 = vector.shape_cast %get3A_629 : vector<1x16xf32> to vector<16xf32>
          %get3A_631 = arith.index_cast %add3A_563 : i32 to index
          %get3A_632 = arith.constant 112 : index
          %get3A_633 = tpu.vector_load %arg14[%get3A_631, %get3A_632] {strides = array<i32>} : memref<80x128xf32, #tpu.memory_space<vmem>>, vector<1x16xf32>,
          %get3A_634 = vector.shape_cast %get3A_633 : vector<1x16xf32> to vector<16xf32>
          %mul3A_635 = arith.mulf %get3A_630, %get3A_634 : vector<16xf32>
          %add3A_636 = arith.addf %mul3A_572, %mul3A_581 : vector<16xf32>
          %add3A_637 = arith.addf %mul3A_590, %mul3A_599 : vector<16xf32>
          %add3A_638 = arith.addf %mul3A_608, %mul3A_617 : vector<16xf32>
          %add3A_639 = arith.addf %mul3A_626, %mul3A_635 : vector<16xf32>
          %add3A_640 = arith.addf %add3A_636, %add3A_637 : vector<16xf32>
          %add3A_641 = arith.addf %add3A_638, %add3A_639 : vector<16xf32>
          %add3A_642 = arith.addf %add3A_640, %add3A_641 : vector<16xf32>
          %iota3A_643 = tpu.iota {dimensions = array<i32: 0>} : vector<16xi32>
          %and3A_644 = arith.constant 1 : i32
          %and3A_645 = vector.broadcast %and3A_644 : i32 to vector<16xi32>
          %and3A_646 = arith.andi %iota3A_643, %and3A_645 : vector<16xi32>
          %ne3A_647 = arith.constant 0 : i32
          %ne3A_648 = vector.broadcast %ne3A_647 : i32 to vector<16xi32>
          %ne3A_649 = arith.cmpi ne, %and3A_646, %ne3A_648 : vector<16xi32>
          %select_n3A_650 = arith.select %ne3A_649, %add3A_642, %add3A_561 : vector<16xi1>, vector<16xf32>
          %select_n3A_651 = arith.select %ne3A_649, %add3A_561, %add3A_642 : vector<16xi1>, vector<16xf32>
          %xor3A_652 = arith.constant 1 : i32
          %xor3A_653 = vector.broadcast %xor3A_652 : i32 to vector<16xi32>
          %xor3A_654 = arith.xori %iota3A_643, %xor3A_653 : vector<16xi32>
          %reshape3A_655 = vector.shape_cast %xor3A_654 : vector<16xi32> to vector<16x1xi32>
          %gather3A_656 = vector.shape_cast %reshape3A_655 : vector<16x1xi32> to vector<16xi32>
          %gather3A_657 = tpu.dynamic_gather %select_n3A_651[%gather3A_656] in [0] : vector<16xf32>, vector<16xi32> -> vector<16xf32>
          %add3A_658 = arith.addf %select_n3A_650, %gather3A_657 : vector<16xf32>
          %iota3A_659 = tpu.iota {dimensions = array<i32: 0>} : vector<16xi32>
          %and3A_660 = arith.constant 2 : i32
          %and3A_661 = vector.broadcast %and3A_660 : i32 to vector<16xi32>
          %and3A_662 = arith.andi %iota3A_659, %and3A_661 : vector<16xi32>
          %ne3A_663 = arith.constant 0 : i32
          %ne3A_664 = vector.broadcast %ne3A_663 : i32 to vector<16xi32>
          %ne3A_665 = arith.cmpi ne, %and3A_662, %ne3A_664 : vector<16xi32>
          %select_n3A_666 = arith.select %ne3A_665, %add3A_658, %add3A_480 : vector<16xi1>, vector<16xf32>
          %select_n3A_667 = arith.select %ne3A_665, %add3A_480, %add3A_658 : vector<16xi1>, vector<16xf32>
          %xor3A_668 = arith.constant 2 : i32
          %xor3A_669 = vector.broadcast %xor3A_668 : i32 to vector<16xi32>
          %xor3A_670 = arith.xori %iota3A_659, %xor3A_669 : vector<16xi32>
          %reshape3A_671 = vector.shape_cast %xor3A_670 : vector<16xi32> to vector<16x1xi32>
          %gather3A_672 = vector.shape_cast %reshape3A_671 : vector<16x1xi32> to vector<16xi32>
          %gather3A_673 = tpu.dynamic_gather %select_n3A_667[%gather3A_672] in [0] : vector<16xf32>, vector<16xi32> -> vector<16xf32>
          %add3A_674 = arith.addf %select_n3A_666, %gather3A_673 : vector<16xf32>
          %xor3A_675 = arith.constant 4 : i32
          %xor3A_676 = vector.broadcast %xor3A_675 : i32 to vector<16xi32>
          %xor3A_677 = arith.xori %iota3A_170, %xor3A_676 : vector<16xi32>
          %reshape3A_678 = vector.shape_cast %xor3A_677 : vector<16xi32> to vector<16x1xi32>
          %gather3A_679 = vector.shape_cast %reshape3A_678 : vector<16x1xi32> to vector<16xi32>
          %gather3A_680 = tpu.dynamic_gather %add3A_674[%gather3A_679] in [0] : vector<16xf32>, vector<16xi32> -> vector<16xf32>
          %add3A_681 = arith.addf %add3A_674, %gather3A_680 : vector<16xf32>
          %xor3A_682 = arith.constant 8 : i32
          %xor3A_683 = vector.broadcast %xor3A_682 : i32 to vector<16xi32>
          %xor3A_684 = arith.xori %iota3A_170, %xor3A_683 : vector<16xi32>
          %reshape3A_685 = vector.shape_cast %xor3A_684 : vector<16xi32> to vector<16x1xi32>
          %gather3A_686 = vector.shape_cast %reshape3A_685 : vector<16x1xi32> to vector<16xi32>
          %gather3A_687 = tpu.dynamic_gather %add3A_681[%gather3A_686] in [0] : vector<16xf32>, vector<16xi32> -> vector<16xf32>
          %add3A_688 = arith.addf %add3A_681, %gather3A_687 : vector<16xf32>
          %shift_right_arithmetic3A = arith.constant 2 : i32
          %shift_right_arithmetic3A_689 = vector.broadcast %shift_right_arithmetic3A : i32 to vector<16xi32>
          %shift_right_arithmetic3A_690 = arith.shrsi %iota3A_170, %shift_right_arithmetic3A_689 : vector<16xi32>
          %eq3A = vector.broadcast %scan3A_305 : i32 to vector<16xi32>
          %eq3A_691 = arith.cmpi eq, %shift_right_arithmetic3A_690, %eq3A : vector<16xi32>
          %select_n3A_692 = arith.select %eq3A_691, %add3A_688, %scan3A_306 : vector<16xi1>, vector<16xf32>
          scf.yield %select_n3A_692 : vector<16xf32>
        }
        %scan3A_295 = arith.constant 4 : i32
        %mul3A_296 = arith.constant 80 : i32
        %mul3A_297 = arith.muli %add3A_144, %mul3A_296 : i32
        %mul3A_298 = arith.constant 16 : i32
        %mul3A_299 = arith.muli %scan3A_288, %mul3A_298 : i32
        %add3A_300 = arith.addi %mul3A_297, %mul3A_299 : i32
        %multiple_of3A_301 = tpu.assume_multiple %add3A_300, 8 : i32
        %swap3A = arith.index_cast %multiple_of3A_301 : i32 to index
        %swap3A_302 = tpu.vector_load %arg9[%swap3A] {strides = array<i32>} : memref<10000xf32, #tpu.memory_space<vmem>>, vector<16xf32>,
        %swap3A_303 = vector.shape_cast %swap3A_302 : vector<16xf32> to vector<16xf32>
        %swap3A_304 = vector.shape_cast %scan3A_294 : vector<16xf32> to vector<16xf32>
        tpu.vector_store %arg9[%swap3A], %swap3A_304 {strides = array<i32>} : memref<10000xf32, #tpu.memory_space<vmem>>, vector<16xf32>,
      }
      %scan3A_176 = arith.constant 5 : i32
      %mul3A_177 = arith.constant 4 : i32
      %mul3A_178 = arith.muli %scan3A_140, %mul3A_177 : i32
      %add3A_179 = arith.constant 1 : i32
      %add3A_180 = arith.addi %mul3A_178, %add3A_179 : i32
      %mul3A_181 = arith.constant 80 : i32
      %mul3A_182 = arith.muli %add3A_180, %mul3A_181 : i32
      %multiple_of3A_183 = tpu.assume_multiple %mul3A_182, 8 : i32
      %dma_wait3A_184 = tpu.memref_slice %arg7[%multiple_of3A_183] : memref<10000xi32, #tpu.memory_space<vmem>> -> memref<80xi32, #tpu.memory_space<vmem>>
      %dma_wait3A_185 = arith.constant 0 : i32
      %dma_wait3A_186 = arith.constant 0 : i32
      %dma_wait3A_187 = tpu.memref_slice %arg2[%dma_wait3A_185, %dma_wait3A_186] : memref<10000x128xf32, #tpu.memory_space<hbm>> -> memref<10000x128xf32, #tpu.memory_space<hbm>>
      tpu.wait_indirect_dma semaphore(%arg19 : memref<!tpu.dma_semaphore, #tpu.memory_space<semaphore_mem>>) src(%dma_wait3A_187 : memref<10000x128xf32, #tpu.memory_space<hbm>>) dst(%arg11 : memref<80x128xf32, #tpu.memory_space<vmem>>)
      %dma_wait3A_188 = tpu.memref_slice %arg8[%multiple_of3A_183] : memref<10000xi32, #tpu.memory_space<vmem>> -> memref<80xi32, #tpu.memory_space<vmem>>
      %dma_wait3A_189 = arith.constant 0 : i32
      %dma_wait3A_190 = arith.constant 0 : i32
      %dma_wait3A_191 = tpu.memref_slice %arg3[%dma_wait3A_189, %dma_wait3A_190] : memref<10000x128xf32, #tpu.memory_space<hbm>> -> memref<10000x128xf32, #tpu.memory_space<hbm>>
      tpu.wait_indirect_dma semaphore(%arg23 : memref<!tpu.dma_semaphore, #tpu.memory_space<semaphore_mem>>) src(%dma_wait3A_191 : memref<10000x128xf32, #tpu.memory_space<hbm>>) dst(%arg15 : memref<80x128xf32, #tpu.memory_space<vmem>>)
      %add3A_192 = arith.constant 4 : i32
      %add3A_193 = arith.addi %add3A_180, %add3A_192 : i32
      %sub3A_194 = arith.constant 1 : i32
      %sub3A_195 = arith.subi %add3A_193, %sub3A_194 : i32
      %mul3A_196 = arith.constant 80 : i32
      %mul3A_197 = arith.muli %sub3A_195, %mul3A_196 : i32
      %multiple_of3A_198 = tpu.assume_multiple %mul3A_197, 8 : i32
      %dma_start3A_199 = tpu.memref_slice %arg7[%multiple_of3A_198] : memref<10000xi32, #tpu.memory_space<vmem>> -> memref<80xi32, #tpu.memory_space<vmem>>
      %dma_start3A_200 = arith.constant 0 : i32
      %dma_start3A_201 = arith.constant 0 : i32
      %dma_start3A_202 = tpu.memref_slice %arg2[%dma_start3A_200, %dma_start3A_201] : memref<10000x128xf32, #tpu.memory_space<hbm>> -> memref<10000x128xf32, #tpu.memory_space<hbm>>
      tpu.enqueue_indirect_dma source(%dma_start3A_202 : memref<10000x128xf32, #tpu.memory_space<hbm>>) target(%arg10 : memref<80x128xf32, #tpu.memory_space<vmem>>) offsets(%dma_start3A_199 : memref<80xi32, #tpu.memory_space<vmem>>) semaphore(%arg18 : memref<!tpu.dma_semaphore, #tpu.memory_space<semaphore_mem>>)
      %dma_start3A_203 = tpu.memref_slice %arg8[%multiple_of3A_198] : memref<10000xi32, #tpu.memory_space<vmem>> -> memref<80xi32, #tpu.memory_space<vmem>>
      %dma_start3A_204 = arith.constant 0 : i32
      %dma_start3A_205 = arith.constant 0 : i32
      %dma_start3A_206 = tpu.memref_slice %arg3[%dma_start3A_204, %dma_start3A_205] : memref<10000x128xf32, #tpu.memory_space<hbm>> -> memref<10000x128xf32, #tpu.memory_space<hbm>>
      tpu.enqueue_indirect_dma source(%dma_start3A_206 : memref<10000x128xf32, #tpu.memory_space<hbm>>) target(%arg14 : memref<80x128xf32, #tpu.memory_space<vmem>>) offsets(%dma_start3A_203 : memref<80xi32, #tpu.memory_space<vmem>>) semaphore(%arg22 : memref<!tpu.dma_semaphore, #tpu.memory_space<semaphore_mem>>)
      %iota3A_207 = tpu.iota {dimensions = array<i32: 0>} : vector<16xi32>
      %scan3A_208 = arith.constant 0 : i32
      %scan3A_209 = arith.constant 0 : i32
      %scan3A_210 = arith.constant 5 : i32
      %scan3A_211 = arith.addi %scan3A_209, %scan3A_210 : i32
      %scan3A_212 = arith.constant 1 : i32
      scf.for %scan3A_288 = %scan3A_209 to %scan3A_211 step %scan3A_212  : i32 {
        %broadcast_in_dim3A = arith.constant 0.000000e+00 : f32
        %broadcast_in_dim3A_289 = vector.broadcast %broadcast_in_dim3A : f32 to vector<16xf32>
        %scan3A_290 = arith.constant 0 : i32
        %scan3A_291 = arith.constant 4 : i32
        %scan3A_292 = arith.addi %scan3A_290, %scan3A_291 : i32
        %scan3A_293 = arith.constant 1 : i32
        %scan3A_294 = scf.for %scan3A_305 = %scan3A_290 to %scan3A_292 step %scan3A_293 iter_args(%scan3A_306 = %broadcast_in_dim3A_289) -> (vector<16xf32>)  : i32 {
          %mul3A_307 = arith.constant 16 : i32
          %mul3A_308 = arith.muli %scan3A_288, %mul3A_307 : i32
          %mul3A_309 = arith.constant 4 : i32
          %mul3A_310 = arith.muli %scan3A_305, %mul3A_309 : i32
          %add3A_311 = arith.addi %mul3A_308, %mul3A_310 : i32
          %get3A = arith.index_cast %add3A_311 : i32 to index
          %get3A_312 = arith.constant 0 : index
          %get3A_313 = tpu.vector_load %arg11[%get3A, %get3A_312] {strides = array<i32>} : memref<80x128xf32, #tpu.memory_space<vmem>>, vector<1x16xf32>,
          %get3A_314 = vector.shape_cast %get3A_313 : vector<1x16xf32> to vector<16xf32>
          %get3A_315 = arith.index_cast %add3A_311 : i32 to index
          %get3A_316 = arith.constant 0 : index
          %get3A_317 = tpu.vector_load %arg15[%get3A_315, %get3A_316] {strides = array<i32>} : memref<80x128xf32, #tpu.memory_space<vmem>>, vector<1x16xf32>,
          %get3A_318 = vector.shape_cast %get3A_317 : vector<1x16xf32> to vector<16xf32>
          %mul3A_319 = arith.mulf %get3A_314, %get3A_318 : vector<16xf32>
          %get3A_320 = arith.index_cast %add3A_311 : i32 to index
          %get3A_321 = arith.constant 16 : index
          %get3A_322 = tpu.vector_load %arg11[%get3A_320, %get3A_321] {strides = array<i32>} : memref<80x128xf32, #tpu.memory_space<vmem>>, vector<1x16xf32>,
          %get3A_323 = vector.shape_cast %get3A_322 : vector<1x16xf32> to vector<16xf32>
          %get3A_324 = arith.index_cast %add3A_311 : i32 to index
          %get3A_325 = arith.constant 16 : index
          %get3A_326 = tpu.vector_load %arg15[%get3A_324, %get3A_325] {strides = array<i32>} : memref<80x128xf32, #tpu.memory_space<vmem>>, vector<1x16xf32>,
          %get3A_327 = vector.shape_cast %get3A_326 : vector<1x16xf32> to vector<16xf32>
          %mul3A_328 = arith.mulf %get3A_323, %get3A_327 : vector<16xf32>
          %get3A_329 = arith.index_cast %add3A_311 : i32 to index
          %get3A_330 = arith.constant 32 : index
          %get3A_331 = tpu.vector_load %arg11[%get3A_329, %get3A_330] {strides = array<i32>} : memref<80x128xf32, #tpu.memory_space<vmem>>, vector<1x16xf32>,
          %get3A_332 = vector.shape_cast %get3A_331 : vector<1x16xf32> to vector<16xf32>
          %get3A_333 = arith.index_cast %add3A_311 : i32 to index
          %get3A_334 = arith.constant 32 : index
          %get3A_335 = tpu.vector_load %arg15[%get3A_333, %get3A_334] {strides = array<i32>} : memref<80x128xf32, #tpu.memory_space<vmem>>, vector<1x16xf32>,
          %get3A_336 = vector.shape_cast %get3A_335 : vector<1x16xf32> to vector<16xf32>
          %mul3A_337 = arith.mulf %get3A_332, %get3A_336 : vector<16xf32>
          %get3A_338 = arith.index_cast %add3A_311 : i32 to index
          %get3A_339 = arith.constant 48 : index
          %get3A_340 = tpu.vector_load %arg11[%get3A_338, %get3A_339] {strides = array<i32>} : memref<80x128xf32, #tpu.memory_space<vmem>>, vector<1x16xf32>,
          %get3A_341 = vector.shape_cast %get3A_340 : vector<1x16xf32> to vector<16xf32>
          %get3A_342 = arith.index_cast %add3A_311 : i32 to index
          %get3A_343 = arith.constant 48 : index
          %get3A_344 = tpu.vector_load %arg15[%get3A_342, %get3A_343] {strides = array<i32>} : memref<80x128xf32, #tpu.memory_space<vmem>>, vector<1x16xf32>,
          %get3A_345 = vector.shape_cast %get3A_344 : vector<1x16xf32> to vector<16xf32>
          %mul3A_346 = arith.mulf %get3A_341, %get3A_345 : vector<16xf32>
          %get3A_347 = arith.index_cast %add3A_311 : i32 to index
          %get3A_348 = arith.constant 64 : index
          %get3A_349 = tpu.vector_load %arg11[%get3A_347, %get3A_348] {strides = array<i32>} : memref<80x128xf32, #tpu.memory_space<vmem>>, vector<1x16xf32>,
          %get3A_350 = vector.shape_cast %get3A_349 : vector<1x16xf32> to vector<16xf32>
          %get3A_351 = arith.index_cast %add3A_311 : i32 to index
          %get3A_352 = arith.constant 64 : index
          %get3A_353 = tpu.vector_load %arg15[%get3A_351, %get3A_352] {strides = array<i32>} : memref<80x128xf32, #tpu.memory_space<vmem>>, vector<1x16xf32>,
          %get3A_354 = vector.shape_cast %get3A_353 : vector<1x16xf32> to vector<16xf32>
          %mul3A_355 = arith.mulf %get3A_350, %get3A_354 : vector<16xf32>
          %get3A_356 = arith.index_cast %add3A_311 : i32 to index
          %get3A_357 = arith.constant 80 : index
          %get3A_358 = tpu.vector_load %arg11[%get3A_356, %get3A_357] {strides = array<i32>} : memref<80x128xf32, #tpu.memory_space<vmem>>, vector<1x16xf32>,
          %get3A_359 = vector.shape_cast %get3A_358 : vector<1x16xf32> to vector<16xf32>
          %get3A_360 = arith.index_cast %add3A_311 : i32 to index
          %get3A_361 = arith.constant 80 : index
          %get3A_362 = tpu.vector_load %arg15[%get3A_360, %get3A_361] {strides = array<i32>} : memref<80x128xf32, #tpu.memory_space<vmem>>, vector<1x16xf32>,
          %get3A_363 = vector.shape_cast %get3A_362 : vector<1x16xf32> to vector<16xf32>
          %mul3A_364 = arith.mulf %get3A_359, %get3A_363 : vector<16xf32>
          %get3A_365 = arith.index_cast %add3A_311 : i32 to index
          %get3A_366 = arith.constant 96 : index
          %get3A_367 = tpu.vector_load %arg11[%get3A_365, %get3A_366] {strides = array<i32>} : memref<80x128xf32, #tpu.memory_space<vmem>>, vector<1x16xf32>,
          %get3A_368 = vector.shape_cast %get3A_367 : vector<1x16xf32> to vector<16xf32>
          %get3A_369 = arith.index_cast %add3A_311 : i32 to index
          %get3A_370 = arith.constant 96 : index
          %get3A_371 = tpu.vector_load %arg15[%get3A_369, %get3A_370] {strides = array<i32>} : memref<80x128xf32, #tpu.memory_space<vmem>>, vector<1x16xf32>,
          %get3A_372 = vector.shape_cast %get3A_371 : vector<1x16xf32> to vector<16xf32>
          %mul3A_373 = arith.mulf %get3A_368, %get3A_372 : vector<16xf32>
          %get3A_374 = arith.index_cast %add3A_311 : i32 to index
          %get3A_375 = arith.constant 112 : index
          %get3A_376 = tpu.vector_load %arg11[%get3A_374, %get3A_375] {strides = array<i32>} : memref<80x128xf32, #tpu.memory_space<vmem>>, vector<1x16xf32>,
          %get3A_377 = vector.shape_cast %get3A_376 : vector<1x16xf32> to vector<16xf32>
          %get3A_378 = arith.index_cast %add3A_311 : i32 to index
          %get3A_379 = arith.constant 112 : index
          %get3A_380 = tpu.vector_load %arg15[%get3A_378, %get3A_379] {strides = array<i32>} : memref<80x128xf32, #tpu.memory_space<vmem>>, vector<1x16xf32>,
          %get3A_381 = vector.shape_cast %get3A_380 : vector<1x16xf32> to vector<16xf32>
          %mul3A_382 = arith.mulf %get3A_377, %get3A_381 : vector<16xf32>
          %add3A_383 = arith.addf %mul3A_319, %mul3A_328 : vector<16xf32>
          %add3A_384 = arith.addf %mul3A_337, %mul3A_346 : vector<16xf32>
          %add3A_385 = arith.addf %mul3A_355, %mul3A_364 : vector<16xf32>
          %add3A_386 = arith.addf %mul3A_373, %mul3A_382 : vector<16xf32>
          %add3A_387 = arith.addf %add3A_383, %add3A_384 : vector<16xf32>
          %add3A_388 = arith.addf %add3A_385, %add3A_386 : vector<16xf32>
          %add3A_389 = arith.addf %add3A_387, %add3A_388 : vector<16xf32>
          %add3A_390 = arith.constant 1 : i32
          %add3A_391 = arith.addi %add3A_311, %add3A_390 : i32
          %get3A_392 = arith.index_cast %add3A_391 : i32 to index
          %get3A_393 = arith.constant 0 : index
          %get3A_394 = tpu.vector_load %arg11[%get3A_392, %get3A_393] {strides = array<i32>} : memref<80x128xf32, #tpu.memory_space<vmem>>, vector<1x16xf32>,
          %get3A_395 = vector.shape_cast %get3A_394 : vector<1x16xf32> to vector<16xf32>
          %get3A_396 = arith.index_cast %add3A_391 : i32 to index
          %get3A_397 = arith.constant 0 : index
          %get3A_398 = tpu.vector_load %arg15[%get3A_396, %get3A_397] {strides = array<i32>} : memref<80x128xf32, #tpu.memory_space<vmem>>, vector<1x16xf32>,
          %get3A_399 = vector.shape_cast %get3A_398 : vector<1x16xf32> to vector<16xf32>
          %mul3A_400 = arith.mulf %get3A_395, %get3A_399 : vector<16xf32>
          %get3A_401 = arith.index_cast %add3A_391 : i32 to index
          %get3A_402 = arith.constant 16 : index
          %get3A_403 = tpu.vector_load %arg11[%get3A_401, %get3A_402] {strides = array<i32>} : memref<80x128xf32, #tpu.memory_space<vmem>>, vector<1x16xf32>,
          %get3A_404 = vector.shape_cast %get3A_403 : vector<1x16xf32> to vector<16xf32>
          %get3A_405 = arith.index_cast %add3A_391 : i32 to index
          %get3A_406 = arith.constant 16 : index
          %get3A_407 = tpu.vector_load %arg15[%get3A_405, %get3A_406] {strides = array<i32>} : memref<80x128xf32, #tpu.memory_space<vmem>>, vector<1x16xf32>,
          %get3A_408 = vector.shape_cast %get3A_407 : vector<1x16xf32> to vector<16xf32>
          %mul3A_409 = arith.mulf %get3A_404, %get3A_408 : vector<16xf32>
          %get3A_410 = arith.index_cast %add3A_391 : i32 to index
          %get3A_411 = arith.constant 32 : index
          %get3A_412 = tpu.vector_load %arg11[%get3A_410, %get3A_411] {strides = array<i32>} : memref<80x128xf32, #tpu.memory_space<vmem>>, vector<1x16xf32>,
          %get3A_413 = vector.shape_cast %get3A_412 : vector<1x16xf32> to vector<16xf32>
          %get3A_414 = arith.index_cast %add3A_391 : i32 to index
          %get3A_415 = arith.constant 32 : index
          %get3A_416 = tpu.vector_load %arg15[%get3A_414, %get3A_415] {strides = array<i32>} : memref<80x128xf32, #tpu.memory_space<vmem>>, vector<1x16xf32>,
          %get3A_417 = vector.shape_cast %get3A_416 : vector<1x16xf32> to vector<16xf32>
          %mul3A_418 = arith.mulf %get3A_413, %get3A_417 : vector<16xf32>
          %get3A_419 = arith.index_cast %add3A_391 : i32 to index
          %get3A_420 = arith.constant 48 : index
          %get3A_421 = tpu.vector_load %arg11[%get3A_419, %get3A_420] {strides = array<i32>} : memref<80x128xf32, #tpu.memory_space<vmem>>, vector<1x16xf32>,
          %get3A_422 = vector.shape_cast %get3A_421 : vector<1x16xf32> to vector<16xf32>
          %get3A_423 = arith.index_cast %add3A_391 : i32 to index
          %get3A_424 = arith.constant 48 : index
          %get3A_425 = tpu.vector_load %arg15[%get3A_423, %get3A_424] {strides = array<i32>} : memref<80x128xf32, #tpu.memory_space<vmem>>, vector<1x16xf32>,
          %get3A_426 = vector.shape_cast %get3A_425 : vector<1x16xf32> to vector<16xf32>
          %mul3A_427 = arith.mulf %get3A_422, %get3A_426 : vector<16xf32>
          %get3A_428 = arith.index_cast %add3A_391 : i32 to index
          %get3A_429 = arith.constant 64 : index
          %get3A_430 = tpu.vector_load %arg11[%get3A_428, %get3A_429] {strides = array<i32>} : memref<80x128xf32, #tpu.memory_space<vmem>>, vector<1x16xf32>,
          %get3A_431 = vector.shape_cast %get3A_430 : vector<1x16xf32> to vector<16xf32>
          %get3A_432 = arith.index_cast %add3A_391 : i32 to index
          %get3A_433 = arith.constant 64 : index
          %get3A_434 = tpu.vector_load %arg15[%get3A_432, %get3A_433] {strides = array<i32>} : memref<80x128xf32, #tpu.memory_space<vmem>>, vector<1x16xf32>,
          %get3A_435 = vector.shape_cast %get3A_434 : vector<1x16xf32> to vector<16xf32>
          %mul3A_436 = arith.mulf %get3A_431, %get3A_435 : vector<16xf32>
          %get3A_437 = arith.index_cast %add3A_391 : i32 to index
          %get3A_438 = arith.constant 80 : index
          %get3A_439 = tpu.vector_load %arg11[%get3A_437, %get3A_438] {strides = array<i32>} : memref<80x128xf32, #tpu.memory_space<vmem>>, vector<1x16xf32>,
          %get3A_440 = vector.shape_cast %get3A_439 : vector<1x16xf32> to vector<16xf32>
          %get3A_441 = arith.index_cast %add3A_391 : i32 to index
          %get3A_442 = arith.constant 80 : index
          %get3A_443 = tpu.vector_load %arg15[%get3A_441, %get3A_442] {strides = array<i32>} : memref<80x128xf32, #tpu.memory_space<vmem>>, vector<1x16xf32>,
          %get3A_444 = vector.shape_cast %get3A_443 : vector<1x16xf32> to vector<16xf32>
          %mul3A_445 = arith.mulf %get3A_440, %get3A_444 : vector<16xf32>
          %get3A_446 = arith.index_cast %add3A_391 : i32 to index
          %get3A_447 = arith.constant 96 : index
          %get3A_448 = tpu.vector_load %arg11[%get3A_446, %get3A_447] {strides = array<i32>} : memref<80x128xf32, #tpu.memory_space<vmem>>, vector<1x16xf32>,
          %get3A_449 = vector.shape_cast %get3A_448 : vector<1x16xf32> to vector<16xf32>
          %get3A_450 = arith.index_cast %add3A_391 : i32 to index
          %get3A_451 = arith.constant 96 : index
          %get3A_452 = tpu.vector_load %arg15[%get3A_450, %get3A_451] {strides = array<i32>} : memref<80x128xf32, #tpu.memory_space<vmem>>, vector<1x16xf32>,
          %get3A_453 = vector.shape_cast %get3A_452 : vector<1x16xf32> to vector<16xf32>
          %mul3A_454 = arith.mulf %get3A_449, %get3A_453 : vector<16xf32>
          %get3A_455 = arith.index_cast %add3A_391 : i32 to index
          %get3A_456 = arith.constant 112 : index
          %get3A_457 = tpu.vector_load %arg11[%get3A_455, %get3A_456] {strides = array<i32>} : memref<80x128xf32, #tpu.memory_space<vmem>>, vector<1x16xf32>,
          %get3A_458 = vector.shape_cast %get3A_457 : vector<1x16xf32> to vector<16xf32>
          %get3A_459 = arith.index_cast %add3A_391 : i32 to index
          %get3A_460 = arith.constant 112 : index
          %get3A_461 = tpu.vector_load %arg15[%get3A_459, %get3A_460] {strides = array<i32>} : memref<80x128xf32, #tpu.memory_space<vmem>>, vector<1x16xf32>,
          %get3A_462 = vector.shape_cast %get3A_461 : vector<1x16xf32> to vector<16xf32>
          %mul3A_463 = arith.mulf %get3A_458, %get3A_462 : vector<16xf32>
          %add3A_464 = arith.addf %mul3A_400, %mul3A_409 : vector<16xf32>
          %add3A_465 = arith.addf %mul3A_418, %mul3A_427 : vector<16xf32>
          %add3A_466 = arith.addf %mul3A_436, %mul3A_445 : vector<16xf32>
          %add3A_467 = arith.addf %mul3A_454, %mul3A_463 : vector<16xf32>
          %add3A_468 = arith.addf %add3A_464, %add3A_465 : vector<16xf32>
          %add3A_469 = arith.addf %add3A_466, %add3A_467 : vector<16xf32>
          %add3A_470 = arith.addf %add3A_468, %add3A_469 : vector<16xf32>
          %iota3A_471 = tpu.iota {dimensions = array<i32: 0>} : vector<16xi32>
          %and3A = arith.constant 1 : i32
          %and3A_472 = vector.broadcast %and3A : i32 to vector<16xi32>
          %and3A_473 = arith.andi %iota3A_471, %and3A_472 : vector<16xi32>
          %ne3A = arith.constant 0 : i32
          %ne3A_474 = vector.broadcast %ne3A : i32 to vector<16xi32>
          %ne3A_475 = arith.cmpi ne, %and3A_473, %ne3A_474 : vector<16xi32>
          %select_n3A = arith.select %ne3A_475, %add3A_470, %add3A_389 : vector<16xi1>, vector<16xf32>
          %select_n3A_476 = arith.select %ne3A_475, %add3A_389, %add3A_470 : vector<16xi1>, vector<16xf32>
          %xor3A = arith.constant 1 : i32
          %xor3A_477 = vector.broadcast %xor3A : i32 to vector<16xi32>
          %xor3A_478 = arith.xori %iota3A_471, %xor3A_477 : vector<16xi32>
          %reshape3A = vector.shape_cast %xor3A_478 : vector<16xi32> to vector<16x1xi32>
          %gather3A = vector.shape_cast %reshape3A : vector<16x1xi32> to vector<16xi32>
          %gather3A_479 = tpu.dynamic_gather %select_n3A_476[%gather3A] in [0] : vector<16xf32>, vector<16xi32> -> vector<16xf32>
          %add3A_480 = arith.addf %select_n3A, %gather3A_479 : vector<16xf32>
          %add3A_481 = arith.constant 2 : i32
          %add3A_482 = arith.addi %add3A_311, %add3A_481 : i32
          %get3A_483 = arith.index_cast %add3A_482 : i32 to index
          %get3A_484 = arith.constant 0 : index
          %get3A_485 = tpu.vector_load %arg11[%get3A_483, %get3A_484] {strides = array<i32>} : memref<80x128xf32, #tpu.memory_space<vmem>>, vector<1x16xf32>,
          %get3A_486 = vector.shape_cast %get3A_485 : vector<1x16xf32> to vector<16xf32>
          %get3A_487 = arith.index_cast %add3A_482 : i32 to index
          %get3A_488 = arith.constant 0 : index
          %get3A_489 = tpu.vector_load %arg15[%get3A_487, %get3A_488] {strides = array<i32>} : memref<80x128xf32, #tpu.memory_space<vmem>>, vector<1x16xf32>,
          %get3A_490 = vector.shape_cast %get3A_489 : vector<1x16xf32> to vector<16xf32>
          %mul3A_491 = arith.mulf %get3A_486, %get3A_490 : vector<16xf32>
          %get3A_492 = arith.index_cast %add3A_482 : i32 to index
          %get3A_493 = arith.constant 16 : index
          %get3A_494 = tpu.vector_load %arg11[%get3A_492, %get3A_493] {strides = array<i32>} : memref<80x128xf32, #tpu.memory_space<vmem>>, vector<1x16xf32>,
          %get3A_495 = vector.shape_cast %get3A_494 : vector<1x16xf32> to vector<16xf32>
          %get3A_496 = arith.index_cast %add3A_482 : i32 to index
          %get3A_497 = arith.constant 16 : index
          %get3A_498 = tpu.vector_load %arg15[%get3A_496, %get3A_497] {strides = array<i32>} : memref<80x128xf32, #tpu.memory_space<vmem>>, vector<1x16xf32>,
          %get3A_499 = vector.shape_cast %get3A_498 : vector<1x16xf32> to vector<16xf32>
          %mul3A_500 = arith.mulf %get3A_495, %get3A_499 : vector<16xf32>
          %get3A_501 = arith.index_cast %add3A_482 : i32 to index
          %get3A_502 = arith.constant 32 : index
          %get3A_503 = tpu.vector_load %arg11[%get3A_501, %get3A_502] {strides = array<i32>} : memref<80x128xf32, #tpu.memory_space<vmem>>, vector<1x16xf32>,
          %get3A_504 = vector.shape_cast %get3A_503 : vector<1x16xf32> to vector<16xf32>
          %get3A_505 = arith.index_cast %add3A_482 : i32 to index
          %get3A_506 = arith.constant 32 : index
          %get3A_507 = tpu.vector_load %arg15[%get3A_505, %get3A_506] {strides = array<i32>} : memref<80x128xf32, #tpu.memory_space<vmem>>, vector<1x16xf32>,
          %get3A_508 = vector.shape_cast %get3A_507 : vector<1x16xf32> to vector<16xf32>
          %mul3A_509 = arith.mulf %get3A_504, %get3A_508 : vector<16xf32>
          %get3A_510 = arith.index_cast %add3A_482 : i32 to index
          %get3A_511 = arith.constant 48 : index
          %get3A_512 = tpu.vector_load %arg11[%get3A_510, %get3A_511] {strides = array<i32>} : memref<80x128xf32, #tpu.memory_space<vmem>>, vector<1x16xf32>,
          %get3A_513 = vector.shape_cast %get3A_512 : vector<1x16xf32> to vector<16xf32>
          %get3A_514 = arith.index_cast %add3A_482 : i32 to index
          %get3A_515 = arith.constant 48 : index
          %get3A_516 = tpu.vector_load %arg15[%get3A_514, %get3A_515] {strides = array<i32>} : memref<80x128xf32, #tpu.memory_space<vmem>>, vector<1x16xf32>,
          %get3A_517 = vector.shape_cast %get3A_516 : vector<1x16xf32> to vector<16xf32>
          %mul3A_518 = arith.mulf %get3A_513, %get3A_517 : vector<16xf32>
          %get3A_519 = arith.index_cast %add3A_482 : i32 to index
          %get3A_520 = arith.constant 64 : index
          %get3A_521 = tpu.vector_load %arg11[%get3A_519, %get3A_520] {strides = array<i32>} : memref<80x128xf32, #tpu.memory_space<vmem>>, vector<1x16xf32>,
          %get3A_522 = vector.shape_cast %get3A_521 : vector<1x16xf32> to vector<16xf32>
          %get3A_523 = arith.index_cast %add3A_482 : i32 to index
          %get3A_524 = arith.constant 64 : index
          %get3A_525 = tpu.vector_load %arg15[%get3A_523, %get3A_524] {strides = array<i32>} : memref<80x128xf32, #tpu.memory_space<vmem>>, vector<1x16xf32>,
          %get3A_526 = vector.shape_cast %get3A_525 : vector<1x16xf32> to vector<16xf32>
          %mul3A_527 = arith.mulf %get3A_522, %get3A_526 : vector<16xf32>
          %get3A_528 = arith.index_cast %add3A_482 : i32 to index
          %get3A_529 = arith.constant 80 : index
          %get3A_530 = tpu.vector_load %arg11[%get3A_528, %get3A_529] {strides = array<i32>} : memref<80x128xf32, #tpu.memory_space<vmem>>, vector<1x16xf32>,
          %get3A_531 = vector.shape_cast %get3A_530 : vector<1x16xf32> to vector<16xf32>
          %get3A_532 = arith.index_cast %add3A_482 : i32 to index
          %get3A_533 = arith.constant 80 : index
          %get3A_534 = tpu.vector_load %arg15[%get3A_532, %get3A_533] {strides = array<i32>} : memref<80x128xf32, #tpu.memory_space<vmem>>, vector<1x16xf32>,
          %get3A_535 = vector.shape_cast %get3A_534 : vector<1x16xf32> to vector<16xf32>
          %mul3A_536 = arith.mulf %get3A_531, %get3A_535 : vector<16xf32>
          %get3A_537 = arith.index_cast %add3A_482 : i32 to index
          %get3A_538 = arith.constant 96 : index
          %get3A_539 = tpu.vector_load %arg11[%get3A_537, %get3A_538] {strides = array<i32>} : memref<80x128xf32, #tpu.memory_space<vmem>>, vector<1x16xf32>,
          %get3A_540 = vector.shape_cast %get3A_539 : vector<1x16xf32> to vector<16xf32>
          %get3A_541 = arith.index_cast %add3A_482 : i32 to index
          %get3A_542 = arith.constant 96 : index
          %get3A_543 = tpu.vector_load %arg15[%get3A_541, %get3A_542] {strides = array<i32>} : memref<80x128xf32, #tpu.memory_space<vmem>>, vector<1x16xf32>,
          %get3A_544 = vector.shape_cast %get3A_543 : vector<1x16xf32> to vector<16xf32>
          %mul3A_545 = arith.mulf %get3A_540, %get3A_544 : vector<16xf32>
          %get3A_546 = arith.index_cast %add3A_482 : i32 to index
          %get3A_547 = arith.constant 112 : index
          %get3A_548 = tpu.vector_load %arg11[%get3A_546, %get3A_547] {strides = array<i32>} : memref<80x128xf32, #tpu.memory_space<vmem>>, vector<1x16xf32>,
          %get3A_549 = vector.shape_cast %get3A_548 : vector<1x16xf32> to vector<16xf32>
          %get3A_550 = arith.index_cast %add3A_482 : i32 to index
          %get3A_551 = arith.constant 112 : index
          %get3A_552 = tpu.vector_load %arg15[%get3A_550, %get3A_551] {strides = array<i32>} : memref<80x128xf32, #tpu.memory_space<vmem>>, vector<1x16xf32>,
          %get3A_553 = vector.shape_cast %get3A_552 : vector<1x16xf32> to vector<16xf32>
          %mul3A_554 = arith.mulf %get3A_549, %get3A_553 : vector<16xf32>
          %add3A_555 = arith.addf %mul3A_491, %mul3A_500 : vector<16xf32>
          %add3A_556 = arith.addf %mul3A_509, %mul3A_518 : vector<16xf32>
          %add3A_557 = arith.addf %mul3A_527, %mul3A_536 : vector<16xf32>
          %add3A_558 = arith.addf %mul3A_545, %mul3A_554 : vector<16xf32>
          %add3A_559 = arith.addf %add3A_555, %add3A_556 : vector<16xf32>
          %add3A_560 = arith.addf %add3A_557, %add3A_558 : vector<16xf32>
          %add3A_561 = arith.addf %add3A_559, %add3A_560 : vector<16xf32>
          %add3A_562 = arith.constant 1 : i32
          %add3A_563 = arith.addi %add3A_482, %add3A_562 : i32
          %get3A_564 = arith.index_cast %add3A_563 : i32 to index
          %get3A_565 = arith.constant 0 : index
          %get3A_566 = tpu.vector_load %arg11[%get3A_564, %get3A_565] {strides = array<i32>} : memref<80x128xf32, #tpu.memory_space<vmem>>, vector<1x16xf32>,
          %get3A_567 = vector.shape_cast %get3A_566 : vector<1x16xf32> to vector<16xf32>
          %get3A_568 = arith.index_cast %add3A_563 : i32 to index
          %get3A_569 = arith.constant 0 : index
          %get3A_570 = tpu.vector_load %arg15[%get3A_568, %get3A_569] {strides = array<i32>} : memref<80x128xf32, #tpu.memory_space<vmem>>, vector<1x16xf32>,
          %get3A_571 = vector.shape_cast %get3A_570 : vector<1x16xf32> to vector<16xf32>
          %mul3A_572 = arith.mulf %get3A_567, %get3A_571 : vector<16xf32>
          %get3A_573 = arith.index_cast %add3A_563 : i32 to index
          %get3A_574 = arith.constant 16 : index
          %get3A_575 = tpu.vector_load %arg11[%get3A_573, %get3A_574] {strides = array<i32>} : memref<80x128xf32, #tpu.memory_space<vmem>>, vector<1x16xf32>,
          %get3A_576 = vector.shape_cast %get3A_575 : vector<1x16xf32> to vector<16xf32>
          %get3A_577 = arith.index_cast %add3A_563 : i32 to index
          %get3A_578 = arith.constant 16 : index
          %get3A_579 = tpu.vector_load %arg15[%get3A_577, %get3A_578] {strides = array<i32>} : memref<80x128xf32, #tpu.memory_space<vmem>>, vector<1x16xf32>,
          %get3A_580 = vector.shape_cast %get3A_579 : vector<1x16xf32> to vector<16xf32>
          %mul3A_581 = arith.mulf %get3A_576, %get3A_580 : vector<16xf32>
          %get3A_582 = arith.index_cast %add3A_563 : i32 to index
          %get3A_583 = arith.constant 32 : index
          %get3A_584 = tpu.vector_load %arg11[%get3A_582, %get3A_583] {strides = array<i32>} : memref<80x128xf32, #tpu.memory_space<vmem>>, vector<1x16xf32>,
          %get3A_585 = vector.shape_cast %get3A_584 : vector<1x16xf32> to vector<16xf32>
          %get3A_586 = arith.index_cast %add3A_563 : i32 to index
          %get3A_587 = arith.constant 32 : index
          %get3A_588 = tpu.vector_load %arg15[%get3A_586, %get3A_587] {strides = array<i32>} : memref<80x128xf32, #tpu.memory_space<vmem>>, vector<1x16xf32>,
          %get3A_589 = vector.shape_cast %get3A_588 : vector<1x16xf32> to vector<16xf32>
          %mul3A_590 = arith.mulf %get3A_585, %get3A_589 : vector<16xf32>
          %get3A_591 = arith.index_cast %add3A_563 : i32 to index
          %get3A_592 = arith.constant 48 : index
          %get3A_593 = tpu.vector_load %arg11[%get3A_591, %get3A_592] {strides = array<i32>} : memref<80x128xf32, #tpu.memory_space<vmem>>, vector<1x16xf32>,
          %get3A_594 = vector.shape_cast %get3A_593 : vector<1x16xf32> to vector<16xf32>
          %get3A_595 = arith.index_cast %add3A_563 : i32 to index
          %get3A_596 = arith.constant 48 : index
          %get3A_597 = tpu.vector_load %arg15[%get3A_595, %get3A_596] {strides = array<i32>} : memref<80x128xf32, #tpu.memory_space<vmem>>, vector<1x16xf32>,
          %get3A_598 = vector.shape_cast %get3A_597 : vector<1x16xf32> to vector<16xf32>
          %mul3A_599 = arith.mulf %get3A_594, %get3A_598 : vector<16xf32>
          %get3A_600 = arith.index_cast %add3A_563 : i32 to index
          %get3A_601 = arith.constant 64 : index
          %get3A_602 = tpu.vector_load %arg11[%get3A_600, %get3A_601] {strides = array<i32>} : memref<80x128xf32, #tpu.memory_space<vmem>>, vector<1x16xf32>,
          %get3A_603 = vector.shape_cast %get3A_602 : vector<1x16xf32> to vector<16xf32>
          %get3A_604 = arith.index_cast %add3A_563 : i32 to index
          %get3A_605 = arith.constant 64 : index
          %get3A_606 = tpu.vector_load %arg15[%get3A_604, %get3A_605] {strides = array<i32>} : memref<80x128xf32, #tpu.memory_space<vmem>>, vector<1x16xf32>,
          %get3A_607 = vector.shape_cast %get3A_606 : vector<1x16xf32> to vector<16xf32>
          %mul3A_608 = arith.mulf %get3A_603, %get3A_607 : vector<16xf32>
          %get3A_609 = arith.index_cast %add3A_563 : i32 to index
          %get3A_610 = arith.constant 80 : index
          %get3A_611 = tpu.vector_load %arg11[%get3A_609, %get3A_610] {strides = array<i32>} : memref<80x128xf32, #tpu.memory_space<vmem>>, vector<1x16xf32>,
          %get3A_612 = vector.shape_cast %get3A_611 : vector<1x16xf32> to vector<16xf32>
          %get3A_613 = arith.index_cast %add3A_563 : i32 to index
          %get3A_614 = arith.constant 80 : index
          %get3A_615 = tpu.vector_load %arg15[%get3A_613, %get3A_614] {strides = array<i32>} : memref<80x128xf32, #tpu.memory_space<vmem>>, vector<1x16xf32>,
          %get3A_616 = vector.shape_cast %get3A_615 : vector<1x16xf32> to vector<16xf32>
          %mul3A_617 = arith.mulf %get3A_612, %get3A_616 : vector<16xf32>
          %get3A_618 = arith.index_cast %add3A_563 : i32 to index
          %get3A_619 = arith.constant 96 : index
          %get3A_620 = tpu.vector_load %arg11[%get3A_618, %get3A_619] {strides = array<i32>} : memref<80x128xf32, #tpu.memory_space<vmem>>, vector<1x16xf32>,
          %get3A_621 = vector.shape_cast %get3A_620 : vector<1x16xf32> to vector<16xf32>
          %get3A_622 = arith.index_cast %add3A_563 : i32 to index
          %get3A_623 = arith.constant 96 : index
          %get3A_624 = tpu.vector_load %arg15[%get3A_622, %get3A_623] {strides = array<i32>} : memref<80x128xf32, #tpu.memory_space<vmem>>, vector<1x16xf32>,
          %get3A_625 = vector.shape_cast %get3A_624 : vector<1x16xf32> to vector<16xf32>
          %mul3A_626 = arith.mulf %get3A_621, %get3A_625 : vector<16xf32>
          %get3A_627 = arith.index_cast %add3A_563 : i32 to index
          %get3A_628 = arith.constant 112 : index
          %get3A_629 = tpu.vector_load %arg11[%get3A_627, %get3A_628] {strides = array<i32>} : memref<80x128xf32, #tpu.memory_space<vmem>>, vector<1x16xf32>,
          %get3A_630 = vector.shape_cast %get3A_629 : vector<1x16xf32> to vector<16xf32>
          %get3A_631 = arith.index_cast %add3A_563 : i32 to index
          %get3A_632 = arith.constant 112 : index
          %get3A_633 = tpu.vector_load %arg15[%get3A_631, %get3A_632] {strides = array<i32>} : memref<80x128xf32, #tpu.memory_space<vmem>>, vector<1x16xf32>,
          %get3A_634 = vector.shape_cast %get3A_633 : vector<1x16xf32> to vector<16xf32>
          %mul3A_635 = arith.mulf %get3A_630, %get3A_634 : vector<16xf32>
          %add3A_636 = arith.addf %mul3A_572, %mul3A_581 : vector<16xf32>
          %add3A_637 = arith.addf %mul3A_590, %mul3A_599 : vector<16xf32>
          %add3A_638 = arith.addf %mul3A_608, %mul3A_617 : vector<16xf32>
          %add3A_639 = arith.addf %mul3A_626, %mul3A_635 : vector<16xf32>
          %add3A_640 = arith.addf %add3A_636, %add3A_637 : vector<16xf32>
          %add3A_641 = arith.addf %add3A_638, %add3A_639 : vector<16xf32>
          %add3A_642 = arith.addf %add3A_640, %add3A_641 : vector<16xf32>
          %iota3A_643 = tpu.iota {dimensions = array<i32: 0>} : vector<16xi32>
          %and3A_644 = arith.constant 1 : i32
          %and3A_645 = vector.broadcast %and3A_644 : i32 to vector<16xi32>
          %and3A_646 = arith.andi %iota3A_643, %and3A_645 : vector<16xi32>
          %ne3A_647 = arith.constant 0 : i32
          %ne3A_648 = vector.broadcast %ne3A_647 : i32 to vector<16xi32>
          %ne3A_649 = arith.cmpi ne, %and3A_646, %ne3A_648 : vector<16xi32>
          %select_n3A_650 = arith.select %ne3A_649, %add3A_642, %add3A_561 : vector<16xi1>, vector<16xf32>
          %select_n3A_651 = arith.select %ne3A_649, %add3A_561, %add3A_642 : vector<16xi1>, vector<16xf32>
          %xor3A_652 = arith.constant 1 : i32
          %xor3A_653 = vector.broadcast %xor3A_652 : i32 to vector<16xi32>
          %xor3A_654 = arith.xori %iota3A_643, %xor3A_653 : vector<16xi32>
          %reshape3A_655 = vector.shape_cast %xor3A_654 : vector<16xi32> to vector<16x1xi32>
          %gather3A_656 = vector.shape_cast %reshape3A_655 : vector<16x1xi32> to vector<16xi32>
          %gather3A_657 = tpu.dynamic_gather %select_n3A_651[%gather3A_656] in [0] : vector<16xf32>, vector<16xi32> -> vector<16xf32>
          %add3A_658 = arith.addf %select_n3A_650, %gather3A_657 : vector<16xf32>
          %iota3A_659 = tpu.iota {dimensions = array<i32: 0>} : vector<16xi32>
          %and3A_660 = arith.constant 2 : i32
          %and3A_661 = vector.broadcast %and3A_660 : i32 to vector<16xi32>
          %and3A_662 = arith.andi %iota3A_659, %and3A_661 : vector<16xi32>
          %ne3A_663 = arith.constant 0 : i32
          %ne3A_664 = vector.broadcast %ne3A_663 : i32 to vector<16xi32>
          %ne3A_665 = arith.cmpi ne, %and3A_662, %ne3A_664 : vector<16xi32>
          %select_n3A_666 = arith.select %ne3A_665, %add3A_658, %add3A_480 : vector<16xi1>, vector<16xf32>
          %select_n3A_667 = arith.select %ne3A_665, %add3A_480, %add3A_658 : vector<16xi1>, vector<16xf32>
          %xor3A_668 = arith.constant 2 : i32
          %xor3A_669 = vector.broadcast %xor3A_668 : i32 to vector<16xi32>
          %xor3A_670 = arith.xori %iota3A_659, %xor3A_669 : vector<16xi32>
          %reshape3A_671 = vector.shape_cast %xor3A_670 : vector<16xi32> to vector<16x1xi32>
          %gather3A_672 = vector.shape_cast %reshape3A_671 : vector<16x1xi32> to vector<16xi32>
          %gather3A_673 = tpu.dynamic_gather %select_n3A_667[%gather3A_672] in [0] : vector<16xf32>, vector<16xi32> -> vector<16xf32>
          %add3A_674 = arith.addf %select_n3A_666, %gather3A_673 : vector<16xf32>
          %xor3A_675 = arith.constant 4 : i32
          %xor3A_676 = vector.broadcast %xor3A_675 : i32 to vector<16xi32>
          %xor3A_677 = arith.xori %iota3A_207, %xor3A_676 : vector<16xi32>
          %reshape3A_678 = vector.shape_cast %xor3A_677 : vector<16xi32> to vector<16x1xi32>
          %gather3A_679 = vector.shape_cast %reshape3A_678 : vector<16x1xi32> to vector<16xi32>
          %gather3A_680 = tpu.dynamic_gather %add3A_674[%gather3A_679] in [0] : vector<16xf32>, vector<16xi32> -> vector<16xf32>
          %add3A_681 = arith.addf %add3A_674, %gather3A_680 : vector<16xf32>
          %xor3A_682 = arith.constant 8 : i32
          %xor3A_683 = vector.broadcast %xor3A_682 : i32 to vector<16xi32>
          %xor3A_684 = arith.xori %iota3A_207, %xor3A_683 : vector<16xi32>
          %reshape3A_685 = vector.shape_cast %xor3A_684 : vector<16xi32> to vector<16x1xi32>
          %gather3A_686 = vector.shape_cast %reshape3A_685 : vector<16x1xi32> to vector<16xi32>
          %gather3A_687 = tpu.dynamic_gather %add3A_681[%gather3A_686] in [0] : vector<16xf32>, vector<16xi32> -> vector<16xf32>
          %add3A_688 = arith.addf %add3A_681, %gather3A_687 : vector<16xf32>
          %shift_right_arithmetic3A = arith.constant 2 : i32
          %shift_right_arithmetic3A_689 = vector.broadcast %shift_right_arithmetic3A : i32 to vector<16xi32>
          %shift_right_arithmetic3A_690 = arith.shrsi %iota3A_207, %shift_right_arithmetic3A_689 : vector<16xi32>
          %eq3A = vector.broadcast %scan3A_305 : i32 to vector<16xi32>
          %eq3A_691 = arith.cmpi eq, %shift_right_arithmetic3A_690, %eq3A : vector<16xi32>
          %select_n3A_692 = arith.select %eq3A_691, %add3A_688, %scan3A_306 : vector<16xi1>, vector<16xf32>
          scf.yield %select_n3A_692 : vector<16xf32>
        }
        %scan3A_295 = arith.constant 4 : i32
        %mul3A_296 = arith.constant 80 : i32
        %mul3A_297 = arith.muli %add3A_180, %mul3A_296 : i32
        %mul3A_298 = arith.constant 16 : i32
        %mul3A_299 = arith.muli %scan3A_288, %mul3A_298 : i32
        %add3A_300 = arith.addi %mul3A_297, %mul3A_299 : i32
        %multiple_of3A_301 = tpu.assume_multiple %add3A_300, 8 : i32
        %swap3A = arith.index_cast %multiple_of3A_301 : i32 to index
        %swap3A_302 = tpu.vector_load %arg9[%swap3A] {strides = array<i32>} : memref<10000xf32, #tpu.memory_space<vmem>>, vector<16xf32>,
        %swap3A_303 = vector.shape_cast %swap3A_302 : vector<16xf32> to vector<16xf32>
        %swap3A_304 = vector.shape_cast %scan3A_294 : vector<16xf32> to vector<16xf32>
        tpu.vector_store %arg9[%swap3A], %swap3A_304 {strides = array<i32>} : memref<10000xf32, #tpu.memory_space<vmem>>, vector<16xf32>,
      }
      %scan3A_213 = arith.constant 5 : i32
      %mul3A_214 = arith.constant 4 : i32
      %mul3A_215 = arith.muli %scan3A_140, %mul3A_214 : i32
      %add3A_216 = arith.constant 2 : i32
      %add3A_217 = arith.addi %mul3A_215, %add3A_216 : i32
      %mul3A_218 = arith.constant 80 : i32
      %mul3A_219 = arith.muli %add3A_217, %mul3A_218 : i32
      %multiple_of3A_220 = tpu.assume_multiple %mul3A_219, 8 : i32
      %dma_wait3A_221 = tpu.memref_slice %arg7[%multiple_of3A_220] : memref<10000xi32, #tpu.memory_space<vmem>> -> memref<80xi32, #tpu.memory_space<vmem>>
      %dma_wait3A_222 = arith.constant 0 : i32
      %dma_wait3A_223 = arith.constant 0 : i32
      %dma_wait3A_224 = tpu.memref_slice %arg2[%dma_wait3A_222, %dma_wait3A_223] : memref<10000x128xf32, #tpu.memory_space<hbm>> -> memref<10000x128xf32, #tpu.memory_space<hbm>>
      tpu.wait_indirect_dma semaphore(%arg20 : memref<!tpu.dma_semaphore, #tpu.memory_space<semaphore_mem>>) src(%dma_wait3A_224 : memref<10000x128xf32, #tpu.memory_space<hbm>>) dst(%arg12 : memref<80x128xf32, #tpu.memory_space<vmem>>)
      %dma_wait3A_225 = tpu.memref_slice %arg8[%multiple_of3A_220] : memref<10000xi32, #tpu.memory_space<vmem>> -> memref<80xi32, #tpu.memory_space<vmem>>
      %dma_wait3A_226 = arith.constant 0 : i32
      %dma_wait3A_227 = arith.constant 0 : i32
      %dma_wait3A_228 = tpu.memref_slice %arg3[%dma_wait3A_226, %dma_wait3A_227] : memref<10000x128xf32, #tpu.memory_space<hbm>> -> memref<10000x128xf32, #tpu.memory_space<hbm>>
      tpu.wait_indirect_dma semaphore(%arg24 : memref<!tpu.dma_semaphore, #tpu.memory_space<semaphore_mem>>) src(%dma_wait3A_228 : memref<10000x128xf32, #tpu.memory_space<hbm>>) dst(%arg16 : memref<80x128xf32, #tpu.memory_space<vmem>>)
      %add3A_229 = arith.constant 4 : i32
      %add3A_230 = arith.addi %add3A_217, %add3A_229 : i32
      %sub3A_231 = arith.constant 1 : i32
      %sub3A_232 = arith.subi %add3A_230, %sub3A_231 : i32
      %mul3A_233 = arith.constant 80 : i32
      %mul3A_234 = arith.muli %sub3A_232, %mul3A_233 : i32
      %multiple_of3A_235 = tpu.assume_multiple %mul3A_234, 8 : i32
      %dma_start3A_236 = tpu.memref_slice %arg7[%multiple_of3A_235] : memref<10000xi32, #tpu.memory_space<vmem>> -> memref<80xi32, #tpu.memory_space<vmem>>
      %dma_start3A_237 = arith.constant 0 : i32
      %dma_start3A_238 = arith.constant 0 : i32
      %dma_start3A_239 = tpu.memref_slice %arg2[%dma_start3A_237, %dma_start3A_238] : memref<10000x128xf32, #tpu.memory_space<hbm>> -> memref<10000x128xf32, #tpu.memory_space<hbm>>
      tpu.enqueue_indirect_dma source(%dma_start3A_239 : memref<10000x128xf32, #tpu.memory_space<hbm>>) target(%arg11 : memref<80x128xf32, #tpu.memory_space<vmem>>) offsets(%dma_start3A_236 : memref<80xi32, #tpu.memory_space<vmem>>) semaphore(%arg19 : memref<!tpu.dma_semaphore, #tpu.memory_space<semaphore_mem>>)
      %dma_start3A_240 = tpu.memref_slice %arg8[%multiple_of3A_235] : memref<10000xi32, #tpu.memory_space<vmem>> -> memref<80xi32, #tpu.memory_space<vmem>>
      %dma_start3A_241 = arith.constant 0 : i32
      %dma_start3A_242 = arith.constant 0 : i32
      %dma_start3A_243 = tpu.memref_slice %arg3[%dma_start3A_241, %dma_start3A_242] : memref<10000x128xf32, #tpu.memory_space<hbm>> -> memref<10000x128xf32, #tpu.memory_space<hbm>>
      tpu.enqueue_indirect_dma source(%dma_start3A_243 : memref<10000x128xf32, #tpu.memory_space<hbm>>) target(%arg15 : memref<80x128xf32, #tpu.memory_space<vmem>>) offsets(%dma_start3A_240 : memref<80xi32, #tpu.memory_space<vmem>>) semaphore(%arg23 : memref<!tpu.dma_semaphore, #tpu.memory_space<semaphore_mem>>)
      %iota3A_244 = tpu.iota {dimensions = array<i32: 0>} : vector<16xi32>
      %scan3A_245 = arith.constant 0 : i32
      %scan3A_246 = arith.constant 0 : i32
      %scan3A_247 = arith.constant 5 : i32
      %scan3A_248 = arith.addi %scan3A_246, %scan3A_247 : i32
      %scan3A_249 = arith.constant 1 : i32
      scf.for %scan3A_288 = %scan3A_246 to %scan3A_248 step %scan3A_249  : i32 {
        %broadcast_in_dim3A = arith.constant 0.000000e+00 : f32
        %broadcast_in_dim3A_289 = vector.broadcast %broadcast_in_dim3A : f32 to vector<16xf32>
        %scan3A_290 = arith.constant 0 : i32
        %scan3A_291 = arith.constant 4 : i32
        %scan3A_292 = arith.addi %scan3A_290, %scan3A_291 : i32
        %scan3A_293 = arith.constant 1 : i32
        %scan3A_294 = scf.for %scan3A_305 = %scan3A_290 to %scan3A_292 step %scan3A_293 iter_args(%scan3A_306 = %broadcast_in_dim3A_289) -> (vector<16xf32>)  : i32 {
          %mul3A_307 = arith.constant 16 : i32
          %mul3A_308 = arith.muli %scan3A_288, %mul3A_307 : i32
          %mul3A_309 = arith.constant 4 : i32
          %mul3A_310 = arith.muli %scan3A_305, %mul3A_309 : i32
          %add3A_311 = arith.addi %mul3A_308, %mul3A_310 : i32
          %get3A = arith.index_cast %add3A_311 : i32 to index
          %get3A_312 = arith.constant 0 : index
          %get3A_313 = tpu.vector_load %arg12[%get3A, %get3A_312] {strides = array<i32>} : memref<80x128xf32, #tpu.memory_space<vmem>>, vector<1x16xf32>,
          %get3A_314 = vector.shape_cast %get3A_313 : vector<1x16xf32> to vector<16xf32>
          %get3A_315 = arith.index_cast %add3A_311 : i32 to index
          %get3A_316 = arith.constant 0 : index
          %get3A_317 = tpu.vector_load %arg16[%get3A_315, %get3A_316] {strides = array<i32>} : memref<80x128xf32, #tpu.memory_space<vmem>>, vector<1x16xf32>,
          %get3A_318 = vector.shape_cast %get3A_317 : vector<1x16xf32> to vector<16xf32>
          %mul3A_319 = arith.mulf %get3A_314, %get3A_318 : vector<16xf32>
          %get3A_320 = arith.index_cast %add3A_311 : i32 to index
          %get3A_321 = arith.constant 16 : index
          %get3A_322 = tpu.vector_load %arg12[%get3A_320, %get3A_321] {strides = array<i32>} : memref<80x128xf32, #tpu.memory_space<vmem>>, vector<1x16xf32>,
          %get3A_323 = vector.shape_cast %get3A_322 : vector<1x16xf32> to vector<16xf32>
          %get3A_324 = arith.index_cast %add3A_311 : i32 to index
          %get3A_325 = arith.constant 16 : index
          %get3A_326 = tpu.vector_load %arg16[%get3A_324, %get3A_325] {strides = array<i32>} : memref<80x128xf32, #tpu.memory_space<vmem>>, vector<1x16xf32>,
          %get3A_327 = vector.shape_cast %get3A_326 : vector<1x16xf32> to vector<16xf32>
          %mul3A_328 = arith.mulf %get3A_323, %get3A_327 : vector<16xf32>
          %get3A_329 = arith.index_cast %add3A_311 : i32 to index
          %get3A_330 = arith.constant 32 : index
          %get3A_331 = tpu.vector_load %arg12[%get3A_329, %get3A_330] {strides = array<i32>} : memref<80x128xf32, #tpu.memory_space<vmem>>, vector<1x16xf32>,
          %get3A_332 = vector.shape_cast %get3A_331 : vector<1x16xf32> to vector<16xf32>
          %get3A_333 = arith.index_cast %add3A_311 : i32 to index
          %get3A_334 = arith.constant 32 : index
          %get3A_335 = tpu.vector_load %arg16[%get3A_333, %get3A_334] {strides = array<i32>} : memref<80x128xf32, #tpu.memory_space<vmem>>, vector<1x16xf32>,
          %get3A_336 = vector.shape_cast %get3A_335 : vector<1x16xf32> to vector<16xf32>
          %mul3A_337 = arith.mulf %get3A_332, %get3A_336 : vector<16xf32>
          %get3A_338 = arith.index_cast %add3A_311 : i32 to index
          %get3A_339 = arith.constant 48 : index
          %get3A_340 = tpu.vector_load %arg12[%get3A_338, %get3A_339] {strides = array<i32>} : memref<80x128xf32, #tpu.memory_space<vmem>>, vector<1x16xf32>,
          %get3A_341 = vector.shape_cast %get3A_340 : vector<1x16xf32> to vector<16xf32>
          %get3A_342 = arith.index_cast %add3A_311 : i32 to index
          %get3A_343 = arith.constant 48 : index
          %get3A_344 = tpu.vector_load %arg16[%get3A_342, %get3A_343] {strides = array<i32>} : memref<80x128xf32, #tpu.memory_space<vmem>>, vector<1x16xf32>,
          %get3A_345 = vector.shape_cast %get3A_344 : vector<1x16xf32> to vector<16xf32>
          %mul3A_346 = arith.mulf %get3A_341, %get3A_345 : vector<16xf32>
          %get3A_347 = arith.index_cast %add3A_311 : i32 to index
          %get3A_348 = arith.constant 64 : index
          %get3A_349 = tpu.vector_load %arg12[%get3A_347, %get3A_348] {strides = array<i32>} : memref<80x128xf32, #tpu.memory_space<vmem>>, vector<1x16xf32>,
          %get3A_350 = vector.shape_cast %get3A_349 : vector<1x16xf32> to vector<16xf32>
          %get3A_351 = arith.index_cast %add3A_311 : i32 to index
          %get3A_352 = arith.constant 64 : index
          %get3A_353 = tpu.vector_load %arg16[%get3A_351, %get3A_352] {strides = array<i32>} : memref<80x128xf32, #tpu.memory_space<vmem>>, vector<1x16xf32>,
          %get3A_354 = vector.shape_cast %get3A_353 : vector<1x16xf32> to vector<16xf32>
          %mul3A_355 = arith.mulf %get3A_350, %get3A_354 : vector<16xf32>
          %get3A_356 = arith.index_cast %add3A_311 : i32 to index
          %get3A_357 = arith.constant 80 : index
          %get3A_358 = tpu.vector_load %arg12[%get3A_356, %get3A_357] {strides = array<i32>} : memref<80x128xf32, #tpu.memory_space<vmem>>, vector<1x16xf32>,
          %get3A_359 = vector.shape_cast %get3A_358 : vector<1x16xf32> to vector<16xf32>
          %get3A_360 = arith.index_cast %add3A_311 : i32 to index
          %get3A_361 = arith.constant 80 : index
          %get3A_362 = tpu.vector_load %arg16[%get3A_360, %get3A_361] {strides = array<i32>} : memref<80x128xf32, #tpu.memory_space<vmem>>, vector<1x16xf32>,
          %get3A_363 = vector.shape_cast %get3A_362 : vector<1x16xf32> to vector<16xf32>
          %mul3A_364 = arith.mulf %get3A_359, %get3A_363 : vector<16xf32>
          %get3A_365 = arith.index_cast %add3A_311 : i32 to index
          %get3A_366 = arith.constant 96 : index
          %get3A_367 = tpu.vector_load %arg12[%get3A_365, %get3A_366] {strides = array<i32>} : memref<80x128xf32, #tpu.memory_space<vmem>>, vector<1x16xf32>,
          %get3A_368 = vector.shape_cast %get3A_367 : vector<1x16xf32> to vector<16xf32>
          %get3A_369 = arith.index_cast %add3A_311 : i32 to index
          %get3A_370 = arith.constant 96 : index
          %get3A_371 = tpu.vector_load %arg16[%get3A_369, %get3A_370] {strides = array<i32>} : memref<80x128xf32, #tpu.memory_space<vmem>>, vector<1x16xf32>,
          %get3A_372 = vector.shape_cast %get3A_371 : vector<1x16xf32> to vector<16xf32>
          %mul3A_373 = arith.mulf %get3A_368, %get3A_372 : vector<16xf32>
          %get3A_374 = arith.index_cast %add3A_311 : i32 to index
          %get3A_375 = arith.constant 112 : index
          %get3A_376 = tpu.vector_load %arg12[%get3A_374, %get3A_375] {strides = array<i32>} : memref<80x128xf32, #tpu.memory_space<vmem>>, vector<1x16xf32>,
          %get3A_377 = vector.shape_cast %get3A_376 : vector<1x16xf32> to vector<16xf32>
          %get3A_378 = arith.index_cast %add3A_311 : i32 to index
          %get3A_379 = arith.constant 112 : index
          %get3A_380 = tpu.vector_load %arg16[%get3A_378, %get3A_379] {strides = array<i32>} : memref<80x128xf32, #tpu.memory_space<vmem>>, vector<1x16xf32>,
          %get3A_381 = vector.shape_cast %get3A_380 : vector<1x16xf32> to vector<16xf32>
          %mul3A_382 = arith.mulf %get3A_377, %get3A_381 : vector<16xf32>
          %add3A_383 = arith.addf %mul3A_319, %mul3A_328 : vector<16xf32>
          %add3A_384 = arith.addf %mul3A_337, %mul3A_346 : vector<16xf32>
          %add3A_385 = arith.addf %mul3A_355, %mul3A_364 : vector<16xf32>
          %add3A_386 = arith.addf %mul3A_373, %mul3A_382 : vector<16xf32>
          %add3A_387 = arith.addf %add3A_383, %add3A_384 : vector<16xf32>
          %add3A_388 = arith.addf %add3A_385, %add3A_386 : vector<16xf32>
          %add3A_389 = arith.addf %add3A_387, %add3A_388 : vector<16xf32>
          %add3A_390 = arith.constant 1 : i32
          %add3A_391 = arith.addi %add3A_311, %add3A_390 : i32
          %get3A_392 = arith.index_cast %add3A_391 : i32 to index
          %get3A_393 = arith.constant 0 : index
          %get3A_394 = tpu.vector_load %arg12[%get3A_392, %get3A_393] {strides = array<i32>} : memref<80x128xf32, #tpu.memory_space<vmem>>, vector<1x16xf32>,
          %get3A_395 = vector.shape_cast %get3A_394 : vector<1x16xf32> to vector<16xf32>
          %get3A_396 = arith.index_cast %add3A_391 : i32 to index
          %get3A_397 = arith.constant 0 : index
          %get3A_398 = tpu.vector_load %arg16[%get3A_396, %get3A_397] {strides = array<i32>} : memref<80x128xf32, #tpu.memory_space<vmem>>, vector<1x16xf32>,
          %get3A_399 = vector.shape_cast %get3A_398 : vector<1x16xf32> to vector<16xf32>
          %mul3A_400 = arith.mulf %get3A_395, %get3A_399 : vector<16xf32>
          %get3A_401 = arith.index_cast %add3A_391 : i32 to index
          %get3A_402 = arith.constant 16 : index
          %get3A_403 = tpu.vector_load %arg12[%get3A_401, %get3A_402] {strides = array<i32>} : memref<80x128xf32, #tpu.memory_space<vmem>>, vector<1x16xf32>,
          %get3A_404 = vector.shape_cast %get3A_403 : vector<1x16xf32> to vector<16xf32>
          %get3A_405 = arith.index_cast %add3A_391 : i32 to index
          %get3A_406 = arith.constant 16 : index
          %get3A_407 = tpu.vector_load %arg16[%get3A_405, %get3A_406] {strides = array<i32>} : memref<80x128xf32, #tpu.memory_space<vmem>>, vector<1x16xf32>,
          %get3A_408 = vector.shape_cast %get3A_407 : vector<1x16xf32> to vector<16xf32>
          %mul3A_409 = arith.mulf %get3A_404, %get3A_408 : vector<16xf32>
          %get3A_410 = arith.index_cast %add3A_391 : i32 to index
          %get3A_411 = arith.constant 32 : index
          %get3A_412 = tpu.vector_load %arg12[%get3A_410, %get3A_411] {strides = array<i32>} : memref<80x128xf32, #tpu.memory_space<vmem>>, vector<1x16xf32>,
          %get3A_413 = vector.shape_cast %get3A_412 : vector<1x16xf32> to vector<16xf32>
          %get3A_414 = arith.index_cast %add3A_391 : i32 to index
          %get3A_415 = arith.constant 32 : index
          %get3A_416 = tpu.vector_load %arg16[%get3A_414, %get3A_415] {strides = array<i32>} : memref<80x128xf32, #tpu.memory_space<vmem>>, vector<1x16xf32>,
          %get3A_417 = vector.shape_cast %get3A_416 : vector<1x16xf32> to vector<16xf32>
          %mul3A_418 = arith.mulf %get3A_413, %get3A_417 : vector<16xf32>
          %get3A_419 = arith.index_cast %add3A_391 : i32 to index
          %get3A_420 = arith.constant 48 : index
          %get3A_421 = tpu.vector_load %arg12[%get3A_419, %get3A_420] {strides = array<i32>} : memref<80x128xf32, #tpu.memory_space<vmem>>, vector<1x16xf32>,
          %get3A_422 = vector.shape_cast %get3A_421 : vector<1x16xf32> to vector<16xf32>
          %get3A_423 = arith.index_cast %add3A_391 : i32 to index
          %get3A_424 = arith.constant 48 : index
          %get3A_425 = tpu.vector_load %arg16[%get3A_423, %get3A_424] {strides = array<i32>} : memref<80x128xf32, #tpu.memory_space<vmem>>, vector<1x16xf32>,
          %get3A_426 = vector.shape_cast %get3A_425 : vector<1x16xf32> to vector<16xf32>
          %mul3A_427 = arith.mulf %get3A_422, %get3A_426 : vector<16xf32>
          %get3A_428 = arith.index_cast %add3A_391 : i32 to index
          %get3A_429 = arith.constant 64 : index
          %get3A_430 = tpu.vector_load %arg12[%get3A_428, %get3A_429] {strides = array<i32>} : memref<80x128xf32, #tpu.memory_space<vmem>>, vector<1x16xf32>,
          %get3A_431 = vector.shape_cast %get3A_430 : vector<1x16xf32> to vector<16xf32>
          %get3A_432 = arith.index_cast %add3A_391 : i32 to index
          %get3A_433 = arith.constant 64 : index
          %get3A_434 = tpu.vector_load %arg16[%get3A_432, %get3A_433] {strides = array<i32>} : memref<80x128xf32, #tpu.memory_space<vmem>>, vector<1x16xf32>,
          %get3A_435 = vector.shape_cast %get3A_434 : vector<1x16xf32> to vector<16xf32>
          %mul3A_436 = arith.mulf %get3A_431, %get3A_435 : vector<16xf32>
          %get3A_437 = arith.index_cast %add3A_391 : i32 to index
          %get3A_438 = arith.constant 80 : index
          %get3A_439 = tpu.vector_load %arg12[%get3A_437, %get3A_438] {strides = array<i32>} : memref<80x128xf32, #tpu.memory_space<vmem>>, vector<1x16xf32>,
          %get3A_440 = vector.shape_cast %get3A_439 : vector<1x16xf32> to vector<16xf32>
          %get3A_441 = arith.index_cast %add3A_391 : i32 to index
          %get3A_442 = arith.constant 80 : index
          %get3A_443 = tpu.vector_load %arg16[%get3A_441, %get3A_442] {strides = array<i32>} : memref<80x128xf32, #tpu.memory_space<vmem>>, vector<1x16xf32>,
          %get3A_444 = vector.shape_cast %get3A_443 : vector<1x16xf32> to vector<16xf32>
          %mul3A_445 = arith.mulf %get3A_440, %get3A_444 : vector<16xf32>
          %get3A_446 = arith.index_cast %add3A_391 : i32 to index
          %get3A_447 = arith.constant 96 : index
          %get3A_448 = tpu.vector_load %arg12[%get3A_446, %get3A_447] {strides = array<i32>} : memref<80x128xf32, #tpu.memory_space<vmem>>, vector<1x16xf32>,
          %get3A_449 = vector.shape_cast %get3A_448 : vector<1x16xf32> to vector<16xf32>
          %get3A_450 = arith.index_cast %add3A_391 : i32 to index
          %get3A_451 = arith.constant 96 : index
          %get3A_452 = tpu.vector_load %arg16[%get3A_450, %get3A_451] {strides = array<i32>} : memref<80x128xf32, #tpu.memory_space<vmem>>, vector<1x16xf32>,
          %get3A_453 = vector.shape_cast %get3A_452 : vector<1x16xf32> to vector<16xf32>
          %mul3A_454 = arith.mulf %get3A_449, %get3A_453 : vector<16xf32>
          %get3A_455 = arith.index_cast %add3A_391 : i32 to index
          %get3A_456 = arith.constant 112 : index
          %get3A_457 = tpu.vector_load %arg12[%get3A_455, %get3A_456] {strides = array<i32>} : memref<80x128xf32, #tpu.memory_space<vmem>>, vector<1x16xf32>,
          %get3A_458 = vector.shape_cast %get3A_457 : vector<1x16xf32> to vector<16xf32>
          %get3A_459 = arith.index_cast %add3A_391 : i32 to index
          %get3A_460 = arith.constant 112 : index
          %get3A_461 = tpu.vector_load %arg16[%get3A_459, %get3A_460] {strides = array<i32>} : memref<80x128xf32, #tpu.memory_space<vmem>>, vector<1x16xf32>,
          %get3A_462 = vector.shape_cast %get3A_461 : vector<1x16xf32> to vector<16xf32>
          %mul3A_463 = arith.mulf %get3A_458, %get3A_462 : vector<16xf32>
          %add3A_464 = arith.addf %mul3A_400, %mul3A_409 : vector<16xf32>
          %add3A_465 = arith.addf %mul3A_418, %mul3A_427 : vector<16xf32>
          %add3A_466 = arith.addf %mul3A_436, %mul3A_445 : vector<16xf32>
          %add3A_467 = arith.addf %mul3A_454, %mul3A_463 : vector<16xf32>
          %add3A_468 = arith.addf %add3A_464, %add3A_465 : vector<16xf32>
          %add3A_469 = arith.addf %add3A_466, %add3A_467 : vector<16xf32>
          %add3A_470 = arith.addf %add3A_468, %add3A_469 : vector<16xf32>
          %iota3A_471 = tpu.iota {dimensions = array<i32: 0>} : vector<16xi32>
          %and3A = arith.constant 1 : i32
          %and3A_472 = vector.broadcast %and3A : i32 to vector<16xi32>
          %and3A_473 = arith.andi %iota3A_471, %and3A_472 : vector<16xi32>
          %ne3A = arith.constant 0 : i32
          %ne3A_474 = vector.broadcast %ne3A : i32 to vector<16xi32>
          %ne3A_475 = arith.cmpi ne, %and3A_473, %ne3A_474 : vector<16xi32>
          %select_n3A = arith.select %ne3A_475, %add3A_470, %add3A_389 : vector<16xi1>, vector<16xf32>
          %select_n3A_476 = arith.select %ne3A_475, %add3A_389, %add3A_470 : vector<16xi1>, vector<16xf32>
          %xor3A = arith.constant 1 : i32
          %xor3A_477 = vector.broadcast %xor3A : i32 to vector<16xi32>
          %xor3A_478 = arith.xori %iota3A_471, %xor3A_477 : vector<16xi32>
          %reshape3A = vector.shape_cast %xor3A_478 : vector<16xi32> to vector<16x1xi32>
          %gather3A = vector.shape_cast %reshape3A : vector<16x1xi32> to vector<16xi32>
          %gather3A_479 = tpu.dynamic_gather %select_n3A_476[%gather3A] in [0] : vector<16xf32>, vector<16xi32> -> vector<16xf32>
          %add3A_480 = arith.addf %select_n3A, %gather3A_479 : vector<16xf32>
          %add3A_481 = arith.constant 2 : i32
          %add3A_482 = arith.addi %add3A_311, %add3A_481 : i32
          %get3A_483 = arith.index_cast %add3A_482 : i32 to index
          %get3A_484 = arith.constant 0 : index
          %get3A_485 = tpu.vector_load %arg12[%get3A_483, %get3A_484] {strides = array<i32>} : memref<80x128xf32, #tpu.memory_space<vmem>>, vector<1x16xf32>,
          %get3A_486 = vector.shape_cast %get3A_485 : vector<1x16xf32> to vector<16xf32>
          %get3A_487 = arith.index_cast %add3A_482 : i32 to index
          %get3A_488 = arith.constant 0 : index
          %get3A_489 = tpu.vector_load %arg16[%get3A_487, %get3A_488] {strides = array<i32>} : memref<80x128xf32, #tpu.memory_space<vmem>>, vector<1x16xf32>,
          %get3A_490 = vector.shape_cast %get3A_489 : vector<1x16xf32> to vector<16xf32>
          %mul3A_491 = arith.mulf %get3A_486, %get3A_490 : vector<16xf32>
          %get3A_492 = arith.index_cast %add3A_482 : i32 to index
          %get3A_493 = arith.constant 16 : index
          %get3A_494 = tpu.vector_load %arg12[%get3A_492, %get3A_493] {strides = array<i32>} : memref<80x128xf32, #tpu.memory_space<vmem>>, vector<1x16xf32>,
          %get3A_495 = vector.shape_cast %get3A_494 : vector<1x16xf32> to vector<16xf32>
          %get3A_496 = arith.index_cast %add3A_482 : i32 to index
          %get3A_497 = arith.constant 16 : index
          %get3A_498 = tpu.vector_load %arg16[%get3A_496, %get3A_497] {strides = array<i32>} : memref<80x128xf32, #tpu.memory_space<vmem>>, vector<1x16xf32>,
          %get3A_499 = vector.shape_cast %get3A_498 : vector<1x16xf32> to vector<16xf32>
          %mul3A_500 = arith.mulf %get3A_495, %get3A_499 : vector<16xf32>
          %get3A_501 = arith.index_cast %add3A_482 : i32 to index
          %get3A_502 = arith.constant 32 : index
          %get3A_503 = tpu.vector_load %arg12[%get3A_501, %get3A_502] {strides = array<i32>} : memref<80x128xf32, #tpu.memory_space<vmem>>, vector<1x16xf32>,
          %get3A_504 = vector.shape_cast %get3A_503 : vector<1x16xf32> to vector<16xf32>
          %get3A_505 = arith.index_cast %add3A_482 : i32 to index
          %get3A_506 = arith.constant 32 : index
          %get3A_507 = tpu.vector_load %arg16[%get3A_505, %get3A_506] {strides = array<i32>} : memref<80x128xf32, #tpu.memory_space<vmem>>, vector<1x16xf32>,
          %get3A_508 = vector.shape_cast %get3A_507 : vector<1x16xf32> to vector<16xf32>
          %mul3A_509 = arith.mulf %get3A_504, %get3A_508 : vector<16xf32>
          %get3A_510 = arith.index_cast %add3A_482 : i32 to index
          %get3A_511 = arith.constant 48 : index
          %get3A_512 = tpu.vector_load %arg12[%get3A_510, %get3A_511] {strides = array<i32>} : memref<80x128xf32, #tpu.memory_space<vmem>>, vector<1x16xf32>,
          %get3A_513 = vector.shape_cast %get3A_512 : vector<1x16xf32> to vector<16xf32>
          %get3A_514 = arith.index_cast %add3A_482 : i32 to index
          %get3A_515 = arith.constant 48 : index
          %get3A_516 = tpu.vector_load %arg16[%get3A_514, %get3A_515] {strides = array<i32>} : memref<80x128xf32, #tpu.memory_space<vmem>>, vector<1x16xf32>,
          %get3A_517 = vector.shape_cast %get3A_516 : vector<1x16xf32> to vector<16xf32>
          %mul3A_518 = arith.mulf %get3A_513, %get3A_517 : vector<16xf32>
          %get3A_519 = arith.index_cast %add3A_482 : i32 to index
          %get3A_520 = arith.constant 64 : index
          %get3A_521 = tpu.vector_load %arg12[%get3A_519, %get3A_520] {strides = array<i32>} : memref<80x128xf32, #tpu.memory_space<vmem>>, vector<1x16xf32>,
          %get3A_522 = vector.shape_cast %get3A_521 : vector<1x16xf32> to vector<16xf32>
          %get3A_523 = arith.index_cast %add3A_482 : i32 to index
          %get3A_524 = arith.constant 64 : index
          %get3A_525 = tpu.vector_load %arg16[%get3A_523, %get3A_524] {strides = array<i32>} : memref<80x128xf32, #tpu.memory_space<vmem>>, vector<1x16xf32>,
          %get3A_526 = vector.shape_cast %get3A_525 : vector<1x16xf32> to vector<16xf32>
          %mul3A_527 = arith.mulf %get3A_522, %get3A_526 : vector<16xf32>
          %get3A_528 = arith.index_cast %add3A_482 : i32 to index
          %get3A_529 = arith.constant 80 : index
          %get3A_530 = tpu.vector_load %arg12[%get3A_528, %get3A_529] {strides = array<i32>} : memref<80x128xf32, #tpu.memory_space<vmem>>, vector<1x16xf32>,
          %get3A_531 = vector.shape_cast %get3A_530 : vector<1x16xf32> to vector<16xf32>
          %get3A_532 = arith.index_cast %add3A_482 : i32 to index
          %get3A_533 = arith.constant 80 : index
          %get3A_534 = tpu.vector_load %arg16[%get3A_532, %get3A_533] {strides = array<i32>} : memref<80x128xf32, #tpu.memory_space<vmem>>, vector<1x16xf32>,
          %get3A_535 = vector.shape_cast %get3A_534 : vector<1x16xf32> to vector<16xf32>
          %mul3A_536 = arith.mulf %get3A_531, %get3A_535 : vector<16xf32>
          %get3A_537 = arith.index_cast %add3A_482 : i32 to index
          %get3A_538 = arith.constant 96 : index
          %get3A_539 = tpu.vector_load %arg12[%get3A_537, %get3A_538] {strides = array<i32>} : memref<80x128xf32, #tpu.memory_space<vmem>>, vector<1x16xf32>,
          %get3A_540 = vector.shape_cast %get3A_539 : vector<1x16xf32> to vector<16xf32>
          %get3A_541 = arith.index_cast %add3A_482 : i32 to index
          %get3A_542 = arith.constant 96 : index
          %get3A_543 = tpu.vector_load %arg16[%get3A_541, %get3A_542] {strides = array<i32>} : memref<80x128xf32, #tpu.memory_space<vmem>>, vector<1x16xf32>,
          %get3A_544 = vector.shape_cast %get3A_543 : vector<1x16xf32> to vector<16xf32>
          %mul3A_545 = arith.mulf %get3A_540, %get3A_544 : vector<16xf32>
          %get3A_546 = arith.index_cast %add3A_482 : i32 to index
          %get3A_547 = arith.constant 112 : index
          %get3A_548 = tpu.vector_load %arg12[%get3A_546, %get3A_547] {strides = array<i32>} : memref<80x128xf32, #tpu.memory_space<vmem>>, vector<1x16xf32>,
          %get3A_549 = vector.shape_cast %get3A_548 : vector<1x16xf32> to vector<16xf32>
          %get3A_550 = arith.index_cast %add3A_482 : i32 to index
          %get3A_551 = arith.constant 112 : index
          %get3A_552 = tpu.vector_load %arg16[%get3A_550, %get3A_551] {strides = array<i32>} : memref<80x128xf32, #tpu.memory_space<vmem>>, vector<1x16xf32>,
          %get3A_553 = vector.shape_cast %get3A_552 : vector<1x16xf32> to vector<16xf32>
          %mul3A_554 = arith.mulf %get3A_549, %get3A_553 : vector<16xf32>
          %add3A_555 = arith.addf %mul3A_491, %mul3A_500 : vector<16xf32>
          %add3A_556 = arith.addf %mul3A_509, %mul3A_518 : vector<16xf32>
          %add3A_557 = arith.addf %mul3A_527, %mul3A_536 : vector<16xf32>
          %add3A_558 = arith.addf %mul3A_545, %mul3A_554 : vector<16xf32>
          %add3A_559 = arith.addf %add3A_555, %add3A_556 : vector<16xf32>
          %add3A_560 = arith.addf %add3A_557, %add3A_558 : vector<16xf32>
          %add3A_561 = arith.addf %add3A_559, %add3A_560 : vector<16xf32>
          %add3A_562 = arith.constant 1 : i32
          %add3A_563 = arith.addi %add3A_482, %add3A_562 : i32
          %get3A_564 = arith.index_cast %add3A_563 : i32 to index
          %get3A_565 = arith.constant 0 : index
          %get3A_566 = tpu.vector_load %arg12[%get3A_564, %get3A_565] {strides = array<i32>} : memref<80x128xf32, #tpu.memory_space<vmem>>, vector<1x16xf32>,
          %get3A_567 = vector.shape_cast %get3A_566 : vector<1x16xf32> to vector<16xf32>
          %get3A_568 = arith.index_cast %add3A_563 : i32 to index
          %get3A_569 = arith.constant 0 : index
          %get3A_570 = tpu.vector_load %arg16[%get3A_568, %get3A_569] {strides = array<i32>} : memref<80x128xf32, #tpu.memory_space<vmem>>, vector<1x16xf32>,
          %get3A_571 = vector.shape_cast %get3A_570 : vector<1x16xf32> to vector<16xf32>
          %mul3A_572 = arith.mulf %get3A_567, %get3A_571 : vector<16xf32>
          %get3A_573 = arith.index_cast %add3A_563 : i32 to index
          %get3A_574 = arith.constant 16 : index
          %get3A_575 = tpu.vector_load %arg12[%get3A_573, %get3A_574] {strides = array<i32>} : memref<80x128xf32, #tpu.memory_space<vmem>>, vector<1x16xf32>,
          %get3A_576 = vector.shape_cast %get3A_575 : vector<1x16xf32> to vector<16xf32>
          %get3A_577 = arith.index_cast %add3A_563 : i32 to index
          %get3A_578 = arith.constant 16 : index
          %get3A_579 = tpu.vector_load %arg16[%get3A_577, %get3A_578] {strides = array<i32>} : memref<80x128xf32, #tpu.memory_space<vmem>>, vector<1x16xf32>,
          %get3A_580 = vector.shape_cast %get3A_579 : vector<1x16xf32> to vector<16xf32>
          %mul3A_581 = arith.mulf %get3A_576, %get3A_580 : vector<16xf32>
          %get3A_582 = arith.index_cast %add3A_563 : i32 to index
          %get3A_583 = arith.constant 32 : index
          %get3A_584 = tpu.vector_load %arg12[%get3A_582, %get3A_583] {strides = array<i32>} : memref<80x128xf32, #tpu.memory_space<vmem>>, vector<1x16xf32>,
          %get3A_585 = vector.shape_cast %get3A_584 : vector<1x16xf32> to vector<16xf32>
          %get3A_586 = arith.index_cast %add3A_563 : i32 to index
          %get3A_587 = arith.constant 32 : index
          %get3A_588 = tpu.vector_load %arg16[%get3A_586, %get3A_587] {strides = array<i32>} : memref<80x128xf32, #tpu.memory_space<vmem>>, vector<1x16xf32>,
          %get3A_589 = vector.shape_cast %get3A_588 : vector<1x16xf32> to vector<16xf32>
          %mul3A_590 = arith.mulf %get3A_585, %get3A_589 : vector<16xf32>
          %get3A_591 = arith.index_cast %add3A_563 : i32 to index
          %get3A_592 = arith.constant 48 : index
          %get3A_593 = tpu.vector_load %arg12[%get3A_591, %get3A_592] {strides = array<i32>} : memref<80x128xf32, #tpu.memory_space<vmem>>, vector<1x16xf32>,
          %get3A_594 = vector.shape_cast %get3A_593 : vector<1x16xf32> to vector<16xf32>
          %get3A_595 = arith.index_cast %add3A_563 : i32 to index
          %get3A_596 = arith.constant 48 : index
          %get3A_597 = tpu.vector_load %arg16[%get3A_595, %get3A_596] {strides = array<i32>} : memref<80x128xf32, #tpu.memory_space<vmem>>, vector<1x16xf32>,
          %get3A_598 = vector.shape_cast %get3A_597 : vector<1x16xf32> to vector<16xf32>
          %mul3A_599 = arith.mulf %get3A_594, %get3A_598 : vector<16xf32>
          %get3A_600 = arith.index_cast %add3A_563 : i32 to index
          %get3A_601 = arith.constant 64 : index
          %get3A_602 = tpu.vector_load %arg12[%get3A_600, %get3A_601] {strides = array<i32>} : memref<80x128xf32, #tpu.memory_space<vmem>>, vector<1x16xf32>,
          %get3A_603 = vector.shape_cast %get3A_602 : vector<1x16xf32> to vector<16xf32>
          %get3A_604 = arith.index_cast %add3A_563 : i32 to index
          %get3A_605 = arith.constant 64 : index
          %get3A_606 = tpu.vector_load %arg16[%get3A_604, %get3A_605] {strides = array<i32>} : memref<80x128xf32, #tpu.memory_space<vmem>>, vector<1x16xf32>,
          %get3A_607 = vector.shape_cast %get3A_606 : vector<1x16xf32> to vector<16xf32>
          %mul3A_608 = arith.mulf %get3A_603, %get3A_607 : vector<16xf32>
          %get3A_609 = arith.index_cast %add3A_563 : i32 to index
          %get3A_610 = arith.constant 80 : index
          %get3A_611 = tpu.vector_load %arg12[%get3A_609, %get3A_610] {strides = array<i32>} : memref<80x128xf32, #tpu.memory_space<vmem>>, vector<1x16xf32>,
          %get3A_612 = vector.shape_cast %get3A_611 : vector<1x16xf32> to vector<16xf32>
          %get3A_613 = arith.index_cast %add3A_563 : i32 to index
          %get3A_614 = arith.constant 80 : index
          %get3A_615 = tpu.vector_load %arg16[%get3A_613, %get3A_614] {strides = array<i32>} : memref<80x128xf32, #tpu.memory_space<vmem>>, vector<1x16xf32>,
          %get3A_616 = vector.shape_cast %get3A_615 : vector<1x16xf32> to vector<16xf32>
          %mul3A_617 = arith.mulf %get3A_612, %get3A_616 : vector<16xf32>
          %get3A_618 = arith.index_cast %add3A_563 : i32 to index
          %get3A_619 = arith.constant 96 : index
          %get3A_620 = tpu.vector_load %arg12[%get3A_618, %get3A_619] {strides = array<i32>} : memref<80x128xf32, #tpu.memory_space<vmem>>, vector<1x16xf32>,
          %get3A_621 = vector.shape_cast %get3A_620 : vector<1x16xf32> to vector<16xf32>
          %get3A_622 = arith.index_cast %add3A_563 : i32 to index
          %get3A_623 = arith.constant 96 : index
          %get3A_624 = tpu.vector_load %arg16[%get3A_622, %get3A_623] {strides = array<i32>} : memref<80x128xf32, #tpu.memory_space<vmem>>, vector<1x16xf32>,
          %get3A_625 = vector.shape_cast %get3A_624 : vector<1x16xf32> to vector<16xf32>
          %mul3A_626 = arith.mulf %get3A_621, %get3A_625 : vector<16xf32>
          %get3A_627 = arith.index_cast %add3A_563 : i32 to index
          %get3A_628 = arith.constant 112 : index
          %get3A_629 = tpu.vector_load %arg12[%get3A_627, %get3A_628] {strides = array<i32>} : memref<80x128xf32, #tpu.memory_space<vmem>>, vector<1x16xf32>,
          %get3A_630 = vector.shape_cast %get3A_629 : vector<1x16xf32> to vector<16xf32>
          %get3A_631 = arith.index_cast %add3A_563 : i32 to index
          %get3A_632 = arith.constant 112 : index
          %get3A_633 = tpu.vector_load %arg16[%get3A_631, %get3A_632] {strides = array<i32>} : memref<80x128xf32, #tpu.memory_space<vmem>>, vector<1x16xf32>,
          %get3A_634 = vector.shape_cast %get3A_633 : vector<1x16xf32> to vector<16xf32>
          %mul3A_635 = arith.mulf %get3A_630, %get3A_634 : vector<16xf32>
          %add3A_636 = arith.addf %mul3A_572, %mul3A_581 : vector<16xf32>
          %add3A_637 = arith.addf %mul3A_590, %mul3A_599 : vector<16xf32>
          %add3A_638 = arith.addf %mul3A_608, %mul3A_617 : vector<16xf32>
          %add3A_639 = arith.addf %mul3A_626, %mul3A_635 : vector<16xf32>
          %add3A_640 = arith.addf %add3A_636, %add3A_637 : vector<16xf32>
          %add3A_641 = arith.addf %add3A_638, %add3A_639 : vector<16xf32>
          %add3A_642 = arith.addf %add3A_640, %add3A_641 : vector<16xf32>
          %iota3A_643 = tpu.iota {dimensions = array<i32: 0>} : vector<16xi32>
          %and3A_644 = arith.constant 1 : i32
          %and3A_645 = vector.broadcast %and3A_644 : i32 to vector<16xi32>
          %and3A_646 = arith.andi %iota3A_643, %and3A_645 : vector<16xi32>
          %ne3A_647 = arith.constant 0 : i32
          %ne3A_648 = vector.broadcast %ne3A_647 : i32 to vector<16xi32>
          %ne3A_649 = arith.cmpi ne, %and3A_646, %ne3A_648 : vector<16xi32>
          %select_n3A_650 = arith.select %ne3A_649, %add3A_642, %add3A_561 : vector<16xi1>, vector<16xf32>
          %select_n3A_651 = arith.select %ne3A_649, %add3A_561, %add3A_642 : vector<16xi1>, vector<16xf32>
          %xor3A_652 = arith.constant 1 : i32
          %xor3A_653 = vector.broadcast %xor3A_652 : i32 to vector<16xi32>
          %xor3A_654 = arith.xori %iota3A_643, %xor3A_653 : vector<16xi32>
          %reshape3A_655 = vector.shape_cast %xor3A_654 : vector<16xi32> to vector<16x1xi32>
          %gather3A_656 = vector.shape_cast %reshape3A_655 : vector<16x1xi32> to vector<16xi32>
          %gather3A_657 = tpu.dynamic_gather %select_n3A_651[%gather3A_656] in [0] : vector<16xf32>, vector<16xi32> -> vector<16xf32>
          %add3A_658 = arith.addf %select_n3A_650, %gather3A_657 : vector<16xf32>
          %iota3A_659 = tpu.iota {dimensions = array<i32: 0>} : vector<16xi32>
          %and3A_660 = arith.constant 2 : i32
          %and3A_661 = vector.broadcast %and3A_660 : i32 to vector<16xi32>
          %and3A_662 = arith.andi %iota3A_659, %and3A_661 : vector<16xi32>
          %ne3A_663 = arith.constant 0 : i32
          %ne3A_664 = vector.broadcast %ne3A_663 : i32 to vector<16xi32>
          %ne3A_665 = arith.cmpi ne, %and3A_662, %ne3A_664 : vector<16xi32>
          %select_n3A_666 = arith.select %ne3A_665, %add3A_658, %add3A_480 : vector<16xi1>, vector<16xf32>
          %select_n3A_667 = arith.select %ne3A_665, %add3A_480, %add3A_658 : vector<16xi1>, vector<16xf32>
          %xor3A_668 = arith.constant 2 : i32
          %xor3A_669 = vector.broadcast %xor3A_668 : i32 to vector<16xi32>
          %xor3A_670 = arith.xori %iota3A_659, %xor3A_669 : vector<16xi32>
          %reshape3A_671 = vector.shape_cast %xor3A_670 : vector<16xi32> to vector<16x1xi32>
          %gather3A_672 = vector.shape_cast %reshape3A_671 : vector<16x1xi32> to vector<16xi32>
          %gather3A_673 = tpu.dynamic_gather %select_n3A_667[%gather3A_672] in [0] : vector<16xf32>, vector<16xi32> -> vector<16xf32>
          %add3A_674 = arith.addf %select_n3A_666, %gather3A_673 : vector<16xf32>
          %xor3A_675 = arith.constant 4 : i32
          %xor3A_676 = vector.broadcast %xor3A_675 : i32 to vector<16xi32>
          %xor3A_677 = arith.xori %iota3A_244, %xor3A_676 : vector<16xi32>
          %reshape3A_678 = vector.shape_cast %xor3A_677 : vector<16xi32> to vector<16x1xi32>
          %gather3A_679 = vector.shape_cast %reshape3A_678 : vector<16x1xi32> to vector<16xi32>
          %gather3A_680 = tpu.dynamic_gather %add3A_674[%gather3A_679] in [0] : vector<16xf32>, vector<16xi32> -> vector<16xf32>
          %add3A_681 = arith.addf %add3A_674, %gather3A_680 : vector<16xf32>
          %xor3A_682 = arith.constant 8 : i32
          %xor3A_683 = vector.broadcast %xor3A_682 : i32 to vector<16xi32>
          %xor3A_684 = arith.xori %iota3A_244, %xor3A_683 : vector<16xi32>
          %reshape3A_685 = vector.shape_cast %xor3A_684 : vector<16xi32> to vector<16x1xi32>
          %gather3A_686 = vector.shape_cast %reshape3A_685 : vector<16x1xi32> to vector<16xi32>
          %gather3A_687 = tpu.dynamic_gather %add3A_681[%gather3A_686] in [0] : vector<16xf32>, vector<16xi32> -> vector<16xf32>
          %add3A_688 = arith.addf %add3A_681, %gather3A_687 : vector<16xf32>
          %shift_right_arithmetic3A = arith.constant 2 : i32
          %shift_right_arithmetic3A_689 = vector.broadcast %shift_right_arithmetic3A : i32 to vector<16xi32>
          %shift_right_arithmetic3A_690 = arith.shrsi %iota3A_244, %shift_right_arithmetic3A_689 : vector<16xi32>
          %eq3A = vector.broadcast %scan3A_305 : i32 to vector<16xi32>
          %eq3A_691 = arith.cmpi eq, %shift_right_arithmetic3A_690, %eq3A : vector<16xi32>
          %select_n3A_692 = arith.select %eq3A_691, %add3A_688, %scan3A_306 : vector<16xi1>, vector<16xf32>
          scf.yield %select_n3A_692 : vector<16xf32>
        }
        %scan3A_295 = arith.constant 4 : i32
        %mul3A_296 = arith.constant 80 : i32
        %mul3A_297 = arith.muli %add3A_217, %mul3A_296 : i32
        %mul3A_298 = arith.constant 16 : i32
        %mul3A_299 = arith.muli %scan3A_288, %mul3A_298 : i32
        %add3A_300 = arith.addi %mul3A_297, %mul3A_299 : i32
        %multiple_of3A_301 = tpu.assume_multiple %add3A_300, 8 : i32
        %swap3A = arith.index_cast %multiple_of3A_301 : i32 to index
        %swap3A_302 = tpu.vector_load %arg9[%swap3A] {strides = array<i32>} : memref<10000xf32, #tpu.memory_space<vmem>>, vector<16xf32>,
        %swap3A_303 = vector.shape_cast %swap3A_302 : vector<16xf32> to vector<16xf32>
        %swap3A_304 = vector.shape_cast %scan3A_294 : vector<16xf32> to vector<16xf32>
        tpu.vector_store %arg9[%swap3A], %swap3A_304 {strides = array<i32>} : memref<10000xf32, #tpu.memory_space<vmem>>, vector<16xf32>,
      }
      %scan3A_250 = arith.constant 5 : i32
      %mul3A_251 = arith.constant 4 : i32
      %mul3A_252 = arith.muli %scan3A_140, %mul3A_251 : i32
      %add3A_253 = arith.constant 3 : i32
      %add3A_254 = arith.addi %mul3A_252, %add3A_253 : i32
      %mul3A_255 = arith.constant 80 : i32
      %mul3A_256 = arith.muli %add3A_254, %mul3A_255 : i32
      %multiple_of3A_257 = tpu.assume_multiple %mul3A_256, 8 : i32
      %dma_wait3A_258 = tpu.memref_slice %arg7[%multiple_of3A_257] : memref<10000xi32, #tpu.memory_space<vmem>> -> memref<80xi32, #tpu.memory_space<vmem>>
      %dma_wait3A_259 = arith.constant 0 : i32
      %dma_wait3A_260 = arith.constant 0 : i32
      %dma_wait3A_261 = tpu.memref_slice %arg2[%dma_wait3A_259, %dma_wait3A_260] : memref<10000x128xf32, #tpu.memory_space<hbm>> -> memref<10000x128xf32, #tpu.memory_space<hbm>>
      tpu.wait_indirect_dma semaphore(%arg21 : memref<!tpu.dma_semaphore, #tpu.memory_space<semaphore_mem>>) src(%dma_wait3A_261 : memref<10000x128xf32, #tpu.memory_space<hbm>>) dst(%arg13 : memref<80x128xf32, #tpu.memory_space<vmem>>)
      %dma_wait3A_262 = tpu.memref_slice %arg8[%multiple_of3A_257] : memref<10000xi32, #tpu.memory_space<vmem>> -> memref<80xi32, #tpu.memory_space<vmem>>
      %dma_wait3A_263 = arith.constant 0 : i32
      %dma_wait3A_264 = arith.constant 0 : i32
      %dma_wait3A_265 = tpu.memref_slice %arg3[%dma_wait3A_263, %dma_wait3A_264] : memref<10000x128xf32, #tpu.memory_space<hbm>> -> memref<10000x128xf32, #tpu.memory_space<hbm>>
      tpu.wait_indirect_dma semaphore(%arg25 : memref<!tpu.dma_semaphore, #tpu.memory_space<semaphore_mem>>) src(%dma_wait3A_265 : memref<10000x128xf32, #tpu.memory_space<hbm>>) dst(%arg17 : memref<80x128xf32, #tpu.memory_space<vmem>>)
      %add3A_266 = arith.constant 4 : i32
      %add3A_267 = arith.addi %add3A_254, %add3A_266 : i32
      %sub3A_268 = arith.constant 1 : i32
      %sub3A_269 = arith.subi %add3A_267, %sub3A_268 : i32
      %mul3A_270 = arith.constant 80 : i32
      %mul3A_271 = arith.muli %sub3A_269, %mul3A_270 : i32
      %multiple_of3A_272 = tpu.assume_multiple %mul3A_271, 8 : i32
      %dma_start3A_273 = tpu.memref_slice %arg7[%multiple_of3A_272] : memref<10000xi32, #tpu.memory_space<vmem>> -> memref<80xi32, #tpu.memory_space<vmem>>
      %dma_start3A_274 = arith.constant 0 : i32
      %dma_start3A_275 = arith.constant 0 : i32
      %dma_start3A_276 = tpu.memref_slice %arg2[%dma_start3A_274, %dma_start3A_275] : memref<10000x128xf32, #tpu.memory_space<hbm>> -> memref<10000x128xf32, #tpu.memory_space<hbm>>
      tpu.enqueue_indirect_dma source(%dma_start3A_276 : memref<10000x128xf32, #tpu.memory_space<hbm>>) target(%arg12 : memref<80x128xf32, #tpu.memory_space<vmem>>) offsets(%dma_start3A_273 : memref<80xi32, #tpu.memory_space<vmem>>) semaphore(%arg20 : memref<!tpu.dma_semaphore, #tpu.memory_space<semaphore_mem>>)
      %dma_start3A_277 = tpu.memref_slice %arg8[%multiple_of3A_272] : memref<10000xi32, #tpu.memory_space<vmem>> -> memref<80xi32, #tpu.memory_space<vmem>>
      %dma_start3A_278 = arith.constant 0 : i32
      %dma_start3A_279 = arith.constant 0 : i32
      %dma_start3A_280 = tpu.memref_slice %arg3[%dma_start3A_278, %dma_start3A_279] : memref<10000x128xf32, #tpu.memory_space<hbm>> -> memref<10000x128xf32, #tpu.memory_space<hbm>>
      tpu.enqueue_indirect_dma source(%dma_start3A_280 : memref<10000x128xf32, #tpu.memory_space<hbm>>) target(%arg16 : memref<80x128xf32, #tpu.memory_space<vmem>>) offsets(%dma_start3A_277 : memref<80xi32, #tpu.memory_space<vmem>>) semaphore(%arg24 : memref<!tpu.dma_semaphore, #tpu.memory_space<semaphore_mem>>)
      %iota3A_281 = tpu.iota {dimensions = array<i32: 0>} : vector<16xi32>
      %scan3A_282 = arith.constant 0 : i32
      %scan3A_283 = arith.constant 0 : i32
      %scan3A_284 = arith.constant 5 : i32
      %scan3A_285 = arith.addi %scan3A_283, %scan3A_284 : i32
      %scan3A_286 = arith.constant 1 : i32
      scf.for %scan3A_288 = %scan3A_283 to %scan3A_285 step %scan3A_286  : i32 {
        %broadcast_in_dim3A = arith.constant 0.000000e+00 : f32
        %broadcast_in_dim3A_289 = vector.broadcast %broadcast_in_dim3A : f32 to vector<16xf32>
        %scan3A_290 = arith.constant 0 : i32
        %scan3A_291 = arith.constant 4 : i32
        %scan3A_292 = arith.addi %scan3A_290, %scan3A_291 : i32
        %scan3A_293 = arith.constant 1 : i32
        %scan3A_294 = scf.for %scan3A_305 = %scan3A_290 to %scan3A_292 step %scan3A_293 iter_args(%scan3A_306 = %broadcast_in_dim3A_289) -> (vector<16xf32>)  : i32 {
          %mul3A_307 = arith.constant 16 : i32
          %mul3A_308 = arith.muli %scan3A_288, %mul3A_307 : i32
          %mul3A_309 = arith.constant 4 : i32
          %mul3A_310 = arith.muli %scan3A_305, %mul3A_309 : i32
          %add3A_311 = arith.addi %mul3A_308, %mul3A_310 : i32
          %get3A = arith.index_cast %add3A_311 : i32 to index
          %get3A_312 = arith.constant 0 : index
          %get3A_313 = tpu.vector_load %arg13[%get3A, %get3A_312] {strides = array<i32>} : memref<80x128xf32, #tpu.memory_space<vmem>>, vector<1x16xf32>,
          %get3A_314 = vector.shape_cast %get3A_313 : vector<1x16xf32> to vector<16xf32>
          %get3A_315 = arith.index_cast %add3A_311 : i32 to index
          %get3A_316 = arith.constant 0 : index
          %get3A_317 = tpu.vector_load %arg17[%get3A_315, %get3A_316] {strides = array<i32>} : memref<80x128xf32, #tpu.memory_space<vmem>>, vector<1x16xf32>,
          %get3A_318 = vector.shape_cast %get3A_317 : vector<1x16xf32> to vector<16xf32>
          %mul3A_319 = arith.mulf %get3A_314, %get3A_318 : vector<16xf32>
          %get3A_320 = arith.index_cast %add3A_311 : i32 to index
          %get3A_321 = arith.constant 16 : index
          %get3A_322 = tpu.vector_load %arg13[%get3A_320, %get3A_321] {strides = array<i32>} : memref<80x128xf32, #tpu.memory_space<vmem>>, vector<1x16xf32>,
          %get3A_323 = vector.shape_cast %get3A_322 : vector<1x16xf32> to vector<16xf32>
          %get3A_324 = arith.index_cast %add3A_311 : i32 to index
          %get3A_325 = arith.constant 16 : index
          %get3A_326 = tpu.vector_load %arg17[%get3A_324, %get3A_325] {strides = array<i32>} : memref<80x128xf32, #tpu.memory_space<vmem>>, vector<1x16xf32>,
          %get3A_327 = vector.shape_cast %get3A_326 : vector<1x16xf32> to vector<16xf32>
          %mul3A_328 = arith.mulf %get3A_323, %get3A_327 : vector<16xf32>
          %get3A_329 = arith.index_cast %add3A_311 : i32 to index
          %get3A_330 = arith.constant 32 : index
          %get3A_331 = tpu.vector_load %arg13[%get3A_329, %get3A_330] {strides = array<i32>} : memref<80x128xf32, #tpu.memory_space<vmem>>, vector<1x16xf32>,
          %get3A_332 = vector.shape_cast %get3A_331 : vector<1x16xf32> to vector<16xf32>
          %get3A_333 = arith.index_cast %add3A_311 : i32 to index
          %get3A_334 = arith.constant 32 : index
          %get3A_335 = tpu.vector_load %arg17[%get3A_333, %get3A_334] {strides = array<i32>} : memref<80x128xf32, #tpu.memory_space<vmem>>, vector<1x16xf32>,
          %get3A_336 = vector.shape_cast %get3A_335 : vector<1x16xf32> to vector<16xf32>
          %mul3A_337 = arith.mulf %get3A_332, %get3A_336 : vector<16xf32>
          %get3A_338 = arith.index_cast %add3A_311 : i32 to index
          %get3A_339 = arith.constant 48 : index
          %get3A_340 = tpu.vector_load %arg13[%get3A_338, %get3A_339] {strides = array<i32>} : memref<80x128xf32, #tpu.memory_space<vmem>>, vector<1x16xf32>,
          %get3A_341 = vector.shape_cast %get3A_340 : vector<1x16xf32> to vector<16xf32>
          %get3A_342 = arith.index_cast %add3A_311 : i32 to index
          %get3A_343 = arith.constant 48 : index
          %get3A_344 = tpu.vector_load %arg17[%get3A_342, %get3A_343] {strides = array<i32>} : memref<80x128xf32, #tpu.memory_space<vmem>>, vector<1x16xf32>,
          %get3A_345 = vector.shape_cast %get3A_344 : vector<1x16xf32> to vector<16xf32>
          %mul3A_346 = arith.mulf %get3A_341, %get3A_345 : vector<16xf32>
          %get3A_347 = arith.index_cast %add3A_311 : i32 to index
          %get3A_348 = arith.constant 64 : index
          %get3A_349 = tpu.vector_load %arg13[%get3A_347, %get3A_348] {strides = array<i32>} : memref<80x128xf32, #tpu.memory_space<vmem>>, vector<1x16xf32>,
          %get3A_350 = vector.shape_cast %get3A_349 : vector<1x16xf32> to vector<16xf32>
          %get3A_351 = arith.index_cast %add3A_311 : i32 to index
          %get3A_352 = arith.constant 64 : index
          %get3A_353 = tpu.vector_load %arg17[%get3A_351, %get3A_352] {strides = array<i32>} : memref<80x128xf32, #tpu.memory_space<vmem>>, vector<1x16xf32>,
          %get3A_354 = vector.shape_cast %get3A_353 : vector<1x16xf32> to vector<16xf32>
          %mul3A_355 = arith.mulf %get3A_350, %get3A_354 : vector<16xf32>
          %get3A_356 = arith.index_cast %add3A_311 : i32 to index
          %get3A_357 = arith.constant 80 : index
          %get3A_358 = tpu.vector_load %arg13[%get3A_356, %get3A_357] {strides = array<i32>} : memref<80x128xf32, #tpu.memory_space<vmem>>, vector<1x16xf32>,
          %get3A_359 = vector.shape_cast %get3A_358 : vector<1x16xf32> to vector<16xf32>
          %get3A_360 = arith.index_cast %add3A_311 : i32 to index
          %get3A_361 = arith.constant 80 : index
          %get3A_362 = tpu.vector_load %arg17[%get3A_360, %get3A_361] {strides = array<i32>} : memref<80x128xf32, #tpu.memory_space<vmem>>, vector<1x16xf32>,
          %get3A_363 = vector.shape_cast %get3A_362 : vector<1x16xf32> to vector<16xf32>
          %mul3A_364 = arith.mulf %get3A_359, %get3A_363 : vector<16xf32>
          %get3A_365 = arith.index_cast %add3A_311 : i32 to index
          %get3A_366 = arith.constant 96 : index
          %get3A_367 = tpu.vector_load %arg13[%get3A_365, %get3A_366] {strides = array<i32>} : memref<80x128xf32, #tpu.memory_space<vmem>>, vector<1x16xf32>,
          %get3A_368 = vector.shape_cast %get3A_367 : vector<1x16xf32> to vector<16xf32>
          %get3A_369 = arith.index_cast %add3A_311 : i32 to index
          %get3A_370 = arith.constant 96 : index
          %get3A_371 = tpu.vector_load %arg17[%get3A_369, %get3A_370] {strides = array<i32>} : memref<80x128xf32, #tpu.memory_space<vmem>>, vector<1x16xf32>,
          %get3A_372 = vector.shape_cast %get3A_371 : vector<1x16xf32> to vector<16xf32>
          %mul3A_373 = arith.mulf %get3A_368, %get3A_372 : vector<16xf32>
          %get3A_374 = arith.index_cast %add3A_311 : i32 to index
          %get3A_375 = arith.constant 112 : index
          %get3A_376 = tpu.vector_load %arg13[%get3A_374, %get3A_375] {strides = array<i32>} : memref<80x128xf32, #tpu.memory_space<vmem>>, vector<1x16xf32>,
          %get3A_377 = vector.shape_cast %get3A_376 : vector<1x16xf32> to vector<16xf32>
          %get3A_378 = arith.index_cast %add3A_311 : i32 to index
          %get3A_379 = arith.constant 112 : index
          %get3A_380 = tpu.vector_load %arg17[%get3A_378, %get3A_379] {strides = array<i32>} : memref<80x128xf32, #tpu.memory_space<vmem>>, vector<1x16xf32>,
          %get3A_381 = vector.shape_cast %get3A_380 : vector<1x16xf32> to vector<16xf32>
          %mul3A_382 = arith.mulf %get3A_377, %get3A_381 : vector<16xf32>
          %add3A_383 = arith.addf %mul3A_319, %mul3A_328 : vector<16xf32>
          %add3A_384 = arith.addf %mul3A_337, %mul3A_346 : vector<16xf32>
          %add3A_385 = arith.addf %mul3A_355, %mul3A_364 : vector<16xf32>
          %add3A_386 = arith.addf %mul3A_373, %mul3A_382 : vector<16xf32>
          %add3A_387 = arith.addf %add3A_383, %add3A_384 : vector<16xf32>
          %add3A_388 = arith.addf %add3A_385, %add3A_386 : vector<16xf32>
          %add3A_389 = arith.addf %add3A_387, %add3A_388 : vector<16xf32>
          %add3A_390 = arith.constant 1 : i32
          %add3A_391 = arith.addi %add3A_311, %add3A_390 : i32
          %get3A_392 = arith.index_cast %add3A_391 : i32 to index
          %get3A_393 = arith.constant 0 : index
          %get3A_394 = tpu.vector_load %arg13[%get3A_392, %get3A_393] {strides = array<i32>} : memref<80x128xf32, #tpu.memory_space<vmem>>, vector<1x16xf32>,
          %get3A_395 = vector.shape_cast %get3A_394 : vector<1x16xf32> to vector<16xf32>
          %get3A_396 = arith.index_cast %add3A_391 : i32 to index
          %get3A_397 = arith.constant 0 : index
          %get3A_398 = tpu.vector_load %arg17[%get3A_396, %get3A_397] {strides = array<i32>} : memref<80x128xf32, #tpu.memory_space<vmem>>, vector<1x16xf32>,
          %get3A_399 = vector.shape_cast %get3A_398 : vector<1x16xf32> to vector<16xf32>
          %mul3A_400 = arith.mulf %get3A_395, %get3A_399 : vector<16xf32>
          %get3A_401 = arith.index_cast %add3A_391 : i32 to index
          %get3A_402 = arith.constant 16 : index
          %get3A_403 = tpu.vector_load %arg13[%get3A_401, %get3A_402] {strides = array<i32>} : memref<80x128xf32, #tpu.memory_space<vmem>>, vector<1x16xf32>,
          %get3A_404 = vector.shape_cast %get3A_403 : vector<1x16xf32> to vector<16xf32>
          %get3A_405 = arith.index_cast %add3A_391 : i32 to index
          %get3A_406 = arith.constant 16 : index
          %get3A_407 = tpu.vector_load %arg17[%get3A_405, %get3A_406] {strides = array<i32>} : memref<80x128xf32, #tpu.memory_space<vmem>>, vector<1x16xf32>,
          %get3A_408 = vector.shape_cast %get3A_407 : vector<1x16xf32> to vector<16xf32>
          %mul3A_409 = arith.mulf %get3A_404, %get3A_408 : vector<16xf32>
          %get3A_410 = arith.index_cast %add3A_391 : i32 to index
          %get3A_411 = arith.constant 32 : index
          %get3A_412 = tpu.vector_load %arg13[%get3A_410, %get3A_411] {strides = array<i32>} : memref<80x128xf32, #tpu.memory_space<vmem>>, vector<1x16xf32>,
          %get3A_413 = vector.shape_cast %get3A_412 : vector<1x16xf32> to vector<16xf32>
          %get3A_414 = arith.index_cast %add3A_391 : i32 to index
          %get3A_415 = arith.constant 32 : index
          %get3A_416 = tpu.vector_load %arg17[%get3A_414, %get3A_415] {strides = array<i32>} : memref<80x128xf32, #tpu.memory_space<vmem>>, vector<1x16xf32>,
          %get3A_417 = vector.shape_cast %get3A_416 : vector<1x16xf32> to vector<16xf32>
          %mul3A_418 = arith.mulf %get3A_413, %get3A_417 : vector<16xf32>
          %get3A_419 = arith.index_cast %add3A_391 : i32 to index
          %get3A_420 = arith.constant 48 : index
          %get3A_421 = tpu.vector_load %arg13[%get3A_419, %get3A_420] {strides = array<i32>} : memref<80x128xf32, #tpu.memory_space<vmem>>, vector<1x16xf32>,
          %get3A_422 = vector.shape_cast %get3A_421 : vector<1x16xf32> to vector<16xf32>
          %get3A_423 = arith.index_cast %add3A_391 : i32 to index
          %get3A_424 = arith.constant 48 : index
          %get3A_425 = tpu.vector_load %arg17[%get3A_423, %get3A_424] {strides = array<i32>} : memref<80x128xf32, #tpu.memory_space<vmem>>, vector<1x16xf32>,
          %get3A_426 = vector.shape_cast %get3A_425 : vector<1x16xf32> to vector<16xf32>
          %mul3A_427 = arith.mulf %get3A_422, %get3A_426 : vector<16xf32>
          %get3A_428 = arith.index_cast %add3A_391 : i32 to index
          %get3A_429 = arith.constant 64 : index
          %get3A_430 = tpu.vector_load %arg13[%get3A_428, %get3A_429] {strides = array<i32>} : memref<80x128xf32, #tpu.memory_space<vmem>>, vector<1x16xf32>,
          %get3A_431 = vector.shape_cast %get3A_430 : vector<1x16xf32> to vector<16xf32>
          %get3A_432 = arith.index_cast %add3A_391 : i32 to index
          %get3A_433 = arith.constant 64 : index
          %get3A_434 = tpu.vector_load %arg17[%get3A_432, %get3A_433] {strides = array<i32>} : memref<80x128xf32, #tpu.memory_space<vmem>>, vector<1x16xf32>,
          %get3A_435 = vector.shape_cast %get3A_434 : vector<1x16xf32> to vector<16xf32>
          %mul3A_436 = arith.mulf %get3A_431, %get3A_435 : vector<16xf32>
          %get3A_437 = arith.index_cast %add3A_391 : i32 to index
          %get3A_438 = arith.constant 80 : index
          %get3A_439 = tpu.vector_load %arg13[%get3A_437, %get3A_438] {strides = array<i32>} : memref<80x128xf32, #tpu.memory_space<vmem>>, vector<1x16xf32>,
          %get3A_440 = vector.shape_cast %get3A_439 : vector<1x16xf32> to vector<16xf32>
          %get3A_441 = arith.index_cast %add3A_391 : i32 to index
          %get3A_442 = arith.constant 80 : index
          %get3A_443 = tpu.vector_load %arg17[%get3A_441, %get3A_442] {strides = array<i32>} : memref<80x128xf32, #tpu.memory_space<vmem>>, vector<1x16xf32>,
          %get3A_444 = vector.shape_cast %get3A_443 : vector<1x16xf32> to vector<16xf32>
          %mul3A_445 = arith.mulf %get3A_440, %get3A_444 : vector<16xf32>
          %get3A_446 = arith.index_cast %add3A_391 : i32 to index
          %get3A_447 = arith.constant 96 : index
          %get3A_448 = tpu.vector_load %arg13[%get3A_446, %get3A_447] {strides = array<i32>} : memref<80x128xf32, #tpu.memory_space<vmem>>, vector<1x16xf32>,
          %get3A_449 = vector.shape_cast %get3A_448 : vector<1x16xf32> to vector<16xf32>
          %get3A_450 = arith.index_cast %add3A_391 : i32 to index
          %get3A_451 = arith.constant 96 : index
          %get3A_452 = tpu.vector_load %arg17[%get3A_450, %get3A_451] {strides = array<i32>} : memref<80x128xf32, #tpu.memory_space<vmem>>, vector<1x16xf32>,
          %get3A_453 = vector.shape_cast %get3A_452 : vector<1x16xf32> to vector<16xf32>
          %mul3A_454 = arith.mulf %get3A_449, %get3A_453 : vector<16xf32>
          %get3A_455 = arith.index_cast %add3A_391 : i32 to index
          %get3A_456 = arith.constant 112 : index
          %get3A_457 = tpu.vector_load %arg13[%get3A_455, %get3A_456] {strides = array<i32>} : memref<80x128xf32, #tpu.memory_space<vmem>>, vector<1x16xf32>,
          %get3A_458 = vector.shape_cast %get3A_457 : vector<1x16xf32> to vector<16xf32>
          %get3A_459 = arith.index_cast %add3A_391 : i32 to index
          %get3A_460 = arith.constant 112 : index
          %get3A_461 = tpu.vector_load %arg17[%get3A_459, %get3A_460] {strides = array<i32>} : memref<80x128xf32, #tpu.memory_space<vmem>>, vector<1x16xf32>,
          %get3A_462 = vector.shape_cast %get3A_461 : vector<1x16xf32> to vector<16xf32>
          %mul3A_463 = arith.mulf %get3A_458, %get3A_462 : vector<16xf32>
          %add3A_464 = arith.addf %mul3A_400, %mul3A_409 : vector<16xf32>
          %add3A_465 = arith.addf %mul3A_418, %mul3A_427 : vector<16xf32>
          %add3A_466 = arith.addf %mul3A_436, %mul3A_445 : vector<16xf32>
          %add3A_467 = arith.addf %mul3A_454, %mul3A_463 : vector<16xf32>
          %add3A_468 = arith.addf %add3A_464, %add3A_465 : vector<16xf32>
          %add3A_469 = arith.addf %add3A_466, %add3A_467 : vector<16xf32>
          %add3A_470 = arith.addf %add3A_468, %add3A_469 : vector<16xf32>
          %iota3A_471 = tpu.iota {dimensions = array<i32: 0>} : vector<16xi32>
          %and3A = arith.constant 1 : i32
          %and3A_472 = vector.broadcast %and3A : i32 to vector<16xi32>
          %and3A_473 = arith.andi %iota3A_471, %and3A_472 : vector<16xi32>
          %ne3A = arith.constant 0 : i32
          %ne3A_474 = vector.broadcast %ne3A : i32 to vector<16xi32>
          %ne3A_475 = arith.cmpi ne, %and3A_473, %ne3A_474 : vector<16xi32>
          %select_n3A = arith.select %ne3A_475, %add3A_470, %add3A_389 : vector<16xi1>, vector<16xf32>
          %select_n3A_476 = arith.select %ne3A_475, %add3A_389, %add3A_470 : vector<16xi1>, vector<16xf32>
          %xor3A = arith.constant 1 : i32
          %xor3A_477 = vector.broadcast %xor3A : i32 to vector<16xi32>
          %xor3A_478 = arith.xori %iota3A_471, %xor3A_477 : vector<16xi32>
          %reshape3A = vector.shape_cast %xor3A_478 : vector<16xi32> to vector<16x1xi32>
          %gather3A = vector.shape_cast %reshape3A : vector<16x1xi32> to vector<16xi32>
          %gather3A_479 = tpu.dynamic_gather %select_n3A_476[%gather3A] in [0] : vector<16xf32>, vector<16xi32> -> vector<16xf32>
          %add3A_480 = arith.addf %select_n3A, %gather3A_479 : vector<16xf32>
          %add3A_481 = arith.constant 2 : i32
          %add3A_482 = arith.addi %add3A_311, %add3A_481 : i32
          %get3A_483 = arith.index_cast %add3A_482 : i32 to index
          %get3A_484 = arith.constant 0 : index
          %get3A_485 = tpu.vector_load %arg13[%get3A_483, %get3A_484] {strides = array<i32>} : memref<80x128xf32, #tpu.memory_space<vmem>>, vector<1x16xf32>,
          %get3A_486 = vector.shape_cast %get3A_485 : vector<1x16xf32> to vector<16xf32>
          %get3A_487 = arith.index_cast %add3A_482 : i32 to index
          %get3A_488 = arith.constant 0 : index
          %get3A_489 = tpu.vector_load %arg17[%get3A_487, %get3A_488] {strides = array<i32>} : memref<80x128xf32, #tpu.memory_space<vmem>>, vector<1x16xf32>,
          %get3A_490 = vector.shape_cast %get3A_489 : vector<1x16xf32> to vector<16xf32>
          %mul3A_491 = arith.mulf %get3A_486, %get3A_490 : vector<16xf32>
          %get3A_492 = arith.index_cast %add3A_482 : i32 to index
          %get3A_493 = arith.constant 16 : index
          %get3A_494 = tpu.vector_load %arg13[%get3A_492, %get3A_493] {strides = array<i32>} : memref<80x128xf32, #tpu.memory_space<vmem>>, vector<1x16xf32>,
          %get3A_495 = vector.shape_cast %get3A_494 : vector<1x16xf32> to vector<16xf32>
          %get3A_496 = arith.index_cast %add3A_482 : i32 to index
          %get3A_497 = arith.constant 16 : index
          %get3A_498 = tpu.vector_load %arg17[%get3A_496, %get3A_497] {strides = array<i32>} : memref<80x128xf32, #tpu.memory_space<vmem>>, vector<1x16xf32>,
          %get3A_499 = vector.shape_cast %get3A_498 : vector<1x16xf32> to vector<16xf32>
          %mul3A_500 = arith.mulf %get3A_495, %get3A_499 : vector<16xf32>
          %get3A_501 = arith.index_cast %add3A_482 : i32 to index
          %get3A_502 = arith.constant 32 : index
          %get3A_503 = tpu.vector_load %arg13[%get3A_501, %get3A_502] {strides = array<i32>} : memref<80x128xf32, #tpu.memory_space<vmem>>, vector<1x16xf32>,
          %get3A_504 = vector.shape_cast %get3A_503 : vector<1x16xf32> to vector<16xf32>
          %get3A_505 = arith.index_cast %add3A_482 : i32 to index
          %get3A_506 = arith.constant 32 : index
          %get3A_507 = tpu.vector_load %arg17[%get3A_505, %get3A_506] {strides = array<i32>} : memref<80x128xf32, #tpu.memory_space<vmem>>, vector<1x16xf32>,
          %get3A_508 = vector.shape_cast %get3A_507 : vector<1x16xf32> to vector<16xf32>
          %mul3A_509 = arith.mulf %get3A_504, %get3A_508 : vector<16xf32>
          %get3A_510 = arith.index_cast %add3A_482 : i32 to index
          %get3A_511 = arith.constant 48 : index
          %get3A_512 = tpu.vector_load %arg13[%get3A_510, %get3A_511] {strides = array<i32>} : memref<80x128xf32, #tpu.memory_space<vmem>>, vector<1x16xf32>,
          %get3A_513 = vector.shape_cast %get3A_512 : vector<1x16xf32> to vector<16xf32>
          %get3A_514 = arith.index_cast %add3A_482 : i32 to index
          %get3A_515 = arith.constant 48 : index
          %get3A_516 = tpu.vector_load %arg17[%get3A_514, %get3A_515] {strides = array<i32>} : memref<80x128xf32, #tpu.memory_space<vmem>>, vector<1x16xf32>,
          %get3A_517 = vector.shape_cast %get3A_516 : vector<1x16xf32> to vector<16xf32>
          %mul3A_518 = arith.mulf %get3A_513, %get3A_517 : vector<16xf32>
          %get3A_519 = arith.index_cast %add3A_482 : i32 to index
          %get3A_520 = arith.constant 64 : index
          %get3A_521 = tpu.vector_load %arg13[%get3A_519, %get3A_520] {strides = array<i32>} : memref<80x128xf32, #tpu.memory_space<vmem>>, vector<1x16xf32>,
          %get3A_522 = vector.shape_cast %get3A_521 : vector<1x16xf32> to vector<16xf32>
          %get3A_523 = arith.index_cast %add3A_482 : i32 to index
          %get3A_524 = arith.constant 64 : index
          %get3A_525 = tpu.vector_load %arg17[%get3A_523, %get3A_524] {strides = array<i32>} : memref<80x128xf32, #tpu.memory_space<vmem>>, vector<1x16xf32>,
          %get3A_526 = vector.shape_cast %get3A_525 : vector<1x16xf32> to vector<16xf32>
          %mul3A_527 = arith.mulf %get3A_522, %get3A_526 : vector<16xf32>
          %get3A_528 = arith.index_cast %add3A_482 : i32 to index
          %get3A_529 = arith.constant 80 : index
          %get3A_530 = tpu.vector_load %arg13[%get3A_528, %get3A_529] {strides = array<i32>} : memref<80x128xf32, #tpu.memory_space<vmem>>, vector<1x16xf32>,
          %get3A_531 = vector.shape_cast %get3A_530 : vector<1x16xf32> to vector<16xf32>
          %get3A_532 = arith.index_cast %add3A_482 : i32 to index
          %get3A_533 = arith.constant 80 : index
          %get3A_534 = tpu.vector_load %arg17[%get3A_532, %get3A_533] {strides = array<i32>} : memref<80x128xf32, #tpu.memory_space<vmem>>, vector<1x16xf32>,
          %get3A_535 = vector.shape_cast %get3A_534 : vector<1x16xf32> to vector<16xf32>
          %mul3A_536 = arith.mulf %get3A_531, %get3A_535 : vector<16xf32>
          %get3A_537 = arith.index_cast %add3A_482 : i32 to index
          %get3A_538 = arith.constant 96 : index
          %get3A_539 = tpu.vector_load %arg13[%get3A_537, %get3A_538] {strides = array<i32>} : memref<80x128xf32, #tpu.memory_space<vmem>>, vector<1x16xf32>,
          %get3A_540 = vector.shape_cast %get3A_539 : vector<1x16xf32> to vector<16xf32>
          %get3A_541 = arith.index_cast %add3A_482 : i32 to index
          %get3A_542 = arith.constant 96 : index
          %get3A_543 = tpu.vector_load %arg17[%get3A_541, %get3A_542] {strides = array<i32>} : memref<80x128xf32, #tpu.memory_space<vmem>>, vector<1x16xf32>,
          %get3A_544 = vector.shape_cast %get3A_543 : vector<1x16xf32> to vector<16xf32>
          %mul3A_545 = arith.mulf %get3A_540, %get3A_544 : vector<16xf32>
          %get3A_546 = arith.index_cast %add3A_482 : i32 to index
          %get3A_547 = arith.constant 112 : index
          %get3A_548 = tpu.vector_load %arg13[%get3A_546, %get3A_547] {strides = array<i32>} : memref<80x128xf32, #tpu.memory_space<vmem>>, vector<1x16xf32>,
          %get3A_549 = vector.shape_cast %get3A_548 : vector<1x16xf32> to vector<16xf32>
          %get3A_550 = arith.index_cast %add3A_482 : i32 to index
          %get3A_551 = arith.constant 112 : index
          %get3A_552 = tpu.vector_load %arg17[%get3A_550, %get3A_551] {strides = array<i32>} : memref<80x128xf32, #tpu.memory_space<vmem>>, vector<1x16xf32>,
          %get3A_553 = vector.shape_cast %get3A_552 : vector<1x16xf32> to vector<16xf32>
          %mul3A_554 = arith.mulf %get3A_549, %get3A_553 : vector<16xf32>
          %add3A_555 = arith.addf %mul3A_491, %mul3A_500 : vector<16xf32>
          %add3A_556 = arith.addf %mul3A_509, %mul3A_518 : vector<16xf32>
          %add3A_557 = arith.addf %mul3A_527, %mul3A_536 : vector<16xf32>
          %add3A_558 = arith.addf %mul3A_545, %mul3A_554 : vector<16xf32>
          %add3A_559 = arith.addf %add3A_555, %add3A_556 : vector<16xf32>
          %add3A_560 = arith.addf %add3A_557, %add3A_558 : vector<16xf32>
          %add3A_561 = arith.addf %add3A_559, %add3A_560 : vector<16xf32>
          %add3A_562 = arith.constant 1 : i32
          %add3A_563 = arith.addi %add3A_482, %add3A_562 : i32
          %get3A_564 = arith.index_cast %add3A_563 : i32 to index
          %get3A_565 = arith.constant 0 : index
          %get3A_566 = tpu.vector_load %arg13[%get3A_564, %get3A_565] {strides = array<i32>} : memref<80x128xf32, #tpu.memory_space<vmem>>, vector<1x16xf32>,
          %get3A_567 = vector.shape_cast %get3A_566 : vector<1x16xf32> to vector<16xf32>
          %get3A_568 = arith.index_cast %add3A_563 : i32 to index
          %get3A_569 = arith.constant 0 : index
          %get3A_570 = tpu.vector_load %arg17[%get3A_568, %get3A_569] {strides = array<i32>} : memref<80x128xf32, #tpu.memory_space<vmem>>, vector<1x16xf32>,
          %get3A_571 = vector.shape_cast %get3A_570 : vector<1x16xf32> to vector<16xf32>
          %mul3A_572 = arith.mulf %get3A_567, %get3A_571 : vector<16xf32>
          %get3A_573 = arith.index_cast %add3A_563 : i32 to index
          %get3A_574 = arith.constant 16 : index
          %get3A_575 = tpu.vector_load %arg13[%get3A_573, %get3A_574] {strides = array<i32>} : memref<80x128xf32, #tpu.memory_space<vmem>>, vector<1x16xf32>,
          %get3A_576 = vector.shape_cast %get3A_575 : vector<1x16xf32> to vector<16xf32>
          %get3A_577 = arith.index_cast %add3A_563 : i32 to index
          %get3A_578 = arith.constant 16 : index
          %get3A_579 = tpu.vector_load %arg17[%get3A_577, %get3A_578] {strides = array<i32>} : memref<80x128xf32, #tpu.memory_space<vmem>>, vector<1x16xf32>,
          %get3A_580 = vector.shape_cast %get3A_579 : vector<1x16xf32> to vector<16xf32>
          %mul3A_581 = arith.mulf %get3A_576, %get3A_580 : vector<16xf32>
          %get3A_582 = arith.index_cast %add3A_563 : i32 to index
          %get3A_583 = arith.constant 32 : index
          %get3A_584 = tpu.vector_load %arg13[%get3A_582, %get3A_583] {strides = array<i32>} : memref<80x128xf32, #tpu.memory_space<vmem>>, vector<1x16xf32>,
          %get3A_585 = vector.shape_cast %get3A_584 : vector<1x16xf32> to vector<16xf32>
          %get3A_586 = arith.index_cast %add3A_563 : i32 to index
          %get3A_587 = arith.constant 32 : index
          %get3A_588 = tpu.vector_load %arg17[%get3A_586, %get3A_587] {strides = array<i32>} : memref<80x128xf32, #tpu.memory_space<vmem>>, vector<1x16xf32>,
          %get3A_589 = vector.shape_cast %get3A_588 : vector<1x16xf32> to vector<16xf32>
          %mul3A_590 = arith.mulf %get3A_585, %get3A_589 : vector<16xf32>
          %get3A_591 = arith.index_cast %add3A_563 : i32 to index
          %get3A_592 = arith.constant 48 : index
          %get3A_593 = tpu.vector_load %arg13[%get3A_591, %get3A_592] {strides = array<i32>} : memref<80x128xf32, #tpu.memory_space<vmem>>, vector<1x16xf32>,
          %get3A_594 = vector.shape_cast %get3A_593 : vector<1x16xf32> to vector<16xf32>
          %get3A_595 = arith.index_cast %add3A_563 : i32 to index
          %get3A_596 = arith.constant 48 : index
          %get3A_597 = tpu.vector_load %arg17[%get3A_595, %get3A_596] {strides = array<i32>} : memref<80x128xf32, #tpu.memory_space<vmem>>, vector<1x16xf32>,
          %get3A_598 = vector.shape_cast %get3A_597 : vector<1x16xf32> to vector<16xf32>
          %mul3A_599 = arith.mulf %get3A_594, %get3A_598 : vector<16xf32>
          %get3A_600 = arith.index_cast %add3A_563 : i32 to index
          %get3A_601 = arith.constant 64 : index
          %get3A_602 = tpu.vector_load %arg13[%get3A_600, %get3A_601] {strides = array<i32>} : memref<80x128xf32, #tpu.memory_space<vmem>>, vector<1x16xf32>,
          %get3A_603 = vector.shape_cast %get3A_602 : vector<1x16xf32> to vector<16xf32>
          %get3A_604 = arith.index_cast %add3A_563 : i32 to index
          %get3A_605 = arith.constant 64 : index
          %get3A_606 = tpu.vector_load %arg17[%get3A_604, %get3A_605] {strides = array<i32>} : memref<80x128xf32, #tpu.memory_space<vmem>>, vector<1x16xf32>,
          %get3A_607 = vector.shape_cast %get3A_606 : vector<1x16xf32> to vector<16xf32>
          %mul3A_608 = arith.mulf %get3A_603, %get3A_607 : vector<16xf32>
          %get3A_609 = arith.index_cast %add3A_563 : i32 to index
          %get3A_610 = arith.constant 80 : index
          %get3A_611 = tpu.vector_load %arg13[%get3A_609, %get3A_610] {strides = array<i32>} : memref<80x128xf32, #tpu.memory_space<vmem>>, vector<1x16xf32>,
          %get3A_612 = vector.shape_cast %get3A_611 : vector<1x16xf32> to vector<16xf32>
          %get3A_613 = arith.index_cast %add3A_563 : i32 to index
          %get3A_614 = arith.constant 80 : index
          %get3A_615 = tpu.vector_load %arg17[%get3A_613, %get3A_614] {strides = array<i32>} : memref<80x128xf32, #tpu.memory_space<vmem>>, vector<1x16xf32>,
          %get3A_616 = vector.shape_cast %get3A_615 : vector<1x16xf32> to vector<16xf32>
          %mul3A_617 = arith.mulf %get3A_612, %get3A_616 : vector<16xf32>
          %get3A_618 = arith.index_cast %add3A_563 : i32 to index
          %get3A_619 = arith.constant 96 : index
          %get3A_620 = tpu.vector_load %arg13[%get3A_618, %get3A_619] {strides = array<i32>} : memref<80x128xf32, #tpu.memory_space<vmem>>, vector<1x16xf32>,
          %get3A_621 = vector.shape_cast %get3A_620 : vector<1x16xf32> to vector<16xf32>
          %get3A_622 = arith.index_cast %add3A_563 : i32 to index
          %get3A_623 = arith.constant 96 : index
          %get3A_624 = tpu.vector_load %arg17[%get3A_622, %get3A_623] {strides = array<i32>} : memref<80x128xf32, #tpu.memory_space<vmem>>, vector<1x16xf32>,
          %get3A_625 = vector.shape_cast %get3A_624 : vector<1x16xf32> to vector<16xf32>
          %mul3A_626 = arith.mulf %get3A_621, %get3A_625 : vector<16xf32>
          %get3A_627 = arith.index_cast %add3A_563 : i32 to index
          %get3A_628 = arith.constant 112 : index
          %get3A_629 = tpu.vector_load %arg13[%get3A_627, %get3A_628] {strides = array<i32>} : memref<80x128xf32, #tpu.memory_space<vmem>>, vector<1x16xf32>,
          %get3A_630 = vector.shape_cast %get3A_629 : vector<1x16xf32> to vector<16xf32>
          %get3A_631 = arith.index_cast %add3A_563 : i32 to index
          %get3A_632 = arith.constant 112 : index
          %get3A_633 = tpu.vector_load %arg17[%get3A_631, %get3A_632] {strides = array<i32>} : memref<80x128xf32, #tpu.memory_space<vmem>>, vector<1x16xf32>,
          %get3A_634 = vector.shape_cast %get3A_633 : vector<1x16xf32> to vector<16xf32>
          %mul3A_635 = arith.mulf %get3A_630, %get3A_634 : vector<16xf32>
          %add3A_636 = arith.addf %mul3A_572, %mul3A_581 : vector<16xf32>
          %add3A_637 = arith.addf %mul3A_590, %mul3A_599 : vector<16xf32>
          %add3A_638 = arith.addf %mul3A_608, %mul3A_617 : vector<16xf32>
          %add3A_639 = arith.addf %mul3A_626, %mul3A_635 : vector<16xf32>
          %add3A_640 = arith.addf %add3A_636, %add3A_637 : vector<16xf32>
          %add3A_641 = arith.addf %add3A_638, %add3A_639 : vector<16xf32>
          %add3A_642 = arith.addf %add3A_640, %add3A_641 : vector<16xf32>
          %iota3A_643 = tpu.iota {dimensions = array<i32: 0>} : vector<16xi32>
          %and3A_644 = arith.constant 1 : i32
          %and3A_645 = vector.broadcast %and3A_644 : i32 to vector<16xi32>
          %and3A_646 = arith.andi %iota3A_643, %and3A_645 : vector<16xi32>
          %ne3A_647 = arith.constant 0 : i32
          %ne3A_648 = vector.broadcast %ne3A_647 : i32 to vector<16xi32>
          %ne3A_649 = arith.cmpi ne, %and3A_646, %ne3A_648 : vector<16xi32>
          %select_n3A_650 = arith.select %ne3A_649, %add3A_642, %add3A_561 : vector<16xi1>, vector<16xf32>
          %select_n3A_651 = arith.select %ne3A_649, %add3A_561, %add3A_642 : vector<16xi1>, vector<16xf32>
          %xor3A_652 = arith.constant 1 : i32
          %xor3A_653 = vector.broadcast %xor3A_652 : i32 to vector<16xi32>
          %xor3A_654 = arith.xori %iota3A_643, %xor3A_653 : vector<16xi32>
          %reshape3A_655 = vector.shape_cast %xor3A_654 : vector<16xi32> to vector<16x1xi32>
          %gather3A_656 = vector.shape_cast %reshape3A_655 : vector<16x1xi32> to vector<16xi32>
          %gather3A_657 = tpu.dynamic_gather %select_n3A_651[%gather3A_656] in [0] : vector<16xf32>, vector<16xi32> -> vector<16xf32>
          %add3A_658 = arith.addf %select_n3A_650, %gather3A_657 : vector<16xf32>
          %iota3A_659 = tpu.iota {dimensions = array<i32: 0>} : vector<16xi32>
          %and3A_660 = arith.constant 2 : i32
          %and3A_661 = vector.broadcast %and3A_660 : i32 to vector<16xi32>
          %and3A_662 = arith.andi %iota3A_659, %and3A_661 : vector<16xi32>
          %ne3A_663 = arith.constant 0 : i32
          %ne3A_664 = vector.broadcast %ne3A_663 : i32 to vector<16xi32>
          %ne3A_665 = arith.cmpi ne, %and3A_662, %ne3A_664 : vector<16xi32>
          %select_n3A_666 = arith.select %ne3A_665, %add3A_658, %add3A_480 : vector<16xi1>, vector<16xf32>
          %select_n3A_667 = arith.select %ne3A_665, %add3A_480, %add3A_658 : vector<16xi1>, vector<16xf32>
          %xor3A_668 = arith.constant 2 : i32
          %xor3A_669 = vector.broadcast %xor3A_668 : i32 to vector<16xi32>
          %xor3A_670 = arith.xori %iota3A_659, %xor3A_669 : vector<16xi32>
          %reshape3A_671 = vector.shape_cast %xor3A_670 : vector<16xi32> to vector<16x1xi32>
          %gather3A_672 = vector.shape_cast %reshape3A_671 : vector<16x1xi32> to vector<16xi32>
          %gather3A_673 = tpu.dynamic_gather %select_n3A_667[%gather3A_672] in [0] : vector<16xf32>, vector<16xi32> -> vector<16xf32>
          %add3A_674 = arith.addf %select_n3A_666, %gather3A_673 : vector<16xf32>
          %xor3A_675 = arith.constant 4 : i32
          %xor3A_676 = vector.broadcast %xor3A_675 : i32 to vector<16xi32>
          %xor3A_677 = arith.xori %iota3A_281, %xor3A_676 : vector<16xi32>
          %reshape3A_678 = vector.shape_cast %xor3A_677 : vector<16xi32> to vector<16x1xi32>
          %gather3A_679 = vector.shape_cast %reshape3A_678 : vector<16x1xi32> to vector<16xi32>
          %gather3A_680 = tpu.dynamic_gather %add3A_674[%gather3A_679] in [0] : vector<16xf32>, vector<16xi32> -> vector<16xf32>
          %add3A_681 = arith.addf %add3A_674, %gather3A_680 : vector<16xf32>
          %xor3A_682 = arith.constant 8 : i32
          %xor3A_683 = vector.broadcast %xor3A_682 : i32 to vector<16xi32>
          %xor3A_684 = arith.xori %iota3A_281, %xor3A_683 : vector<16xi32>
          %reshape3A_685 = vector.shape_cast %xor3A_684 : vector<16xi32> to vector<16x1xi32>
          %gather3A_686 = vector.shape_cast %reshape3A_685 : vector<16x1xi32> to vector<16xi32>
          %gather3A_687 = tpu.dynamic_gather %add3A_681[%gather3A_686] in [0] : vector<16xf32>, vector<16xi32> -> vector<16xf32>
          %add3A_688 = arith.addf %add3A_681, %gather3A_687 : vector<16xf32>
          %shift_right_arithmetic3A = arith.constant 2 : i32
          %shift_right_arithmetic3A_689 = vector.broadcast %shift_right_arithmetic3A : i32 to vector<16xi32>
          %shift_right_arithmetic3A_690 = arith.shrsi %iota3A_281, %shift_right_arithmetic3A_689 : vector<16xi32>
          %eq3A = vector.broadcast %scan3A_305 : i32 to vector<16xi32>
          %eq3A_691 = arith.cmpi eq, %shift_right_arithmetic3A_690, %eq3A : vector<16xi32>
          %select_n3A_692 = arith.select %eq3A_691, %add3A_688, %scan3A_306 : vector<16xi1>, vector<16xf32>
          scf.yield %select_n3A_692 : vector<16xf32>
        }
        %scan3A_295 = arith.constant 4 : i32
        %mul3A_296 = arith.constant 80 : i32
        %mul3A_297 = arith.muli %add3A_254, %mul3A_296 : i32
        %mul3A_298 = arith.constant 16 : i32
        %mul3A_299 = arith.muli %scan3A_288, %mul3A_298 : i32
        %add3A_300 = arith.addi %mul3A_297, %mul3A_299 : i32
        %multiple_of3A_301 = tpu.assume_multiple %add3A_300, 8 : i32
        %swap3A = arith.index_cast %multiple_of3A_301 : i32 to index
        %swap3A_302 = tpu.vector_load %arg9[%swap3A] {strides = array<i32>} : memref<10000xf32, #tpu.memory_space<vmem>>, vector<16xf32>,
        %swap3A_303 = vector.shape_cast %swap3A_302 : vector<16xf32> to vector<16xf32>
        %swap3A_304 = vector.shape_cast %scan3A_294 : vector<16xf32> to vector<16xf32>
        tpu.vector_store %arg9[%swap3A], %swap3A_304 {strides = array<i32>} : memref<10000xf32, #tpu.memory_space<vmem>>, vector<16xf32>,
      }
      %scan3A_287 = arith.constant 5 : i32
    }
    %scan3A_36 = arith.constant 30 : i32
    %multiple_of3A_37 = arith.constant 9600 : i32
    %multiple_of3A_38 = tpu.assume_multiple %multiple_of3A_37, 8 : i32
    %dma_wait3A = tpu.memref_slice %arg7[%multiple_of3A_38] : memref<10000xi32, #tpu.memory_space<vmem>> -> memref<80xi32, #tpu.memory_space<vmem>>
    %dma_wait3A_39 = arith.constant 0 : i32
    %dma_wait3A_40 = arith.constant 0 : i32
    %dma_wait3A_41 = tpu.memref_slice %arg2[%dma_wait3A_39, %dma_wait3A_40] : memref<10000x128xf32, #tpu.memory_space<hbm>> -> memref<10000x128xf32, #tpu.memory_space<hbm>>
    tpu.wait_indirect_dma semaphore(%arg18 : memref<!tpu.dma_semaphore, #tpu.memory_space<semaphore_mem>>) src(%dma_wait3A_41 : memref<10000x128xf32, #tpu.memory_space<hbm>>) dst(%arg10 : memref<80x128xf32, #tpu.memory_space<vmem>>)
    %dma_wait3A_42 = tpu.memref_slice %arg8[%multiple_of3A_38] : memref<10000xi32, #tpu.memory_space<vmem>> -> memref<80xi32, #tpu.memory_space<vmem>>
    %dma_wait3A_43 = arith.constant 0 : i32
    %dma_wait3A_44 = arith.constant 0 : i32
    %dma_wait3A_45 = tpu.memref_slice %arg3[%dma_wait3A_43, %dma_wait3A_44] : memref<10000x128xf32, #tpu.memory_space<hbm>> -> memref<10000x128xf32, #tpu.memory_space<hbm>>
    tpu.wait_indirect_dma semaphore(%arg22 : memref<!tpu.dma_semaphore, #tpu.memory_space<semaphore_mem>>) src(%dma_wait3A_45 : memref<10000x128xf32, #tpu.memory_space<hbm>>) dst(%arg14 : memref<80x128xf32, #tpu.memory_space<vmem>>)
    %multiple_of3A_46 = arith.constant 9840 : i32
    %multiple_of3A_47 = tpu.assume_multiple %multiple_of3A_46, 8 : i32
    %dma_start3A_48 = tpu.memref_slice %arg7[%multiple_of3A_47] : memref<10000xi32, #tpu.memory_space<vmem>> -> memref<80xi32, #tpu.memory_space<vmem>>
    %dma_start3A_49 = arith.constant 0 : i32
    %dma_start3A_50 = arith.constant 0 : i32
    %dma_start3A_51 = tpu.memref_slice %arg2[%dma_start3A_49, %dma_start3A_50] : memref<10000x128xf32, #tpu.memory_space<hbm>> -> memref<10000x128xf32, #tpu.memory_space<hbm>>
    tpu.enqueue_indirect_dma source(%dma_start3A_51 : memref<10000x128xf32, #tpu.memory_space<hbm>>) target(%arg13 : memref<80x128xf32, #tpu.memory_space<vmem>>) offsets(%dma_start3A_48 : memref<80xi32, #tpu.memory_space<vmem>>) semaphore(%arg21 : memref<!tpu.dma_semaphore, #tpu.memory_space<semaphore_mem>>)
    %dma_start3A_52 = tpu.memref_slice %arg8[%multiple_of3A_47] : memref<10000xi32, #tpu.memory_space<vmem>> -> memref<80xi32, #tpu.memory_space<vmem>>
    %dma_start3A_53 = arith.constant 0 : i32
    %dma_start3A_54 = arith.constant 0 : i32
    %dma_start3A_55 = tpu.memref_slice %arg3[%dma_start3A_53, %dma_start3A_54] : memref<10000x128xf32, #tpu.memory_space<hbm>> -> memref<10000x128xf32, #tpu.memory_space<hbm>>
    tpu.enqueue_indirect_dma source(%dma_start3A_55 : memref<10000x128xf32, #tpu.memory_space<hbm>>) target(%arg17 : memref<80x128xf32, #tpu.memory_space<vmem>>) offsets(%dma_start3A_52 : memref<80xi32, #tpu.memory_space<vmem>>) semaphore(%arg25 : memref<!tpu.dma_semaphore, #tpu.memory_space<semaphore_mem>>)
    %iota3A = tpu.iota {dimensions = array<i32: 0>} : vector<16xi32>
    %scan3A_56 = arith.constant 0 : i32
    %scan3A_57 = arith.constant 0 : i32
    %scan3A_58 = arith.constant 5 : i32
    %scan3A_59 = arith.addi %scan3A_57, %scan3A_58 : i32
    %scan3A_60 = arith.constant 1 : i32
    scf.for %scan3A_140 = %scan3A_57 to %scan3A_59 step %scan3A_60  : i32 {
      %broadcast_in_dim3A = arith.constant 0.000000e+00 : f32
      %broadcast_in_dim3A_141 = vector.broadcast %broadcast_in_dim3A : f32 to vector<16xf32>
      %scan3A_142 = arith.constant 0 : i32
      %scan3A_143 = arith.constant 4 : i32
      %scan3A_144 = arith.addi %scan3A_142, %scan3A_143 : i32
      %scan3A_145 = arith.constant 1 : i32
      %scan3A_146 = scf.for %scan3A_156 = %scan3A_142 to %scan3A_144 step %scan3A_145 iter_args(%scan3A_157 = %broadcast_in_dim3A_141) -> (vector<16xf32>)  : i32 {
        %mul3A_158 = arith.constant 16 : i32
        %mul3A_159 = arith.muli %scan3A_140, %mul3A_158 : i32
        %mul3A_160 = arith.constant 4 : i32
        %mul3A_161 = arith.muli %scan3A_156, %mul3A_160 : i32
        %add3A_162 = arith.addi %mul3A_159, %mul3A_161 : i32
        %get3A = arith.index_cast %add3A_162 : i32 to index
        %get3A_163 = arith.constant 0 : index
        %get3A_164 = tpu.vector_load %arg10[%get3A, %get3A_163] {strides = array<i32>} : memref<80x128xf32, #tpu.memory_space<vmem>>, vector<1x16xf32>,
        %get3A_165 = vector.shape_cast %get3A_164 : vector<1x16xf32> to vector<16xf32>
        %get3A_166 = arith.index_cast %add3A_162 : i32 to index
        %get3A_167 = arith.constant 0 : index
        %get3A_168 = tpu.vector_load %arg14[%get3A_166, %get3A_167] {strides = array<i32>} : memref<80x128xf32, #tpu.memory_space<vmem>>, vector<1x16xf32>,
        %get3A_169 = vector.shape_cast %get3A_168 : vector<1x16xf32> to vector<16xf32>
        %mul3A_170 = arith.mulf %get3A_165, %get3A_169 : vector<16xf32>
        %get3A_171 = arith.index_cast %add3A_162 : i32 to index
        %get3A_172 = arith.constant 16 : index
        %get3A_173 = tpu.vector_load %arg10[%get3A_171, %get3A_172] {strides = array<i32>} : memref<80x128xf32, #tpu.memory_space<vmem>>, vector<1x16xf32>,
        %get3A_174 = vector.shape_cast %get3A_173 : vector<1x16xf32> to vector<16xf32>
        %get3A_175 = arith.index_cast %add3A_162 : i32 to index
        %get3A_176 = arith.constant 16 : index
        %get3A_177 = tpu.vector_load %arg14[%get3A_175, %get3A_176] {strides = array<i32>} : memref<80x128xf32, #tpu.memory_space<vmem>>, vector<1x16xf32>,
        %get3A_178 = vector.shape_cast %get3A_177 : vector<1x16xf32> to vector<16xf32>
        %mul3A_179 = arith.mulf %get3A_174, %get3A_178 : vector<16xf32>
        %get3A_180 = arith.index_cast %add3A_162 : i32 to index
        %get3A_181 = arith.constant 32 : index
        %get3A_182 = tpu.vector_load %arg10[%get3A_180, %get3A_181] {strides = array<i32>} : memref<80x128xf32, #tpu.memory_space<vmem>>, vector<1x16xf32>,
        %get3A_183 = vector.shape_cast %get3A_182 : vector<1x16xf32> to vector<16xf32>
        %get3A_184 = arith.index_cast %add3A_162 : i32 to index
        %get3A_185 = arith.constant 32 : index
        %get3A_186 = tpu.vector_load %arg14[%get3A_184, %get3A_185] {strides = array<i32>} : memref<80x128xf32, #tpu.memory_space<vmem>>, vector<1x16xf32>,
        %get3A_187 = vector.shape_cast %get3A_186 : vector<1x16xf32> to vector<16xf32>
        %mul3A_188 = arith.mulf %get3A_183, %get3A_187 : vector<16xf32>
        %get3A_189 = arith.index_cast %add3A_162 : i32 to index
        %get3A_190 = arith.constant 48 : index
        %get3A_191 = tpu.vector_load %arg10[%get3A_189, %get3A_190] {strides = array<i32>} : memref<80x128xf32, #tpu.memory_space<vmem>>, vector<1x16xf32>,
        %get3A_192 = vector.shape_cast %get3A_191 : vector<1x16xf32> to vector<16xf32>
        %get3A_193 = arith.index_cast %add3A_162 : i32 to index
        %get3A_194 = arith.constant 48 : index
        %get3A_195 = tpu.vector_load %arg14[%get3A_193, %get3A_194] {strides = array<i32>} : memref<80x128xf32, #tpu.memory_space<vmem>>, vector<1x16xf32>,
        %get3A_196 = vector.shape_cast %get3A_195 : vector<1x16xf32> to vector<16xf32>
        %mul3A_197 = arith.mulf %get3A_192, %get3A_196 : vector<16xf32>
        %get3A_198 = arith.index_cast %add3A_162 : i32 to index
        %get3A_199 = arith.constant 64 : index
        %get3A_200 = tpu.vector_load %arg10[%get3A_198, %get3A_199] {strides = array<i32>} : memref<80x128xf32, #tpu.memory_space<vmem>>, vector<1x16xf32>,
        %get3A_201 = vector.shape_cast %get3A_200 : vector<1x16xf32> to vector<16xf32>
        %get3A_202 = arith.index_cast %add3A_162 : i32 to index
        %get3A_203 = arith.constant 64 : index
        %get3A_204 = tpu.vector_load %arg14[%get3A_202, %get3A_203] {strides = array<i32>} : memref<80x128xf32, #tpu.memory_space<vmem>>, vector<1x16xf32>,
        %get3A_205 = vector.shape_cast %get3A_204 : vector<1x16xf32> to vector<16xf32>
        %mul3A_206 = arith.mulf %get3A_201, %get3A_205 : vector<16xf32>
        %get3A_207 = arith.index_cast %add3A_162 : i32 to index
        %get3A_208 = arith.constant 80 : index
        %get3A_209 = tpu.vector_load %arg10[%get3A_207, %get3A_208] {strides = array<i32>} : memref<80x128xf32, #tpu.memory_space<vmem>>, vector<1x16xf32>,
        %get3A_210 = vector.shape_cast %get3A_209 : vector<1x16xf32> to vector<16xf32>
        %get3A_211 = arith.index_cast %add3A_162 : i32 to index
        %get3A_212 = arith.constant 80 : index
        %get3A_213 = tpu.vector_load %arg14[%get3A_211, %get3A_212] {strides = array<i32>} : memref<80x128xf32, #tpu.memory_space<vmem>>, vector<1x16xf32>,
        %get3A_214 = vector.shape_cast %get3A_213 : vector<1x16xf32> to vector<16xf32>
        %mul3A_215 = arith.mulf %get3A_210, %get3A_214 : vector<16xf32>
        %get3A_216 = arith.index_cast %add3A_162 : i32 to index
        %get3A_217 = arith.constant 96 : index
        %get3A_218 = tpu.vector_load %arg10[%get3A_216, %get3A_217] {strides = array<i32>} : memref<80x128xf32, #tpu.memory_space<vmem>>, vector<1x16xf32>,
        %get3A_219 = vector.shape_cast %get3A_218 : vector<1x16xf32> to vector<16xf32>
        %get3A_220 = arith.index_cast %add3A_162 : i32 to index
        %get3A_221 = arith.constant 96 : index
        %get3A_222 = tpu.vector_load %arg14[%get3A_220, %get3A_221] {strides = array<i32>} : memref<80x128xf32, #tpu.memory_space<vmem>>, vector<1x16xf32>,
        %get3A_223 = vector.shape_cast %get3A_222 : vector<1x16xf32> to vector<16xf32>
        %mul3A_224 = arith.mulf %get3A_219, %get3A_223 : vector<16xf32>
        %get3A_225 = arith.index_cast %add3A_162 : i32 to index
        %get3A_226 = arith.constant 112 : index
        %get3A_227 = tpu.vector_load %arg10[%get3A_225, %get3A_226] {strides = array<i32>} : memref<80x128xf32, #tpu.memory_space<vmem>>, vector<1x16xf32>,
        %get3A_228 = vector.shape_cast %get3A_227 : vector<1x16xf32> to vector<16xf32>
        %get3A_229 = arith.index_cast %add3A_162 : i32 to index
        %get3A_230 = arith.constant 112 : index
        %get3A_231 = tpu.vector_load %arg14[%get3A_229, %get3A_230] {strides = array<i32>} : memref<80x128xf32, #tpu.memory_space<vmem>>, vector<1x16xf32>,
        %get3A_232 = vector.shape_cast %get3A_231 : vector<1x16xf32> to vector<16xf32>
        %mul3A_233 = arith.mulf %get3A_228, %get3A_232 : vector<16xf32>
        %add3A_234 = arith.addf %mul3A_170, %mul3A_179 : vector<16xf32>
        %add3A_235 = arith.addf %mul3A_188, %mul3A_197 : vector<16xf32>
        %add3A_236 = arith.addf %mul3A_206, %mul3A_215 : vector<16xf32>
        %add3A_237 = arith.addf %mul3A_224, %mul3A_233 : vector<16xf32>
        %add3A_238 = arith.addf %add3A_234, %add3A_235 : vector<16xf32>
        %add3A_239 = arith.addf %add3A_236, %add3A_237 : vector<16xf32>
        %add3A_240 = arith.addf %add3A_238, %add3A_239 : vector<16xf32>
        %add3A_241 = arith.constant 1 : i32
        %add3A_242 = arith.addi %add3A_162, %add3A_241 : i32
        %get3A_243 = arith.index_cast %add3A_242 : i32 to index
        %get3A_244 = arith.constant 0 : index
        %get3A_245 = tpu.vector_load %arg10[%get3A_243, %get3A_244] {strides = array<i32>} : memref<80x128xf32, #tpu.memory_space<vmem>>, vector<1x16xf32>,
        %get3A_246 = vector.shape_cast %get3A_245 : vector<1x16xf32> to vector<16xf32>
        %get3A_247 = arith.index_cast %add3A_242 : i32 to index
        %get3A_248 = arith.constant 0 : index
        %get3A_249 = tpu.vector_load %arg14[%get3A_247, %get3A_248] {strides = array<i32>} : memref<80x128xf32, #tpu.memory_space<vmem>>, vector<1x16xf32>,
        %get3A_250 = vector.shape_cast %get3A_249 : vector<1x16xf32> to vector<16xf32>
        %mul3A_251 = arith.mulf %get3A_246, %get3A_250 : vector<16xf32>
        %get3A_252 = arith.index_cast %add3A_242 : i32 to index
        %get3A_253 = arith.constant 16 : index
        %get3A_254 = tpu.vector_load %arg10[%get3A_252, %get3A_253] {strides = array<i32>} : memref<80x128xf32, #tpu.memory_space<vmem>>, vector<1x16xf32>,
        %get3A_255 = vector.shape_cast %get3A_254 : vector<1x16xf32> to vector<16xf32>
        %get3A_256 = arith.index_cast %add3A_242 : i32 to index
        %get3A_257 = arith.constant 16 : index
        %get3A_258 = tpu.vector_load %arg14[%get3A_256, %get3A_257] {strides = array<i32>} : memref<80x128xf32, #tpu.memory_space<vmem>>, vector<1x16xf32>,
        %get3A_259 = vector.shape_cast %get3A_258 : vector<1x16xf32> to vector<16xf32>
        %mul3A_260 = arith.mulf %get3A_255, %get3A_259 : vector<16xf32>
        %get3A_261 = arith.index_cast %add3A_242 : i32 to index
        %get3A_262 = arith.constant 32 : index
        %get3A_263 = tpu.vector_load %arg10[%get3A_261, %get3A_262] {strides = array<i32>} : memref<80x128xf32, #tpu.memory_space<vmem>>, vector<1x16xf32>,
        %get3A_264 = vector.shape_cast %get3A_263 : vector<1x16xf32> to vector<16xf32>
        %get3A_265 = arith.index_cast %add3A_242 : i32 to index
        %get3A_266 = arith.constant 32 : index
        %get3A_267 = tpu.vector_load %arg14[%get3A_265, %get3A_266] {strides = array<i32>} : memref<80x128xf32, #tpu.memory_space<vmem>>, vector<1x16xf32>,
        %get3A_268 = vector.shape_cast %get3A_267 : vector<1x16xf32> to vector<16xf32>
        %mul3A_269 = arith.mulf %get3A_264, %get3A_268 : vector<16xf32>
        %get3A_270 = arith.index_cast %add3A_242 : i32 to index
        %get3A_271 = arith.constant 48 : index
        %get3A_272 = tpu.vector_load %arg10[%get3A_270, %get3A_271] {strides = array<i32>} : memref<80x128xf32, #tpu.memory_space<vmem>>, vector<1x16xf32>,
        %get3A_273 = vector.shape_cast %get3A_272 : vector<1x16xf32> to vector<16xf32>
        %get3A_274 = arith.index_cast %add3A_242 : i32 to index
        %get3A_275 = arith.constant 48 : index
        %get3A_276 = tpu.vector_load %arg14[%get3A_274, %get3A_275] {strides = array<i32>} : memref<80x128xf32, #tpu.memory_space<vmem>>, vector<1x16xf32>,
        %get3A_277 = vector.shape_cast %get3A_276 : vector<1x16xf32> to vector<16xf32>
        %mul3A_278 = arith.mulf %get3A_273, %get3A_277 : vector<16xf32>
        %get3A_279 = arith.index_cast %add3A_242 : i32 to index
        %get3A_280 = arith.constant 64 : index
        %get3A_281 = tpu.vector_load %arg10[%get3A_279, %get3A_280] {strides = array<i32>} : memref<80x128xf32, #tpu.memory_space<vmem>>, vector<1x16xf32>,
        %get3A_282 = vector.shape_cast %get3A_281 : vector<1x16xf32> to vector<16xf32>
        %get3A_283 = arith.index_cast %add3A_242 : i32 to index
        %get3A_284 = arith.constant 64 : index
        %get3A_285 = tpu.vector_load %arg14[%get3A_283, %get3A_284] {strides = array<i32>} : memref<80x128xf32, #tpu.memory_space<vmem>>, vector<1x16xf32>,
        %get3A_286 = vector.shape_cast %get3A_285 : vector<1x16xf32> to vector<16xf32>
        %mul3A_287 = arith.mulf %get3A_282, %get3A_286 : vector<16xf32>
        %get3A_288 = arith.index_cast %add3A_242 : i32 to index
        %get3A_289 = arith.constant 80 : index
        %get3A_290 = tpu.vector_load %arg10[%get3A_288, %get3A_289] {strides = array<i32>} : memref<80x128xf32, #tpu.memory_space<vmem>>, vector<1x16xf32>,
        %get3A_291 = vector.shape_cast %get3A_290 : vector<1x16xf32> to vector<16xf32>
        %get3A_292 = arith.index_cast %add3A_242 : i32 to index
        %get3A_293 = arith.constant 80 : index
        %get3A_294 = tpu.vector_load %arg14[%get3A_292, %get3A_293] {strides = array<i32>} : memref<80x128xf32, #tpu.memory_space<vmem>>, vector<1x16xf32>,
        %get3A_295 = vector.shape_cast %get3A_294 : vector<1x16xf32> to vector<16xf32>
        %mul3A_296 = arith.mulf %get3A_291, %get3A_295 : vector<16xf32>
        %get3A_297 = arith.index_cast %add3A_242 : i32 to index
        %get3A_298 = arith.constant 96 : index
        %get3A_299 = tpu.vector_load %arg10[%get3A_297, %get3A_298] {strides = array<i32>} : memref<80x128xf32, #tpu.memory_space<vmem>>, vector<1x16xf32>,
        %get3A_300 = vector.shape_cast %get3A_299 : vector<1x16xf32> to vector<16xf32>
        %get3A_301 = arith.index_cast %add3A_242 : i32 to index
        %get3A_302 = arith.constant 96 : index
        %get3A_303 = tpu.vector_load %arg14[%get3A_301, %get3A_302] {strides = array<i32>} : memref<80x128xf32, #tpu.memory_space<vmem>>, vector<1x16xf32>,
        %get3A_304 = vector.shape_cast %get3A_303 : vector<1x16xf32> to vector<16xf32>
        %mul3A_305 = arith.mulf %get3A_300, %get3A_304 : vector<16xf32>
        %get3A_306 = arith.index_cast %add3A_242 : i32 to index
        %get3A_307 = arith.constant 112 : index
        %get3A_308 = tpu.vector_load %arg10[%get3A_306, %get3A_307] {strides = array<i32>} : memref<80x128xf32, #tpu.memory_space<vmem>>, vector<1x16xf32>,
        %get3A_309 = vector.shape_cast %get3A_308 : vector<1x16xf32> to vector<16xf32>
        %get3A_310 = arith.index_cast %add3A_242 : i32 to index
        %get3A_311 = arith.constant 112 : index
        %get3A_312 = tpu.vector_load %arg14[%get3A_310, %get3A_311] {strides = array<i32>} : memref<80x128xf32, #tpu.memory_space<vmem>>, vector<1x16xf32>,
        %get3A_313 = vector.shape_cast %get3A_312 : vector<1x16xf32> to vector<16xf32>
        %mul3A_314 = arith.mulf %get3A_309, %get3A_313 : vector<16xf32>
        %add3A_315 = arith.addf %mul3A_251, %mul3A_260 : vector<16xf32>
        %add3A_316 = arith.addf %mul3A_269, %mul3A_278 : vector<16xf32>
        %add3A_317 = arith.addf %mul3A_287, %mul3A_296 : vector<16xf32>
        %add3A_318 = arith.addf %mul3A_305, %mul3A_314 : vector<16xf32>
        %add3A_319 = arith.addf %add3A_315, %add3A_316 : vector<16xf32>
        %add3A_320 = arith.addf %add3A_317, %add3A_318 : vector<16xf32>
        %add3A_321 = arith.addf %add3A_319, %add3A_320 : vector<16xf32>
        %iota3A_322 = tpu.iota {dimensions = array<i32: 0>} : vector<16xi32>
        %and3A = arith.constant 1 : i32
        %and3A_323 = vector.broadcast %and3A : i32 to vector<16xi32>
        %and3A_324 = arith.andi %iota3A_322, %and3A_323 : vector<16xi32>
        %ne3A = arith.constant 0 : i32
        %ne3A_325 = vector.broadcast %ne3A : i32 to vector<16xi32>
        %ne3A_326 = arith.cmpi ne, %and3A_324, %ne3A_325 : vector<16xi32>
        %select_n3A = arith.select %ne3A_326, %add3A_321, %add3A_240 : vector<16xi1>, vector<16xf32>
        %select_n3A_327 = arith.select %ne3A_326, %add3A_240, %add3A_321 : vector<16xi1>, vector<16xf32>
        %xor3A = arith.constant 1 : i32
        %xor3A_328 = vector.broadcast %xor3A : i32 to vector<16xi32>
        %xor3A_329 = arith.xori %iota3A_322, %xor3A_328 : vector<16xi32>
        %reshape3A = vector.shape_cast %xor3A_329 : vector<16xi32> to vector<16x1xi32>
        %gather3A = vector.shape_cast %reshape3A : vector<16x1xi32> to vector<16xi32>
        %gather3A_330 = tpu.dynamic_gather %select_n3A_327[%gather3A] in [0] : vector<16xf32>, vector<16xi32> -> vector<16xf32>
        %add3A_331 = arith.addf %select_n3A, %gather3A_330 : vector<16xf32>
        %add3A_332 = arith.constant 2 : i32
        %add3A_333 = arith.addi %add3A_162, %add3A_332 : i32
        %get3A_334 = arith.index_cast %add3A_333 : i32 to index
        %get3A_335 = arith.constant 0 : index
        %get3A_336 = tpu.vector_load %arg10[%get3A_334, %get3A_335] {strides = array<i32>} : memref<80x128xf32, #tpu.memory_space<vmem>>, vector<1x16xf32>,
        %get3A_337 = vector.shape_cast %get3A_336 : vector<1x16xf32> to vector<16xf32>
        %get3A_338 = arith.index_cast %add3A_333 : i32 to index
        %get3A_339 = arith.constant 0 : index
        %get3A_340 = tpu.vector_load %arg14[%get3A_338, %get3A_339] {strides = array<i32>} : memref<80x128xf32, #tpu.memory_space<vmem>>, vector<1x16xf32>,
        %get3A_341 = vector.shape_cast %get3A_340 : vector<1x16xf32> to vector<16xf32>
        %mul3A_342 = arith.mulf %get3A_337, %get3A_341 : vector<16xf32>
        %get3A_343 = arith.index_cast %add3A_333 : i32 to index
        %get3A_344 = arith.constant 16 : index
        %get3A_345 = tpu.vector_load %arg10[%get3A_343, %get3A_344] {strides = array<i32>} : memref<80x128xf32, #tpu.memory_space<vmem>>, vector<1x16xf32>,
        %get3A_346 = vector.shape_cast %get3A_345 : vector<1x16xf32> to vector<16xf32>
        %get3A_347 = arith.index_cast %add3A_333 : i32 to index
        %get3A_348 = arith.constant 16 : index
        %get3A_349 = tpu.vector_load %arg14[%get3A_347, %get3A_348] {strides = array<i32>} : memref<80x128xf32, #tpu.memory_space<vmem>>, vector<1x16xf32>,
        %get3A_350 = vector.shape_cast %get3A_349 : vector<1x16xf32> to vector<16xf32>
        %mul3A_351 = arith.mulf %get3A_346, %get3A_350 : vector<16xf32>
        %get3A_352 = arith.index_cast %add3A_333 : i32 to index
        %get3A_353 = arith.constant 32 : index
        %get3A_354 = tpu.vector_load %arg10[%get3A_352, %get3A_353] {strides = array<i32>} : memref<80x128xf32, #tpu.memory_space<vmem>>, vector<1x16xf32>,
        %get3A_355 = vector.shape_cast %get3A_354 : vector<1x16xf32> to vector<16xf32>
        %get3A_356 = arith.index_cast %add3A_333 : i32 to index
        %get3A_357 = arith.constant 32 : index
        %get3A_358 = tpu.vector_load %arg14[%get3A_356, %get3A_357] {strides = array<i32>} : memref<80x128xf32, #tpu.memory_space<vmem>>, vector<1x16xf32>,
        %get3A_359 = vector.shape_cast %get3A_358 : vector<1x16xf32> to vector<16xf32>
        %mul3A_360 = arith.mulf %get3A_355, %get3A_359 : vector<16xf32>
        %get3A_361 = arith.index_cast %add3A_333 : i32 to index
        %get3A_362 = arith.constant 48 : index
        %get3A_363 = tpu.vector_load %arg10[%get3A_361, %get3A_362] {strides = array<i32>} : memref<80x128xf32, #tpu.memory_space<vmem>>, vector<1x16xf32>,
        %get3A_364 = vector.shape_cast %get3A_363 : vector<1x16xf32> to vector<16xf32>
        %get3A_365 = arith.index_cast %add3A_333 : i32 to index
        %get3A_366 = arith.constant 48 : index
        %get3A_367 = tpu.vector_load %arg14[%get3A_365, %get3A_366] {strides = array<i32>} : memref<80x128xf32, #tpu.memory_space<vmem>>, vector<1x16xf32>,
        %get3A_368 = vector.shape_cast %get3A_367 : vector<1x16xf32> to vector<16xf32>
        %mul3A_369 = arith.mulf %get3A_364, %get3A_368 : vector<16xf32>
        %get3A_370 = arith.index_cast %add3A_333 : i32 to index
        %get3A_371 = arith.constant 64 : index
        %get3A_372 = tpu.vector_load %arg10[%get3A_370, %get3A_371] {strides = array<i32>} : memref<80x128xf32, #tpu.memory_space<vmem>>, vector<1x16xf32>,
        %get3A_373 = vector.shape_cast %get3A_372 : vector<1x16xf32> to vector<16xf32>
        %get3A_374 = arith.index_cast %add3A_333 : i32 to index
        %get3A_375 = arith.constant 64 : index
        %get3A_376 = tpu.vector_load %arg14[%get3A_374, %get3A_375] {strides = array<i32>} : memref<80x128xf32, #tpu.memory_space<vmem>>, vector<1x16xf32>,
        %get3A_377 = vector.shape_cast %get3A_376 : vector<1x16xf32> to vector<16xf32>
        %mul3A_378 = arith.mulf %get3A_373, %get3A_377 : vector<16xf32>
        %get3A_379 = arith.index_cast %add3A_333 : i32 to index
        %get3A_380 = arith.constant 80 : index
        %get3A_381 = tpu.vector_load %arg10[%get3A_379, %get3A_380] {strides = array<i32>} : memref<80x128xf32, #tpu.memory_space<vmem>>, vector<1x16xf32>,
        %get3A_382 = vector.shape_cast %get3A_381 : vector<1x16xf32> to vector<16xf32>
        %get3A_383 = arith.index_cast %add3A_333 : i32 to index
        %get3A_384 = arith.constant 80 : index
        %get3A_385 = tpu.vector_load %arg14[%get3A_383, %get3A_384] {strides = array<i32>} : memref<80x128xf32, #tpu.memory_space<vmem>>, vector<1x16xf32>,
        %get3A_386 = vector.shape_cast %get3A_385 : vector<1x16xf32> to vector<16xf32>
        %mul3A_387 = arith.mulf %get3A_382, %get3A_386 : vector<16xf32>
        %get3A_388 = arith.index_cast %add3A_333 : i32 to index
        %get3A_389 = arith.constant 96 : index
        %get3A_390 = tpu.vector_load %arg10[%get3A_388, %get3A_389] {strides = array<i32>} : memref<80x128xf32, #tpu.memory_space<vmem>>, vector<1x16xf32>,
        %get3A_391 = vector.shape_cast %get3A_390 : vector<1x16xf32> to vector<16xf32>
        %get3A_392 = arith.index_cast %add3A_333 : i32 to index
        %get3A_393 = arith.constant 96 : index
        %get3A_394 = tpu.vector_load %arg14[%get3A_392, %get3A_393] {strides = array<i32>} : memref<80x128xf32, #tpu.memory_space<vmem>>, vector<1x16xf32>,
        %get3A_395 = vector.shape_cast %get3A_394 : vector<1x16xf32> to vector<16xf32>
        %mul3A_396 = arith.mulf %get3A_391, %get3A_395 : vector<16xf32>
        %get3A_397 = arith.index_cast %add3A_333 : i32 to index
        %get3A_398 = arith.constant 112 : index
        %get3A_399 = tpu.vector_load %arg10[%get3A_397, %get3A_398] {strides = array<i32>} : memref<80x128xf32, #tpu.memory_space<vmem>>, vector<1x16xf32>,
        %get3A_400 = vector.shape_cast %get3A_399 : vector<1x16xf32> to vector<16xf32>
        %get3A_401 = arith.index_cast %add3A_333 : i32 to index
        %get3A_402 = arith.constant 112 : index
        %get3A_403 = tpu.vector_load %arg14[%get3A_401, %get3A_402] {strides = array<i32>} : memref<80x128xf32, #tpu.memory_space<vmem>>, vector<1x16xf32>,
        %get3A_404 = vector.shape_cast %get3A_403 : vector<1x16xf32> to vector<16xf32>
        %mul3A_405 = arith.mulf %get3A_400, %get3A_404 : vector<16xf32>
        %add3A_406 = arith.addf %mul3A_342, %mul3A_351 : vector<16xf32>
        %add3A_407 = arith.addf %mul3A_360, %mul3A_369 : vector<16xf32>
        %add3A_408 = arith.addf %mul3A_378, %mul3A_387 : vector<16xf32>
        %add3A_409 = arith.addf %mul3A_396, %mul3A_405 : vector<16xf32>
        %add3A_410 = arith.addf %add3A_406, %add3A_407 : vector<16xf32>
        %add3A_411 = arith.addf %add3A_408, %add3A_409 : vector<16xf32>
        %add3A_412 = arith.addf %add3A_410, %add3A_411 : vector<16xf32>
        %add3A_413 = arith.constant 1 : i32
        %add3A_414 = arith.addi %add3A_333, %add3A_413 : i32
        %get3A_415 = arith.index_cast %add3A_414 : i32 to index
        %get3A_416 = arith.constant 0 : index
        %get3A_417 = tpu.vector_load %arg10[%get3A_415, %get3A_416] {strides = array<i32>} : memref<80x128xf32, #tpu.memory_space<vmem>>, vector<1x16xf32>,
        %get3A_418 = vector.shape_cast %get3A_417 : vector<1x16xf32> to vector<16xf32>
        %get3A_419 = arith.index_cast %add3A_414 : i32 to index
        %get3A_420 = arith.constant 0 : index
        %get3A_421 = tpu.vector_load %arg14[%get3A_419, %get3A_420] {strides = array<i32>} : memref<80x128xf32, #tpu.memory_space<vmem>>, vector<1x16xf32>,
        %get3A_422 = vector.shape_cast %get3A_421 : vector<1x16xf32> to vector<16xf32>
        %mul3A_423 = arith.mulf %get3A_418, %get3A_422 : vector<16xf32>
        %get3A_424 = arith.index_cast %add3A_414 : i32 to index
        %get3A_425 = arith.constant 16 : index
        %get3A_426 = tpu.vector_load %arg10[%get3A_424, %get3A_425] {strides = array<i32>} : memref<80x128xf32, #tpu.memory_space<vmem>>, vector<1x16xf32>,
        %get3A_427 = vector.shape_cast %get3A_426 : vector<1x16xf32> to vector<16xf32>
        %get3A_428 = arith.index_cast %add3A_414 : i32 to index
        %get3A_429 = arith.constant 16 : index
        %get3A_430 = tpu.vector_load %arg14[%get3A_428, %get3A_429] {strides = array<i32>} : memref<80x128xf32, #tpu.memory_space<vmem>>, vector<1x16xf32>,
        %get3A_431 = vector.shape_cast %get3A_430 : vector<1x16xf32> to vector<16xf32>
        %mul3A_432 = arith.mulf %get3A_427, %get3A_431 : vector<16xf32>
        %get3A_433 = arith.index_cast %add3A_414 : i32 to index
        %get3A_434 = arith.constant 32 : index
        %get3A_435 = tpu.vector_load %arg10[%get3A_433, %get3A_434] {strides = array<i32>} : memref<80x128xf32, #tpu.memory_space<vmem>>, vector<1x16xf32>,
        %get3A_436 = vector.shape_cast %get3A_435 : vector<1x16xf32> to vector<16xf32>
        %get3A_437 = arith.index_cast %add3A_414 : i32 to index
        %get3A_438 = arith.constant 32 : index
        %get3A_439 = tpu.vector_load %arg14[%get3A_437, %get3A_438] {strides = array<i32>} : memref<80x128xf32, #tpu.memory_space<vmem>>, vector<1x16xf32>,
        %get3A_440 = vector.shape_cast %get3A_439 : vector<1x16xf32> to vector<16xf32>
        %mul3A_441 = arith.mulf %get3A_436, %get3A_440 : vector<16xf32>
        %get3A_442 = arith.index_cast %add3A_414 : i32 to index
        %get3A_443 = arith.constant 48 : index
        %get3A_444 = tpu.vector_load %arg10[%get3A_442, %get3A_443] {strides = array<i32>} : memref<80x128xf32, #tpu.memory_space<vmem>>, vector<1x16xf32>,
        %get3A_445 = vector.shape_cast %get3A_444 : vector<1x16xf32> to vector<16xf32>
        %get3A_446 = arith.index_cast %add3A_414 : i32 to index
        %get3A_447 = arith.constant 48 : index
        %get3A_448 = tpu.vector_load %arg14[%get3A_446, %get3A_447] {strides = array<i32>} : memref<80x128xf32, #tpu.memory_space<vmem>>, vector<1x16xf32>,
        %get3A_449 = vector.shape_cast %get3A_448 : vector<1x16xf32> to vector<16xf32>
        %mul3A_450 = arith.mulf %get3A_445, %get3A_449 : vector<16xf32>
        %get3A_451 = arith.index_cast %add3A_414 : i32 to index
        %get3A_452 = arith.constant 64 : index
        %get3A_453 = tpu.vector_load %arg10[%get3A_451, %get3A_452] {strides = array<i32>} : memref<80x128xf32, #tpu.memory_space<vmem>>, vector<1x16xf32>,
        %get3A_454 = vector.shape_cast %get3A_453 : vector<1x16xf32> to vector<16xf32>
        %get3A_455 = arith.index_cast %add3A_414 : i32 to index
        %get3A_456 = arith.constant 64 : index
        %get3A_457 = tpu.vector_load %arg14[%get3A_455, %get3A_456] {strides = array<i32>} : memref<80x128xf32, #tpu.memory_space<vmem>>, vector<1x16xf32>,
        %get3A_458 = vector.shape_cast %get3A_457 : vector<1x16xf32> to vector<16xf32>
        %mul3A_459 = arith.mulf %get3A_454, %get3A_458 : vector<16xf32>
        %get3A_460 = arith.index_cast %add3A_414 : i32 to index
        %get3A_461 = arith.constant 80 : index
        %get3A_462 = tpu.vector_load %arg10[%get3A_460, %get3A_461] {strides = array<i32>} : memref<80x128xf32, #tpu.memory_space<vmem>>, vector<1x16xf32>,
        %get3A_463 = vector.shape_cast %get3A_462 : vector<1x16xf32> to vector<16xf32>
        %get3A_464 = arith.index_cast %add3A_414 : i32 to index
        %get3A_465 = arith.constant 80 : index
        %get3A_466 = tpu.vector_load %arg14[%get3A_464, %get3A_465] {strides = array<i32>} : memref<80x128xf32, #tpu.memory_space<vmem>>, vector<1x16xf32>,
        %get3A_467 = vector.shape_cast %get3A_466 : vector<1x16xf32> to vector<16xf32>
        %mul3A_468 = arith.mulf %get3A_463, %get3A_467 : vector<16xf32>
        %get3A_469 = arith.index_cast %add3A_414 : i32 to index
        %get3A_470 = arith.constant 96 : index
        %get3A_471 = tpu.vector_load %arg10[%get3A_469, %get3A_470] {strides = array<i32>} : memref<80x128xf32, #tpu.memory_space<vmem>>, vector<1x16xf32>,
        %get3A_472 = vector.shape_cast %get3A_471 : vector<1x16xf32> to vector<16xf32>
        %get3A_473 = arith.index_cast %add3A_414 : i32 to index
        %get3A_474 = arith.constant 96 : index
        %get3A_475 = tpu.vector_load %arg14[%get3A_473, %get3A_474] {strides = array<i32>} : memref<80x128xf32, #tpu.memory_space<vmem>>, vector<1x16xf32>,
        %get3A_476 = vector.shape_cast %get3A_475 : vector<1x16xf32> to vector<16xf32>
        %mul3A_477 = arith.mulf %get3A_472, %get3A_476 : vector<16xf32>
        %get3A_478 = arith.index_cast %add3A_414 : i32 to index
        %get3A_479 = arith.constant 112 : index
        %get3A_480 = tpu.vector_load %arg10[%get3A_478, %get3A_479] {strides = array<i32>} : memref<80x128xf32, #tpu.memory_space<vmem>>, vector<1x16xf32>,
        %get3A_481 = vector.shape_cast %get3A_480 : vector<1x16xf32> to vector<16xf32>
        %get3A_482 = arith.index_cast %add3A_414 : i32 to index
        %get3A_483 = arith.constant 112 : index
        %get3A_484 = tpu.vector_load %arg14[%get3A_482, %get3A_483] {strides = array<i32>} : memref<80x128xf32, #tpu.memory_space<vmem>>, vector<1x16xf32>,
        %get3A_485 = vector.shape_cast %get3A_484 : vector<1x16xf32> to vector<16xf32>
        %mul3A_486 = arith.mulf %get3A_481, %get3A_485 : vector<16xf32>
        %add3A_487 = arith.addf %mul3A_423, %mul3A_432 : vector<16xf32>
        %add3A_488 = arith.addf %mul3A_441, %mul3A_450 : vector<16xf32>
        %add3A_489 = arith.addf %mul3A_459, %mul3A_468 : vector<16xf32>
        %add3A_490 = arith.addf %mul3A_477, %mul3A_486 : vector<16xf32>
        %add3A_491 = arith.addf %add3A_487, %add3A_488 : vector<16xf32>
        %add3A_492 = arith.addf %add3A_489, %add3A_490 : vector<16xf32>
        %add3A_493 = arith.addf %add3A_491, %add3A_492 : vector<16xf32>
        %iota3A_494 = tpu.iota {dimensions = array<i32: 0>} : vector<16xi32>
        %and3A_495 = arith.constant 1 : i32
        %and3A_496 = vector.broadcast %and3A_495 : i32 to vector<16xi32>
        %and3A_497 = arith.andi %iota3A_494, %and3A_496 : vector<16xi32>
        %ne3A_498 = arith.constant 0 : i32
        %ne3A_499 = vector.broadcast %ne3A_498 : i32 to vector<16xi32>
        %ne3A_500 = arith.cmpi ne, %and3A_497, %ne3A_499 : vector<16xi32>
        %select_n3A_501 = arith.select %ne3A_500, %add3A_493, %add3A_412 : vector<16xi1>, vector<16xf32>
        %select_n3A_502 = arith.select %ne3A_500, %add3A_412, %add3A_493 : vector<16xi1>, vector<16xf32>
        %xor3A_503 = arith.constant 1 : i32
        %xor3A_504 = vector.broadcast %xor3A_503 : i32 to vector<16xi32>
        %xor3A_505 = arith.xori %iota3A_494, %xor3A_504 : vector<16xi32>
        %reshape3A_506 = vector.shape_cast %xor3A_505 : vector<16xi32> to vector<16x1xi32>
        %gather3A_507 = vector.shape_cast %reshape3A_506 : vector<16x1xi32> to vector<16xi32>
        %gather3A_508 = tpu.dynamic_gather %select_n3A_502[%gather3A_507] in [0] : vector<16xf32>, vector<16xi32> -> vector<16xf32>
        %add3A_509 = arith.addf %select_n3A_501, %gather3A_508 : vector<16xf32>
        %iota3A_510 = tpu.iota {dimensions = array<i32: 0>} : vector<16xi32>
        %and3A_511 = arith.constant 2 : i32
        %and3A_512 = vector.broadcast %and3A_511 : i32 to vector<16xi32>
        %and3A_513 = arith.andi %iota3A_510, %and3A_512 : vector<16xi32>
        %ne3A_514 = arith.constant 0 : i32
        %ne3A_515 = vector.broadcast %ne3A_514 : i32 to vector<16xi32>
        %ne3A_516 = arith.cmpi ne, %and3A_513, %ne3A_515 : vector<16xi32>
        %select_n3A_517 = arith.select %ne3A_516, %add3A_509, %add3A_331 : vector<16xi1>, vector<16xf32>
        %select_n3A_518 = arith.select %ne3A_516, %add3A_331, %add3A_509 : vector<16xi1>, vector<16xf32>
        %xor3A_519 = arith.constant 2 : i32
        %xor3A_520 = vector.broadcast %xor3A_519 : i32 to vector<16xi32>
        %xor3A_521 = arith.xori %iota3A_510, %xor3A_520 : vector<16xi32>
        %reshape3A_522 = vector.shape_cast %xor3A_521 : vector<16xi32> to vector<16x1xi32>
        %gather3A_523 = vector.shape_cast %reshape3A_522 : vector<16x1xi32> to vector<16xi32>
        %gather3A_524 = tpu.dynamic_gather %select_n3A_518[%gather3A_523] in [0] : vector<16xf32>, vector<16xi32> -> vector<16xf32>
        %add3A_525 = arith.addf %select_n3A_517, %gather3A_524 : vector<16xf32>
        %xor3A_526 = arith.constant 4 : i32
        %xor3A_527 = vector.broadcast %xor3A_526 : i32 to vector<16xi32>
        %xor3A_528 = arith.xori %iota3A, %xor3A_527 : vector<16xi32>
        %reshape3A_529 = vector.shape_cast %xor3A_528 : vector<16xi32> to vector<16x1xi32>
        %gather3A_530 = vector.shape_cast %reshape3A_529 : vector<16x1xi32> to vector<16xi32>
        %gather3A_531 = tpu.dynamic_gather %add3A_525[%gather3A_530] in [0] : vector<16xf32>, vector<16xi32> -> vector<16xf32>
        %add3A_532 = arith.addf %add3A_525, %gather3A_531 : vector<16xf32>
        %xor3A_533 = arith.constant 8 : i32
        %xor3A_534 = vector.broadcast %xor3A_533 : i32 to vector<16xi32>
        %xor3A_535 = arith.xori %iota3A, %xor3A_534 : vector<16xi32>
        %reshape3A_536 = vector.shape_cast %xor3A_535 : vector<16xi32> to vector<16x1xi32>
        %gather3A_537 = vector.shape_cast %reshape3A_536 : vector<16x1xi32> to vector<16xi32>
        %gather3A_538 = tpu.dynamic_gather %add3A_532[%gather3A_537] in [0] : vector<16xf32>, vector<16xi32> -> vector<16xf32>
        %add3A_539 = arith.addf %add3A_532, %gather3A_538 : vector<16xf32>
        %shift_right_arithmetic3A = arith.constant 2 : i32
        %shift_right_arithmetic3A_540 = vector.broadcast %shift_right_arithmetic3A : i32 to vector<16xi32>
        %shift_right_arithmetic3A_541 = arith.shrsi %iota3A, %shift_right_arithmetic3A_540 : vector<16xi32>
        %eq3A = vector.broadcast %scan3A_156 : i32 to vector<16xi32>
        %eq3A_542 = arith.cmpi eq, %shift_right_arithmetic3A_541, %eq3A : vector<16xi32>
        %select_n3A_543 = arith.select %eq3A_542, %add3A_539, %scan3A_157 : vector<16xi1>, vector<16xf32>
        scf.yield %select_n3A_543 : vector<16xf32>
      }
      %scan3A_147 = arith.constant 4 : i32
      %mul3A_148 = arith.constant 16 : i32
      %mul3A_149 = arith.muli %scan3A_140, %mul3A_148 : i32
      %add3A_150 = arith.constant 9600 : i32
      %add3A_151 = arith.addi %add3A_150, %mul3A_149 : i32
      %multiple_of3A_152 = tpu.assume_multiple %add3A_151, 8 : i32
      %swap3A = arith.index_cast %multiple_of3A_152 : i32 to index
      %swap3A_153 = tpu.vector_load %arg9[%swap3A] {strides = array<i32>} : memref<10000xf32, #tpu.memory_space<vmem>>, vector<16xf32>,
      %swap3A_154 = vector.shape_cast %swap3A_153 : vector<16xf32> to vector<16xf32>
      %swap3A_155 = vector.shape_cast %scan3A_146 : vector<16xf32> to vector<16xf32>
      tpu.vector_store %arg9[%swap3A], %swap3A_155 {strides = array<i32>} : memref<10000xf32, #tpu.memory_space<vmem>>, vector<16xf32>,
    }
    %scan3A_61 = arith.constant 5 : i32
    %multiple_of3A_62 = arith.constant 9680 : i32
    %multiple_of3A_63 = tpu.assume_multiple %multiple_of3A_62, 8 : i32
    %dma_wait3A_64 = tpu.memref_slice %arg7[%multiple_of3A_63] : memref<10000xi32, #tpu.memory_space<vmem>> -> memref<80xi32, #tpu.memory_space<vmem>>
    %dma_wait3A_65 = arith.constant 0 : i32
    %dma_wait3A_66 = arith.constant 0 : i32
    %dma_wait3A_67 = tpu.memref_slice %arg2[%dma_wait3A_65, %dma_wait3A_66] : memref<10000x128xf32, #tpu.memory_space<hbm>> -> memref<10000x128xf32, #tpu.memory_space<hbm>>
    tpu.wait_indirect_dma semaphore(%arg19 : memref<!tpu.dma_semaphore, #tpu.memory_space<semaphore_mem>>) src(%dma_wait3A_67 : memref<10000x128xf32, #tpu.memory_space<hbm>>) dst(%arg11 : memref<80x128xf32, #tpu.memory_space<vmem>>)
    %dma_wait3A_68 = tpu.memref_slice %arg8[%multiple_of3A_63] : memref<10000xi32, #tpu.memory_space<vmem>> -> memref<80xi32, #tpu.memory_space<vmem>>
    %dma_wait3A_69 = arith.constant 0 : i32
    %dma_wait3A_70 = arith.constant 0 : i32
    %dma_wait3A_71 = tpu.memref_slice %arg3[%dma_wait3A_69, %dma_wait3A_70] : memref<10000x128xf32, #tpu.memory_space<hbm>> -> memref<10000x128xf32, #tpu.memory_space<hbm>>
    tpu.wait_indirect_dma semaphore(%arg23 : memref<!tpu.dma_semaphore, #tpu.memory_space<semaphore_mem>>) src(%dma_wait3A_71 : memref<10000x128xf32, #tpu.memory_space<hbm>>) dst(%arg15 : memref<80x128xf32, #tpu.memory_space<vmem>>)
    %multiple_of3A_72 = arith.constant 9920 : i32
    %multiple_of3A_73 = tpu.assume_multiple %multiple_of3A_72, 8 : i32
    %dma_start3A_74 = tpu.memref_slice %arg7[%multiple_of3A_73] : memref<10000xi32, #tpu.memory_space<vmem>> -> memref<80xi32, #tpu.memory_space<vmem>>
    %dma_start3A_75 = arith.constant 0 : i32
    %dma_start3A_76 = arith.constant 0 : i32
    %dma_start3A_77 = tpu.memref_slice %arg2[%dma_start3A_75, %dma_start3A_76] : memref<10000x128xf32, #tpu.memory_space<hbm>> -> memref<10000x128xf32, #tpu.memory_space<hbm>>
    tpu.enqueue_indirect_dma source(%dma_start3A_77 : memref<10000x128xf32, #tpu.memory_space<hbm>>) target(%arg10 : memref<80x128xf32, #tpu.memory_space<vmem>>) offsets(%dma_start3A_74 : memref<80xi32, #tpu.memory_space<vmem>>) semaphore(%arg18 : memref<!tpu.dma_semaphore, #tpu.memory_space<semaphore_mem>>)
    %dma_start3A_78 = tpu.memref_slice %arg8[%multiple_of3A_73] : memref<10000xi32, #tpu.memory_space<vmem>> -> memref<80xi32, #tpu.memory_space<vmem>>
    %dma_start3A_79 = arith.constant 0 : i32
    %dma_start3A_80 = arith.constant 0 : i32
    %dma_start3A_81 = tpu.memref_slice %arg3[%dma_start3A_79, %dma_start3A_80] : memref<10000x128xf32, #tpu.memory_space<hbm>> -> memref<10000x128xf32, #tpu.memory_space<hbm>>
    tpu.enqueue_indirect_dma source(%dma_start3A_81 : memref<10000x128xf32, #tpu.memory_space<hbm>>) target(%arg14 : memref<80x128xf32, #tpu.memory_space<vmem>>) offsets(%dma_start3A_78 : memref<80xi32, #tpu.memory_space<vmem>>) semaphore(%arg22 : memref<!tpu.dma_semaphore, #tpu.memory_space<semaphore_mem>>)
    %iota3A_82 = tpu.iota {dimensions = array<i32: 0>} : vector<16xi32>
    %scan3A_83 = arith.constant 0 : i32
    %scan3A_84 = arith.constant 0 : i32
    %scan3A_85 = arith.constant 5 : i32
    %scan3A_86 = arith.addi %scan3A_84, %scan3A_85 : i32
    %scan3A_87 = arith.constant 1 : i32
    scf.for %scan3A_140 = %scan3A_84 to %scan3A_86 step %scan3A_87  : i32 {
      %broadcast_in_dim3A = arith.constant 0.000000e+00 : f32
      %broadcast_in_dim3A_141 = vector.broadcast %broadcast_in_dim3A : f32 to vector<16xf32>
      %scan3A_142 = arith.constant 0 : i32
      %scan3A_143 = arith.constant 4 : i32
      %scan3A_144 = arith.addi %scan3A_142, %scan3A_143 : i32
      %scan3A_145 = arith.constant 1 : i32
      %scan3A_146 = scf.for %scan3A_156 = %scan3A_142 to %scan3A_144 step %scan3A_145 iter_args(%scan3A_157 = %broadcast_in_dim3A_141) -> (vector<16xf32>)  : i32 {
        %mul3A_158 = arith.constant 16 : i32
        %mul3A_159 = arith.muli %scan3A_140, %mul3A_158 : i32
        %mul3A_160 = arith.constant 4 : i32
        %mul3A_161 = arith.muli %scan3A_156, %mul3A_160 : i32
        %add3A_162 = arith.addi %mul3A_159, %mul3A_161 : i32
        %get3A = arith.index_cast %add3A_162 : i32 to index
        %get3A_163 = arith.constant 0 : index
        %get3A_164 = tpu.vector_load %arg11[%get3A, %get3A_163] {strides = array<i32>} : memref<80x128xf32, #tpu.memory_space<vmem>>, vector<1x16xf32>,
        %get3A_165 = vector.shape_cast %get3A_164 : vector<1x16xf32> to vector<16xf32>
        %get3A_166 = arith.index_cast %add3A_162 : i32 to index
        %get3A_167 = arith.constant 0 : index
        %get3A_168 = tpu.vector_load %arg15[%get3A_166, %get3A_167] {strides = array<i32>} : memref<80x128xf32, #tpu.memory_space<vmem>>, vector<1x16xf32>,
        %get3A_169 = vector.shape_cast %get3A_168 : vector<1x16xf32> to vector<16xf32>
        %mul3A_170 = arith.mulf %get3A_165, %get3A_169 : vector<16xf32>
        %get3A_171 = arith.index_cast %add3A_162 : i32 to index
        %get3A_172 = arith.constant 16 : index
        %get3A_173 = tpu.vector_load %arg11[%get3A_171, %get3A_172] {strides = array<i32>} : memref<80x128xf32, #tpu.memory_space<vmem>>, vector<1x16xf32>,
        %get3A_174 = vector.shape_cast %get3A_173 : vector<1x16xf32> to vector<16xf32>
        %get3A_175 = arith.index_cast %add3A_162 : i32 to index
        %get3A_176 = arith.constant 16 : index
        %get3A_177 = tpu.vector_load %arg15[%get3A_175, %get3A_176] {strides = array<i32>} : memref<80x128xf32, #tpu.memory_space<vmem>>, vector<1x16xf32>,
        %get3A_178 = vector.shape_cast %get3A_177 : vector<1x16xf32> to vector<16xf32>
        %mul3A_179 = arith.mulf %get3A_174, %get3A_178 : vector<16xf32>
        %get3A_180 = arith.index_cast %add3A_162 : i32 to index
        %get3A_181 = arith.constant 32 : index
        %get3A_182 = tpu.vector_load %arg11[%get3A_180, %get3A_181] {strides = array<i32>} : memref<80x128xf32, #tpu.memory_space<vmem>>, vector<1x16xf32>,
        %get3A_183 = vector.shape_cast %get3A_182 : vector<1x16xf32> to vector<16xf32>
        %get3A_184 = arith.index_cast %add3A_162 : i32 to index
        %get3A_185 = arith.constant 32 : index
        %get3A_186 = tpu.vector_load %arg15[%get3A_184, %get3A_185] {strides = array<i32>} : memref<80x128xf32, #tpu.memory_space<vmem>>, vector<1x16xf32>,
        %get3A_187 = vector.shape_cast %get3A_186 : vector<1x16xf32> to vector<16xf32>
        %mul3A_188 = arith.mulf %get3A_183, %get3A_187 : vector<16xf32>
        %get3A_189 = arith.index_cast %add3A_162 : i32 to index
        %get3A_190 = arith.constant 48 : index
        %get3A_191 = tpu.vector_load %arg11[%get3A_189, %get3A_190] {strides = array<i32>} : memref<80x128xf32, #tpu.memory_space<vmem>>, vector<1x16xf32>,
        %get3A_192 = vector.shape_cast %get3A_191 : vector<1x16xf32> to vector<16xf32>
        %get3A_193 = arith.index_cast %add3A_162 : i32 to index
        %get3A_194 = arith.constant 48 : index
        %get3A_195 = tpu.vector_load %arg15[%get3A_193, %get3A_194] {strides = array<i32>} : memref<80x128xf32, #tpu.memory_space<vmem>>, vector<1x16xf32>,
        %get3A_196 = vector.shape_cast %get3A_195 : vector<1x16xf32> to vector<16xf32>
        %mul3A_197 = arith.mulf %get3A_192, %get3A_196 : vector<16xf32>
        %get3A_198 = arith.index_cast %add3A_162 : i32 to index
        %get3A_199 = arith.constant 64 : index
        %get3A_200 = tpu.vector_load %arg11[%get3A_198, %get3A_199] {strides = array<i32>} : memref<80x128xf32, #tpu.memory_space<vmem>>, vector<1x16xf32>,
        %get3A_201 = vector.shape_cast %get3A_200 : vector<1x16xf32> to vector<16xf32>
        %get3A_202 = arith.index_cast %add3A_162 : i32 to index
        %get3A_203 = arith.constant 64 : index
        %get3A_204 = tpu.vector_load %arg15[%get3A_202, %get3A_203] {strides = array<i32>} : memref<80x128xf32, #tpu.memory_space<vmem>>, vector<1x16xf32>,
        %get3A_205 = vector.shape_cast %get3A_204 : vector<1x16xf32> to vector<16xf32>
        %mul3A_206 = arith.mulf %get3A_201, %get3A_205 : vector<16xf32>
        %get3A_207 = arith.index_cast %add3A_162 : i32 to index
        %get3A_208 = arith.constant 80 : index
        %get3A_209 = tpu.vector_load %arg11[%get3A_207, %get3A_208] {strides = array<i32>} : memref<80x128xf32, #tpu.memory_space<vmem>>, vector<1x16xf32>,
        %get3A_210 = vector.shape_cast %get3A_209 : vector<1x16xf32> to vector<16xf32>
        %get3A_211 = arith.index_cast %add3A_162 : i32 to index
        %get3A_212 = arith.constant 80 : index
        %get3A_213 = tpu.vector_load %arg15[%get3A_211, %get3A_212] {strides = array<i32>} : memref<80x128xf32, #tpu.memory_space<vmem>>, vector<1x16xf32>,
        %get3A_214 = vector.shape_cast %get3A_213 : vector<1x16xf32> to vector<16xf32>
        %mul3A_215 = arith.mulf %get3A_210, %get3A_214 : vector<16xf32>
        %get3A_216 = arith.index_cast %add3A_162 : i32 to index
        %get3A_217 = arith.constant 96 : index
        %get3A_218 = tpu.vector_load %arg11[%get3A_216, %get3A_217] {strides = array<i32>} : memref<80x128xf32, #tpu.memory_space<vmem>>, vector<1x16xf32>,
        %get3A_219 = vector.shape_cast %get3A_218 : vector<1x16xf32> to vector<16xf32>
        %get3A_220 = arith.index_cast %add3A_162 : i32 to index
        %get3A_221 = arith.constant 96 : index
        %get3A_222 = tpu.vector_load %arg15[%get3A_220, %get3A_221] {strides = array<i32>} : memref<80x128xf32, #tpu.memory_space<vmem>>, vector<1x16xf32>,
        %get3A_223 = vector.shape_cast %get3A_222 : vector<1x16xf32> to vector<16xf32>
        %mul3A_224 = arith.mulf %get3A_219, %get3A_223 : vector<16xf32>
        %get3A_225 = arith.index_cast %add3A_162 : i32 to index
        %get3A_226 = arith.constant 112 : index
        %get3A_227 = tpu.vector_load %arg11[%get3A_225, %get3A_226] {strides = array<i32>} : memref<80x128xf32, #tpu.memory_space<vmem>>, vector<1x16xf32>,
        %get3A_228 = vector.shape_cast %get3A_227 : vector<1x16xf32> to vector<16xf32>
        %get3A_229 = arith.index_cast %add3A_162 : i32 to index
        %get3A_230 = arith.constant 112 : index
        %get3A_231 = tpu.vector_load %arg15[%get3A_229, %get3A_230] {strides = array<i32>} : memref<80x128xf32, #tpu.memory_space<vmem>>, vector<1x16xf32>,
        %get3A_232 = vector.shape_cast %get3A_231 : vector<1x16xf32> to vector<16xf32>
        %mul3A_233 = arith.mulf %get3A_228, %get3A_232 : vector<16xf32>
        %add3A_234 = arith.addf %mul3A_170, %mul3A_179 : vector<16xf32>
        %add3A_235 = arith.addf %mul3A_188, %mul3A_197 : vector<16xf32>
        %add3A_236 = arith.addf %mul3A_206, %mul3A_215 : vector<16xf32>
        %add3A_237 = arith.addf %mul3A_224, %mul3A_233 : vector<16xf32>
        %add3A_238 = arith.addf %add3A_234, %add3A_235 : vector<16xf32>
        %add3A_239 = arith.addf %add3A_236, %add3A_237 : vector<16xf32>
        %add3A_240 = arith.addf %add3A_238, %add3A_239 : vector<16xf32>
        %add3A_241 = arith.constant 1 : i32
        %add3A_242 = arith.addi %add3A_162, %add3A_241 : i32
        %get3A_243 = arith.index_cast %add3A_242 : i32 to index
        %get3A_244 = arith.constant 0 : index
        %get3A_245 = tpu.vector_load %arg11[%get3A_243, %get3A_244] {strides = array<i32>} : memref<80x128xf32, #tpu.memory_space<vmem>>, vector<1x16xf32>,
        %get3A_246 = vector.shape_cast %get3A_245 : vector<1x16xf32> to vector<16xf32>
        %get3A_247 = arith.index_cast %add3A_242 : i32 to index
        %get3A_248 = arith.constant 0 : index
        %get3A_249 = tpu.vector_load %arg15[%get3A_247, %get3A_248] {strides = array<i32>} : memref<80x128xf32, #tpu.memory_space<vmem>>, vector<1x16xf32>,
        %get3A_250 = vector.shape_cast %get3A_249 : vector<1x16xf32> to vector<16xf32>
        %mul3A_251 = arith.mulf %get3A_246, %get3A_250 : vector<16xf32>
        %get3A_252 = arith.index_cast %add3A_242 : i32 to index
        %get3A_253 = arith.constant 16 : index
        %get3A_254 = tpu.vector_load %arg11[%get3A_252, %get3A_253] {strides = array<i32>} : memref<80x128xf32, #tpu.memory_space<vmem>>, vector<1x16xf32>,
        %get3A_255 = vector.shape_cast %get3A_254 : vector<1x16xf32> to vector<16xf32>
        %get3A_256 = arith.index_cast %add3A_242 : i32 to index
        %get3A_257 = arith.constant 16 : index
        %get3A_258 = tpu.vector_load %arg15[%get3A_256, %get3A_257] {strides = array<i32>} : memref<80x128xf32, #tpu.memory_space<vmem>>, vector<1x16xf32>,
        %get3A_259 = vector.shape_cast %get3A_258 : vector<1x16xf32> to vector<16xf32>
        %mul3A_260 = arith.mulf %get3A_255, %get3A_259 : vector<16xf32>
        %get3A_261 = arith.index_cast %add3A_242 : i32 to index
        %get3A_262 = arith.constant 32 : index
        %get3A_263 = tpu.vector_load %arg11[%get3A_261, %get3A_262] {strides = array<i32>} : memref<80x128xf32, #tpu.memory_space<vmem>>, vector<1x16xf32>,
        %get3A_264 = vector.shape_cast %get3A_263 : vector<1x16xf32> to vector<16xf32>
        %get3A_265 = arith.index_cast %add3A_242 : i32 to index
        %get3A_266 = arith.constant 32 : index
        %get3A_267 = tpu.vector_load %arg15[%get3A_265, %get3A_266] {strides = array<i32>} : memref<80x128xf32, #tpu.memory_space<vmem>>, vector<1x16xf32>,
        %get3A_268 = vector.shape_cast %get3A_267 : vector<1x16xf32> to vector<16xf32>
        %mul3A_269 = arith.mulf %get3A_264, %get3A_268 : vector<16xf32>
        %get3A_270 = arith.index_cast %add3A_242 : i32 to index
        %get3A_271 = arith.constant 48 : index
        %get3A_272 = tpu.vector_load %arg11[%get3A_270, %get3A_271] {strides = array<i32>} : memref<80x128xf32, #tpu.memory_space<vmem>>, vector<1x16xf32>,
        %get3A_273 = vector.shape_cast %get3A_272 : vector<1x16xf32> to vector<16xf32>
        %get3A_274 = arith.index_cast %add3A_242 : i32 to index
        %get3A_275 = arith.constant 48 : index
        %get3A_276 = tpu.vector_load %arg15[%get3A_274, %get3A_275] {strides = array<i32>} : memref<80x128xf32, #tpu.memory_space<vmem>>, vector<1x16xf32>,
        %get3A_277 = vector.shape_cast %get3A_276 : vector<1x16xf32> to vector<16xf32>
        %mul3A_278 = arith.mulf %get3A_273, %get3A_277 : vector<16xf32>
        %get3A_279 = arith.index_cast %add3A_242 : i32 to index
        %get3A_280 = arith.constant 64 : index
        %get3A_281 = tpu.vector_load %arg11[%get3A_279, %get3A_280] {strides = array<i32>} : memref<80x128xf32, #tpu.memory_space<vmem>>, vector<1x16xf32>,
        %get3A_282 = vector.shape_cast %get3A_281 : vector<1x16xf32> to vector<16xf32>
        %get3A_283 = arith.index_cast %add3A_242 : i32 to index
        %get3A_284 = arith.constant 64 : index
        %get3A_285 = tpu.vector_load %arg15[%get3A_283, %get3A_284] {strides = array<i32>} : memref<80x128xf32, #tpu.memory_space<vmem>>, vector<1x16xf32>,
        %get3A_286 = vector.shape_cast %get3A_285 : vector<1x16xf32> to vector<16xf32>
        %mul3A_287 = arith.mulf %get3A_282, %get3A_286 : vector<16xf32>
        %get3A_288 = arith.index_cast %add3A_242 : i32 to index
        %get3A_289 = arith.constant 80 : index
        %get3A_290 = tpu.vector_load %arg11[%get3A_288, %get3A_289] {strides = array<i32>} : memref<80x128xf32, #tpu.memory_space<vmem>>, vector<1x16xf32>,
        %get3A_291 = vector.shape_cast %get3A_290 : vector<1x16xf32> to vector<16xf32>
        %get3A_292 = arith.index_cast %add3A_242 : i32 to index
        %get3A_293 = arith.constant 80 : index
        %get3A_294 = tpu.vector_load %arg15[%get3A_292, %get3A_293] {strides = array<i32>} : memref<80x128xf32, #tpu.memory_space<vmem>>, vector<1x16xf32>,
        %get3A_295 = vector.shape_cast %get3A_294 : vector<1x16xf32> to vector<16xf32>
        %mul3A_296 = arith.mulf %get3A_291, %get3A_295 : vector<16xf32>
        %get3A_297 = arith.index_cast %add3A_242 : i32 to index
        %get3A_298 = arith.constant 96 : index
        %get3A_299 = tpu.vector_load %arg11[%get3A_297, %get3A_298] {strides = array<i32>} : memref<80x128xf32, #tpu.memory_space<vmem>>, vector<1x16xf32>,
        %get3A_300 = vector.shape_cast %get3A_299 : vector<1x16xf32> to vector<16xf32>
        %get3A_301 = arith.index_cast %add3A_242 : i32 to index
        %get3A_302 = arith.constant 96 : index
        %get3A_303 = tpu.vector_load %arg15[%get3A_301, %get3A_302] {strides = array<i32>} : memref<80x128xf32, #tpu.memory_space<vmem>>, vector<1x16xf32>,
        %get3A_304 = vector.shape_cast %get3A_303 : vector<1x16xf32> to vector<16xf32>
        %mul3A_305 = arith.mulf %get3A_300, %get3A_304 : vector<16xf32>
        %get3A_306 = arith.index_cast %add3A_242 : i32 to index
        %get3A_307 = arith.constant 112 : index
        %get3A_308 = tpu.vector_load %arg11[%get3A_306, %get3A_307] {strides = array<i32>} : memref<80x128xf32, #tpu.memory_space<vmem>>, vector<1x16xf32>,
        %get3A_309 = vector.shape_cast %get3A_308 : vector<1x16xf32> to vector<16xf32>
        %get3A_310 = arith.index_cast %add3A_242 : i32 to index
        %get3A_311 = arith.constant 112 : index
        %get3A_312 = tpu.vector_load %arg15[%get3A_310, %get3A_311] {strides = array<i32>} : memref<80x128xf32, #tpu.memory_space<vmem>>, vector<1x16xf32>,
        %get3A_313 = vector.shape_cast %get3A_312 : vector<1x16xf32> to vector<16xf32>
        %mul3A_314 = arith.mulf %get3A_309, %get3A_313 : vector<16xf32>
        %add3A_315 = arith.addf %mul3A_251, %mul3A_260 : vector<16xf32>
        %add3A_316 = arith.addf %mul3A_269, %mul3A_278 : vector<16xf32>
        %add3A_317 = arith.addf %mul3A_287, %mul3A_296 : vector<16xf32>
        %add3A_318 = arith.addf %mul3A_305, %mul3A_314 : vector<16xf32>
        %add3A_319 = arith.addf %add3A_315, %add3A_316 : vector<16xf32>
        %add3A_320 = arith.addf %add3A_317, %add3A_318 : vector<16xf32>
        %add3A_321 = arith.addf %add3A_319, %add3A_320 : vector<16xf32>
        %iota3A_322 = tpu.iota {dimensions = array<i32: 0>} : vector<16xi32>
        %and3A = arith.constant 1 : i32
        %and3A_323 = vector.broadcast %and3A : i32 to vector<16xi32>
        %and3A_324 = arith.andi %iota3A_322, %and3A_323 : vector<16xi32>
        %ne3A = arith.constant 0 : i32
        %ne3A_325 = vector.broadcast %ne3A : i32 to vector<16xi32>
        %ne3A_326 = arith.cmpi ne, %and3A_324, %ne3A_325 : vector<16xi32>
        %select_n3A = arith.select %ne3A_326, %add3A_321, %add3A_240 : vector<16xi1>, vector<16xf32>
        %select_n3A_327 = arith.select %ne3A_326, %add3A_240, %add3A_321 : vector<16xi1>, vector<16xf32>
        %xor3A = arith.constant 1 : i32
        %xor3A_328 = vector.broadcast %xor3A : i32 to vector<16xi32>
        %xor3A_329 = arith.xori %iota3A_322, %xor3A_328 : vector<16xi32>
        %reshape3A = vector.shape_cast %xor3A_329 : vector<16xi32> to vector<16x1xi32>
        %gather3A = vector.shape_cast %reshape3A : vector<16x1xi32> to vector<16xi32>
        %gather3A_330 = tpu.dynamic_gather %select_n3A_327[%gather3A] in [0] : vector<16xf32>, vector<16xi32> -> vector<16xf32>
        %add3A_331 = arith.addf %select_n3A, %gather3A_330 : vector<16xf32>
        %add3A_332 = arith.constant 2 : i32
        %add3A_333 = arith.addi %add3A_162, %add3A_332 : i32
        %get3A_334 = arith.index_cast %add3A_333 : i32 to index
        %get3A_335 = arith.constant 0 : index
        %get3A_336 = tpu.vector_load %arg11[%get3A_334, %get3A_335] {strides = array<i32>} : memref<80x128xf32, #tpu.memory_space<vmem>>, vector<1x16xf32>,
        %get3A_337 = vector.shape_cast %get3A_336 : vector<1x16xf32> to vector<16xf32>
        %get3A_338 = arith.index_cast %add3A_333 : i32 to index
        %get3A_339 = arith.constant 0 : index
        %get3A_340 = tpu.vector_load %arg15[%get3A_338, %get3A_339] {strides = array<i32>} : memref<80x128xf32, #tpu.memory_space<vmem>>, vector<1x16xf32>,
        %get3A_341 = vector.shape_cast %get3A_340 : vector<1x16xf32> to vector<16xf32>
        %mul3A_342 = arith.mulf %get3A_337, %get3A_341 : vector<16xf32>
        %get3A_343 = arith.index_cast %add3A_333 : i32 to index
        %get3A_344 = arith.constant 16 : index
        %get3A_345 = tpu.vector_load %arg11[%get3A_343, %get3A_344] {strides = array<i32>} : memref<80x128xf32, #tpu.memory_space<vmem>>, vector<1x16xf32>,
        %get3A_346 = vector.shape_cast %get3A_345 : vector<1x16xf32> to vector<16xf32>
        %get3A_347 = arith.index_cast %add3A_333 : i32 to index
        %get3A_348 = arith.constant 16 : index
        %get3A_349 = tpu.vector_load %arg15[%get3A_347, %get3A_348] {strides = array<i32>} : memref<80x128xf32, #tpu.memory_space<vmem>>, vector<1x16xf32>,
        %get3A_350 = vector.shape_cast %get3A_349 : vector<1x16xf32> to vector<16xf32>
        %mul3A_351 = arith.mulf %get3A_346, %get3A_350 : vector<16xf32>
        %get3A_352 = arith.index_cast %add3A_333 : i32 to index
        %get3A_353 = arith.constant 32 : index
        %get3A_354 = tpu.vector_load %arg11[%get3A_352, %get3A_353] {strides = array<i32>} : memref<80x128xf32, #tpu.memory_space<vmem>>, vector<1x16xf32>,
        %get3A_355 = vector.shape_cast %get3A_354 : vector<1x16xf32> to vector<16xf32>
        %get3A_356 = arith.index_cast %add3A_333 : i32 to index
        %get3A_357 = arith.constant 32 : index
        %get3A_358 = tpu.vector_load %arg15[%get3A_356, %get3A_357] {strides = array<i32>} : memref<80x128xf32, #tpu.memory_space<vmem>>, vector<1x16xf32>,
        %get3A_359 = vector.shape_cast %get3A_358 : vector<1x16xf32> to vector<16xf32>
        %mul3A_360 = arith.mulf %get3A_355, %get3A_359 : vector<16xf32>
        %get3A_361 = arith.index_cast %add3A_333 : i32 to index
        %get3A_362 = arith.constant 48 : index
        %get3A_363 = tpu.vector_load %arg11[%get3A_361, %get3A_362] {strides = array<i32>} : memref<80x128xf32, #tpu.memory_space<vmem>>, vector<1x16xf32>,
        %get3A_364 = vector.shape_cast %get3A_363 : vector<1x16xf32> to vector<16xf32>
        %get3A_365 = arith.index_cast %add3A_333 : i32 to index
        %get3A_366 = arith.constant 48 : index
        %get3A_367 = tpu.vector_load %arg15[%get3A_365, %get3A_366] {strides = array<i32>} : memref<80x128xf32, #tpu.memory_space<vmem>>, vector<1x16xf32>,
        %get3A_368 = vector.shape_cast %get3A_367 : vector<1x16xf32> to vector<16xf32>
        %mul3A_369 = arith.mulf %get3A_364, %get3A_368 : vector<16xf32>
        %get3A_370 = arith.index_cast %add3A_333 : i32 to index
        %get3A_371 = arith.constant 64 : index
        %get3A_372 = tpu.vector_load %arg11[%get3A_370, %get3A_371] {strides = array<i32>} : memref<80x128xf32, #tpu.memory_space<vmem>>, vector<1x16xf32>,
        %get3A_373 = vector.shape_cast %get3A_372 : vector<1x16xf32> to vector<16xf32>
        %get3A_374 = arith.index_cast %add3A_333 : i32 to index
        %get3A_375 = arith.constant 64 : index
        %get3A_376 = tpu.vector_load %arg15[%get3A_374, %get3A_375] {strides = array<i32>} : memref<80x128xf32, #tpu.memory_space<vmem>>, vector<1x16xf32>,
        %get3A_377 = vector.shape_cast %get3A_376 : vector<1x16xf32> to vector<16xf32>
        %mul3A_378 = arith.mulf %get3A_373, %get3A_377 : vector<16xf32>
        %get3A_379 = arith.index_cast %add3A_333 : i32 to index
        %get3A_380 = arith.constant 80 : index
        %get3A_381 = tpu.vector_load %arg11[%get3A_379, %get3A_380] {strides = array<i32>} : memref<80x128xf32, #tpu.memory_space<vmem>>, vector<1x16xf32>,
        %get3A_382 = vector.shape_cast %get3A_381 : vector<1x16xf32> to vector<16xf32>
        %get3A_383 = arith.index_cast %add3A_333 : i32 to index
        %get3A_384 = arith.constant 80 : index
        %get3A_385 = tpu.vector_load %arg15[%get3A_383, %get3A_384] {strides = array<i32>} : memref<80x128xf32, #tpu.memory_space<vmem>>, vector<1x16xf32>,
        %get3A_386 = vector.shape_cast %get3A_385 : vector<1x16xf32> to vector<16xf32>
        %mul3A_387 = arith.mulf %get3A_382, %get3A_386 : vector<16xf32>
        %get3A_388 = arith.index_cast %add3A_333 : i32 to index
        %get3A_389 = arith.constant 96 : index
        %get3A_390 = tpu.vector_load %arg11[%get3A_388, %get3A_389] {strides = array<i32>} : memref<80x128xf32, #tpu.memory_space<vmem>>, vector<1x16xf32>,
        %get3A_391 = vector.shape_cast %get3A_390 : vector<1x16xf32> to vector<16xf32>
        %get3A_392 = arith.index_cast %add3A_333 : i32 to index
        %get3A_393 = arith.constant 96 : index
        %get3A_394 = tpu.vector_load %arg15[%get3A_392, %get3A_393] {strides = array<i32>} : memref<80x128xf32, #tpu.memory_space<vmem>>, vector<1x16xf32>,
        %get3A_395 = vector.shape_cast %get3A_394 : vector<1x16xf32> to vector<16xf32>
        %mul3A_396 = arith.mulf %get3A_391, %get3A_395 : vector<16xf32>
        %get3A_397 = arith.index_cast %add3A_333 : i32 to index
        %get3A_398 = arith.constant 112 : index
        %get3A_399 = tpu.vector_load %arg11[%get3A_397, %get3A_398] {strides = array<i32>} : memref<80x128xf32, #tpu.memory_space<vmem>>, vector<1x16xf32>,
        %get3A_400 = vector.shape_cast %get3A_399 : vector<1x16xf32> to vector<16xf32>
        %get3A_401 = arith.index_cast %add3A_333 : i32 to index
        %get3A_402 = arith.constant 112 : index
        %get3A_403 = tpu.vector_load %arg15[%get3A_401, %get3A_402] {strides = array<i32>} : memref<80x128xf32, #tpu.memory_space<vmem>>, vector<1x16xf32>,
        %get3A_404 = vector.shape_cast %get3A_403 : vector<1x16xf32> to vector<16xf32>
        %mul3A_405 = arith.mulf %get3A_400, %get3A_404 : vector<16xf32>
        %add3A_406 = arith.addf %mul3A_342, %mul3A_351 : vector<16xf32>
        %add3A_407 = arith.addf %mul3A_360, %mul3A_369 : vector<16xf32>
        %add3A_408 = arith.addf %mul3A_378, %mul3A_387 : vector<16xf32>
        %add3A_409 = arith.addf %mul3A_396, %mul3A_405 : vector<16xf32>
        %add3A_410 = arith.addf %add3A_406, %add3A_407 : vector<16xf32>
        %add3A_411 = arith.addf %add3A_408, %add3A_409 : vector<16xf32>
        %add3A_412 = arith.addf %add3A_410, %add3A_411 : vector<16xf32>
        %add3A_413 = arith.constant 1 : i32
        %add3A_414 = arith.addi %add3A_333, %add3A_413 : i32
        %get3A_415 = arith.index_cast %add3A_414 : i32 to index
        %get3A_416 = arith.constant 0 : index
        %get3A_417 = tpu.vector_load %arg11[%get3A_415, %get3A_416] {strides = array<i32>} : memref<80x128xf32, #tpu.memory_space<vmem>>, vector<1x16xf32>,
        %get3A_418 = vector.shape_cast %get3A_417 : vector<1x16xf32> to vector<16xf32>
        %get3A_419 = arith.index_cast %add3A_414 : i32 to index
        %get3A_420 = arith.constant 0 : index
        %get3A_421 = tpu.vector_load %arg15[%get3A_419, %get3A_420] {strides = array<i32>} : memref<80x128xf32, #tpu.memory_space<vmem>>, vector<1x16xf32>,
        %get3A_422 = vector.shape_cast %get3A_421 : vector<1x16xf32> to vector<16xf32>
        %mul3A_423 = arith.mulf %get3A_418, %get3A_422 : vector<16xf32>
        %get3A_424 = arith.index_cast %add3A_414 : i32 to index
        %get3A_425 = arith.constant 16 : index
        %get3A_426 = tpu.vector_load %arg11[%get3A_424, %get3A_425] {strides = array<i32>} : memref<80x128xf32, #tpu.memory_space<vmem>>, vector<1x16xf32>,
        %get3A_427 = vector.shape_cast %get3A_426 : vector<1x16xf32> to vector<16xf32>
        %get3A_428 = arith.index_cast %add3A_414 : i32 to index
        %get3A_429 = arith.constant 16 : index
        %get3A_430 = tpu.vector_load %arg15[%get3A_428, %get3A_429] {strides = array<i32>} : memref<80x128xf32, #tpu.memory_space<vmem>>, vector<1x16xf32>,
        %get3A_431 = vector.shape_cast %get3A_430 : vector<1x16xf32> to vector<16xf32>
        %mul3A_432 = arith.mulf %get3A_427, %get3A_431 : vector<16xf32>
        %get3A_433 = arith.index_cast %add3A_414 : i32 to index
        %get3A_434 = arith.constant 32 : index
        %get3A_435 = tpu.vector_load %arg11[%get3A_433, %get3A_434] {strides = array<i32>} : memref<80x128xf32, #tpu.memory_space<vmem>>, vector<1x16xf32>,
        %get3A_436 = vector.shape_cast %get3A_435 : vector<1x16xf32> to vector<16xf32>
        %get3A_437 = arith.index_cast %add3A_414 : i32 to index
        %get3A_438 = arith.constant 32 : index
        %get3A_439 = tpu.vector_load %arg15[%get3A_437, %get3A_438] {strides = array<i32>} : memref<80x128xf32, #tpu.memory_space<vmem>>, vector<1x16xf32>,
        %get3A_440 = vector.shape_cast %get3A_439 : vector<1x16xf32> to vector<16xf32>
        %mul3A_441 = arith.mulf %get3A_436, %get3A_440 : vector<16xf32>
        %get3A_442 = arith.index_cast %add3A_414 : i32 to index
        %get3A_443 = arith.constant 48 : index
        %get3A_444 = tpu.vector_load %arg11[%get3A_442, %get3A_443] {strides = array<i32>} : memref<80x128xf32, #tpu.memory_space<vmem>>, vector<1x16xf32>,
        %get3A_445 = vector.shape_cast %get3A_444 : vector<1x16xf32> to vector<16xf32>
        %get3A_446 = arith.index_cast %add3A_414 : i32 to index
        %get3A_447 = arith.constant 48 : index
        %get3A_448 = tpu.vector_load %arg15[%get3A_446, %get3A_447] {strides = array<i32>} : memref<80x128xf32, #tpu.memory_space<vmem>>, vector<1x16xf32>,
        %get3A_449 = vector.shape_cast %get3A_448 : vector<1x16xf32> to vector<16xf32>
        %mul3A_450 = arith.mulf %get3A_445, %get3A_449 : vector<16xf32>
        %get3A_451 = arith.index_cast %add3A_414 : i32 to index
        %get3A_452 = arith.constant 64 : index
        %get3A_453 = tpu.vector_load %arg11[%get3A_451, %get3A_452] {strides = array<i32>} : memref<80x128xf32, #tpu.memory_space<vmem>>, vector<1x16xf32>,
        %get3A_454 = vector.shape_cast %get3A_453 : vector<1x16xf32> to vector<16xf32>
        %get3A_455 = arith.index_cast %add3A_414 : i32 to index
        %get3A_456 = arith.constant 64 : index
        %get3A_457 = tpu.vector_load %arg15[%get3A_455, %get3A_456] {strides = array<i32>} : memref<80x128xf32, #tpu.memory_space<vmem>>, vector<1x16xf32>,
        %get3A_458 = vector.shape_cast %get3A_457 : vector<1x16xf32> to vector<16xf32>
        %mul3A_459 = arith.mulf %get3A_454, %get3A_458 : vector<16xf32>
        %get3A_460 = arith.index_cast %add3A_414 : i32 to index
        %get3A_461 = arith.constant 80 : index
        %get3A_462 = tpu.vector_load %arg11[%get3A_460, %get3A_461] {strides = array<i32>} : memref<80x128xf32, #tpu.memory_space<vmem>>, vector<1x16xf32>,
        %get3A_463 = vector.shape_cast %get3A_462 : vector<1x16xf32> to vector<16xf32>
        %get3A_464 = arith.index_cast %add3A_414 : i32 to index
        %get3A_465 = arith.constant 80 : index
        %get3A_466 = tpu.vector_load %arg15[%get3A_464, %get3A_465] {strides = array<i32>} : memref<80x128xf32, #tpu.memory_space<vmem>>, vector<1x16xf32>,
        %get3A_467 = vector.shape_cast %get3A_466 : vector<1x16xf32> to vector<16xf32>
        %mul3A_468 = arith.mulf %get3A_463, %get3A_467 : vector<16xf32>
        %get3A_469 = arith.index_cast %add3A_414 : i32 to index
        %get3A_470 = arith.constant 96 : index
        %get3A_471 = tpu.vector_load %arg11[%get3A_469, %get3A_470] {strides = array<i32>} : memref<80x128xf32, #tpu.memory_space<vmem>>, vector<1x16xf32>,
        %get3A_472 = vector.shape_cast %get3A_471 : vector<1x16xf32> to vector<16xf32>
        %get3A_473 = arith.index_cast %add3A_414 : i32 to index
        %get3A_474 = arith.constant 96 : index
        %get3A_475 = tpu.vector_load %arg15[%get3A_473, %get3A_474] {strides = array<i32>} : memref<80x128xf32, #tpu.memory_space<vmem>>, vector<1x16xf32>,
        %get3A_476 = vector.shape_cast %get3A_475 : vector<1x16xf32> to vector<16xf32>
        %mul3A_477 = arith.mulf %get3A_472, %get3A_476 : vector<16xf32>
        %get3A_478 = arith.index_cast %add3A_414 : i32 to index
        %get3A_479 = arith.constant 112 : index
        %get3A_480 = tpu.vector_load %arg11[%get3A_478, %get3A_479] {strides = array<i32>} : memref<80x128xf32, #tpu.memory_space<vmem>>, vector<1x16xf32>,
        %get3A_481 = vector.shape_cast %get3A_480 : vector<1x16xf32> to vector<16xf32>
        %get3A_482 = arith.index_cast %add3A_414 : i32 to index
        %get3A_483 = arith.constant 112 : index
        %get3A_484 = tpu.vector_load %arg15[%get3A_482, %get3A_483] {strides = array<i32>} : memref<80x128xf32, #tpu.memory_space<vmem>>, vector<1x16xf32>,
        %get3A_485 = vector.shape_cast %get3A_484 : vector<1x16xf32> to vector<16xf32>
        %mul3A_486 = arith.mulf %get3A_481, %get3A_485 : vector<16xf32>
        %add3A_487 = arith.addf %mul3A_423, %mul3A_432 : vector<16xf32>
        %add3A_488 = arith.addf %mul3A_441, %mul3A_450 : vector<16xf32>
        %add3A_489 = arith.addf %mul3A_459, %mul3A_468 : vector<16xf32>
        %add3A_490 = arith.addf %mul3A_477, %mul3A_486 : vector<16xf32>
        %add3A_491 = arith.addf %add3A_487, %add3A_488 : vector<16xf32>
        %add3A_492 = arith.addf %add3A_489, %add3A_490 : vector<16xf32>
        %add3A_493 = arith.addf %add3A_491, %add3A_492 : vector<16xf32>
        %iota3A_494 = tpu.iota {dimensions = array<i32: 0>} : vector<16xi32>
        %and3A_495 = arith.constant 1 : i32
        %and3A_496 = vector.broadcast %and3A_495 : i32 to vector<16xi32>
        %and3A_497 = arith.andi %iota3A_494, %and3A_496 : vector<16xi32>
        %ne3A_498 = arith.constant 0 : i32
        %ne3A_499 = vector.broadcast %ne3A_498 : i32 to vector<16xi32>
        %ne3A_500 = arith.cmpi ne, %and3A_497, %ne3A_499 : vector<16xi32>
        %select_n3A_501 = arith.select %ne3A_500, %add3A_493, %add3A_412 : vector<16xi1>, vector<16xf32>
        %select_n3A_502 = arith.select %ne3A_500, %add3A_412, %add3A_493 : vector<16xi1>, vector<16xf32>
        %xor3A_503 = arith.constant 1 : i32
        %xor3A_504 = vector.broadcast %xor3A_503 : i32 to vector<16xi32>
        %xor3A_505 = arith.xori %iota3A_494, %xor3A_504 : vector<16xi32>
        %reshape3A_506 = vector.shape_cast %xor3A_505 : vector<16xi32> to vector<16x1xi32>
        %gather3A_507 = vector.shape_cast %reshape3A_506 : vector<16x1xi32> to vector<16xi32>
        %gather3A_508 = tpu.dynamic_gather %select_n3A_502[%gather3A_507] in [0] : vector<16xf32>, vector<16xi32> -> vector<16xf32>
        %add3A_509 = arith.addf %select_n3A_501, %gather3A_508 : vector<16xf32>
        %iota3A_510 = tpu.iota {dimensions = array<i32: 0>} : vector<16xi32>
        %and3A_511 = arith.constant 2 : i32
        %and3A_512 = vector.broadcast %and3A_511 : i32 to vector<16xi32>
        %and3A_513 = arith.andi %iota3A_510, %and3A_512 : vector<16xi32>
        %ne3A_514 = arith.constant 0 : i32
        %ne3A_515 = vector.broadcast %ne3A_514 : i32 to vector<16xi32>
        %ne3A_516 = arith.cmpi ne, %and3A_513, %ne3A_515 : vector<16xi32>
        %select_n3A_517 = arith.select %ne3A_516, %add3A_509, %add3A_331 : vector<16xi1>, vector<16xf32>
        %select_n3A_518 = arith.select %ne3A_516, %add3A_331, %add3A_509 : vector<16xi1>, vector<16xf32>
        %xor3A_519 = arith.constant 2 : i32
        %xor3A_520 = vector.broadcast %xor3A_519 : i32 to vector<16xi32>
        %xor3A_521 = arith.xori %iota3A_510, %xor3A_520 : vector<16xi32>
        %reshape3A_522 = vector.shape_cast %xor3A_521 : vector<16xi32> to vector<16x1xi32>
        %gather3A_523 = vector.shape_cast %reshape3A_522 : vector<16x1xi32> to vector<16xi32>
        %gather3A_524 = tpu.dynamic_gather %select_n3A_518[%gather3A_523] in [0] : vector<16xf32>, vector<16xi32> -> vector<16xf32>
        %add3A_525 = arith.addf %select_n3A_517, %gather3A_524 : vector<16xf32>
        %xor3A_526 = arith.constant 4 : i32
        %xor3A_527 = vector.broadcast %xor3A_526 : i32 to vector<16xi32>
        %xor3A_528 = arith.xori %iota3A_82, %xor3A_527 : vector<16xi32>
        %reshape3A_529 = vector.shape_cast %xor3A_528 : vector<16xi32> to vector<16x1xi32>
        %gather3A_530 = vector.shape_cast %reshape3A_529 : vector<16x1xi32> to vector<16xi32>
        %gather3A_531 = tpu.dynamic_gather %add3A_525[%gather3A_530] in [0] : vector<16xf32>, vector<16xi32> -> vector<16xf32>
        %add3A_532 = arith.addf %add3A_525, %gather3A_531 : vector<16xf32>
        %xor3A_533 = arith.constant 8 : i32
        %xor3A_534 = vector.broadcast %xor3A_533 : i32 to vector<16xi32>
        %xor3A_535 = arith.xori %iota3A_82, %xor3A_534 : vector<16xi32>
        %reshape3A_536 = vector.shape_cast %xor3A_535 : vector<16xi32> to vector<16x1xi32>
        %gather3A_537 = vector.shape_cast %reshape3A_536 : vector<16x1xi32> to vector<16xi32>
        %gather3A_538 = tpu.dynamic_gather %add3A_532[%gather3A_537] in [0] : vector<16xf32>, vector<16xi32> -> vector<16xf32>
        %add3A_539 = arith.addf %add3A_532, %gather3A_538 : vector<16xf32>
        %shift_right_arithmetic3A = arith.constant 2 : i32
        %shift_right_arithmetic3A_540 = vector.broadcast %shift_right_arithmetic3A : i32 to vector<16xi32>
        %shift_right_arithmetic3A_541 = arith.shrsi %iota3A_82, %shift_right_arithmetic3A_540 : vector<16xi32>
        %eq3A = vector.broadcast %scan3A_156 : i32 to vector<16xi32>
        %eq3A_542 = arith.cmpi eq, %shift_right_arithmetic3A_541, %eq3A : vector<16xi32>
        %select_n3A_543 = arith.select %eq3A_542, %add3A_539, %scan3A_157 : vector<16xi1>, vector<16xf32>
        scf.yield %select_n3A_543 : vector<16xf32>
      }
      %scan3A_147 = arith.constant 4 : i32
      %mul3A_148 = arith.constant 16 : i32
      %mul3A_149 = arith.muli %scan3A_140, %mul3A_148 : i32
      %add3A_150 = arith.constant 9680 : i32
      %add3A_151 = arith.addi %add3A_150, %mul3A_149 : i32
      %multiple_of3A_152 = tpu.assume_multiple %add3A_151, 8 : i32
      %swap3A = arith.index_cast %multiple_of3A_152 : i32 to index
      %swap3A_153 = tpu.vector_load %arg9[%swap3A] {strides = array<i32>} : memref<10000xf32, #tpu.memory_space<vmem>>, vector<16xf32>,
      %swap3A_154 = vector.shape_cast %swap3A_153 : vector<16xf32> to vector<16xf32>
      %swap3A_155 = vector.shape_cast %scan3A_146 : vector<16xf32> to vector<16xf32>
      tpu.vector_store %arg9[%swap3A], %swap3A_155 {strides = array<i32>} : memref<10000xf32, #tpu.memory_space<vmem>>, vector<16xf32>,
    }
    %scan3A_88 = arith.constant 5 : i32
    %multiple_of3A_89 = arith.constant 9760 : i32
    %multiple_of3A_90 = tpu.assume_multiple %multiple_of3A_89, 8 : i32
    %dma_wait3A_91 = tpu.memref_slice %arg7[%multiple_of3A_90] : memref<10000xi32, #tpu.memory_space<vmem>> -> memref<80xi32, #tpu.memory_space<vmem>>
    %dma_wait3A_92 = arith.constant 0 : i32
    %dma_wait3A_93 = arith.constant 0 : i32
    %dma_wait3A_94 = tpu.memref_slice %arg2[%dma_wait3A_92, %dma_wait3A_93] : memref<10000x128xf32, #tpu.memory_space<hbm>> -> memref<10000x128xf32, #tpu.memory_space<hbm>>
    tpu.wait_indirect_dma semaphore(%arg20 : memref<!tpu.dma_semaphore, #tpu.memory_space<semaphore_mem>>) src(%dma_wait3A_94 : memref<10000x128xf32, #tpu.memory_space<hbm>>) dst(%arg12 : memref<80x128xf32, #tpu.memory_space<vmem>>)
    %dma_wait3A_95 = tpu.memref_slice %arg8[%multiple_of3A_90] : memref<10000xi32, #tpu.memory_space<vmem>> -> memref<80xi32, #tpu.memory_space<vmem>>
    %dma_wait3A_96 = arith.constant 0 : i32
    %dma_wait3A_97 = arith.constant 0 : i32
    %dma_wait3A_98 = tpu.memref_slice %arg3[%dma_wait3A_96, %dma_wait3A_97] : memref<10000x128xf32, #tpu.memory_space<hbm>> -> memref<10000x128xf32, #tpu.memory_space<hbm>>
    tpu.wait_indirect_dma semaphore(%arg24 : memref<!tpu.dma_semaphore, #tpu.memory_space<semaphore_mem>>) src(%dma_wait3A_98 : memref<10000x128xf32, #tpu.memory_space<hbm>>) dst(%arg16 : memref<80x128xf32, #tpu.memory_space<vmem>>)
    %iota3A_99 = tpu.iota {dimensions = array<i32: 0>} : vector<16xi32>
    %scan3A_100 = arith.constant 0 : i32
    %scan3A_101 = arith.constant 0 : i32
    %scan3A_102 = arith.constant 5 : i32
    %scan3A_103 = arith.addi %scan3A_101, %scan3A_102 : i32
    %scan3A_104 = arith.constant 1 : i32
    scf.for %scan3A_140 = %scan3A_101 to %scan3A_103 step %scan3A_104  : i32 {
      %broadcast_in_dim3A = arith.constant 0.000000e+00 : f32
      %broadcast_in_dim3A_141 = vector.broadcast %broadcast_in_dim3A : f32 to vector<16xf32>
      %scan3A_142 = arith.constant 0 : i32
      %scan3A_143 = arith.constant 4 : i32
      %scan3A_144 = arith.addi %scan3A_142, %scan3A_143 : i32
      %scan3A_145 = arith.constant 1 : i32
      %scan3A_146 = scf.for %scan3A_156 = %scan3A_142 to %scan3A_144 step %scan3A_145 iter_args(%scan3A_157 = %broadcast_in_dim3A_141) -> (vector<16xf32>)  : i32 {
        %mul3A_158 = arith.constant 16 : i32
        %mul3A_159 = arith.muli %scan3A_140, %mul3A_158 : i32
        %mul3A_160 = arith.constant 4 : i32
        %mul3A_161 = arith.muli %scan3A_156, %mul3A_160 : i32
        %add3A_162 = arith.addi %mul3A_159, %mul3A_161 : i32
        %get3A = arith.index_cast %add3A_162 : i32 to index
        %get3A_163 = arith.constant 0 : index
        %get3A_164 = tpu.vector_load %arg12[%get3A, %get3A_163] {strides = array<i32>} : memref<80x128xf32, #tpu.memory_space<vmem>>, vector<1x16xf32>,
        %get3A_165 = vector.shape_cast %get3A_164 : vector<1x16xf32> to vector<16xf32>
        %get3A_166 = arith.index_cast %add3A_162 : i32 to index
        %get3A_167 = arith.constant 0 : index
        %get3A_168 = tpu.vector_load %arg16[%get3A_166, %get3A_167] {strides = array<i32>} : memref<80x128xf32, #tpu.memory_space<vmem>>, vector<1x16xf32>,
        %get3A_169 = vector.shape_cast %get3A_168 : vector<1x16xf32> to vector<16xf32>
        %mul3A_170 = arith.mulf %get3A_165, %get3A_169 : vector<16xf32>
        %get3A_171 = arith.index_cast %add3A_162 : i32 to index
        %get3A_172 = arith.constant 16 : index
        %get3A_173 = tpu.vector_load %arg12[%get3A_171, %get3A_172] {strides = array<i32>} : memref<80x128xf32, #tpu.memory_space<vmem>>, vector<1x16xf32>,
        %get3A_174 = vector.shape_cast %get3A_173 : vector<1x16xf32> to vector<16xf32>
        %get3A_175 = arith.index_cast %add3A_162 : i32 to index
        %get3A_176 = arith.constant 16 : index
        %get3A_177 = tpu.vector_load %arg16[%get3A_175, %get3A_176] {strides = array<i32>} : memref<80x128xf32, #tpu.memory_space<vmem>>, vector<1x16xf32>,
        %get3A_178 = vector.shape_cast %get3A_177 : vector<1x16xf32> to vector<16xf32>
        %mul3A_179 = arith.mulf %get3A_174, %get3A_178 : vector<16xf32>
        %get3A_180 = arith.index_cast %add3A_162 : i32 to index
        %get3A_181 = arith.constant 32 : index
        %get3A_182 = tpu.vector_load %arg12[%get3A_180, %get3A_181] {strides = array<i32>} : memref<80x128xf32, #tpu.memory_space<vmem>>, vector<1x16xf32>,
        %get3A_183 = vector.shape_cast %get3A_182 : vector<1x16xf32> to vector<16xf32>
        %get3A_184 = arith.index_cast %add3A_162 : i32 to index
        %get3A_185 = arith.constant 32 : index
        %get3A_186 = tpu.vector_load %arg16[%get3A_184, %get3A_185] {strides = array<i32>} : memref<80x128xf32, #tpu.memory_space<vmem>>, vector<1x16xf32>,
        %get3A_187 = vector.shape_cast %get3A_186 : vector<1x16xf32> to vector<16xf32>
        %mul3A_188 = arith.mulf %get3A_183, %get3A_187 : vector<16xf32>
        %get3A_189 = arith.index_cast %add3A_162 : i32 to index
        %get3A_190 = arith.constant 48 : index
        %get3A_191 = tpu.vector_load %arg12[%get3A_189, %get3A_190] {strides = array<i32>} : memref<80x128xf32, #tpu.memory_space<vmem>>, vector<1x16xf32>,
        %get3A_192 = vector.shape_cast %get3A_191 : vector<1x16xf32> to vector<16xf32>
        %get3A_193 = arith.index_cast %add3A_162 : i32 to index
        %get3A_194 = arith.constant 48 : index
        %get3A_195 = tpu.vector_load %arg16[%get3A_193, %get3A_194] {strides = array<i32>} : memref<80x128xf32, #tpu.memory_space<vmem>>, vector<1x16xf32>,
        %get3A_196 = vector.shape_cast %get3A_195 : vector<1x16xf32> to vector<16xf32>
        %mul3A_197 = arith.mulf %get3A_192, %get3A_196 : vector<16xf32>
        %get3A_198 = arith.index_cast %add3A_162 : i32 to index
        %get3A_199 = arith.constant 64 : index
        %get3A_200 = tpu.vector_load %arg12[%get3A_198, %get3A_199] {strides = array<i32>} : memref<80x128xf32, #tpu.memory_space<vmem>>, vector<1x16xf32>,
        %get3A_201 = vector.shape_cast %get3A_200 : vector<1x16xf32> to vector<16xf32>
        %get3A_202 = arith.index_cast %add3A_162 : i32 to index
        %get3A_203 = arith.constant 64 : index
        %get3A_204 = tpu.vector_load %arg16[%get3A_202, %get3A_203] {strides = array<i32>} : memref<80x128xf32, #tpu.memory_space<vmem>>, vector<1x16xf32>,
        %get3A_205 = vector.shape_cast %get3A_204 : vector<1x16xf32> to vector<16xf32>
        %mul3A_206 = arith.mulf %get3A_201, %get3A_205 : vector<16xf32>
        %get3A_207 = arith.index_cast %add3A_162 : i32 to index
        %get3A_208 = arith.constant 80 : index
        %get3A_209 = tpu.vector_load %arg12[%get3A_207, %get3A_208] {strides = array<i32>} : memref<80x128xf32, #tpu.memory_space<vmem>>, vector<1x16xf32>,
        %get3A_210 = vector.shape_cast %get3A_209 : vector<1x16xf32> to vector<16xf32>
        %get3A_211 = arith.index_cast %add3A_162 : i32 to index
        %get3A_212 = arith.constant 80 : index
        %get3A_213 = tpu.vector_load %arg16[%get3A_211, %get3A_212] {strides = array<i32>} : memref<80x128xf32, #tpu.memory_space<vmem>>, vector<1x16xf32>,
        %get3A_214 = vector.shape_cast %get3A_213 : vector<1x16xf32> to vector<16xf32>
        %mul3A_215 = arith.mulf %get3A_210, %get3A_214 : vector<16xf32>
        %get3A_216 = arith.index_cast %add3A_162 : i32 to index
        %get3A_217 = arith.constant 96 : index
        %get3A_218 = tpu.vector_load %arg12[%get3A_216, %get3A_217] {strides = array<i32>} : memref<80x128xf32, #tpu.memory_space<vmem>>, vector<1x16xf32>,
        %get3A_219 = vector.shape_cast %get3A_218 : vector<1x16xf32> to vector<16xf32>
        %get3A_220 = arith.index_cast %add3A_162 : i32 to index
        %get3A_221 = arith.constant 96 : index
        %get3A_222 = tpu.vector_load %arg16[%get3A_220, %get3A_221] {strides = array<i32>} : memref<80x128xf32, #tpu.memory_space<vmem>>, vector<1x16xf32>,
        %get3A_223 = vector.shape_cast %get3A_222 : vector<1x16xf32> to vector<16xf32>
        %mul3A_224 = arith.mulf %get3A_219, %get3A_223 : vector<16xf32>
        %get3A_225 = arith.index_cast %add3A_162 : i32 to index
        %get3A_226 = arith.constant 112 : index
        %get3A_227 = tpu.vector_load %arg12[%get3A_225, %get3A_226] {strides = array<i32>} : memref<80x128xf32, #tpu.memory_space<vmem>>, vector<1x16xf32>,
        %get3A_228 = vector.shape_cast %get3A_227 : vector<1x16xf32> to vector<16xf32>
        %get3A_229 = arith.index_cast %add3A_162 : i32 to index
        %get3A_230 = arith.constant 112 : index
        %get3A_231 = tpu.vector_load %arg16[%get3A_229, %get3A_230] {strides = array<i32>} : memref<80x128xf32, #tpu.memory_space<vmem>>, vector<1x16xf32>,
        %get3A_232 = vector.shape_cast %get3A_231 : vector<1x16xf32> to vector<16xf32>
        %mul3A_233 = arith.mulf %get3A_228, %get3A_232 : vector<16xf32>
        %add3A_234 = arith.addf %mul3A_170, %mul3A_179 : vector<16xf32>
        %add3A_235 = arith.addf %mul3A_188, %mul3A_197 : vector<16xf32>
        %add3A_236 = arith.addf %mul3A_206, %mul3A_215 : vector<16xf32>
        %add3A_237 = arith.addf %mul3A_224, %mul3A_233 : vector<16xf32>
        %add3A_238 = arith.addf %add3A_234, %add3A_235 : vector<16xf32>
        %add3A_239 = arith.addf %add3A_236, %add3A_237 : vector<16xf32>
        %add3A_240 = arith.addf %add3A_238, %add3A_239 : vector<16xf32>
        %add3A_241 = arith.constant 1 : i32
        %add3A_242 = arith.addi %add3A_162, %add3A_241 : i32
        %get3A_243 = arith.index_cast %add3A_242 : i32 to index
        %get3A_244 = arith.constant 0 : index
        %get3A_245 = tpu.vector_load %arg12[%get3A_243, %get3A_244] {strides = array<i32>} : memref<80x128xf32, #tpu.memory_space<vmem>>, vector<1x16xf32>,
        %get3A_246 = vector.shape_cast %get3A_245 : vector<1x16xf32> to vector<16xf32>
        %get3A_247 = arith.index_cast %add3A_242 : i32 to index
        %get3A_248 = arith.constant 0 : index
        %get3A_249 = tpu.vector_load %arg16[%get3A_247, %get3A_248] {strides = array<i32>} : memref<80x128xf32, #tpu.memory_space<vmem>>, vector<1x16xf32>,
        %get3A_250 = vector.shape_cast %get3A_249 : vector<1x16xf32> to vector<16xf32>
        %mul3A_251 = arith.mulf %get3A_246, %get3A_250 : vector<16xf32>
        %get3A_252 = arith.index_cast %add3A_242 : i32 to index
        %get3A_253 = arith.constant 16 : index
        %get3A_254 = tpu.vector_load %arg12[%get3A_252, %get3A_253] {strides = array<i32>} : memref<80x128xf32, #tpu.memory_space<vmem>>, vector<1x16xf32>,
        %get3A_255 = vector.shape_cast %get3A_254 : vector<1x16xf32> to vector<16xf32>
        %get3A_256 = arith.index_cast %add3A_242 : i32 to index
        %get3A_257 = arith.constant 16 : index
        %get3A_258 = tpu.vector_load %arg16[%get3A_256, %get3A_257] {strides = array<i32>} : memref<80x128xf32, #tpu.memory_space<vmem>>, vector<1x16xf32>,
        %get3A_259 = vector.shape_cast %get3A_258 : vector<1x16xf32> to vector<16xf32>
        %mul3A_260 = arith.mulf %get3A_255, %get3A_259 : vector<16xf32>
        %get3A_261 = arith.index_cast %add3A_242 : i32 to index
        %get3A_262 = arith.constant 32 : index
        %get3A_263 = tpu.vector_load %arg12[%get3A_261, %get3A_262] {strides = array<i32>} : memref<80x128xf32, #tpu.memory_space<vmem>>, vector<1x16xf32>,
        %get3A_264 = vector.shape_cast %get3A_263 : vector<1x16xf32> to vector<16xf32>
        %get3A_265 = arith.index_cast %add3A_242 : i32 to index
        %get3A_266 = arith.constant 32 : index
        %get3A_267 = tpu.vector_load %arg16[%get3A_265, %get3A_266] {strides = array<i32>} : memref<80x128xf32, #tpu.memory_space<vmem>>, vector<1x16xf32>,
        %get3A_268 = vector.shape_cast %get3A_267 : vector<1x16xf32> to vector<16xf32>
        %mul3A_269 = arith.mulf %get3A_264, %get3A_268 : vector<16xf32>
        %get3A_270 = arith.index_cast %add3A_242 : i32 to index
        %get3A_271 = arith.constant 48 : index
        %get3A_272 = tpu.vector_load %arg12[%get3A_270, %get3A_271] {strides = array<i32>} : memref<80x128xf32, #tpu.memory_space<vmem>>, vector<1x16xf32>,
        %get3A_273 = vector.shape_cast %get3A_272 : vector<1x16xf32> to vector<16xf32>
        %get3A_274 = arith.index_cast %add3A_242 : i32 to index
        %get3A_275 = arith.constant 48 : index
        %get3A_276 = tpu.vector_load %arg16[%get3A_274, %get3A_275] {strides = array<i32>} : memref<80x128xf32, #tpu.memory_space<vmem>>, vector<1x16xf32>,
        %get3A_277 = vector.shape_cast %get3A_276 : vector<1x16xf32> to vector<16xf32>
        %mul3A_278 = arith.mulf %get3A_273, %get3A_277 : vector<16xf32>
        %get3A_279 = arith.index_cast %add3A_242 : i32 to index
        %get3A_280 = arith.constant 64 : index
        %get3A_281 = tpu.vector_load %arg12[%get3A_279, %get3A_280] {strides = array<i32>} : memref<80x128xf32, #tpu.memory_space<vmem>>, vector<1x16xf32>,
        %get3A_282 = vector.shape_cast %get3A_281 : vector<1x16xf32> to vector<16xf32>
        %get3A_283 = arith.index_cast %add3A_242 : i32 to index
        %get3A_284 = arith.constant 64 : index
        %get3A_285 = tpu.vector_load %arg16[%get3A_283, %get3A_284] {strides = array<i32>} : memref<80x128xf32, #tpu.memory_space<vmem>>, vector<1x16xf32>,
        %get3A_286 = vector.shape_cast %get3A_285 : vector<1x16xf32> to vector<16xf32>
        %mul3A_287 = arith.mulf %get3A_282, %get3A_286 : vector<16xf32>
        %get3A_288 = arith.index_cast %add3A_242 : i32 to index
        %get3A_289 = arith.constant 80 : index
        %get3A_290 = tpu.vector_load %arg12[%get3A_288, %get3A_289] {strides = array<i32>} : memref<80x128xf32, #tpu.memory_space<vmem>>, vector<1x16xf32>,
        %get3A_291 = vector.shape_cast %get3A_290 : vector<1x16xf32> to vector<16xf32>
        %get3A_292 = arith.index_cast %add3A_242 : i32 to index
        %get3A_293 = arith.constant 80 : index
        %get3A_294 = tpu.vector_load %arg16[%get3A_292, %get3A_293] {strides = array<i32>} : memref<80x128xf32, #tpu.memory_space<vmem>>, vector<1x16xf32>,
        %get3A_295 = vector.shape_cast %get3A_294 : vector<1x16xf32> to vector<16xf32>
        %mul3A_296 = arith.mulf %get3A_291, %get3A_295 : vector<16xf32>
        %get3A_297 = arith.index_cast %add3A_242 : i32 to index
        %get3A_298 = arith.constant 96 : index
        %get3A_299 = tpu.vector_load %arg12[%get3A_297, %get3A_298] {strides = array<i32>} : memref<80x128xf32, #tpu.memory_space<vmem>>, vector<1x16xf32>,
        %get3A_300 = vector.shape_cast %get3A_299 : vector<1x16xf32> to vector<16xf32>
        %get3A_301 = arith.index_cast %add3A_242 : i32 to index
        %get3A_302 = arith.constant 96 : index
        %get3A_303 = tpu.vector_load %arg16[%get3A_301, %get3A_302] {strides = array<i32>} : memref<80x128xf32, #tpu.memory_space<vmem>>, vector<1x16xf32>,
        %get3A_304 = vector.shape_cast %get3A_303 : vector<1x16xf32> to vector<16xf32>
        %mul3A_305 = arith.mulf %get3A_300, %get3A_304 : vector<16xf32>
        %get3A_306 = arith.index_cast %add3A_242 : i32 to index
        %get3A_307 = arith.constant 112 : index
        %get3A_308 = tpu.vector_load %arg12[%get3A_306, %get3A_307] {strides = array<i32>} : memref<80x128xf32, #tpu.memory_space<vmem>>, vector<1x16xf32>,
        %get3A_309 = vector.shape_cast %get3A_308 : vector<1x16xf32> to vector<16xf32>
        %get3A_310 = arith.index_cast %add3A_242 : i32 to index
        %get3A_311 = arith.constant 112 : index
        %get3A_312 = tpu.vector_load %arg16[%get3A_310, %get3A_311] {strides = array<i32>} : memref<80x128xf32, #tpu.memory_space<vmem>>, vector<1x16xf32>,
        %get3A_313 = vector.shape_cast %get3A_312 : vector<1x16xf32> to vector<16xf32>
        %mul3A_314 = arith.mulf %get3A_309, %get3A_313 : vector<16xf32>
        %add3A_315 = arith.addf %mul3A_251, %mul3A_260 : vector<16xf32>
        %add3A_316 = arith.addf %mul3A_269, %mul3A_278 : vector<16xf32>
        %add3A_317 = arith.addf %mul3A_287, %mul3A_296 : vector<16xf32>
        %add3A_318 = arith.addf %mul3A_305, %mul3A_314 : vector<16xf32>
        %add3A_319 = arith.addf %add3A_315, %add3A_316 : vector<16xf32>
        %add3A_320 = arith.addf %add3A_317, %add3A_318 : vector<16xf32>
        %add3A_321 = arith.addf %add3A_319, %add3A_320 : vector<16xf32>
        %iota3A_322 = tpu.iota {dimensions = array<i32: 0>} : vector<16xi32>
        %and3A = arith.constant 1 : i32
        %and3A_323 = vector.broadcast %and3A : i32 to vector<16xi32>
        %and3A_324 = arith.andi %iota3A_322, %and3A_323 : vector<16xi32>
        %ne3A = arith.constant 0 : i32
        %ne3A_325 = vector.broadcast %ne3A : i32 to vector<16xi32>
        %ne3A_326 = arith.cmpi ne, %and3A_324, %ne3A_325 : vector<16xi32>
        %select_n3A = arith.select %ne3A_326, %add3A_321, %add3A_240 : vector<16xi1>, vector<16xf32>
        %select_n3A_327 = arith.select %ne3A_326, %add3A_240, %add3A_321 : vector<16xi1>, vector<16xf32>
        %xor3A = arith.constant 1 : i32
        %xor3A_328 = vector.broadcast %xor3A : i32 to vector<16xi32>
        %xor3A_329 = arith.xori %iota3A_322, %xor3A_328 : vector<16xi32>
        %reshape3A = vector.shape_cast %xor3A_329 : vector<16xi32> to vector<16x1xi32>
        %gather3A = vector.shape_cast %reshape3A : vector<16x1xi32> to vector<16xi32>
        %gather3A_330 = tpu.dynamic_gather %select_n3A_327[%gather3A] in [0] : vector<16xf32>, vector<16xi32> -> vector<16xf32>
        %add3A_331 = arith.addf %select_n3A, %gather3A_330 : vector<16xf32>
        %add3A_332 = arith.constant 2 : i32
        %add3A_333 = arith.addi %add3A_162, %add3A_332 : i32
        %get3A_334 = arith.index_cast %add3A_333 : i32 to index
        %get3A_335 = arith.constant 0 : index
        %get3A_336 = tpu.vector_load %arg12[%get3A_334, %get3A_335] {strides = array<i32>} : memref<80x128xf32, #tpu.memory_space<vmem>>, vector<1x16xf32>,
        %get3A_337 = vector.shape_cast %get3A_336 : vector<1x16xf32> to vector<16xf32>
        %get3A_338 = arith.index_cast %add3A_333 : i32 to index
        %get3A_339 = arith.constant 0 : index
        %get3A_340 = tpu.vector_load %arg16[%get3A_338, %get3A_339] {strides = array<i32>} : memref<80x128xf32, #tpu.memory_space<vmem>>, vector<1x16xf32>,
        %get3A_341 = vector.shape_cast %get3A_340 : vector<1x16xf32> to vector<16xf32>
        %mul3A_342 = arith.mulf %get3A_337, %get3A_341 : vector<16xf32>
        %get3A_343 = arith.index_cast %add3A_333 : i32 to index
        %get3A_344 = arith.constant 16 : index
        %get3A_345 = tpu.vector_load %arg12[%get3A_343, %get3A_344] {strides = array<i32>} : memref<80x128xf32, #tpu.memory_space<vmem>>, vector<1x16xf32>,
        %get3A_346 = vector.shape_cast %get3A_345 : vector<1x16xf32> to vector<16xf32>
        %get3A_347 = arith.index_cast %add3A_333 : i32 to index
        %get3A_348 = arith.constant 16 : index
        %get3A_349 = tpu.vector_load %arg16[%get3A_347, %get3A_348] {strides = array<i32>} : memref<80x128xf32, #tpu.memory_space<vmem>>, vector<1x16xf32>,
        %get3A_350 = vector.shape_cast %get3A_349 : vector<1x16xf32> to vector<16xf32>
        %mul3A_351 = arith.mulf %get3A_346, %get3A_350 : vector<16xf32>
        %get3A_352 = arith.index_cast %add3A_333 : i32 to index
        %get3A_353 = arith.constant 32 : index
        %get3A_354 = tpu.vector_load %arg12[%get3A_352, %get3A_353] {strides = array<i32>} : memref<80x128xf32, #tpu.memory_space<vmem>>, vector<1x16xf32>,
        %get3A_355 = vector.shape_cast %get3A_354 : vector<1x16xf32> to vector<16xf32>
        %get3A_356 = arith.index_cast %add3A_333 : i32 to index
        %get3A_357 = arith.constant 32 : index
        %get3A_358 = tpu.vector_load %arg16[%get3A_356, %get3A_357] {strides = array<i32>} : memref<80x128xf32, #tpu.memory_space<vmem>>, vector<1x16xf32>,
        %get3A_359 = vector.shape_cast %get3A_358 : vector<1x16xf32> to vector<16xf32>
        %mul3A_360 = arith.mulf %get3A_355, %get3A_359 : vector<16xf32>
        %get3A_361 = arith.index_cast %add3A_333 : i32 to index
        %get3A_362 = arith.constant 48 : index
        %get3A_363 = tpu.vector_load %arg12[%get3A_361, %get3A_362] {strides = array<i32>} : memref<80x128xf32, #tpu.memory_space<vmem>>, vector<1x16xf32>,
        %get3A_364 = vector.shape_cast %get3A_363 : vector<1x16xf32> to vector<16xf32>
        %get3A_365 = arith.index_cast %add3A_333 : i32 to index
        %get3A_366 = arith.constant 48 : index
        %get3A_367 = tpu.vector_load %arg16[%get3A_365, %get3A_366] {strides = array<i32>} : memref<80x128xf32, #tpu.memory_space<vmem>>, vector<1x16xf32>,
        %get3A_368 = vector.shape_cast %get3A_367 : vector<1x16xf32> to vector<16xf32>
        %mul3A_369 = arith.mulf %get3A_364, %get3A_368 : vector<16xf32>
        %get3A_370 = arith.index_cast %add3A_333 : i32 to index
        %get3A_371 = arith.constant 64 : index
        %get3A_372 = tpu.vector_load %arg12[%get3A_370, %get3A_371] {strides = array<i32>} : memref<80x128xf32, #tpu.memory_space<vmem>>, vector<1x16xf32>,
        %get3A_373 = vector.shape_cast %get3A_372 : vector<1x16xf32> to vector<16xf32>
        %get3A_374 = arith.index_cast %add3A_333 : i32 to index
        %get3A_375 = arith.constant 64 : index
        %get3A_376 = tpu.vector_load %arg16[%get3A_374, %get3A_375] {strides = array<i32>} : memref<80x128xf32, #tpu.memory_space<vmem>>, vector<1x16xf32>,
        %get3A_377 = vector.shape_cast %get3A_376 : vector<1x16xf32> to vector<16xf32>
        %mul3A_378 = arith.mulf %get3A_373, %get3A_377 : vector<16xf32>
        %get3A_379 = arith.index_cast %add3A_333 : i32 to index
        %get3A_380 = arith.constant 80 : index
        %get3A_381 = tpu.vector_load %arg12[%get3A_379, %get3A_380] {strides = array<i32>} : memref<80x128xf32, #tpu.memory_space<vmem>>, vector<1x16xf32>,
        %get3A_382 = vector.shape_cast %get3A_381 : vector<1x16xf32> to vector<16xf32>
        %get3A_383 = arith.index_cast %add3A_333 : i32 to index
        %get3A_384 = arith.constant 80 : index
        %get3A_385 = tpu.vector_load %arg16[%get3A_383, %get3A_384] {strides = array<i32>} : memref<80x128xf32, #tpu.memory_space<vmem>>, vector<1x16xf32>,
        %get3A_386 = vector.shape_cast %get3A_385 : vector<1x16xf32> to vector<16xf32>
        %mul3A_387 = arith.mulf %get3A_382, %get3A_386 : vector<16xf32>
        %get3A_388 = arith.index_cast %add3A_333 : i32 to index
        %get3A_389 = arith.constant 96 : index
        %get3A_390 = tpu.vector_load %arg12[%get3A_388, %get3A_389] {strides = array<i32>} : memref<80x128xf32, #tpu.memory_space<vmem>>, vector<1x16xf32>,
        %get3A_391 = vector.shape_cast %get3A_390 : vector<1x16xf32> to vector<16xf32>
        %get3A_392 = arith.index_cast %add3A_333 : i32 to index
        %get3A_393 = arith.constant 96 : index
        %get3A_394 = tpu.vector_load %arg16[%get3A_392, %get3A_393] {strides = array<i32>} : memref<80x128xf32, #tpu.memory_space<vmem>>, vector<1x16xf32>,
        %get3A_395 = vector.shape_cast %get3A_394 : vector<1x16xf32> to vector<16xf32>
        %mul3A_396 = arith.mulf %get3A_391, %get3A_395 : vector<16xf32>
        %get3A_397 = arith.index_cast %add3A_333 : i32 to index
        %get3A_398 = arith.constant 112 : index
        %get3A_399 = tpu.vector_load %arg12[%get3A_397, %get3A_398] {strides = array<i32>} : memref<80x128xf32, #tpu.memory_space<vmem>>, vector<1x16xf32>,
        %get3A_400 = vector.shape_cast %get3A_399 : vector<1x16xf32> to vector<16xf32>
        %get3A_401 = arith.index_cast %add3A_333 : i32 to index
        %get3A_402 = arith.constant 112 : index
        %get3A_403 = tpu.vector_load %arg16[%get3A_401, %get3A_402] {strides = array<i32>} : memref<80x128xf32, #tpu.memory_space<vmem>>, vector<1x16xf32>,
        %get3A_404 = vector.shape_cast %get3A_403 : vector<1x16xf32> to vector<16xf32>
        %mul3A_405 = arith.mulf %get3A_400, %get3A_404 : vector<16xf32>
        %add3A_406 = arith.addf %mul3A_342, %mul3A_351 : vector<16xf32>
        %add3A_407 = arith.addf %mul3A_360, %mul3A_369 : vector<16xf32>
        %add3A_408 = arith.addf %mul3A_378, %mul3A_387 : vector<16xf32>
        %add3A_409 = arith.addf %mul3A_396, %mul3A_405 : vector<16xf32>
        %add3A_410 = arith.addf %add3A_406, %add3A_407 : vector<16xf32>
        %add3A_411 = arith.addf %add3A_408, %add3A_409 : vector<16xf32>
        %add3A_412 = arith.addf %add3A_410, %add3A_411 : vector<16xf32>
        %add3A_413 = arith.constant 1 : i32
        %add3A_414 = arith.addi %add3A_333, %add3A_413 : i32
        %get3A_415 = arith.index_cast %add3A_414 : i32 to index
        %get3A_416 = arith.constant 0 : index
        %get3A_417 = tpu.vector_load %arg12[%get3A_415, %get3A_416] {strides = array<i32>} : memref<80x128xf32, #tpu.memory_space<vmem>>, vector<1x16xf32>,
        %get3A_418 = vector.shape_cast %get3A_417 : vector<1x16xf32> to vector<16xf32>
        %get3A_419 = arith.index_cast %add3A_414 : i32 to index
        %get3A_420 = arith.constant 0 : index
        %get3A_421 = tpu.vector_load %arg16[%get3A_419, %get3A_420] {strides = array<i32>} : memref<80x128xf32, #tpu.memory_space<vmem>>, vector<1x16xf32>,
        %get3A_422 = vector.shape_cast %get3A_421 : vector<1x16xf32> to vector<16xf32>
        %mul3A_423 = arith.mulf %get3A_418, %get3A_422 : vector<16xf32>
        %get3A_424 = arith.index_cast %add3A_414 : i32 to index
        %get3A_425 = arith.constant 16 : index
        %get3A_426 = tpu.vector_load %arg12[%get3A_424, %get3A_425] {strides = array<i32>} : memref<80x128xf32, #tpu.memory_space<vmem>>, vector<1x16xf32>,
        %get3A_427 = vector.shape_cast %get3A_426 : vector<1x16xf32> to vector<16xf32>
        %get3A_428 = arith.index_cast %add3A_414 : i32 to index
        %get3A_429 = arith.constant 16 : index
        %get3A_430 = tpu.vector_load %arg16[%get3A_428, %get3A_429] {strides = array<i32>} : memref<80x128xf32, #tpu.memory_space<vmem>>, vector<1x16xf32>,
        %get3A_431 = vector.shape_cast %get3A_430 : vector<1x16xf32> to vector<16xf32>
        %mul3A_432 = arith.mulf %get3A_427, %get3A_431 : vector<16xf32>
        %get3A_433 = arith.index_cast %add3A_414 : i32 to index
        %get3A_434 = arith.constant 32 : index
        %get3A_435 = tpu.vector_load %arg12[%get3A_433, %get3A_434] {strides = array<i32>} : memref<80x128xf32, #tpu.memory_space<vmem>>, vector<1x16xf32>,
        %get3A_436 = vector.shape_cast %get3A_435 : vector<1x16xf32> to vector<16xf32>
        %get3A_437 = arith.index_cast %add3A_414 : i32 to index
        %get3A_438 = arith.constant 32 : index
        %get3A_439 = tpu.vector_load %arg16[%get3A_437, %get3A_438] {strides = array<i32>} : memref<80x128xf32, #tpu.memory_space<vmem>>, vector<1x16xf32>,
        %get3A_440 = vector.shape_cast %get3A_439 : vector<1x16xf32> to vector<16xf32>
        %mul3A_441 = arith.mulf %get3A_436, %get3A_440 : vector<16xf32>
        %get3A_442 = arith.index_cast %add3A_414 : i32 to index
        %get3A_443 = arith.constant 48 : index
        %get3A_444 = tpu.vector_load %arg12[%get3A_442, %get3A_443] {strides = array<i32>} : memref<80x128xf32, #tpu.memory_space<vmem>>, vector<1x16xf32>,
        %get3A_445 = vector.shape_cast %get3A_444 : vector<1x16xf32> to vector<16xf32>
        %get3A_446 = arith.index_cast %add3A_414 : i32 to index
        %get3A_447 = arith.constant 48 : index
        %get3A_448 = tpu.vector_load %arg16[%get3A_446, %get3A_447] {strides = array<i32>} : memref<80x128xf32, #tpu.memory_space<vmem>>, vector<1x16xf32>,
        %get3A_449 = vector.shape_cast %get3A_448 : vector<1x16xf32> to vector<16xf32>
        %mul3A_450 = arith.mulf %get3A_445, %get3A_449 : vector<16xf32>
        %get3A_451 = arith.index_cast %add3A_414 : i32 to index
        %get3A_452 = arith.constant 64 : index
        %get3A_453 = tpu.vector_load %arg12[%get3A_451, %get3A_452] {strides = array<i32>} : memref<80x128xf32, #tpu.memory_space<vmem>>, vector<1x16xf32>,
        %get3A_454 = vector.shape_cast %get3A_453 : vector<1x16xf32> to vector<16xf32>
        %get3A_455 = arith.index_cast %add3A_414 : i32 to index
        %get3A_456 = arith.constant 64 : index
        %get3A_457 = tpu.vector_load %arg16[%get3A_455, %get3A_456] {strides = array<i32>} : memref<80x128xf32, #tpu.memory_space<vmem>>, vector<1x16xf32>,
        %get3A_458 = vector.shape_cast %get3A_457 : vector<1x16xf32> to vector<16xf32>
        %mul3A_459 = arith.mulf %get3A_454, %get3A_458 : vector<16xf32>
        %get3A_460 = arith.index_cast %add3A_414 : i32 to index
        %get3A_461 = arith.constant 80 : index
        %get3A_462 = tpu.vector_load %arg12[%get3A_460, %get3A_461] {strides = array<i32>} : memref<80x128xf32, #tpu.memory_space<vmem>>, vector<1x16xf32>,
        %get3A_463 = vector.shape_cast %get3A_462 : vector<1x16xf32> to vector<16xf32>
        %get3A_464 = arith.index_cast %add3A_414 : i32 to index
        %get3A_465 = arith.constant 80 : index
        %get3A_466 = tpu.vector_load %arg16[%get3A_464, %get3A_465] {strides = array<i32>} : memref<80x128xf32, #tpu.memory_space<vmem>>, vector<1x16xf32>,
        %get3A_467 = vector.shape_cast %get3A_466 : vector<1x16xf32> to vector<16xf32>
        %mul3A_468 = arith.mulf %get3A_463, %get3A_467 : vector<16xf32>
        %get3A_469 = arith.index_cast %add3A_414 : i32 to index
        %get3A_470 = arith.constant 96 : index
        %get3A_471 = tpu.vector_load %arg12[%get3A_469, %get3A_470] {strides = array<i32>} : memref<80x128xf32, #tpu.memory_space<vmem>>, vector<1x16xf32>,
        %get3A_472 = vector.shape_cast %get3A_471 : vector<1x16xf32> to vector<16xf32>
        %get3A_473 = arith.index_cast %add3A_414 : i32 to index
        %get3A_474 = arith.constant 96 : index
        %get3A_475 = tpu.vector_load %arg16[%get3A_473, %get3A_474] {strides = array<i32>} : memref<80x128xf32, #tpu.memory_space<vmem>>, vector<1x16xf32>,
        %get3A_476 = vector.shape_cast %get3A_475 : vector<1x16xf32> to vector<16xf32>
        %mul3A_477 = arith.mulf %get3A_472, %get3A_476 : vector<16xf32>
        %get3A_478 = arith.index_cast %add3A_414 : i32 to index
        %get3A_479 = arith.constant 112 : index
        %get3A_480 = tpu.vector_load %arg12[%get3A_478, %get3A_479] {strides = array<i32>} : memref<80x128xf32, #tpu.memory_space<vmem>>, vector<1x16xf32>,
        %get3A_481 = vector.shape_cast %get3A_480 : vector<1x16xf32> to vector<16xf32>
        %get3A_482 = arith.index_cast %add3A_414 : i32 to index
        %get3A_483 = arith.constant 112 : index
        %get3A_484 = tpu.vector_load %arg16[%get3A_482, %get3A_483] {strides = array<i32>} : memref<80x128xf32, #tpu.memory_space<vmem>>, vector<1x16xf32>,
        %get3A_485 = vector.shape_cast %get3A_484 : vector<1x16xf32> to vector<16xf32>
        %mul3A_486 = arith.mulf %get3A_481, %get3A_485 : vector<16xf32>
        %add3A_487 = arith.addf %mul3A_423, %mul3A_432 : vector<16xf32>
        %add3A_488 = arith.addf %mul3A_441, %mul3A_450 : vector<16xf32>
        %add3A_489 = arith.addf %mul3A_459, %mul3A_468 : vector<16xf32>
        %add3A_490 = arith.addf %mul3A_477, %mul3A_486 : vector<16xf32>
        %add3A_491 = arith.addf %add3A_487, %add3A_488 : vector<16xf32>
        %add3A_492 = arith.addf %add3A_489, %add3A_490 : vector<16xf32>
        %add3A_493 = arith.addf %add3A_491, %add3A_492 : vector<16xf32>
        %iota3A_494 = tpu.iota {dimensions = array<i32: 0>} : vector<16xi32>
        %and3A_495 = arith.constant 1 : i32
        %and3A_496 = vector.broadcast %and3A_495 : i32 to vector<16xi32>
        %and3A_497 = arith.andi %iota3A_494, %and3A_496 : vector<16xi32>
        %ne3A_498 = arith.constant 0 : i32
        %ne3A_499 = vector.broadcast %ne3A_498 : i32 to vector<16xi32>
        %ne3A_500 = arith.cmpi ne, %and3A_497, %ne3A_499 : vector<16xi32>
        %select_n3A_501 = arith.select %ne3A_500, %add3A_493, %add3A_412 : vector<16xi1>, vector<16xf32>
        %select_n3A_502 = arith.select %ne3A_500, %add3A_412, %add3A_493 : vector<16xi1>, vector<16xf32>
        %xor3A_503 = arith.constant 1 : i32
        %xor3A_504 = vector.broadcast %xor3A_503 : i32 to vector<16xi32>
        %xor3A_505 = arith.xori %iota3A_494, %xor3A_504 : vector<16xi32>
        %reshape3A_506 = vector.shape_cast %xor3A_505 : vector<16xi32> to vector<16x1xi32>
        %gather3A_507 = vector.shape_cast %reshape3A_506 : vector<16x1xi32> to vector<16xi32>
        %gather3A_508 = tpu.dynamic_gather %select_n3A_502[%gather3A_507] in [0] : vector<16xf32>, vector<16xi32> -> vector<16xf32>
        %add3A_509 = arith.addf %select_n3A_501, %gather3A_508 : vector<16xf32>
        %iota3A_510 = tpu.iota {dimensions = array<i32: 0>} : vector<16xi32>
        %and3A_511 = arith.constant 2 : i32
        %and3A_512 = vector.broadcast %and3A_511 : i32 to vector<16xi32>
        %and3A_513 = arith.andi %iota3A_510, %and3A_512 : vector<16xi32>
        %ne3A_514 = arith.constant 0 : i32
        %ne3A_515 = vector.broadcast %ne3A_514 : i32 to vector<16xi32>
        %ne3A_516 = arith.cmpi ne, %and3A_513, %ne3A_515 : vector<16xi32>
        %select_n3A_517 = arith.select %ne3A_516, %add3A_509, %add3A_331 : vector<16xi1>, vector<16xf32>
        %select_n3A_518 = arith.select %ne3A_516, %add3A_331, %add3A_509 : vector<16xi1>, vector<16xf32>
        %xor3A_519 = arith.constant 2 : i32
        %xor3A_520 = vector.broadcast %xor3A_519 : i32 to vector<16xi32>
        %xor3A_521 = arith.xori %iota3A_510, %xor3A_520 : vector<16xi32>
        %reshape3A_522 = vector.shape_cast %xor3A_521 : vector<16xi32> to vector<16x1xi32>
        %gather3A_523 = vector.shape_cast %reshape3A_522 : vector<16x1xi32> to vector<16xi32>
        %gather3A_524 = tpu.dynamic_gather %select_n3A_518[%gather3A_523] in [0] : vector<16xf32>, vector<16xi32> -> vector<16xf32>
        %add3A_525 = arith.addf %select_n3A_517, %gather3A_524 : vector<16xf32>
        %xor3A_526 = arith.constant 4 : i32
        %xor3A_527 = vector.broadcast %xor3A_526 : i32 to vector<16xi32>
        %xor3A_528 = arith.xori %iota3A_99, %xor3A_527 : vector<16xi32>
        %reshape3A_529 = vector.shape_cast %xor3A_528 : vector<16xi32> to vector<16x1xi32>
        %gather3A_530 = vector.shape_cast %reshape3A_529 : vector<16x1xi32> to vector<16xi32>
        %gather3A_531 = tpu.dynamic_gather %add3A_525[%gather3A_530] in [0] : vector<16xf32>, vector<16xi32> -> vector<16xf32>
        %add3A_532 = arith.addf %add3A_525, %gather3A_531 : vector<16xf32>
        %xor3A_533 = arith.constant 8 : i32
        %xor3A_534 = vector.broadcast %xor3A_533 : i32 to vector<16xi32>
        %xor3A_535 = arith.xori %iota3A_99, %xor3A_534 : vector<16xi32>
        %reshape3A_536 = vector.shape_cast %xor3A_535 : vector<16xi32> to vector<16x1xi32>
        %gather3A_537 = vector.shape_cast %reshape3A_536 : vector<16x1xi32> to vector<16xi32>
        %gather3A_538 = tpu.dynamic_gather %add3A_532[%gather3A_537] in [0] : vector<16xf32>, vector<16xi32> -> vector<16xf32>
        %add3A_539 = arith.addf %add3A_532, %gather3A_538 : vector<16xf32>
        %shift_right_arithmetic3A = arith.constant 2 : i32
        %shift_right_arithmetic3A_540 = vector.broadcast %shift_right_arithmetic3A : i32 to vector<16xi32>
        %shift_right_arithmetic3A_541 = arith.shrsi %iota3A_99, %shift_right_arithmetic3A_540 : vector<16xi32>
        %eq3A = vector.broadcast %scan3A_156 : i32 to vector<16xi32>
        %eq3A_542 = arith.cmpi eq, %shift_right_arithmetic3A_541, %eq3A : vector<16xi32>
        %select_n3A_543 = arith.select %eq3A_542, %add3A_539, %scan3A_157 : vector<16xi1>, vector<16xf32>
        scf.yield %select_n3A_543 : vector<16xf32>
      }
      %scan3A_147 = arith.constant 4 : i32
      %mul3A_148 = arith.constant 16 : i32
      %mul3A_149 = arith.muli %scan3A_140, %mul3A_148 : i32
      %add3A_150 = arith.constant 9760 : i32
      %add3A_151 = arith.addi %add3A_150, %mul3A_149 : i32
      %multiple_of3A_152 = tpu.assume_multiple %add3A_151, 8 : i32
      %swap3A = arith.index_cast %multiple_of3A_152 : i32 to index
      %swap3A_153 = tpu.vector_load %arg9[%swap3A] {strides = array<i32>} : memref<10000xf32, #tpu.memory_space<vmem>>, vector<16xf32>,
      %swap3A_154 = vector.shape_cast %swap3A_153 : vector<16xf32> to vector<16xf32>
      %swap3A_155 = vector.shape_cast %scan3A_146 : vector<16xf32> to vector<16xf32>
      tpu.vector_store %arg9[%swap3A], %swap3A_155 {strides = array<i32>} : memref<10000xf32, #tpu.memory_space<vmem>>, vector<16xf32>,
    }
    %scan3A_105 = arith.constant 5 : i32
    %multiple_of3A_106 = arith.constant 9840 : i32
    %multiple_of3A_107 = tpu.assume_multiple %multiple_of3A_106, 8 : i32
    %dma_wait3A_108 = tpu.memref_slice %arg7[%multiple_of3A_107] : memref<10000xi32, #tpu.memory_space<vmem>> -> memref<80xi32, #tpu.memory_space<vmem>>
    %dma_wait3A_109 = arith.constant 0 : i32
    %dma_wait3A_110 = arith.constant 0 : i32
    %dma_wait3A_111 = tpu.memref_slice %arg2[%dma_wait3A_109, %dma_wait3A_110] : memref<10000x128xf32, #tpu.memory_space<hbm>> -> memref<10000x128xf32, #tpu.memory_space<hbm>>
    tpu.wait_indirect_dma semaphore(%arg21 : memref<!tpu.dma_semaphore, #tpu.memory_space<semaphore_mem>>) src(%dma_wait3A_111 : memref<10000x128xf32, #tpu.memory_space<hbm>>) dst(%arg13 : memref<80x128xf32, #tpu.memory_space<vmem>>)
    %dma_wait3A_112 = tpu.memref_slice %arg8[%multiple_of3A_107] : memref<10000xi32, #tpu.memory_space<vmem>> -> memref<80xi32, #tpu.memory_space<vmem>>
    %dma_wait3A_113 = arith.constant 0 : i32
    %dma_wait3A_114 = arith.constant 0 : i32
    %dma_wait3A_115 = tpu.memref_slice %arg3[%dma_wait3A_113, %dma_wait3A_114] : memref<10000x128xf32, #tpu.memory_space<hbm>> -> memref<10000x128xf32, #tpu.memory_space<hbm>>
    tpu.wait_indirect_dma semaphore(%arg25 : memref<!tpu.dma_semaphore, #tpu.memory_space<semaphore_mem>>) src(%dma_wait3A_115 : memref<10000x128xf32, #tpu.memory_space<hbm>>) dst(%arg17 : memref<80x128xf32, #tpu.memory_space<vmem>>)
    %iota3A_116 = tpu.iota {dimensions = array<i32: 0>} : vector<16xi32>
    %scan3A_117 = arith.constant 0 : i32
    %scan3A_118 = arith.constant 0 : i32
    %scan3A_119 = arith.constant 5 : i32
    %scan3A_120 = arith.addi %scan3A_118, %scan3A_119 : i32
    %scan3A_121 = arith.constant 1 : i32
    scf.for %scan3A_140 = %scan3A_118 to %scan3A_120 step %scan3A_121  : i32 {
      %broadcast_in_dim3A = arith.constant 0.000000e+00 : f32
      %broadcast_in_dim3A_141 = vector.broadcast %broadcast_in_dim3A : f32 to vector<16xf32>
      %scan3A_142 = arith.constant 0 : i32
      %scan3A_143 = arith.constant 4 : i32
      %scan3A_144 = arith.addi %scan3A_142, %scan3A_143 : i32
      %scan3A_145 = arith.constant 1 : i32
      %scan3A_146 = scf.for %scan3A_156 = %scan3A_142 to %scan3A_144 step %scan3A_145 iter_args(%scan3A_157 = %broadcast_in_dim3A_141) -> (vector<16xf32>)  : i32 {
        %mul3A_158 = arith.constant 16 : i32
        %mul3A_159 = arith.muli %scan3A_140, %mul3A_158 : i32
        %mul3A_160 = arith.constant 4 : i32
        %mul3A_161 = arith.muli %scan3A_156, %mul3A_160 : i32
        %add3A_162 = arith.addi %mul3A_159, %mul3A_161 : i32
        %get3A = arith.index_cast %add3A_162 : i32 to index
        %get3A_163 = arith.constant 0 : index
        %get3A_164 = tpu.vector_load %arg13[%get3A, %get3A_163] {strides = array<i32>} : memref<80x128xf32, #tpu.memory_space<vmem>>, vector<1x16xf32>,
        %get3A_165 = vector.shape_cast %get3A_164 : vector<1x16xf32> to vector<16xf32>
        %get3A_166 = arith.index_cast %add3A_162 : i32 to index
        %get3A_167 = arith.constant 0 : index
        %get3A_168 = tpu.vector_load %arg17[%get3A_166, %get3A_167] {strides = array<i32>} : memref<80x128xf32, #tpu.memory_space<vmem>>, vector<1x16xf32>,
        %get3A_169 = vector.shape_cast %get3A_168 : vector<1x16xf32> to vector<16xf32>
        %mul3A_170 = arith.mulf %get3A_165, %get3A_169 : vector<16xf32>
        %get3A_171 = arith.index_cast %add3A_162 : i32 to index
        %get3A_172 = arith.constant 16 : index
        %get3A_173 = tpu.vector_load %arg13[%get3A_171, %get3A_172] {strides = array<i32>} : memref<80x128xf32, #tpu.memory_space<vmem>>, vector<1x16xf32>,
        %get3A_174 = vector.shape_cast %get3A_173 : vector<1x16xf32> to vector<16xf32>
        %get3A_175 = arith.index_cast %add3A_162 : i32 to index
        %get3A_176 = arith.constant 16 : index
        %get3A_177 = tpu.vector_load %arg17[%get3A_175, %get3A_176] {strides = array<i32>} : memref<80x128xf32, #tpu.memory_space<vmem>>, vector<1x16xf32>,
        %get3A_178 = vector.shape_cast %get3A_177 : vector<1x16xf32> to vector<16xf32>
        %mul3A_179 = arith.mulf %get3A_174, %get3A_178 : vector<16xf32>
        %get3A_180 = arith.index_cast %add3A_162 : i32 to index
        %get3A_181 = arith.constant 32 : index
        %get3A_182 = tpu.vector_load %arg13[%get3A_180, %get3A_181] {strides = array<i32>} : memref<80x128xf32, #tpu.memory_space<vmem>>, vector<1x16xf32>,
        %get3A_183 = vector.shape_cast %get3A_182 : vector<1x16xf32> to vector<16xf32>
        %get3A_184 = arith.index_cast %add3A_162 : i32 to index
        %get3A_185 = arith.constant 32 : index
        %get3A_186 = tpu.vector_load %arg17[%get3A_184, %get3A_185] {strides = array<i32>} : memref<80x128xf32, #tpu.memory_space<vmem>>, vector<1x16xf32>,
        %get3A_187 = vector.shape_cast %get3A_186 : vector<1x16xf32> to vector<16xf32>
        %mul3A_188 = arith.mulf %get3A_183, %get3A_187 : vector<16xf32>
        %get3A_189 = arith.index_cast %add3A_162 : i32 to index
        %get3A_190 = arith.constant 48 : index
        %get3A_191 = tpu.vector_load %arg13[%get3A_189, %get3A_190] {strides = array<i32>} : memref<80x128xf32, #tpu.memory_space<vmem>>, vector<1x16xf32>,
        %get3A_192 = vector.shape_cast %get3A_191 : vector<1x16xf32> to vector<16xf32>
        %get3A_193 = arith.index_cast %add3A_162 : i32 to index
        %get3A_194 = arith.constant 48 : index
        %get3A_195 = tpu.vector_load %arg17[%get3A_193, %get3A_194] {strides = array<i32>} : memref<80x128xf32, #tpu.memory_space<vmem>>, vector<1x16xf32>,
        %get3A_196 = vector.shape_cast %get3A_195 : vector<1x16xf32> to vector<16xf32>
        %mul3A_197 = arith.mulf %get3A_192, %get3A_196 : vector<16xf32>
        %get3A_198 = arith.index_cast %add3A_162 : i32 to index
        %get3A_199 = arith.constant 64 : index
        %get3A_200 = tpu.vector_load %arg13[%get3A_198, %get3A_199] {strides = array<i32>} : memref<80x128xf32, #tpu.memory_space<vmem>>, vector<1x16xf32>,
        %get3A_201 = vector.shape_cast %get3A_200 : vector<1x16xf32> to vector<16xf32>
        %get3A_202 = arith.index_cast %add3A_162 : i32 to index
        %get3A_203 = arith.constant 64 : index
        %get3A_204 = tpu.vector_load %arg17[%get3A_202, %get3A_203] {strides = array<i32>} : memref<80x128xf32, #tpu.memory_space<vmem>>, vector<1x16xf32>,
        %get3A_205 = vector.shape_cast %get3A_204 : vector<1x16xf32> to vector<16xf32>
        %mul3A_206 = arith.mulf %get3A_201, %get3A_205 : vector<16xf32>
        %get3A_207 = arith.index_cast %add3A_162 : i32 to index
        %get3A_208 = arith.constant 80 : index
        %get3A_209 = tpu.vector_load %arg13[%get3A_207, %get3A_208] {strides = array<i32>} : memref<80x128xf32, #tpu.memory_space<vmem>>, vector<1x16xf32>,
        %get3A_210 = vector.shape_cast %get3A_209 : vector<1x16xf32> to vector<16xf32>
        %get3A_211 = arith.index_cast %add3A_162 : i32 to index
        %get3A_212 = arith.constant 80 : index
        %get3A_213 = tpu.vector_load %arg17[%get3A_211, %get3A_212] {strides = array<i32>} : memref<80x128xf32, #tpu.memory_space<vmem>>, vector<1x16xf32>,
        %get3A_214 = vector.shape_cast %get3A_213 : vector<1x16xf32> to vector<16xf32>
        %mul3A_215 = arith.mulf %get3A_210, %get3A_214 : vector<16xf32>
        %get3A_216 = arith.index_cast %add3A_162 : i32 to index
        %get3A_217 = arith.constant 96 : index
        %get3A_218 = tpu.vector_load %arg13[%get3A_216, %get3A_217] {strides = array<i32>} : memref<80x128xf32, #tpu.memory_space<vmem>>, vector<1x16xf32>,
        %get3A_219 = vector.shape_cast %get3A_218 : vector<1x16xf32> to vector<16xf32>
        %get3A_220 = arith.index_cast %add3A_162 : i32 to index
        %get3A_221 = arith.constant 96 : index
        %get3A_222 = tpu.vector_load %arg17[%get3A_220, %get3A_221] {strides = array<i32>} : memref<80x128xf32, #tpu.memory_space<vmem>>, vector<1x16xf32>,
        %get3A_223 = vector.shape_cast %get3A_222 : vector<1x16xf32> to vector<16xf32>
        %mul3A_224 = arith.mulf %get3A_219, %get3A_223 : vector<16xf32>
        %get3A_225 = arith.index_cast %add3A_162 : i32 to index
        %get3A_226 = arith.constant 112 : index
        %get3A_227 = tpu.vector_load %arg13[%get3A_225, %get3A_226] {strides = array<i32>} : memref<80x128xf32, #tpu.memory_space<vmem>>, vector<1x16xf32>,
        %get3A_228 = vector.shape_cast %get3A_227 : vector<1x16xf32> to vector<16xf32>
        %get3A_229 = arith.index_cast %add3A_162 : i32 to index
        %get3A_230 = arith.constant 112 : index
        %get3A_231 = tpu.vector_load %arg17[%get3A_229, %get3A_230] {strides = array<i32>} : memref<80x128xf32, #tpu.memory_space<vmem>>, vector<1x16xf32>,
        %get3A_232 = vector.shape_cast %get3A_231 : vector<1x16xf32> to vector<16xf32>
        %mul3A_233 = arith.mulf %get3A_228, %get3A_232 : vector<16xf32>
        %add3A_234 = arith.addf %mul3A_170, %mul3A_179 : vector<16xf32>
        %add3A_235 = arith.addf %mul3A_188, %mul3A_197 : vector<16xf32>
        %add3A_236 = arith.addf %mul3A_206, %mul3A_215 : vector<16xf32>
        %add3A_237 = arith.addf %mul3A_224, %mul3A_233 : vector<16xf32>
        %add3A_238 = arith.addf %add3A_234, %add3A_235 : vector<16xf32>
        %add3A_239 = arith.addf %add3A_236, %add3A_237 : vector<16xf32>
        %add3A_240 = arith.addf %add3A_238, %add3A_239 : vector<16xf32>
        %add3A_241 = arith.constant 1 : i32
        %add3A_242 = arith.addi %add3A_162, %add3A_241 : i32
        %get3A_243 = arith.index_cast %add3A_242 : i32 to index
        %get3A_244 = arith.constant 0 : index
        %get3A_245 = tpu.vector_load %arg13[%get3A_243, %get3A_244] {strides = array<i32>} : memref<80x128xf32, #tpu.memory_space<vmem>>, vector<1x16xf32>,
        %get3A_246 = vector.shape_cast %get3A_245 : vector<1x16xf32> to vector<16xf32>
        %get3A_247 = arith.index_cast %add3A_242 : i32 to index
        %get3A_248 = arith.constant 0 : index
        %get3A_249 = tpu.vector_load %arg17[%get3A_247, %get3A_248] {strides = array<i32>} : memref<80x128xf32, #tpu.memory_space<vmem>>, vector<1x16xf32>,
        %get3A_250 = vector.shape_cast %get3A_249 : vector<1x16xf32> to vector<16xf32>
        %mul3A_251 = arith.mulf %get3A_246, %get3A_250 : vector<16xf32>
        %get3A_252 = arith.index_cast %add3A_242 : i32 to index
        %get3A_253 = arith.constant 16 : index
        %get3A_254 = tpu.vector_load %arg13[%get3A_252, %get3A_253] {strides = array<i32>} : memref<80x128xf32, #tpu.memory_space<vmem>>, vector<1x16xf32>,
        %get3A_255 = vector.shape_cast %get3A_254 : vector<1x16xf32> to vector<16xf32>
        %get3A_256 = arith.index_cast %add3A_242 : i32 to index
        %get3A_257 = arith.constant 16 : index
        %get3A_258 = tpu.vector_load %arg17[%get3A_256, %get3A_257] {strides = array<i32>} : memref<80x128xf32, #tpu.memory_space<vmem>>, vector<1x16xf32>,
        %get3A_259 = vector.shape_cast %get3A_258 : vector<1x16xf32> to vector<16xf32>
        %mul3A_260 = arith.mulf %get3A_255, %get3A_259 : vector<16xf32>
        %get3A_261 = arith.index_cast %add3A_242 : i32 to index
        %get3A_262 = arith.constant 32 : index
        %get3A_263 = tpu.vector_load %arg13[%get3A_261, %get3A_262] {strides = array<i32>} : memref<80x128xf32, #tpu.memory_space<vmem>>, vector<1x16xf32>,
        %get3A_264 = vector.shape_cast %get3A_263 : vector<1x16xf32> to vector<16xf32>
        %get3A_265 = arith.index_cast %add3A_242 : i32 to index
        %get3A_266 = arith.constant 32 : index
        %get3A_267 = tpu.vector_load %arg17[%get3A_265, %get3A_266] {strides = array<i32>} : memref<80x128xf32, #tpu.memory_space<vmem>>, vector<1x16xf32>,
        %get3A_268 = vector.shape_cast %get3A_267 : vector<1x16xf32> to vector<16xf32>
        %mul3A_269 = arith.mulf %get3A_264, %get3A_268 : vector<16xf32>
        %get3A_270 = arith.index_cast %add3A_242 : i32 to index
        %get3A_271 = arith.constant 48 : index
        %get3A_272 = tpu.vector_load %arg13[%get3A_270, %get3A_271] {strides = array<i32>} : memref<80x128xf32, #tpu.memory_space<vmem>>, vector<1x16xf32>,
        %get3A_273 = vector.shape_cast %get3A_272 : vector<1x16xf32> to vector<16xf32>
        %get3A_274 = arith.index_cast %add3A_242 : i32 to index
        %get3A_275 = arith.constant 48 : index
        %get3A_276 = tpu.vector_load %arg17[%get3A_274, %get3A_275] {strides = array<i32>} : memref<80x128xf32, #tpu.memory_space<vmem>>, vector<1x16xf32>,
        %get3A_277 = vector.shape_cast %get3A_276 : vector<1x16xf32> to vector<16xf32>
        %mul3A_278 = arith.mulf %get3A_273, %get3A_277 : vector<16xf32>
        %get3A_279 = arith.index_cast %add3A_242 : i32 to index
        %get3A_280 = arith.constant 64 : index
        %get3A_281 = tpu.vector_load %arg13[%get3A_279, %get3A_280] {strides = array<i32>} : memref<80x128xf32, #tpu.memory_space<vmem>>, vector<1x16xf32>,
        %get3A_282 = vector.shape_cast %get3A_281 : vector<1x16xf32> to vector<16xf32>
        %get3A_283 = arith.index_cast %add3A_242 : i32 to index
        %get3A_284 = arith.constant 64 : index
        %get3A_285 = tpu.vector_load %arg17[%get3A_283, %get3A_284] {strides = array<i32>} : memref<80x128xf32, #tpu.memory_space<vmem>>, vector<1x16xf32>,
        %get3A_286 = vector.shape_cast %get3A_285 : vector<1x16xf32> to vector<16xf32>
        %mul3A_287 = arith.mulf %get3A_282, %get3A_286 : vector<16xf32>
        %get3A_288 = arith.index_cast %add3A_242 : i32 to index
        %get3A_289 = arith.constant 80 : index
        %get3A_290 = tpu.vector_load %arg13[%get3A_288, %get3A_289] {strides = array<i32>} : memref<80x128xf32, #tpu.memory_space<vmem>>, vector<1x16xf32>,
        %get3A_291 = vector.shape_cast %get3A_290 : vector<1x16xf32> to vector<16xf32>
        %get3A_292 = arith.index_cast %add3A_242 : i32 to index
        %get3A_293 = arith.constant 80 : index
        %get3A_294 = tpu.vector_load %arg17[%get3A_292, %get3A_293] {strides = array<i32>} : memref<80x128xf32, #tpu.memory_space<vmem>>, vector<1x16xf32>,
        %get3A_295 = vector.shape_cast %get3A_294 : vector<1x16xf32> to vector<16xf32>
        %mul3A_296 = arith.mulf %get3A_291, %get3A_295 : vector<16xf32>
        %get3A_297 = arith.index_cast %add3A_242 : i32 to index
        %get3A_298 = arith.constant 96 : index
        %get3A_299 = tpu.vector_load %arg13[%get3A_297, %get3A_298] {strides = array<i32>} : memref<80x128xf32, #tpu.memory_space<vmem>>, vector<1x16xf32>,
        %get3A_300 = vector.shape_cast %get3A_299 : vector<1x16xf32> to vector<16xf32>
        %get3A_301 = arith.index_cast %add3A_242 : i32 to index
        %get3A_302 = arith.constant 96 : index
        %get3A_303 = tpu.vector_load %arg17[%get3A_301, %get3A_302] {strides = array<i32>} : memref<80x128xf32, #tpu.memory_space<vmem>>, vector<1x16xf32>,
        %get3A_304 = vector.shape_cast %get3A_303 : vector<1x16xf32> to vector<16xf32>
        %mul3A_305 = arith.mulf %get3A_300, %get3A_304 : vector<16xf32>
        %get3A_306 = arith.index_cast %add3A_242 : i32 to index
        %get3A_307 = arith.constant 112 : index
        %get3A_308 = tpu.vector_load %arg13[%get3A_306, %get3A_307] {strides = array<i32>} : memref<80x128xf32, #tpu.memory_space<vmem>>, vector<1x16xf32>,
        %get3A_309 = vector.shape_cast %get3A_308 : vector<1x16xf32> to vector<16xf32>
        %get3A_310 = arith.index_cast %add3A_242 : i32 to index
        %get3A_311 = arith.constant 112 : index
        %get3A_312 = tpu.vector_load %arg17[%get3A_310, %get3A_311] {strides = array<i32>} : memref<80x128xf32, #tpu.memory_space<vmem>>, vector<1x16xf32>,
        %get3A_313 = vector.shape_cast %get3A_312 : vector<1x16xf32> to vector<16xf32>
        %mul3A_314 = arith.mulf %get3A_309, %get3A_313 : vector<16xf32>
        %add3A_315 = arith.addf %mul3A_251, %mul3A_260 : vector<16xf32>
        %add3A_316 = arith.addf %mul3A_269, %mul3A_278 : vector<16xf32>
        %add3A_317 = arith.addf %mul3A_287, %mul3A_296 : vector<16xf32>
        %add3A_318 = arith.addf %mul3A_305, %mul3A_314 : vector<16xf32>
        %add3A_319 = arith.addf %add3A_315, %add3A_316 : vector<16xf32>
        %add3A_320 = arith.addf %add3A_317, %add3A_318 : vector<16xf32>
        %add3A_321 = arith.addf %add3A_319, %add3A_320 : vector<16xf32>
        %iota3A_322 = tpu.iota {dimensions = array<i32: 0>} : vector<16xi32>
        %and3A = arith.constant 1 : i32
        %and3A_323 = vector.broadcast %and3A : i32 to vector<16xi32>
        %and3A_324 = arith.andi %iota3A_322, %and3A_323 : vector<16xi32>
        %ne3A = arith.constant 0 : i32
        %ne3A_325 = vector.broadcast %ne3A : i32 to vector<16xi32>
        %ne3A_326 = arith.cmpi ne, %and3A_324, %ne3A_325 : vector<16xi32>
        %select_n3A = arith.select %ne3A_326, %add3A_321, %add3A_240 : vector<16xi1>, vector<16xf32>
        %select_n3A_327 = arith.select %ne3A_326, %add3A_240, %add3A_321 : vector<16xi1>, vector<16xf32>
        %xor3A = arith.constant 1 : i32
        %xor3A_328 = vector.broadcast %xor3A : i32 to vector<16xi32>
        %xor3A_329 = arith.xori %iota3A_322, %xor3A_328 : vector<16xi32>
        %reshape3A = vector.shape_cast %xor3A_329 : vector<16xi32> to vector<16x1xi32>
        %gather3A = vector.shape_cast %reshape3A : vector<16x1xi32> to vector<16xi32>
        %gather3A_330 = tpu.dynamic_gather %select_n3A_327[%gather3A] in [0] : vector<16xf32>, vector<16xi32> -> vector<16xf32>
        %add3A_331 = arith.addf %select_n3A, %gather3A_330 : vector<16xf32>
        %add3A_332 = arith.constant 2 : i32
        %add3A_333 = arith.addi %add3A_162, %add3A_332 : i32
        %get3A_334 = arith.index_cast %add3A_333 : i32 to index
        %get3A_335 = arith.constant 0 : index
        %get3A_336 = tpu.vector_load %arg13[%get3A_334, %get3A_335] {strides = array<i32>} : memref<80x128xf32, #tpu.memory_space<vmem>>, vector<1x16xf32>,
        %get3A_337 = vector.shape_cast %get3A_336 : vector<1x16xf32> to vector<16xf32>
        %get3A_338 = arith.index_cast %add3A_333 : i32 to index
        %get3A_339 = arith.constant 0 : index
        %get3A_340 = tpu.vector_load %arg17[%get3A_338, %get3A_339] {strides = array<i32>} : memref<80x128xf32, #tpu.memory_space<vmem>>, vector<1x16xf32>,
        %get3A_341 = vector.shape_cast %get3A_340 : vector<1x16xf32> to vector<16xf32>
        %mul3A_342 = arith.mulf %get3A_337, %get3A_341 : vector<16xf32>
        %get3A_343 = arith.index_cast %add3A_333 : i32 to index
        %get3A_344 = arith.constant 16 : index
        %get3A_345 = tpu.vector_load %arg13[%get3A_343, %get3A_344] {strides = array<i32>} : memref<80x128xf32, #tpu.memory_space<vmem>>, vector<1x16xf32>,
        %get3A_346 = vector.shape_cast %get3A_345 : vector<1x16xf32> to vector<16xf32>
        %get3A_347 = arith.index_cast %add3A_333 : i32 to index
        %get3A_348 = arith.constant 16 : index
        %get3A_349 = tpu.vector_load %arg17[%get3A_347, %get3A_348] {strides = array<i32>} : memref<80x128xf32, #tpu.memory_space<vmem>>, vector<1x16xf32>,
        %get3A_350 = vector.shape_cast %get3A_349 : vector<1x16xf32> to vector<16xf32>
        %mul3A_351 = arith.mulf %get3A_346, %get3A_350 : vector<16xf32>
        %get3A_352 = arith.index_cast %add3A_333 : i32 to index
        %get3A_353 = arith.constant 32 : index
        %get3A_354 = tpu.vector_load %arg13[%get3A_352, %get3A_353] {strides = array<i32>} : memref<80x128xf32, #tpu.memory_space<vmem>>, vector<1x16xf32>,
        %get3A_355 = vector.shape_cast %get3A_354 : vector<1x16xf32> to vector<16xf32>
        %get3A_356 = arith.index_cast %add3A_333 : i32 to index
        %get3A_357 = arith.constant 32 : index
        %get3A_358 = tpu.vector_load %arg17[%get3A_356, %get3A_357] {strides = array<i32>} : memref<80x128xf32, #tpu.memory_space<vmem>>, vector<1x16xf32>,
        %get3A_359 = vector.shape_cast %get3A_358 : vector<1x16xf32> to vector<16xf32>
        %mul3A_360 = arith.mulf %get3A_355, %get3A_359 : vector<16xf32>
        %get3A_361 = arith.index_cast %add3A_333 : i32 to index
        %get3A_362 = arith.constant 48 : index
        %get3A_363 = tpu.vector_load %arg13[%get3A_361, %get3A_362] {strides = array<i32>} : memref<80x128xf32, #tpu.memory_space<vmem>>, vector<1x16xf32>,
        %get3A_364 = vector.shape_cast %get3A_363 : vector<1x16xf32> to vector<16xf32>
        %get3A_365 = arith.index_cast %add3A_333 : i32 to index
        %get3A_366 = arith.constant 48 : index
        %get3A_367 = tpu.vector_load %arg17[%get3A_365, %get3A_366] {strides = array<i32>} : memref<80x128xf32, #tpu.memory_space<vmem>>, vector<1x16xf32>,
        %get3A_368 = vector.shape_cast %get3A_367 : vector<1x16xf32> to vector<16xf32>
        %mul3A_369 = arith.mulf %get3A_364, %get3A_368 : vector<16xf32>
        %get3A_370 = arith.index_cast %add3A_333 : i32 to index
        %get3A_371 = arith.constant 64 : index
        %get3A_372 = tpu.vector_load %arg13[%get3A_370, %get3A_371] {strides = array<i32>} : memref<80x128xf32, #tpu.memory_space<vmem>>, vector<1x16xf32>,
        %get3A_373 = vector.shape_cast %get3A_372 : vector<1x16xf32> to vector<16xf32>
        %get3A_374 = arith.index_cast %add3A_333 : i32 to index
        %get3A_375 = arith.constant 64 : index
        %get3A_376 = tpu.vector_load %arg17[%get3A_374, %get3A_375] {strides = array<i32>} : memref<80x128xf32, #tpu.memory_space<vmem>>, vector<1x16xf32>,
        %get3A_377 = vector.shape_cast %get3A_376 : vector<1x16xf32> to vector<16xf32>
        %mul3A_378 = arith.mulf %get3A_373, %get3A_377 : vector<16xf32>
        %get3A_379 = arith.index_cast %add3A_333 : i32 to index
        %get3A_380 = arith.constant 80 : index
        %get3A_381 = tpu.vector_load %arg13[%get3A_379, %get3A_380] {strides = array<i32>} : memref<80x128xf32, #tpu.memory_space<vmem>>, vector<1x16xf32>,
        %get3A_382 = vector.shape_cast %get3A_381 : vector<1x16xf32> to vector<16xf32>
        %get3A_383 = arith.index_cast %add3A_333 : i32 to index
        %get3A_384 = arith.constant 80 : index
        %get3A_385 = tpu.vector_load %arg17[%get3A_383, %get3A_384] {strides = array<i32>} : memref<80x128xf32, #tpu.memory_space<vmem>>, vector<1x16xf32>,
        %get3A_386 = vector.shape_cast %get3A_385 : vector<1x16xf32> to vector<16xf32>
        %mul3A_387 = arith.mulf %get3A_382, %get3A_386 : vector<16xf32>
        %get3A_388 = arith.index_cast %add3A_333 : i32 to index
        %get3A_389 = arith.constant 96 : index
        %get3A_390 = tpu.vector_load %arg13[%get3A_388, %get3A_389] {strides = array<i32>} : memref<80x128xf32, #tpu.memory_space<vmem>>, vector<1x16xf32>,
        %get3A_391 = vector.shape_cast %get3A_390 : vector<1x16xf32> to vector<16xf32>
        %get3A_392 = arith.index_cast %add3A_333 : i32 to index
        %get3A_393 = arith.constant 96 : index
        %get3A_394 = tpu.vector_load %arg17[%get3A_392, %get3A_393] {strides = array<i32>} : memref<80x128xf32, #tpu.memory_space<vmem>>, vector<1x16xf32>,
        %get3A_395 = vector.shape_cast %get3A_394 : vector<1x16xf32> to vector<16xf32>
        %mul3A_396 = arith.mulf %get3A_391, %get3A_395 : vector<16xf32>
        %get3A_397 = arith.index_cast %add3A_333 : i32 to index
        %get3A_398 = arith.constant 112 : index
        %get3A_399 = tpu.vector_load %arg13[%get3A_397, %get3A_398] {strides = array<i32>} : memref<80x128xf32, #tpu.memory_space<vmem>>, vector<1x16xf32>,
        %get3A_400 = vector.shape_cast %get3A_399 : vector<1x16xf32> to vector<16xf32>
        %get3A_401 = arith.index_cast %add3A_333 : i32 to index
        %get3A_402 = arith.constant 112 : index
        %get3A_403 = tpu.vector_load %arg17[%get3A_401, %get3A_402] {strides = array<i32>} : memref<80x128xf32, #tpu.memory_space<vmem>>, vector<1x16xf32>,
        %get3A_404 = vector.shape_cast %get3A_403 : vector<1x16xf32> to vector<16xf32>
        %mul3A_405 = arith.mulf %get3A_400, %get3A_404 : vector<16xf32>
        %add3A_406 = arith.addf %mul3A_342, %mul3A_351 : vector<16xf32>
        %add3A_407 = arith.addf %mul3A_360, %mul3A_369 : vector<16xf32>
        %add3A_408 = arith.addf %mul3A_378, %mul3A_387 : vector<16xf32>
        %add3A_409 = arith.addf %mul3A_396, %mul3A_405 : vector<16xf32>
        %add3A_410 = arith.addf %add3A_406, %add3A_407 : vector<16xf32>
        %add3A_411 = arith.addf %add3A_408, %add3A_409 : vector<16xf32>
        %add3A_412 = arith.addf %add3A_410, %add3A_411 : vector<16xf32>
        %add3A_413 = arith.constant 1 : i32
        %add3A_414 = arith.addi %add3A_333, %add3A_413 : i32
        %get3A_415 = arith.index_cast %add3A_414 : i32 to index
        %get3A_416 = arith.constant 0 : index
        %get3A_417 = tpu.vector_load %arg13[%get3A_415, %get3A_416] {strides = array<i32>} : memref<80x128xf32, #tpu.memory_space<vmem>>, vector<1x16xf32>,
        %get3A_418 = vector.shape_cast %get3A_417 : vector<1x16xf32> to vector<16xf32>
        %get3A_419 = arith.index_cast %add3A_414 : i32 to index
        %get3A_420 = arith.constant 0 : index
        %get3A_421 = tpu.vector_load %arg17[%get3A_419, %get3A_420] {strides = array<i32>} : memref<80x128xf32, #tpu.memory_space<vmem>>, vector<1x16xf32>,
        %get3A_422 = vector.shape_cast %get3A_421 : vector<1x16xf32> to vector<16xf32>
        %mul3A_423 = arith.mulf %get3A_418, %get3A_422 : vector<16xf32>
        %get3A_424 = arith.index_cast %add3A_414 : i32 to index
        %get3A_425 = arith.constant 16 : index
        %get3A_426 = tpu.vector_load %arg13[%get3A_424, %get3A_425] {strides = array<i32>} : memref<80x128xf32, #tpu.memory_space<vmem>>, vector<1x16xf32>,
        %get3A_427 = vector.shape_cast %get3A_426 : vector<1x16xf32> to vector<16xf32>
        %get3A_428 = arith.index_cast %add3A_414 : i32 to index
        %get3A_429 = arith.constant 16 : index
        %get3A_430 = tpu.vector_load %arg17[%get3A_428, %get3A_429] {strides = array<i32>} : memref<80x128xf32, #tpu.memory_space<vmem>>, vector<1x16xf32>,
        %get3A_431 = vector.shape_cast %get3A_430 : vector<1x16xf32> to vector<16xf32>
        %mul3A_432 = arith.mulf %get3A_427, %get3A_431 : vector<16xf32>
        %get3A_433 = arith.index_cast %add3A_414 : i32 to index
        %get3A_434 = arith.constant 32 : index
        %get3A_435 = tpu.vector_load %arg13[%get3A_433, %get3A_434] {strides = array<i32>} : memref<80x128xf32, #tpu.memory_space<vmem>>, vector<1x16xf32>,
        %get3A_436 = vector.shape_cast %get3A_435 : vector<1x16xf32> to vector<16xf32>
        %get3A_437 = arith.index_cast %add3A_414 : i32 to index
        %get3A_438 = arith.constant 32 : index
        %get3A_439 = tpu.vector_load %arg17[%get3A_437, %get3A_438] {strides = array<i32>} : memref<80x128xf32, #tpu.memory_space<vmem>>, vector<1x16xf32>,
        %get3A_440 = vector.shape_cast %get3A_439 : vector<1x16xf32> to vector<16xf32>
        %mul3A_441 = arith.mulf %get3A_436, %get3A_440 : vector<16xf32>
        %get3A_442 = arith.index_cast %add3A_414 : i32 to index
        %get3A_443 = arith.constant 48 : index
        %get3A_444 = tpu.vector_load %arg13[%get3A_442, %get3A_443] {strides = array<i32>} : memref<80x128xf32, #tpu.memory_space<vmem>>, vector<1x16xf32>,
        %get3A_445 = vector.shape_cast %get3A_444 : vector<1x16xf32> to vector<16xf32>
        %get3A_446 = arith.index_cast %add3A_414 : i32 to index
        %get3A_447 = arith.constant 48 : index
        %get3A_448 = tpu.vector_load %arg17[%get3A_446, %get3A_447] {strides = array<i32>} : memref<80x128xf32, #tpu.memory_space<vmem>>, vector<1x16xf32>,
        %get3A_449 = vector.shape_cast %get3A_448 : vector<1x16xf32> to vector<16xf32>
        %mul3A_450 = arith.mulf %get3A_445, %get3A_449 : vector<16xf32>
        %get3A_451 = arith.index_cast %add3A_414 : i32 to index
        %get3A_452 = arith.constant 64 : index
        %get3A_453 = tpu.vector_load %arg13[%get3A_451, %get3A_452] {strides = array<i32>} : memref<80x128xf32, #tpu.memory_space<vmem>>, vector<1x16xf32>,
        %get3A_454 = vector.shape_cast %get3A_453 : vector<1x16xf32> to vector<16xf32>
        %get3A_455 = arith.index_cast %add3A_414 : i32 to index
        %get3A_456 = arith.constant 64 : index
        %get3A_457 = tpu.vector_load %arg17[%get3A_455, %get3A_456] {strides = array<i32>} : memref<80x128xf32, #tpu.memory_space<vmem>>, vector<1x16xf32>,
        %get3A_458 = vector.shape_cast %get3A_457 : vector<1x16xf32> to vector<16xf32>
        %mul3A_459 = arith.mulf %get3A_454, %get3A_458 : vector<16xf32>
        %get3A_460 = arith.index_cast %add3A_414 : i32 to index
        %get3A_461 = arith.constant 80 : index
        %get3A_462 = tpu.vector_load %arg13[%get3A_460, %get3A_461] {strides = array<i32>} : memref<80x128xf32, #tpu.memory_space<vmem>>, vector<1x16xf32>,
        %get3A_463 = vector.shape_cast %get3A_462 : vector<1x16xf32> to vector<16xf32>
        %get3A_464 = arith.index_cast %add3A_414 : i32 to index
        %get3A_465 = arith.constant 80 : index
        %get3A_466 = tpu.vector_load %arg17[%get3A_464, %get3A_465] {strides = array<i32>} : memref<80x128xf32, #tpu.memory_space<vmem>>, vector<1x16xf32>,
        %get3A_467 = vector.shape_cast %get3A_466 : vector<1x16xf32> to vector<16xf32>
        %mul3A_468 = arith.mulf %get3A_463, %get3A_467 : vector<16xf32>
        %get3A_469 = arith.index_cast %add3A_414 : i32 to index
        %get3A_470 = arith.constant 96 : index
        %get3A_471 = tpu.vector_load %arg13[%get3A_469, %get3A_470] {strides = array<i32>} : memref<80x128xf32, #tpu.memory_space<vmem>>, vector<1x16xf32>,
        %get3A_472 = vector.shape_cast %get3A_471 : vector<1x16xf32> to vector<16xf32>
        %get3A_473 = arith.index_cast %add3A_414 : i32 to index
        %get3A_474 = arith.constant 96 : index
        %get3A_475 = tpu.vector_load %arg17[%get3A_473, %get3A_474] {strides = array<i32>} : memref<80x128xf32, #tpu.memory_space<vmem>>, vector<1x16xf32>,
        %get3A_476 = vector.shape_cast %get3A_475 : vector<1x16xf32> to vector<16xf32>
        %mul3A_477 = arith.mulf %get3A_472, %get3A_476 : vector<16xf32>
        %get3A_478 = arith.index_cast %add3A_414 : i32 to index
        %get3A_479 = arith.constant 112 : index
        %get3A_480 = tpu.vector_load %arg13[%get3A_478, %get3A_479] {strides = array<i32>} : memref<80x128xf32, #tpu.memory_space<vmem>>, vector<1x16xf32>,
        %get3A_481 = vector.shape_cast %get3A_480 : vector<1x16xf32> to vector<16xf32>
        %get3A_482 = arith.index_cast %add3A_414 : i32 to index
        %get3A_483 = arith.constant 112 : index
        %get3A_484 = tpu.vector_load %arg17[%get3A_482, %get3A_483] {strides = array<i32>} : memref<80x128xf32, #tpu.memory_space<vmem>>, vector<1x16xf32>,
        %get3A_485 = vector.shape_cast %get3A_484 : vector<1x16xf32> to vector<16xf32>
        %mul3A_486 = arith.mulf %get3A_481, %get3A_485 : vector<16xf32>
        %add3A_487 = arith.addf %mul3A_423, %mul3A_432 : vector<16xf32>
        %add3A_488 = arith.addf %mul3A_441, %mul3A_450 : vector<16xf32>
        %add3A_489 = arith.addf %mul3A_459, %mul3A_468 : vector<16xf32>
        %add3A_490 = arith.addf %mul3A_477, %mul3A_486 : vector<16xf32>
        %add3A_491 = arith.addf %add3A_487, %add3A_488 : vector<16xf32>
        %add3A_492 = arith.addf %add3A_489, %add3A_490 : vector<16xf32>
        %add3A_493 = arith.addf %add3A_491, %add3A_492 : vector<16xf32>
        %iota3A_494 = tpu.iota {dimensions = array<i32: 0>} : vector<16xi32>
        %and3A_495 = arith.constant 1 : i32
        %and3A_496 = vector.broadcast %and3A_495 : i32 to vector<16xi32>
        %and3A_497 = arith.andi %iota3A_494, %and3A_496 : vector<16xi32>
        %ne3A_498 = arith.constant 0 : i32
        %ne3A_499 = vector.broadcast %ne3A_498 : i32 to vector<16xi32>
        %ne3A_500 = arith.cmpi ne, %and3A_497, %ne3A_499 : vector<16xi32>
        %select_n3A_501 = arith.select %ne3A_500, %add3A_493, %add3A_412 : vector<16xi1>, vector<16xf32>
        %select_n3A_502 = arith.select %ne3A_500, %add3A_412, %add3A_493 : vector<16xi1>, vector<16xf32>
        %xor3A_503 = arith.constant 1 : i32
        %xor3A_504 = vector.broadcast %xor3A_503 : i32 to vector<16xi32>
        %xor3A_505 = arith.xori %iota3A_494, %xor3A_504 : vector<16xi32>
        %reshape3A_506 = vector.shape_cast %xor3A_505 : vector<16xi32> to vector<16x1xi32>
        %gather3A_507 = vector.shape_cast %reshape3A_506 : vector<16x1xi32> to vector<16xi32>
        %gather3A_508 = tpu.dynamic_gather %select_n3A_502[%gather3A_507] in [0] : vector<16xf32>, vector<16xi32> -> vector<16xf32>
        %add3A_509 = arith.addf %select_n3A_501, %gather3A_508 : vector<16xf32>
        %iota3A_510 = tpu.iota {dimensions = array<i32: 0>} : vector<16xi32>
        %and3A_511 = arith.constant 2 : i32
        %and3A_512 = vector.broadcast %and3A_511 : i32 to vector<16xi32>
        %and3A_513 = arith.andi %iota3A_510, %and3A_512 : vector<16xi32>
        %ne3A_514 = arith.constant 0 : i32
        %ne3A_515 = vector.broadcast %ne3A_514 : i32 to vector<16xi32>
        %ne3A_516 = arith.cmpi ne, %and3A_513, %ne3A_515 : vector<16xi32>
        %select_n3A_517 = arith.select %ne3A_516, %add3A_509, %add3A_331 : vector<16xi1>, vector<16xf32>
        %select_n3A_518 = arith.select %ne3A_516, %add3A_331, %add3A_509 : vector<16xi1>, vector<16xf32>
        %xor3A_519 = arith.constant 2 : i32
        %xor3A_520 = vector.broadcast %xor3A_519 : i32 to vector<16xi32>
        %xor3A_521 = arith.xori %iota3A_510, %xor3A_520 : vector<16xi32>
        %reshape3A_522 = vector.shape_cast %xor3A_521 : vector<16xi32> to vector<16x1xi32>
        %gather3A_523 = vector.shape_cast %reshape3A_522 : vector<16x1xi32> to vector<16xi32>
        %gather3A_524 = tpu.dynamic_gather %select_n3A_518[%gather3A_523] in [0] : vector<16xf32>, vector<16xi32> -> vector<16xf32>
        %add3A_525 = arith.addf %select_n3A_517, %gather3A_524 : vector<16xf32>
        %xor3A_526 = arith.constant 4 : i32
        %xor3A_527 = vector.broadcast %xor3A_526 : i32 to vector<16xi32>
        %xor3A_528 = arith.xori %iota3A_116, %xor3A_527 : vector<16xi32>
        %reshape3A_529 = vector.shape_cast %xor3A_528 : vector<16xi32> to vector<16x1xi32>
        %gather3A_530 = vector.shape_cast %reshape3A_529 : vector<16x1xi32> to vector<16xi32>
        %gather3A_531 = tpu.dynamic_gather %add3A_525[%gather3A_530] in [0] : vector<16xf32>, vector<16xi32> -> vector<16xf32>
        %add3A_532 = arith.addf %add3A_525, %gather3A_531 : vector<16xf32>
        %xor3A_533 = arith.constant 8 : i32
        %xor3A_534 = vector.broadcast %xor3A_533 : i32 to vector<16xi32>
        %xor3A_535 = arith.xori %iota3A_116, %xor3A_534 : vector<16xi32>
        %reshape3A_536 = vector.shape_cast %xor3A_535 : vector<16xi32> to vector<16x1xi32>
        %gather3A_537 = vector.shape_cast %reshape3A_536 : vector<16x1xi32> to vector<16xi32>
        %gather3A_538 = tpu.dynamic_gather %add3A_532[%gather3A_537] in [0] : vector<16xf32>, vector<16xi32> -> vector<16xf32>
        %add3A_539 = arith.addf %add3A_532, %gather3A_538 : vector<16xf32>
        %shift_right_arithmetic3A = arith.constant 2 : i32
        %shift_right_arithmetic3A_540 = vector.broadcast %shift_right_arithmetic3A : i32 to vector<16xi32>
        %shift_right_arithmetic3A_541 = arith.shrsi %iota3A_116, %shift_right_arithmetic3A_540 : vector<16xi32>
        %eq3A = vector.broadcast %scan3A_156 : i32 to vector<16xi32>
        %eq3A_542 = arith.cmpi eq, %shift_right_arithmetic3A_541, %eq3A : vector<16xi32>
        %select_n3A_543 = arith.select %eq3A_542, %add3A_539, %scan3A_157 : vector<16xi1>, vector<16xf32>
        scf.yield %select_n3A_543 : vector<16xf32>
      }
      %scan3A_147 = arith.constant 4 : i32
      %mul3A_148 = arith.constant 16 : i32
      %mul3A_149 = arith.muli %scan3A_140, %mul3A_148 : i32
      %add3A_150 = arith.constant 9840 : i32
      %add3A_151 = arith.addi %add3A_150, %mul3A_149 : i32
      %multiple_of3A_152 = tpu.assume_multiple %add3A_151, 8 : i32
      %swap3A = arith.index_cast %multiple_of3A_152 : i32 to index
      %swap3A_153 = tpu.vector_load %arg9[%swap3A] {strides = array<i32>} : memref<10000xf32, #tpu.memory_space<vmem>>, vector<16xf32>,
      %swap3A_154 = vector.shape_cast %swap3A_153 : vector<16xf32> to vector<16xf32>
      %swap3A_155 = vector.shape_cast %scan3A_146 : vector<16xf32> to vector<16xf32>
      tpu.vector_store %arg9[%swap3A], %swap3A_155 {strides = array<i32>} : memref<10000xf32, #tpu.memory_space<vmem>>, vector<16xf32>,
    }
    %scan3A_122 = arith.constant 5 : i32
    %multiple_of3A_123 = arith.constant 9920 : i32
    %multiple_of3A_124 = tpu.assume_multiple %multiple_of3A_123, 8 : i32
    %dma_wait3A_125 = tpu.memref_slice %arg7[%multiple_of3A_124] : memref<10000xi32, #tpu.memory_space<vmem>> -> memref<80xi32, #tpu.memory_space<vmem>>
    %dma_wait3A_126 = arith.constant 0 : i32
    %dma_wait3A_127 = arith.constant 0 : i32
    %dma_wait3A_128 = tpu.memref_slice %arg2[%dma_wait3A_126, %dma_wait3A_127] : memref<10000x128xf32, #tpu.memory_space<hbm>> -> memref<10000x128xf32, #tpu.memory_space<hbm>>
    tpu.wait_indirect_dma semaphore(%arg18 : memref<!tpu.dma_semaphore, #tpu.memory_space<semaphore_mem>>) src(%dma_wait3A_128 : memref<10000x128xf32, #tpu.memory_space<hbm>>) dst(%arg10 : memref<80x128xf32, #tpu.memory_space<vmem>>)
    %dma_wait3A_129 = tpu.memref_slice %arg8[%multiple_of3A_124] : memref<10000xi32, #tpu.memory_space<vmem>> -> memref<80xi32, #tpu.memory_space<vmem>>
    %dma_wait3A_130 = arith.constant 0 : i32
    %dma_wait3A_131 = arith.constant 0 : i32
    %dma_wait3A_132 = tpu.memref_slice %arg3[%dma_wait3A_130, %dma_wait3A_131] : memref<10000x128xf32, #tpu.memory_space<hbm>> -> memref<10000x128xf32, #tpu.memory_space<hbm>>
    tpu.wait_indirect_dma semaphore(%arg22 : memref<!tpu.dma_semaphore, #tpu.memory_space<semaphore_mem>>) src(%dma_wait3A_132 : memref<10000x128xf32, #tpu.memory_space<hbm>>) dst(%arg14 : memref<80x128xf32, #tpu.memory_space<vmem>>)
    %iota3A_133 = tpu.iota {dimensions = array<i32: 0>} : vector<16xi32>
    %scan3A_134 = arith.constant 0 : i32
    %scan3A_135 = arith.constant 0 : i32
    %scan3A_136 = arith.constant 5 : i32
    %scan3A_137 = arith.addi %scan3A_135, %scan3A_136 : i32
    %scan3A_138 = arith.constant 1 : i32
    scf.for %scan3A_140 = %scan3A_135 to %scan3A_137 step %scan3A_138  : i32 {
      %broadcast_in_dim3A = arith.constant 0.000000e+00 : f32
      %broadcast_in_dim3A_141 = vector.broadcast %broadcast_in_dim3A : f32 to vector<16xf32>
      %scan3A_142 = arith.constant 0 : i32
      %scan3A_143 = arith.constant 4 : i32
      %scan3A_144 = arith.addi %scan3A_142, %scan3A_143 : i32
      %scan3A_145 = arith.constant 1 : i32
      %scan3A_146 = scf.for %scan3A_156 = %scan3A_142 to %scan3A_144 step %scan3A_145 iter_args(%scan3A_157 = %broadcast_in_dim3A_141) -> (vector<16xf32>)  : i32 {
        %mul3A_158 = arith.constant 16 : i32
        %mul3A_159 = arith.muli %scan3A_140, %mul3A_158 : i32
        %mul3A_160 = arith.constant 4 : i32
        %mul3A_161 = arith.muli %scan3A_156, %mul3A_160 : i32
        %add3A_162 = arith.addi %mul3A_159, %mul3A_161 : i32
        %get3A = arith.index_cast %add3A_162 : i32 to index
        %get3A_163 = arith.constant 0 : index
        %get3A_164 = tpu.vector_load %arg10[%get3A, %get3A_163] {strides = array<i32>} : memref<80x128xf32, #tpu.memory_space<vmem>>, vector<1x16xf32>,
        %get3A_165 = vector.shape_cast %get3A_164 : vector<1x16xf32> to vector<16xf32>
        %get3A_166 = arith.index_cast %add3A_162 : i32 to index
        %get3A_167 = arith.constant 0 : index
        %get3A_168 = tpu.vector_load %arg14[%get3A_166, %get3A_167] {strides = array<i32>} : memref<80x128xf32, #tpu.memory_space<vmem>>, vector<1x16xf32>,
        %get3A_169 = vector.shape_cast %get3A_168 : vector<1x16xf32> to vector<16xf32>
        %mul3A_170 = arith.mulf %get3A_165, %get3A_169 : vector<16xf32>
        %get3A_171 = arith.index_cast %add3A_162 : i32 to index
        %get3A_172 = arith.constant 16 : index
        %get3A_173 = tpu.vector_load %arg10[%get3A_171, %get3A_172] {strides = array<i32>} : memref<80x128xf32, #tpu.memory_space<vmem>>, vector<1x16xf32>,
        %get3A_174 = vector.shape_cast %get3A_173 : vector<1x16xf32> to vector<16xf32>
        %get3A_175 = arith.index_cast %add3A_162 : i32 to index
        %get3A_176 = arith.constant 16 : index
        %get3A_177 = tpu.vector_load %arg14[%get3A_175, %get3A_176] {strides = array<i32>} : memref<80x128xf32, #tpu.memory_space<vmem>>, vector<1x16xf32>,
        %get3A_178 = vector.shape_cast %get3A_177 : vector<1x16xf32> to vector<16xf32>
        %mul3A_179 = arith.mulf %get3A_174, %get3A_178 : vector<16xf32>
        %get3A_180 = arith.index_cast %add3A_162 : i32 to index
        %get3A_181 = arith.constant 32 : index
        %get3A_182 = tpu.vector_load %arg10[%get3A_180, %get3A_181] {strides = array<i32>} : memref<80x128xf32, #tpu.memory_space<vmem>>, vector<1x16xf32>,
        %get3A_183 = vector.shape_cast %get3A_182 : vector<1x16xf32> to vector<16xf32>
        %get3A_184 = arith.index_cast %add3A_162 : i32 to index
        %get3A_185 = arith.constant 32 : index
        %get3A_186 = tpu.vector_load %arg14[%get3A_184, %get3A_185] {strides = array<i32>} : memref<80x128xf32, #tpu.memory_space<vmem>>, vector<1x16xf32>,
        %get3A_187 = vector.shape_cast %get3A_186 : vector<1x16xf32> to vector<16xf32>
        %mul3A_188 = arith.mulf %get3A_183, %get3A_187 : vector<16xf32>
        %get3A_189 = arith.index_cast %add3A_162 : i32 to index
        %get3A_190 = arith.constant 48 : index
        %get3A_191 = tpu.vector_load %arg10[%get3A_189, %get3A_190] {strides = array<i32>} : memref<80x128xf32, #tpu.memory_space<vmem>>, vector<1x16xf32>,
        %get3A_192 = vector.shape_cast %get3A_191 : vector<1x16xf32> to vector<16xf32>
        %get3A_193 = arith.index_cast %add3A_162 : i32 to index
        %get3A_194 = arith.constant 48 : index
        %get3A_195 = tpu.vector_load %arg14[%get3A_193, %get3A_194] {strides = array<i32>} : memref<80x128xf32, #tpu.memory_space<vmem>>, vector<1x16xf32>,
        %get3A_196 = vector.shape_cast %get3A_195 : vector<1x16xf32> to vector<16xf32>
        %mul3A_197 = arith.mulf %get3A_192, %get3A_196 : vector<16xf32>
        %get3A_198 = arith.index_cast %add3A_162 : i32 to index
        %get3A_199 = arith.constant 64 : index
        %get3A_200 = tpu.vector_load %arg10[%get3A_198, %get3A_199] {strides = array<i32>} : memref<80x128xf32, #tpu.memory_space<vmem>>, vector<1x16xf32>,
        %get3A_201 = vector.shape_cast %get3A_200 : vector<1x16xf32> to vector<16xf32>
        %get3A_202 = arith.index_cast %add3A_162 : i32 to index
        %get3A_203 = arith.constant 64 : index
        %get3A_204 = tpu.vector_load %arg14[%get3A_202, %get3A_203] {strides = array<i32>} : memref<80x128xf32, #tpu.memory_space<vmem>>, vector<1x16xf32>,
        %get3A_205 = vector.shape_cast %get3A_204 : vector<1x16xf32> to vector<16xf32>
        %mul3A_206 = arith.mulf %get3A_201, %get3A_205 : vector<16xf32>
        %get3A_207 = arith.index_cast %add3A_162 : i32 to index
        %get3A_208 = arith.constant 80 : index
        %get3A_209 = tpu.vector_load %arg10[%get3A_207, %get3A_208] {strides = array<i32>} : memref<80x128xf32, #tpu.memory_space<vmem>>, vector<1x16xf32>,
        %get3A_210 = vector.shape_cast %get3A_209 : vector<1x16xf32> to vector<16xf32>
        %get3A_211 = arith.index_cast %add3A_162 : i32 to index
        %get3A_212 = arith.constant 80 : index
        %get3A_213 = tpu.vector_load %arg14[%get3A_211, %get3A_212] {strides = array<i32>} : memref<80x128xf32, #tpu.memory_space<vmem>>, vector<1x16xf32>,
        %get3A_214 = vector.shape_cast %get3A_213 : vector<1x16xf32> to vector<16xf32>
        %mul3A_215 = arith.mulf %get3A_210, %get3A_214 : vector<16xf32>
        %get3A_216 = arith.index_cast %add3A_162 : i32 to index
        %get3A_217 = arith.constant 96 : index
        %get3A_218 = tpu.vector_load %arg10[%get3A_216, %get3A_217] {strides = array<i32>} : memref<80x128xf32, #tpu.memory_space<vmem>>, vector<1x16xf32>,
        %get3A_219 = vector.shape_cast %get3A_218 : vector<1x16xf32> to vector<16xf32>
        %get3A_220 = arith.index_cast %add3A_162 : i32 to index
        %get3A_221 = arith.constant 96 : index
        %get3A_222 = tpu.vector_load %arg14[%get3A_220, %get3A_221] {strides = array<i32>} : memref<80x128xf32, #tpu.memory_space<vmem>>, vector<1x16xf32>,
        %get3A_223 = vector.shape_cast %get3A_222 : vector<1x16xf32> to vector<16xf32>
        %mul3A_224 = arith.mulf %get3A_219, %get3A_223 : vector<16xf32>
        %get3A_225 = arith.index_cast %add3A_162 : i32 to index
        %get3A_226 = arith.constant 112 : index
        %get3A_227 = tpu.vector_load %arg10[%get3A_225, %get3A_226] {strides = array<i32>} : memref<80x128xf32, #tpu.memory_space<vmem>>, vector<1x16xf32>,
        %get3A_228 = vector.shape_cast %get3A_227 : vector<1x16xf32> to vector<16xf32>
        %get3A_229 = arith.index_cast %add3A_162 : i32 to index
        %get3A_230 = arith.constant 112 : index
        %get3A_231 = tpu.vector_load %arg14[%get3A_229, %get3A_230] {strides = array<i32>} : memref<80x128xf32, #tpu.memory_space<vmem>>, vector<1x16xf32>,
        %get3A_232 = vector.shape_cast %get3A_231 : vector<1x16xf32> to vector<16xf32>
        %mul3A_233 = arith.mulf %get3A_228, %get3A_232 : vector<16xf32>
        %add3A_234 = arith.addf %mul3A_170, %mul3A_179 : vector<16xf32>
        %add3A_235 = arith.addf %mul3A_188, %mul3A_197 : vector<16xf32>
        %add3A_236 = arith.addf %mul3A_206, %mul3A_215 : vector<16xf32>
        %add3A_237 = arith.addf %mul3A_224, %mul3A_233 : vector<16xf32>
        %add3A_238 = arith.addf %add3A_234, %add3A_235 : vector<16xf32>
        %add3A_239 = arith.addf %add3A_236, %add3A_237 : vector<16xf32>
        %add3A_240 = arith.addf %add3A_238, %add3A_239 : vector<16xf32>
        %add3A_241 = arith.constant 1 : i32
        %add3A_242 = arith.addi %add3A_162, %add3A_241 : i32
        %get3A_243 = arith.index_cast %add3A_242 : i32 to index
        %get3A_244 = arith.constant 0 : index
        %get3A_245 = tpu.vector_load %arg10[%get3A_243, %get3A_244] {strides = array<i32>} : memref<80x128xf32, #tpu.memory_space<vmem>>, vector<1x16xf32>,
        %get3A_246 = vector.shape_cast %get3A_245 : vector<1x16xf32> to vector<16xf32>
        %get3A_247 = arith.index_cast %add3A_242 : i32 to index
        %get3A_248 = arith.constant 0 : index
        %get3A_249 = tpu.vector_load %arg14[%get3A_247, %get3A_248] {strides = array<i32>} : memref<80x128xf32, #tpu.memory_space<vmem>>, vector<1x16xf32>,
        %get3A_250 = vector.shape_cast %get3A_249 : vector<1x16xf32> to vector<16xf32>
        %mul3A_251 = arith.mulf %get3A_246, %get3A_250 : vector<16xf32>
        %get3A_252 = arith.index_cast %add3A_242 : i32 to index
        %get3A_253 = arith.constant 16 : index
        %get3A_254 = tpu.vector_load %arg10[%get3A_252, %get3A_253] {strides = array<i32>} : memref<80x128xf32, #tpu.memory_space<vmem>>, vector<1x16xf32>,
        %get3A_255 = vector.shape_cast %get3A_254 : vector<1x16xf32> to vector<16xf32>
        %get3A_256 = arith.index_cast %add3A_242 : i32 to index
        %get3A_257 = arith.constant 16 : index
        %get3A_258 = tpu.vector_load %arg14[%get3A_256, %get3A_257] {strides = array<i32>} : memref<80x128xf32, #tpu.memory_space<vmem>>, vector<1x16xf32>,
        %get3A_259 = vector.shape_cast %get3A_258 : vector<1x16xf32> to vector<16xf32>
        %mul3A_260 = arith.mulf %get3A_255, %get3A_259 : vector<16xf32>
        %get3A_261 = arith.index_cast %add3A_242 : i32 to index
        %get3A_262 = arith.constant 32 : index
        %get3A_263 = tpu.vector_load %arg10[%get3A_261, %get3A_262] {strides = array<i32>} : memref<80x128xf32, #tpu.memory_space<vmem>>, vector<1x16xf32>,
        %get3A_264 = vector.shape_cast %get3A_263 : vector<1x16xf32> to vector<16xf32>
        %get3A_265 = arith.index_cast %add3A_242 : i32 to index
        %get3A_266 = arith.constant 32 : index
        %get3A_267 = tpu.vector_load %arg14[%get3A_265, %get3A_266] {strides = array<i32>} : memref<80x128xf32, #tpu.memory_space<vmem>>, vector<1x16xf32>,
        %get3A_268 = vector.shape_cast %get3A_267 : vector<1x16xf32> to vector<16xf32>
        %mul3A_269 = arith.mulf %get3A_264, %get3A_268 : vector<16xf32>
        %get3A_270 = arith.index_cast %add3A_242 : i32 to index
        %get3A_271 = arith.constant 48 : index
        %get3A_272 = tpu.vector_load %arg10[%get3A_270, %get3A_271] {strides = array<i32>} : memref<80x128xf32, #tpu.memory_space<vmem>>, vector<1x16xf32>,
        %get3A_273 = vector.shape_cast %get3A_272 : vector<1x16xf32> to vector<16xf32>
        %get3A_274 = arith.index_cast %add3A_242 : i32 to index
        %get3A_275 = arith.constant 48 : index
        %get3A_276 = tpu.vector_load %arg14[%get3A_274, %get3A_275] {strides = array<i32>} : memref<80x128xf32, #tpu.memory_space<vmem>>, vector<1x16xf32>,
        %get3A_277 = vector.shape_cast %get3A_276 : vector<1x16xf32> to vector<16xf32>
        %mul3A_278 = arith.mulf %get3A_273, %get3A_277 : vector<16xf32>
        %get3A_279 = arith.index_cast %add3A_242 : i32 to index
        %get3A_280 = arith.constant 64 : index
        %get3A_281 = tpu.vector_load %arg10[%get3A_279, %get3A_280] {strides = array<i32>} : memref<80x128xf32, #tpu.memory_space<vmem>>, vector<1x16xf32>,
        %get3A_282 = vector.shape_cast %get3A_281 : vector<1x16xf32> to vector<16xf32>
        %get3A_283 = arith.index_cast %add3A_242 : i32 to index
        %get3A_284 = arith.constant 64 : index
        %get3A_285 = tpu.vector_load %arg14[%get3A_283, %get3A_284] {strides = array<i32>} : memref<80x128xf32, #tpu.memory_space<vmem>>, vector<1x16xf32>,
        %get3A_286 = vector.shape_cast %get3A_285 : vector<1x16xf32> to vector<16xf32>
        %mul3A_287 = arith.mulf %get3A_282, %get3A_286 : vector<16xf32>
        %get3A_288 = arith.index_cast %add3A_242 : i32 to index
        %get3A_289 = arith.constant 80 : index
        %get3A_290 = tpu.vector_load %arg10[%get3A_288, %get3A_289] {strides = array<i32>} : memref<80x128xf32, #tpu.memory_space<vmem>>, vector<1x16xf32>,
        %get3A_291 = vector.shape_cast %get3A_290 : vector<1x16xf32> to vector<16xf32>
        %get3A_292 = arith.index_cast %add3A_242 : i32 to index
        %get3A_293 = arith.constant 80 : index
        %get3A_294 = tpu.vector_load %arg14[%get3A_292, %get3A_293] {strides = array<i32>} : memref<80x128xf32, #tpu.memory_space<vmem>>, vector<1x16xf32>,
        %get3A_295 = vector.shape_cast %get3A_294 : vector<1x16xf32> to vector<16xf32>
        %mul3A_296 = arith.mulf %get3A_291, %get3A_295 : vector<16xf32>
        %get3A_297 = arith.index_cast %add3A_242 : i32 to index
        %get3A_298 = arith.constant 96 : index
        %get3A_299 = tpu.vector_load %arg10[%get3A_297, %get3A_298] {strides = array<i32>} : memref<80x128xf32, #tpu.memory_space<vmem>>, vector<1x16xf32>,
        %get3A_300 = vector.shape_cast %get3A_299 : vector<1x16xf32> to vector<16xf32>
        %get3A_301 = arith.index_cast %add3A_242 : i32 to index
        %get3A_302 = arith.constant 96 : index
        %get3A_303 = tpu.vector_load %arg14[%get3A_301, %get3A_302] {strides = array<i32>} : memref<80x128xf32, #tpu.memory_space<vmem>>, vector<1x16xf32>,
        %get3A_304 = vector.shape_cast %get3A_303 : vector<1x16xf32> to vector<16xf32>
        %mul3A_305 = arith.mulf %get3A_300, %get3A_304 : vector<16xf32>
        %get3A_306 = arith.index_cast %add3A_242 : i32 to index
        %get3A_307 = arith.constant 112 : index
        %get3A_308 = tpu.vector_load %arg10[%get3A_306, %get3A_307] {strides = array<i32>} : memref<80x128xf32, #tpu.memory_space<vmem>>, vector<1x16xf32>,
        %get3A_309 = vector.shape_cast %get3A_308 : vector<1x16xf32> to vector<16xf32>
        %get3A_310 = arith.index_cast %add3A_242 : i32 to index
        %get3A_311 = arith.constant 112 : index
        %get3A_312 = tpu.vector_load %arg14[%get3A_310, %get3A_311] {strides = array<i32>} : memref<80x128xf32, #tpu.memory_space<vmem>>, vector<1x16xf32>,
        %get3A_313 = vector.shape_cast %get3A_312 : vector<1x16xf32> to vector<16xf32>
        %mul3A_314 = arith.mulf %get3A_309, %get3A_313 : vector<16xf32>
        %add3A_315 = arith.addf %mul3A_251, %mul3A_260 : vector<16xf32>
        %add3A_316 = arith.addf %mul3A_269, %mul3A_278 : vector<16xf32>
        %add3A_317 = arith.addf %mul3A_287, %mul3A_296 : vector<16xf32>
        %add3A_318 = arith.addf %mul3A_305, %mul3A_314 : vector<16xf32>
        %add3A_319 = arith.addf %add3A_315, %add3A_316 : vector<16xf32>
        %add3A_320 = arith.addf %add3A_317, %add3A_318 : vector<16xf32>
        %add3A_321 = arith.addf %add3A_319, %add3A_320 : vector<16xf32>
        %iota3A_322 = tpu.iota {dimensions = array<i32: 0>} : vector<16xi32>
        %and3A = arith.constant 1 : i32
        %and3A_323 = vector.broadcast %and3A : i32 to vector<16xi32>
        %and3A_324 = arith.andi %iota3A_322, %and3A_323 : vector<16xi32>
        %ne3A = arith.constant 0 : i32
        %ne3A_325 = vector.broadcast %ne3A : i32 to vector<16xi32>
        %ne3A_326 = arith.cmpi ne, %and3A_324, %ne3A_325 : vector<16xi32>
        %select_n3A = arith.select %ne3A_326, %add3A_321, %add3A_240 : vector<16xi1>, vector<16xf32>
        %select_n3A_327 = arith.select %ne3A_326, %add3A_240, %add3A_321 : vector<16xi1>, vector<16xf32>
        %xor3A = arith.constant 1 : i32
        %xor3A_328 = vector.broadcast %xor3A : i32 to vector<16xi32>
        %xor3A_329 = arith.xori %iota3A_322, %xor3A_328 : vector<16xi32>
        %reshape3A = vector.shape_cast %xor3A_329 : vector<16xi32> to vector<16x1xi32>
        %gather3A = vector.shape_cast %reshape3A : vector<16x1xi32> to vector<16xi32>
        %gather3A_330 = tpu.dynamic_gather %select_n3A_327[%gather3A] in [0] : vector<16xf32>, vector<16xi32> -> vector<16xf32>
        %add3A_331 = arith.addf %select_n3A, %gather3A_330 : vector<16xf32>
        %add3A_332 = arith.constant 2 : i32
        %add3A_333 = arith.addi %add3A_162, %add3A_332 : i32
        %get3A_334 = arith.index_cast %add3A_333 : i32 to index
        %get3A_335 = arith.constant 0 : index
        %get3A_336 = tpu.vector_load %arg10[%get3A_334, %get3A_335] {strides = array<i32>} : memref<80x128xf32, #tpu.memory_space<vmem>>, vector<1x16xf32>,
        %get3A_337 = vector.shape_cast %get3A_336 : vector<1x16xf32> to vector<16xf32>
        %get3A_338 = arith.index_cast %add3A_333 : i32 to index
        %get3A_339 = arith.constant 0 : index
        %get3A_340 = tpu.vector_load %arg14[%get3A_338, %get3A_339] {strides = array<i32>} : memref<80x128xf32, #tpu.memory_space<vmem>>, vector<1x16xf32>,
        %get3A_341 = vector.shape_cast %get3A_340 : vector<1x16xf32> to vector<16xf32>
        %mul3A_342 = arith.mulf %get3A_337, %get3A_341 : vector<16xf32>
        %get3A_343 = arith.index_cast %add3A_333 : i32 to index
        %get3A_344 = arith.constant 16 : index
        %get3A_345 = tpu.vector_load %arg10[%get3A_343, %get3A_344] {strides = array<i32>} : memref<80x128xf32, #tpu.memory_space<vmem>>, vector<1x16xf32>,
        %get3A_346 = vector.shape_cast %get3A_345 : vector<1x16xf32> to vector<16xf32>
        %get3A_347 = arith.index_cast %add3A_333 : i32 to index
        %get3A_348 = arith.constant 16 : index
        %get3A_349 = tpu.vector_load %arg14[%get3A_347, %get3A_348] {strides = array<i32>} : memref<80x128xf32, #tpu.memory_space<vmem>>, vector<1x16xf32>,
        %get3A_350 = vector.shape_cast %get3A_349 : vector<1x16xf32> to vector<16xf32>
        %mul3A_351 = arith.mulf %get3A_346, %get3A_350 : vector<16xf32>
        %get3A_352 = arith.index_cast %add3A_333 : i32 to index
        %get3A_353 = arith.constant 32 : index
        %get3A_354 = tpu.vector_load %arg10[%get3A_352, %get3A_353] {strides = array<i32>} : memref<80x128xf32, #tpu.memory_space<vmem>>, vector<1x16xf32>,
        %get3A_355 = vector.shape_cast %get3A_354 : vector<1x16xf32> to vector<16xf32>
        %get3A_356 = arith.index_cast %add3A_333 : i32 to index
        %get3A_357 = arith.constant 32 : index
        %get3A_358 = tpu.vector_load %arg14[%get3A_356, %get3A_357] {strides = array<i32>} : memref<80x128xf32, #tpu.memory_space<vmem>>, vector<1x16xf32>,
        %get3A_359 = vector.shape_cast %get3A_358 : vector<1x16xf32> to vector<16xf32>
        %mul3A_360 = arith.mulf %get3A_355, %get3A_359 : vector<16xf32>
        %get3A_361 = arith.index_cast %add3A_333 : i32 to index
        %get3A_362 = arith.constant 48 : index
        %get3A_363 = tpu.vector_load %arg10[%get3A_361, %get3A_362] {strides = array<i32>} : memref<80x128xf32, #tpu.memory_space<vmem>>, vector<1x16xf32>,
        %get3A_364 = vector.shape_cast %get3A_363 : vector<1x16xf32> to vector<16xf32>
        %get3A_365 = arith.index_cast %add3A_333 : i32 to index
        %get3A_366 = arith.constant 48 : index
        %get3A_367 = tpu.vector_load %arg14[%get3A_365, %get3A_366] {strides = array<i32>} : memref<80x128xf32, #tpu.memory_space<vmem>>, vector<1x16xf32>,
        %get3A_368 = vector.shape_cast %get3A_367 : vector<1x16xf32> to vector<16xf32>
        %mul3A_369 = arith.mulf %get3A_364, %get3A_368 : vector<16xf32>
        %get3A_370 = arith.index_cast %add3A_333 : i32 to index
        %get3A_371 = arith.constant 64 : index
        %get3A_372 = tpu.vector_load %arg10[%get3A_370, %get3A_371] {strides = array<i32>} : memref<80x128xf32, #tpu.memory_space<vmem>>, vector<1x16xf32>,
        %get3A_373 = vector.shape_cast %get3A_372 : vector<1x16xf32> to vector<16xf32>
        %get3A_374 = arith.index_cast %add3A_333 : i32 to index
        %get3A_375 = arith.constant 64 : index
        %get3A_376 = tpu.vector_load %arg14[%get3A_374, %get3A_375] {strides = array<i32>} : memref<80x128xf32, #tpu.memory_space<vmem>>, vector<1x16xf32>,
        %get3A_377 = vector.shape_cast %get3A_376 : vector<1x16xf32> to vector<16xf32>
        %mul3A_378 = arith.mulf %get3A_373, %get3A_377 : vector<16xf32>
        %get3A_379 = arith.index_cast %add3A_333 : i32 to index
        %get3A_380 = arith.constant 80 : index
        %get3A_381 = tpu.vector_load %arg10[%get3A_379, %get3A_380] {strides = array<i32>} : memref<80x128xf32, #tpu.memory_space<vmem>>, vector<1x16xf32>,
        %get3A_382 = vector.shape_cast %get3A_381 : vector<1x16xf32> to vector<16xf32>
        %get3A_383 = arith.index_cast %add3A_333 : i32 to index
        %get3A_384 = arith.constant 80 : index
        %get3A_385 = tpu.vector_load %arg14[%get3A_383, %get3A_384] {strides = array<i32>} : memref<80x128xf32, #tpu.memory_space<vmem>>, vector<1x16xf32>,
        %get3A_386 = vector.shape_cast %get3A_385 : vector<1x16xf32> to vector<16xf32>
        %mul3A_387 = arith.mulf %get3A_382, %get3A_386 : vector<16xf32>
        %get3A_388 = arith.index_cast %add3A_333 : i32 to index
        %get3A_389 = arith.constant 96 : index
        %get3A_390 = tpu.vector_load %arg10[%get3A_388, %get3A_389] {strides = array<i32>} : memref<80x128xf32, #tpu.memory_space<vmem>>, vector<1x16xf32>,
        %get3A_391 = vector.shape_cast %get3A_390 : vector<1x16xf32> to vector<16xf32>
        %get3A_392 = arith.index_cast %add3A_333 : i32 to index
        %get3A_393 = arith.constant 96 : index
        %get3A_394 = tpu.vector_load %arg14[%get3A_392, %get3A_393] {strides = array<i32>} : memref<80x128xf32, #tpu.memory_space<vmem>>, vector<1x16xf32>,
        %get3A_395 = vector.shape_cast %get3A_394 : vector<1x16xf32> to vector<16xf32>
        %mul3A_396 = arith.mulf %get3A_391, %get3A_395 : vector<16xf32>
        %get3A_397 = arith.index_cast %add3A_333 : i32 to index
        %get3A_398 = arith.constant 112 : index
        %get3A_399 = tpu.vector_load %arg10[%get3A_397, %get3A_398] {strides = array<i32>} : memref<80x128xf32, #tpu.memory_space<vmem>>, vector<1x16xf32>,
        %get3A_400 = vector.shape_cast %get3A_399 : vector<1x16xf32> to vector<16xf32>
        %get3A_401 = arith.index_cast %add3A_333 : i32 to index
        %get3A_402 = arith.constant 112 : index
        %get3A_403 = tpu.vector_load %arg14[%get3A_401, %get3A_402] {strides = array<i32>} : memref<80x128xf32, #tpu.memory_space<vmem>>, vector<1x16xf32>,
        %get3A_404 = vector.shape_cast %get3A_403 : vector<1x16xf32> to vector<16xf32>
        %mul3A_405 = arith.mulf %get3A_400, %get3A_404 : vector<16xf32>
        %add3A_406 = arith.addf %mul3A_342, %mul3A_351 : vector<16xf32>
        %add3A_407 = arith.addf %mul3A_360, %mul3A_369 : vector<16xf32>
        %add3A_408 = arith.addf %mul3A_378, %mul3A_387 : vector<16xf32>
        %add3A_409 = arith.addf %mul3A_396, %mul3A_405 : vector<16xf32>
        %add3A_410 = arith.addf %add3A_406, %add3A_407 : vector<16xf32>
        %add3A_411 = arith.addf %add3A_408, %add3A_409 : vector<16xf32>
        %add3A_412 = arith.addf %add3A_410, %add3A_411 : vector<16xf32>
        %add3A_413 = arith.constant 1 : i32
        %add3A_414 = arith.addi %add3A_333, %add3A_413 : i32
        %get3A_415 = arith.index_cast %add3A_414 : i32 to index
        %get3A_416 = arith.constant 0 : index
        %get3A_417 = tpu.vector_load %arg10[%get3A_415, %get3A_416] {strides = array<i32>} : memref<80x128xf32, #tpu.memory_space<vmem>>, vector<1x16xf32>,
        %get3A_418 = vector.shape_cast %get3A_417 : vector<1x16xf32> to vector<16xf32>
        %get3A_419 = arith.index_cast %add3A_414 : i32 to index
        %get3A_420 = arith.constant 0 : index
        %get3A_421 = tpu.vector_load %arg14[%get3A_419, %get3A_420] {strides = array<i32>} : memref<80x128xf32, #tpu.memory_space<vmem>>, vector<1x16xf32>,
        %get3A_422 = vector.shape_cast %get3A_421 : vector<1x16xf32> to vector<16xf32>
        %mul3A_423 = arith.mulf %get3A_418, %get3A_422 : vector<16xf32>
        %get3A_424 = arith.index_cast %add3A_414 : i32 to index
        %get3A_425 = arith.constant 16 : index
        %get3A_426 = tpu.vector_load %arg10[%get3A_424, %get3A_425] {strides = array<i32>} : memref<80x128xf32, #tpu.memory_space<vmem>>, vector<1x16xf32>,
        %get3A_427 = vector.shape_cast %get3A_426 : vector<1x16xf32> to vector<16xf32>
        %get3A_428 = arith.index_cast %add3A_414 : i32 to index
        %get3A_429 = arith.constant 16 : index
        %get3A_430 = tpu.vector_load %arg14[%get3A_428, %get3A_429] {strides = array<i32>} : memref<80x128xf32, #tpu.memory_space<vmem>>, vector<1x16xf32>,
        %get3A_431 = vector.shape_cast %get3A_430 : vector<1x16xf32> to vector<16xf32>
        %mul3A_432 = arith.mulf %get3A_427, %get3A_431 : vector<16xf32>
        %get3A_433 = arith.index_cast %add3A_414 : i32 to index
        %get3A_434 = arith.constant 32 : index
        %get3A_435 = tpu.vector_load %arg10[%get3A_433, %get3A_434] {strides = array<i32>} : memref<80x128xf32, #tpu.memory_space<vmem>>, vector<1x16xf32>,
        %get3A_436 = vector.shape_cast %get3A_435 : vector<1x16xf32> to vector<16xf32>
        %get3A_437 = arith.index_cast %add3A_414 : i32 to index
        %get3A_438 = arith.constant 32 : index
        %get3A_439 = tpu.vector_load %arg14[%get3A_437, %get3A_438] {strides = array<i32>} : memref<80x128xf32, #tpu.memory_space<vmem>>, vector<1x16xf32>,
        %get3A_440 = vector.shape_cast %get3A_439 : vector<1x16xf32> to vector<16xf32>
        %mul3A_441 = arith.mulf %get3A_436, %get3A_440 : vector<16xf32>
        %get3A_442 = arith.index_cast %add3A_414 : i32 to index
        %get3A_443 = arith.constant 48 : index
        %get3A_444 = tpu.vector_load %arg10[%get3A_442, %get3A_443] {strides = array<i32>} : memref<80x128xf32, #tpu.memory_space<vmem>>, vector<1x16xf32>,
        %get3A_445 = vector.shape_cast %get3A_444 : vector<1x16xf32> to vector<16xf32>
        %get3A_446 = arith.index_cast %add3A_414 : i32 to index
        %get3A_447 = arith.constant 48 : index
        %get3A_448 = tpu.vector_load %arg14[%get3A_446, %get3A_447] {strides = array<i32>} : memref<80x128xf32, #tpu.memory_space<vmem>>, vector<1x16xf32>,
        %get3A_449 = vector.shape_cast %get3A_448 : vector<1x16xf32> to vector<16xf32>
        %mul3A_450 = arith.mulf %get3A_445, %get3A_449 : vector<16xf32>
        %get3A_451 = arith.index_cast %add3A_414 : i32 to index
        %get3A_452 = arith.constant 64 : index
        %get3A_453 = tpu.vector_load %arg10[%get3A_451, %get3A_452] {strides = array<i32>} : memref<80x128xf32, #tpu.memory_space<vmem>>, vector<1x16xf32>,
        %get3A_454 = vector.shape_cast %get3A_453 : vector<1x16xf32> to vector<16xf32>
        %get3A_455 = arith.index_cast %add3A_414 : i32 to index
        %get3A_456 = arith.constant 64 : index
        %get3A_457 = tpu.vector_load %arg14[%get3A_455, %get3A_456] {strides = array<i32>} : memref<80x128xf32, #tpu.memory_space<vmem>>, vector<1x16xf32>,
        %get3A_458 = vector.shape_cast %get3A_457 : vector<1x16xf32> to vector<16xf32>
        %mul3A_459 = arith.mulf %get3A_454, %get3A_458 : vector<16xf32>
        %get3A_460 = arith.index_cast %add3A_414 : i32 to index
        %get3A_461 = arith.constant 80 : index
        %get3A_462 = tpu.vector_load %arg10[%get3A_460, %get3A_461] {strides = array<i32>} : memref<80x128xf32, #tpu.memory_space<vmem>>, vector<1x16xf32>,
        %get3A_463 = vector.shape_cast %get3A_462 : vector<1x16xf32> to vector<16xf32>
        %get3A_464 = arith.index_cast %add3A_414 : i32 to index
        %get3A_465 = arith.constant 80 : index
        %get3A_466 = tpu.vector_load %arg14[%get3A_464, %get3A_465] {strides = array<i32>} : memref<80x128xf32, #tpu.memory_space<vmem>>, vector<1x16xf32>,
        %get3A_467 = vector.shape_cast %get3A_466 : vector<1x16xf32> to vector<16xf32>
        %mul3A_468 = arith.mulf %get3A_463, %get3A_467 : vector<16xf32>
        %get3A_469 = arith.index_cast %add3A_414 : i32 to index
        %get3A_470 = arith.constant 96 : index
        %get3A_471 = tpu.vector_load %arg10[%get3A_469, %get3A_470] {strides = array<i32>} : memref<80x128xf32, #tpu.memory_space<vmem>>, vector<1x16xf32>,
        %get3A_472 = vector.shape_cast %get3A_471 : vector<1x16xf32> to vector<16xf32>
        %get3A_473 = arith.index_cast %add3A_414 : i32 to index
        %get3A_474 = arith.constant 96 : index
        %get3A_475 = tpu.vector_load %arg14[%get3A_473, %get3A_474] {strides = array<i32>} : memref<80x128xf32, #tpu.memory_space<vmem>>, vector<1x16xf32>,
        %get3A_476 = vector.shape_cast %get3A_475 : vector<1x16xf32> to vector<16xf32>
        %mul3A_477 = arith.mulf %get3A_472, %get3A_476 : vector<16xf32>
        %get3A_478 = arith.index_cast %add3A_414 : i32 to index
        %get3A_479 = arith.constant 112 : index
        %get3A_480 = tpu.vector_load %arg10[%get3A_478, %get3A_479] {strides = array<i32>} : memref<80x128xf32, #tpu.memory_space<vmem>>, vector<1x16xf32>,
        %get3A_481 = vector.shape_cast %get3A_480 : vector<1x16xf32> to vector<16xf32>
        %get3A_482 = arith.index_cast %add3A_414 : i32 to index
        %get3A_483 = arith.constant 112 : index
        %get3A_484 = tpu.vector_load %arg14[%get3A_482, %get3A_483] {strides = array<i32>} : memref<80x128xf32, #tpu.memory_space<vmem>>, vector<1x16xf32>,
        %get3A_485 = vector.shape_cast %get3A_484 : vector<1x16xf32> to vector<16xf32>
        %mul3A_486 = arith.mulf %get3A_481, %get3A_485 : vector<16xf32>
        %add3A_487 = arith.addf %mul3A_423, %mul3A_432 : vector<16xf32>
        %add3A_488 = arith.addf %mul3A_441, %mul3A_450 : vector<16xf32>
        %add3A_489 = arith.addf %mul3A_459, %mul3A_468 : vector<16xf32>
        %add3A_490 = arith.addf %mul3A_477, %mul3A_486 : vector<16xf32>
        %add3A_491 = arith.addf %add3A_487, %add3A_488 : vector<16xf32>
        %add3A_492 = arith.addf %add3A_489, %add3A_490 : vector<16xf32>
        %add3A_493 = arith.addf %add3A_491, %add3A_492 : vector<16xf32>
        %iota3A_494 = tpu.iota {dimensions = array<i32: 0>} : vector<16xi32>
        %and3A_495 = arith.constant 1 : i32
        %and3A_496 = vector.broadcast %and3A_495 : i32 to vector<16xi32>
        %and3A_497 = arith.andi %iota3A_494, %and3A_496 : vector<16xi32>
        %ne3A_498 = arith.constant 0 : i32
        %ne3A_499 = vector.broadcast %ne3A_498 : i32 to vector<16xi32>
        %ne3A_500 = arith.cmpi ne, %and3A_497, %ne3A_499 : vector<16xi32>
        %select_n3A_501 = arith.select %ne3A_500, %add3A_493, %add3A_412 : vector<16xi1>, vector<16xf32>
        %select_n3A_502 = arith.select %ne3A_500, %add3A_412, %add3A_493 : vector<16xi1>, vector<16xf32>
        %xor3A_503 = arith.constant 1 : i32
        %xor3A_504 = vector.broadcast %xor3A_503 : i32 to vector<16xi32>
        %xor3A_505 = arith.xori %iota3A_494, %xor3A_504 : vector<16xi32>
        %reshape3A_506 = vector.shape_cast %xor3A_505 : vector<16xi32> to vector<16x1xi32>
        %gather3A_507 = vector.shape_cast %reshape3A_506 : vector<16x1xi32> to vector<16xi32>
        %gather3A_508 = tpu.dynamic_gather %select_n3A_502[%gather3A_507] in [0] : vector<16xf32>, vector<16xi32> -> vector<16xf32>
        %add3A_509 = arith.addf %select_n3A_501, %gather3A_508 : vector<16xf32>
        %iota3A_510 = tpu.iota {dimensions = array<i32: 0>} : vector<16xi32>
        %and3A_511 = arith.constant 2 : i32
        %and3A_512 = vector.broadcast %and3A_511 : i32 to vector<16xi32>
        %and3A_513 = arith.andi %iota3A_510, %and3A_512 : vector<16xi32>
        %ne3A_514 = arith.constant 0 : i32
        %ne3A_515 = vector.broadcast %ne3A_514 : i32 to vector<16xi32>
        %ne3A_516 = arith.cmpi ne, %and3A_513, %ne3A_515 : vector<16xi32>
        %select_n3A_517 = arith.select %ne3A_516, %add3A_509, %add3A_331 : vector<16xi1>, vector<16xf32>
        %select_n3A_518 = arith.select %ne3A_516, %add3A_331, %add3A_509 : vector<16xi1>, vector<16xf32>
        %xor3A_519 = arith.constant 2 : i32
        %xor3A_520 = vector.broadcast %xor3A_519 : i32 to vector<16xi32>
        %xor3A_521 = arith.xori %iota3A_510, %xor3A_520 : vector<16xi32>
        %reshape3A_522 = vector.shape_cast %xor3A_521 : vector<16xi32> to vector<16x1xi32>
        %gather3A_523 = vector.shape_cast %reshape3A_522 : vector<16x1xi32> to vector<16xi32>
        %gather3A_524 = tpu.dynamic_gather %select_n3A_518[%gather3A_523] in [0] : vector<16xf32>, vector<16xi32> -> vector<16xf32>
        %add3A_525 = arith.addf %select_n3A_517, %gather3A_524 : vector<16xf32>
        %xor3A_526 = arith.constant 4 : i32
        %xor3A_527 = vector.broadcast %xor3A_526 : i32 to vector<16xi32>
        %xor3A_528 = arith.xori %iota3A_133, %xor3A_527 : vector<16xi32>
        %reshape3A_529 = vector.shape_cast %xor3A_528 : vector<16xi32> to vector<16x1xi32>
        %gather3A_530 = vector.shape_cast %reshape3A_529 : vector<16x1xi32> to vector<16xi32>
        %gather3A_531 = tpu.dynamic_gather %add3A_525[%gather3A_530] in [0] : vector<16xf32>, vector<16xi32> -> vector<16xf32>
        %add3A_532 = arith.addf %add3A_525, %gather3A_531 : vector<16xf32>
        %xor3A_533 = arith.constant 8 : i32
        %xor3A_534 = vector.broadcast %xor3A_533 : i32 to vector<16xi32>
        %xor3A_535 = arith.xori %iota3A_133, %xor3A_534 : vector<16xi32>
        %reshape3A_536 = vector.shape_cast %xor3A_535 : vector<16xi32> to vector<16x1xi32>
        %gather3A_537 = vector.shape_cast %reshape3A_536 : vector<16x1xi32> to vector<16xi32>
        %gather3A_538 = tpu.dynamic_gather %add3A_532[%gather3A_537] in [0] : vector<16xf32>, vector<16xi32> -> vector<16xf32>
        %add3A_539 = arith.addf %add3A_532, %gather3A_538 : vector<16xf32>
        %shift_right_arithmetic3A = arith.constant 2 : i32
        %shift_right_arithmetic3A_540 = vector.broadcast %shift_right_arithmetic3A : i32 to vector<16xi32>
        %shift_right_arithmetic3A_541 = arith.shrsi %iota3A_133, %shift_right_arithmetic3A_540 : vector<16xi32>
        %eq3A = vector.broadcast %scan3A_156 : i32 to vector<16xi32>
        %eq3A_542 = arith.cmpi eq, %shift_right_arithmetic3A_541, %eq3A : vector<16xi32>
        %select_n3A_543 = arith.select %eq3A_542, %add3A_539, %scan3A_157 : vector<16xi1>, vector<16xf32>
        scf.yield %select_n3A_543 : vector<16xf32>
      }
      %scan3A_147 = arith.constant 4 : i32
      %mul3A_148 = arith.constant 16 : i32
      %mul3A_149 = arith.muli %scan3A_140, %mul3A_148 : i32
      %add3A_150 = arith.constant 9920 : i32
      %add3A_151 = arith.addi %add3A_150, %mul3A_149 : i32
      %multiple_of3A_152 = tpu.assume_multiple %add3A_151, 8 : i32
      %swap3A = arith.index_cast %multiple_of3A_152 : i32 to index
      %swap3A_153 = tpu.vector_load %arg9[%swap3A] {strides = array<i32>} : memref<10000xf32, #tpu.memory_space<vmem>>, vector<16xf32>,
      %swap3A_154 = vector.shape_cast %swap3A_153 : vector<16xf32> to vector<16xf32>
      %swap3A_155 = vector.shape_cast %scan3A_146 : vector<16xf32> to vector<16xf32>
      tpu.vector_store %arg9[%swap3A], %swap3A_155 {strides = array<i32>} : memref<10000xf32, #tpu.memory_space<vmem>>, vector<16xf32>,
    }
    %scan3A_139 = arith.constant 5 : i32
    "tpu.region"() ({
      %run_scoped3A = tpu.sem_alloc : memref<!tpu.dma_semaphore, #tpu.memory_space<semaphore_mem>>
      %dma_start3A_140 = tpu.memref_slice %arg6[%multiple_of3A] : memref<320000xf32, #tpu.memory_space<hbm>> -> memref<10000xf32, #tpu.memory_space<hbm>>
      %dma_start3A_141 = tpu.memref_slice %arg6[%multiple_of3A] : memref<320000xf32, #tpu.memory_space<hbm>> -> memref<10000xf32, #tpu.memory_space<hbm>>
      tpu.enqueue_dma source(%arg9 : memref<10000xf32, #tpu.memory_space<vmem>>) target(%dma_start3A_141 : memref<10000xf32, #tpu.memory_space<hbm>>) target_semaphore(%run_scoped3A : memref<!tpu.dma_semaphore, #tpu.memory_space<semaphore_mem>>)
      %dma_wait3A_142 = tpu.memref_slice %arg6[%multiple_of3A] : memref<320000xf32, #tpu.memory_space<hbm>> -> memref<10000xf32, #tpu.memory_space<hbm>>
      %dma_wait3A_143 = tpu.memref_slice %arg6[%multiple_of3A] : memref<320000xf32, #tpu.memory_space<hbm>> -> memref<10000xf32, #tpu.memory_space<hbm>>
      tpu.wait_dma2 semaphore(%run_scoped3A : memref<!tpu.dma_semaphore, #tpu.memory_space<semaphore_mem>>) src(%arg9 : memref<10000xf32, #tpu.memory_space<vmem>>) dst(%dma_wait3A_143 : memref<10000xf32, #tpu.memory_space<hbm>>)
      tpu.yield
    }) : () -> ()
    return
  }
}

</mosaic_0001>

<sc_bundles>
// kernel: kernel.3.cloned.1.call-start
scs
__scs_entry_jumppad:
0x0: {  	(pc) =	sbr.rel $0x88, $3  }
0x1: {  	(tag) =	ssettag $0x0;
	lr =	simm.s32 $0x1  }
0x2: {  	[smem:$0x3F9E] =	sst lr;
	_ =	strace $0xD0000000  }
0x3: {  	_ = 	snop  }
0x4: {  	_ = 	snop  }
0x5: {  	_ = 	snop  }
0x6: {  	_ = 	snop  }
0x7: {  	_ = 	snop  }
__scs_overlays_trampoline_lowered:
0x8: {  	[smem:$0x3FAD] =	sst s0  }
0x9: {  	[smem:$0x3FAE] =	sst s1  }
0xa: {  	[smem:$0x3FAF] =	sst s2  }
0xb: {  	[smem:$0x3FB0] =	sst s3  }
0xc: {  	[smem:$0x3FB1] =	sst s4  }
0xd: {  	[smem:$0x3FB2] =	sst s5  }
0xe: {  	[smem:$0x3FB3] =	sst s6  }
0xf: {  	[smem:$0x3FB4] =	sst s7  }
0x10: {  	[smem:$0x3FB5] =	sst s8  }
0x11: {  	[smem:$0x3FB6] =	sst s9;
	s0 =	simm.s32 @!p0 $0x0  }
0x12: {  	s1 =	sld [smem:$0x3F9C];
	s0 =	simm.s32 @p0 $0x1  }
0x13: {  	[smem:$0x3FB7] =	sst s0;
	s0 =	simm.s32 @!p1 $0x0  }
0x14: {  	s2 =	sld [smem:$0x3F9B];
	s0 =	simm.s32 @p1 $0x1  }
0x15: {  	[smem:$0x3FB8] =	sst s0;
	s0 =	simm.s32 @!p2 $0x0  }
0x16: {  	s3 =	sld [smem:$0x3FDB];
	s0 =	simm.s32 @p2 $0x1  }
0x17: {  	s4 =	simm.s32 $0x1BF5;
	[smem:$0x3FBA] =	sst s0  }
0x18: {  	s0 =	sld [smem:$0x3F9D];
	_ =	swait.ge [sflag:s4], $0x0  }
0x19: {  	s7 =	sld [smem:$0x3F9E]  }
0x1a: {  	s8 =	sadd.s32 $0xFFFFE003, lr  }
0x1b: {  	s9 =	sadd.s32 $0xFFFFFEF7, lr;
	s5 =	simm.s32 $0xFFFFFFFF;
	p2 =	slt.u32 s8, $0xFFFFF086  }
0x1c: {  	p1 =	slt.u32 s9, $0xF7A;
	s5 =	simm.s32 @!p2 $0x0  }
0x1d: {  	s5 =	simm.s32 @p1 $0x1;
	p0 =	seq.s32 s7, s2  }
0x1e: {  	s7 =	smul.u32 @!p0 $0xF7A, s2;
	p2 =	seq.s32 @!p0 s5, $0x0  }
0x1f: {  	s9 =	smul.u32 $0xF7A, s1;
	s8 =	simm.s32 @!p0 $0x1BF5;
	p2 =	por !p2, p0  }
0x20: {  	[sflag:s8] =	ssyncset.s32 @!p0 $0xFFFFF086;
	s6 =	sadd.s32 @!p0 s3, s7;
	s7 =	simm.s32 @!p0 $0x108  }
0x21: {  	s3 =	sadd.s32 s3, s9;
	s6 =	sadd.s32 @!p0 $0x88, s6;
	s7 =	simm.s32 @p2 $0x1082  }
0x22: {  	[simem:s7], [sflag:s8] =	dma.local @!p0 [hbm:s6], $0xF7A  }
0x23: {  	s9 =	sor.u32 $0xD0000000, s2;
	s6 =	simm.s32 $0x108;
	_ =	swait.ge @!p0 [sflag:s8], $0x0  }
0x24: {  	s3 =	sadd.s32 $0x88, s3;
	s6 =	simm.s32 @!p1 $0x1082;
	[sflag:s4] =	ssyncset.s32 $0xFFFFF086  }
0x25: {  	[simem:s6], [sflag:s4] =	dma.local [hbm:s3], $0xF7A  }
0x26: {  	[smem:$0x3F9E] =	sst s1;
	(tag) =	ssettag s2;
	_ =	strace s9  }
0x27: {  	s1 =	sld [smem:$0x3FAE]  }
0x28: {  	s2 =	sld [smem:$0x3FAF]  }
0x29: {  	s4 =	sld [smem:$0x3FB1]  }
0x2a: {  	p0 =	seq.s32 s5, $0x0;
	s5 =	sld [smem:$0x3FB2]  }
0x2b: {  	s6 =	sld [smem:$0x3FB3]  }
0x2c: {  	s7 =	sld [smem:$0x3FB4]  }
0x2d: {  	s3 =	simm.s32 $0x108;
	s8 =	sld [smem:$0x3FB5]  }
0x2e: {  	s3 =	simm.s32 @!p0 $0x1082;
	s9 =	sld [smem:$0x3FB6]  }
0x2f: {  	lr =	sadd.s32 s0, s3;
	s0 =	sld [smem:$0x3FAD]  }
0x30: {  	s3 =	sld [smem:$0x3FB0]  }
0x31: {  	[smem:$0x3FB9] =	sst s10  }
0x32: {  	s10 =	sld [smem:$0x3FB7];
	_ =	sdelay $0x3  }
0x33: {  	p0 =	seq.s32 s10, $0x1;
	s10 =	sld [smem:$0x3FB9];
	_ =	sdelay $0x3  }
0x34: {  	[smem:$0x3FB9] =	sst s10  }
0x35: {  	s10 =	sld [smem:$0x3FB8];
	_ =	sdelay $0x3  }
0x36: {  	p1 =	seq.s32 s10, $0x1;
	s10 =	sld [smem:$0x3FB9];
	_ =	sdelay $0x3  }
0x37: {  	[smem:$0x3FB9] =	sst s10  }
0x38: {  	s10 =	sld [smem:$0x3FBA]  }
0x39: {  	_ = 	snop;
	(pc) =	sbr.ind lr, $3  }
0x3a: {  	_ = 	snop  }
0x3b: {  	_ = 	snop  }
0x3c: {  	p2 =	seq.s32 s10, $0x1;
	s10 =	sld [smem:$0x3FB9]  }
0x3d: {  	_ =	shalt  }
0x3e: {  	_ =	shalt  }
0x3f: {  	_ =	shalt  }
0x40: {  	_ =	shalt  }
0x41: {  	_ =	shalt  }
0x42: {  	_ =	shalt  }
0x43: {  	_ =	shalt  }
0x44: {  	_ =	shalt  }
0x45: {  	_ =	shalt  }
0x46: {  	_ =	shalt  }
0x47: {  	_ =	shalt  }
0x48: {  	_ =	shalt  }
0x49: {  	_ =	shalt  }
0x4a: {  	_ =	shalt  }
0x4b: {  	_ =	shalt  }
0x4c: {  	_ =	shalt  }
0x4d: {  	_ =	shalt  }
0x4e: {  	_ =	shalt  }
0x4f: {  	_ =	shalt  }
0x50: {  	_ =	shalt  }
0x51: {  	_ =	shalt  }
0x52: {  	_ =	shalt  }
0x53: {  	_ =	shalt  }
0x54: {  	_ =	shalt  }
0x55: {  	_ =	shalt  }
0x56: {  	_ =	shalt  }
0x57: {  	_ =	shalt  }
0x58: {  	_ =	shalt  }
0x59: {  	_ =	shalt  }
0x5a: {  	_ =	shalt  }
0x5b: {  	_ =	shalt  }
0x5c: {  	_ =	shalt  }
0x5d: {  	_ =	shalt  }
0x5e: {  	_ =	shalt  }
0x5f: {  	_ =	shalt  }
0x60: {  	_ =	shalt  }
0x61: {  	_ =	shalt  }
0x62: {  	_ =	shalt  }
0x63: {  	_ =	shalt  }
0x64: {  	_ =	shalt  }
0x65: {  	_ =	shalt  }
0x66: {  	_ =	shalt  }
0x67: {  	_ =	shalt  }
0x68: {  	_ =	shalt  }
0x69: {  	_ =	shalt  }
0x6a: {  	_ =	shalt  }
0x6b: {  	_ =	shalt  }
0x6c: {  	_ =	shalt  }
0x6d: {  	_ =	shalt  }
0x6e: {  	_ =	shalt  }
0x6f: {  	_ =	shalt  }
0x70: {  	_ =	shalt  }
0x71: {  	_ =	shalt  }
0x72: {  	_ =	shalt  }
0x73: {  	_ =	shalt  }
0x74: {  	_ =	shalt  }
0x75: {  	_ =	shalt  }
0x76: {  	_ =	shalt  }
0x77: {  	_ =	shalt  }
0x78: {  	_ =	shalt  }
0x79: {  	_ =	shalt  }
0x7a: {  	_ =	shalt  }
0x7b: {  	_ =	shalt  }
0x7c: {  	_ =	shalt  }
0x7d: {  	_ =	shalt  }
0x7e: {  	_ =	shalt  }
0x7f: {  	_ =	shalt  }
0x80: {  	_ =	shalt  }
0x81: {  	_ =	shalt  }
0x82: {  	_ =	shalt  }
0x83: {  	_ =	shalt  }
0x84: {  	_ =	shalt  }
0x85: {  	_ =	shalt  }
0x86: {  	_ =	shalt  }
0x87: {  	_ =	shalt  }
.Lfunc_end0:
.L_simem_size_0:
called_computation_lowered:
.L_overlay_start_0:
0x88: {  	s2 =	sld [smem:$0x3FD9]  }
0x89: {  	s3 =	sld [smem:$0x3FFE];
	_ =	sdelay $0x1  }
0x8a: {  	s1 =	srdreg.scid  }
0x8b: {  	s0 =	sand.u32 $0x1, s1  }
0x8c: {  	s17 =	sshll.u32 s0, $0xA;
	s2 =	sadd.s32 s3, s2  }
0x8d: {  	s2 =	sadd.s32 s2, s17  }
0x8e: {  	[smem:$0x3FC5] =	sst s2  }
0x8f: {  	_ = 	snop  }
0x90: {  	s2 =	sld [smem:$0x3FC9]  }
0x91: {  	s18 =	sld [smem:$0x3FC8]  }
0x92: {  	s4 =	sld [smem:$0x3FD0];
	(tm) =	ssettm $0x1  }
0x93: {  	s5 =	sld [smem:$0x3FFB];
	_ =	sdelay $0x3  }
0x94: {  	_ =	strace s5  }
0x95: {  	s5 =	sld [smem:$0x3FFC];
	_ =	sdelay $0x3  }
0x96: {  	_ =	strace s5  }
0x97: {  	s5 =	sld [smem:$0x3FFD];
	_ =	sdelay $0x3  }
0x98: {  	_ =	strace s5  }
0x99: {  	_ =	strace $0x8FFFFFFF  }
0x9a: {  	s19 =	sld [smem:$0x3FDB];
	_ =	sdelay $0x1  }
0x9b: {  	s6 =	simm.s32 $_scs_section_size  }
0x9c: {  	s7 =	simm.s32 $_size__tile_overlayer_lowered;
	s8 =	simm.s32 $_tile_overlayer_lowered  }
0x9d: {  	s22 =	simm.s32 $0x1BFF;
	s21 =	sshll.u32 s8, $0x1;
	s5 =	sadd.s32 s6, s19  }
0x9e: {  	s9 =	simm.s32 $0x0;
	s20 =	sshll.u32 s7, $0x1;
	s7 =	sadd.s32 s21, s5  }
0x9f: {  	[timem:s9], [sflag:s22] =	dma.local [hbm:s7], s20  }
0xa0: {  	_ =	swait.ge [sflag:s22], s20  }
0xa1: {  	s6 =	ssub.s32 $0x0, s20;
	[sflag:s22] =	ssyncset.done $0x0  }
0xa2: {  	[sflag:s22] =	ssyncadd.s32 s6;
	_ =	sdelay $0x1  }
0xa3: {  	s23 =	simm.s32 $0x1B8B  }
0xa4: {  	_ =	swait.ge [sflag:s23], $0x1  }
0xa5: {  	[sflag:s23] =	ssyncset.done $0x0  }
0xa6: {  	s25 =	simm.s32 $0x1B8E;
	s24 =	sld [smem:$0x3FFE];
	[sflag:s23] =	ssyncadd.s32 $0xFFFFFFFF  }
0xa7: {  	s26 =	simm.s32 $execute0_lowered;
	[smem:$0x3FD2] =	sst s25  }
0xa8: {  	s7 =	sshll.u32 s26, $0x1;
	_ =	strace $0x80000046;
	[dreg:$0x1] =	wrdreg $0xFFFFFFFF  }
0xa9: {  	s28 =	simm.s32 $_size_execute0_lowered;
	s5 =	sadd.s32 s5, s7;
	[dreg:$0x0] =	wrdreg $0x0  }
0xaa: {  	s7 =	sshll.u32 s28, $0x1;
	[dreg:$0x2] =	wrdreg s5  }
0xab: {  	[dreg:$0x3] =	wrdreg s7  }
0xac: {  	[dreg:$0x4] =	wrdreg $0xC0  }
0xad: {  	_ =	task [dreg:s9], $0x5FFFF  }
0xae: {  	[dreg:$0x1] =	wrdreg $0xFFFFFFFF  }
0xaf: {  	[dreg:$0x0] =	wrdreg $0x60  }
0xb0: {  	[dreg:$0x2] =	wrdreg s2  }
0xb1: {  	[dreg:$0x3] =	wrdreg s18  }
0xb2: {  	[dreg:$0x4] =	wrdreg s24  }
0xb3: {  	[dreg:$0x5] =	wrdreg s4  }
0xb4: {  	[dreg:$0x6] =	wrdreg $0x9  }
0xb5: {  	_ =	task.clear_ibuf [dreg:s9], $0x7FFFF;
	_ =	strace $0x90000046  }
0xb6: {  	s29 =	simm.s32 $0x9;
	_ =	strace $0x80000048  }
0xb7: {  	_ =	swait.ge [sflag:s29], $0x1  }
0xb8: {  	[sflag:s29] =	ssyncadd.s32 $0xFFFFFFFF  }
0xb9: {  	_ =	strace $0x90000048  }
0xba: {  	_ =	sfence  }
0xbb: {  	s30 =	sld [smem:$0x0];
	_ =	sdelay $0x2  }
0xbc: {  	s31 =	sshll.u32 s1, $0xD;
	s1 =	sshrl.u32 s1, $0x2  }
0xbd: {  	s3 =	sand.u32 $0x4000, s31;
	s1 =	sadd.s32 s1, s30  }
0xbe: {  	s0 =	sor.u32 s3, s0;
	s1 =	sshll.u32 s1, $0x11  }
0xbf: {  	s0 =	sor.u32 s1, s0  }
0xc0: {  	s0 =	sadd.s32 $0x8F2B, s0  }
0xc1: {  	[sflag:s0] =	ssyncadd.remote.s32 $0x1  }
0xc2: {  	_ =	sfence.sel $0xFFFF  }
0xc3: {  	[dreg:$0x0] =	wrdreg $0xFFFFFFFF;
	(pc) =	sbr.abs _section_cstart, $3  }
0xc4: {  	[dreg:$0x1] =	wrdreg $0xFFFFFFFF  }
0xc5: {  	_ =	task.clear_ibuf [dreg:s9], $0x2FFFF;
	_ =	strace $0x9FFFFFFF  }
0xc6: {  	(tm) =	ssettm $0x7FFFFFFF  }
0xc7: {  	_ =	shalt  }
tec
execute0_lowered:
.L_overlay_start_1:
0x0: {  	(tag) =	ssettag $0x1  }
0x1: {  	vm0 =	vcmask $0xB08;
	vm1 =	vcmask $0x300;
	v0 =	vimm.s32 $0xEFCDAB89  }
0x2: {  	v1 =	vimm.s32 $0x67452301;
	v2 =	vimm.s32 $0xDCFE98BA;
	v3 =	vimm.s32 $0x54761032  }
0x3: {  	v57 =	vimm.s32 $0xBA98FEDC;
	v58 =	vimm.s32 $0x32107654;
	v59 =	vimm.s32 $0xFEDCBA98  }
0x4: {  	v5 =	vimm.s32 $0x76543210;
	vm2 =	vcmask $0x700;
	vm0 =	vmor vm1, vm0  }
0x5: {  	s0 =	srdreg.scid;
	s1 =	rddreg [dreg:$0x0];
	vm1 =	vcmask $0x1310;
	v0 =	vunpack.c.l.s4.s8 v0;
	v1 =	vunpack.c.l.s4.s8 v1  }
0x6: {  	s2 =	stileid.u32;
	s4 =	rddreg [dreg:$0x2];
	v2 =	vunpack.c.l.s4.s8 v2;
	vm0 =	vmor vm0, vm1;
	vm1 =	vcmask $0x1B18  }
0x7: {  	s5 =	rddreg [dreg:$0x3];
	s7 =	simm.s32 $0x0;
	s10 =	simm.s32 $0x50;
	v3 =	vunpack.c.l.s4.s8 v3;
	vm0 =	vmor vm0, vm1;
	vm1 =	vcmask $0x2320  }
0x8: {  	s11 =	simm.s32 $0x7680;
	s12 =	simm.s32 $0x11680;
	s14 =	simm.s32 $0x9E80;
	v0 =	vunpack.c.0.s8.s32 v0;
	v1 =	vunpack.c.0.s8.s32 v1;
	v2 =	vunpack.c.0.s8.s32 v2  }
0x9: {  	s16 =	simm.s32 $0x13E80;
	s18 =	simm.s32 $0xC680;
	s20 =	simm.s32 $0x16680;
	v3 =	vunpack.c.0.s8.s32 v3;
	vm0 =	vmor vm0, vm1;
	vm1 =	vcmask $0x2B28  }
0xa: {  	s21 =	simm.s32 $0x1;
	s22 =	simm.s32 $0x5;
	s23 =	simm.s32 $0xEE80;
	v61 =	vlaneseq.u32;
	v5 =	vunpack.c.l.s4.s8 v5;
	vm0 =	vmor vm0, vm1  }
0xb: {  	s24 =	simm.s32 $0x18E80;
	s0 =	sand.u32 $0x1, s0;
	s3 =	sshll.u32 s2, $0x1;
	vm1 =	vcmask $0x3330;
	v4 =	vcombine.low v1, v0;
	v63 =	vcombine.low v3, v2  }
0xc: {  	s25 =	simm.s32 $0x2;
	s26 =	simm.s32 $0x6;
	s3 =	sor.u32 s0, s3;
	v1 =	vunpack.c.l.s4.s8 v57;
	v2 =	vunpack.c.l.s4.s8 v58;
	v3 =	vunpack.c.l.s4.s8 v59  }
0xd: {  	s28 =	simm.s32 $0x3;
	s2 =	rddreg [dreg:$0x1];
	v62 =	vshrl.u32 v61, $0x2;
	s3 =	smul.u32 $0x4E2, s3;
	vm0 =	vmor vm0, vm1;
	vm1 =	vcmask $0x3B38  }
0xe: {  	s29 =	simm.s32 $0x7;
	[smem:$0x7FF] =	sst s7;
	s0 =	ssub.s32 $0x2, s0;
	v1 =	vunpack.c.0.s8.s32 v1;
	v2 =	vunpack.c.0.s8.s32 v2;
	v3 =	vunpack.c.0.s8.s32 v3  }
0xf: {  	_ =	strace $0x80000047;
	[tilespmem:$0x1FFC0] =	vst v62;
	s6 =	sshrl.u32 s0, $0x1;
	v5 =	vunpack.c.0.s8.s32 v5;
	s4 =	sadd.s32 s4, s3;
	vm0 =	vmor vm0, vm1;
	vm1 =	vcmask $0x1710  }
0x10: {  	s0 =	ssub.s32 s0, s6;
	s3 =	sadd.s32 s5, s3;
	[dreg:$0x5] =	wrdreg s4;
	v4 =	vand.u32 $0xF, v4;
	[tilespmem:$0x1FFB0] =	vst v63;
	v6 =	vcombine.low v2, v1;
	v60 =	vand.u32 $0xF, v3  }
0x11: {  	s30 =	simm.s32 $0x4;
	s0 =	smax.u32 s0, $0x1;
	[dreg:$0x7] =	wrdreg s3;
	vm1 =	vmor vm2, vm1;
	vm2 =	vcmask $0x2720;
	[tilespmem:$0x1FFE0] =	vst v4;
	v2 =	vcombine.low v60, v5  }
0x12: {  	s31 =	simm.s32 $0x8;
	s4 =	sadd.s32 $0x9E00, s4;
	[dreg:$0x8] =	wrdreg s0;
	vm1 =	vmor vm1, vm2;
	vm2 =	vcmask $0x3730;
	[tilespmem:$0x1FFF0] =	vst v6  }
0x13: {  	s3 =	simm.s32 $0x0;
	[dreg:$0x6] =	wrdreg s4;
	s4 =	simm.s32 $0x9;
	vm1 =	vmor vm1, vm2;
	[tilespmem:$0x1FFD0] =	vst v2  }
.LBB2_1:
0x14: {  	s0 =	rddreg [dreg:$0x6]  }
0x15: {  	[tilespmem:s7], [sflag:$0x9] =	stream.linear.gather [hbm4b:s0+s7], $0x2710, $0x38;
	[tilespmem:$0x1B680] =	vst v63  }
0x16: {  	_ =	swait.ge [sflag:s4], $0x2710  }
0x17: {  	[sflag:s4] =	ssyncset.done $0x0  }
0x18: {  	s5 =	simm.s32 $0x2780;
	s13 =	rddreg [dreg:$0x5];
	[sflag:s4] =	ssyncadd.s32 $0xFFFFD8F0  }
0x19: {  	[tilespmem:s5], [sflag:$0x9] =	stream.linear.gather [hbm4b:s13+s7], $0x2710, $0x38;
	[tilespmem:$0x1B680] =	vst v63  }
0x1a: {  	_ =	swait.ge [sflag:s4], $0x2710  }
0x1b: {  	[sflag:s4] =	ssyncset.done $0x0  }
0x1c: {  	[sflag:s4] =	ssyncadd.s32 $0xFFFFD8F0  }
0x1d: {  	[tilespmem:s11], [sflag:$0x1] =	stream.indirect.gather [hbm4b:s1+s10], $0x80, s7, s10, $0xb8;
	[tilespmem:$0x1B680] =	vst v63  }
0x1e: {  	_ = 	snop  }
0x1f: {  	[tilespmem:s12], [sflag:$0x5] =	stream.indirect.gather [hbm4b:s2+s10], $0x80, s5, s10, $0xb8;
	[tilespmem:$0x1B680] =	vst v63  }
0x20: {  	_ = 	snop  }
0x21: {  	[tilespmem:s14], [sflag:$0x2] =	stream.indirect.gather [hbm4b:s1+s10], $0x80, s10, s10, $0xb8;
	[tilespmem:$0x1B680] =	vst v63  }
0x22: {  	s15 =	simm.s32 $0x27D0  }
0x23: {  	[tilespmem:s16], [sflag:$0x6] =	stream.indirect.gather [hbm4b:s2+s10], $0x80, s15, s10, $0xb8;
	[tilespmem:$0x1B680] =	vst v63  }
0x24: {  	s17 =	simm.s32 $0xA0  }
0x25: {  	[tilespmem:s18], [sflag:$0x3] =	stream.indirect.gather [hbm4b:s1+s10], $0x80, s17, s10, $0xb8;
	[tilespmem:$0x1B680] =	vst v63  }
0x26: {  	s19 =	simm.s32 $0x2820;
	s0 =	simm.s32 $0x0  }
0x27: {  	[tilespmem:s20], [sflag:$0x7] =	stream.indirect.gather [hbm4b:s2+s10], $0x80, s19, s10, $0xb8;
	[tilespmem:$0x1B680] =	vst v63  }
.LBB2_2:
0x28: {  	_ =	swait.ge [sflag:s21], $0x2800  }
0x29: {  	[sflag:s21] =	ssyncset.done $0x0  }
0x2a: {  	s5 =	smul.u32 $0x500, s0;
	[sflag:s21] =	ssyncadd.s32 $0xFFFFD800  }
0x2b: {  	s15 =	smul.u32 $0x140, s0;
	_ =	swait.ge [sflag:s22], $0x2800  }
0x2c: {  	s9 =	simm.s32 $0x0;
	s19 =	sshra.s32 s5, $0x2;
	[sflag:s22] =	ssyncset.done $0x0  }
0x2d: {  	s17 =	sadd.s32 $0xF0, s15;
	s13 =	sadd.s32 $0x4F00, s19;
	[sflag:s22] =	ssyncadd.s32 $0xFFFFD800  }
0x2e: {  	v0 =	vmov s13;
	[tilespmem:s23], [sflag:$0x4] =	stream.indirect.gather [hbm4b:s1+s10], $0x80, s17, s10, $0xb8;
	[tilespmem:$0x1B680] =	vst v63  }
0x2f: {  	s6 =	simm.s32 $0x7780;
	s8 =	simm.s32 $0x11780;
	s4 =	sadd.s32 $0x2870, s15;
	[tilespmem:$0x1FFA0] =	vst v0  }
0x30: {  	[tilespmem:s24], [sflag:$0x8] =	stream.indirect.gather [hbm4b:s2+s10], $0x80, s4, s10, $0xb8;
	[tilespmem:$0x1B680] =	vst v63  }
.LBB2_3:
0x31: {  	v18 =	vld [tilespmem:s6+$0xFFFFFF00]  }
0x32: {  	v26 =	vld [tilespmem:s8+$0xFFFFFF00]  }
0x33: {  	v29 =	vld [tilespmem:s6+$0xFFFFFF10]  }
0x34: {  	v9 =	vld [tilespmem:s8+$0xFFFFFF10]  }
0x35: {  	v7 =	vld [tilespmem:s6+$0xFFFFFF20]  }
0x36: {  	v30 =	vld [tilespmem:s8+$0xFFFFFF20]  }
0x37: {  	v36 =	vld [tilespmem:s6+$0xFFFFFF30]  }
0x38: {  	v37 =	vld [tilespmem:s8+$0xFFFFFF30]  }
0x39: {  	v34 =	vld [tilespmem:s6+$0xFFFFFF40]  }
0x3a: {  	v15 =	vld [tilespmem:s8+$0xFFFFFF40]  }
0x3b: {  	v16 =	vld [tilespmem:s6+$0xFFFFFF50]  }
0x3c: {  	v17 =	vld [tilespmem:s8+$0xFFFFFF50]  }
0x3d: {  	v5 =	vld [tilespmem:s6+$0xFFFFFF60]  }
0x3e: {  	v19 =	vld [tilespmem:s8+$0xFFFFFF60]  }
0x3f: {  	v20 =	vld [tilespmem:s6+$0xFFFFFF70]  }
0x40: {  	v21 =	vld [tilespmem:s8+$0xFFFFFF70]  }
0x41: {  	v22 =	vld [tilespmem:s6+$0xFFFFFF80]  }
0x42: {  	v23 =	vld [tilespmem:s8+$0xFFFFFF80]  }
0x43: {  	v24 =	vld [tilespmem:s6+$0xFFFFFF90]  }
0x44: {  	v25 =	vld [tilespmem:s8+$0xFFFFFF90]  }
0x45: {  	v10 =	vld [tilespmem:s6+$0xFFFFFFA0]  }
0x46: {  	v27 =	vld [tilespmem:s8+$0xFFFFFFA0]  }
0x47: {  	v28 =	vld [tilespmem:s6+$0xFFFFFFB0]  }
0x48: {  	v6 =	vld [tilespmem:s8+$0xFFFFFFB0]  }
0x49: {  	v8 =	vld [tilespmem:s6+$0xFFFFFFC0]  }
0x4a: {  	v31 =	vld [tilespmem:s8+$0xFFFFFFC0]  }
0x4b: {  	v32 =	vld [tilespmem:s6+$0xFFFFFFD0]  }
0x4c: {  	v33 =	vld [tilespmem:s8+$0xFFFFFFD0]  }
0x4d: {  	v14 =	vld [tilespmem:s6+$0xFFFFFFE0]  }
0x4e: {  	v35 =	vld [tilespmem:s8+$0xFFFFFFE0]  }
0x4f: {  	v11 =	vld [tilespmem:s6+$0xFFFFFFF0]  }
0x50: {  	v12 =	vld [tilespmem:s8+$0xFFFFFFF0]  }
0x51: {  	v13 =	vld [tilespmem:s6+$0x0]  }
0x52: {  	v39 =	vld [tilespmem:s8+$0x0]  }
0x53: {  	v40 =	vld [tilespmem:s6+$0x10]  }
0x54: {  	v41 =	vld [tilespmem:s8+$0x10]  }
0x55: {  	v42 =	vld [tilespmem:s6+$0x20]  }
0x56: {  	v43 =	vld [tilespmem:s8+$0x20]  }
0x57: {  	v44 =	vld [tilespmem:s6+$0x30]  }
0x58: {  	v45 =	vld [tilespmem:s8+$0x30]  }
0x59: {  	v46 =	vld [tilespmem:s6+$0x40]  }
0x5a: {  	v47 =	vld [tilespmem:s8+$0x40]  }
0x5b: {  	v48 =	vld [tilespmem:s6+$0x50]  }
0x5c: {  	v49 =	vld [tilespmem:s8+$0x50]  }
0x5d: {  	v50 =	vld [tilespmem:s6+$0x60]  }
0x5e: {  	v51 =	vld [tilespmem:s8+$0x60]  }
0x5f: {  	v52 =	vld [tilespmem:s6+$0x70]  }
0x60: {  	v53 =	vld [tilespmem:s8+$0x70]  }
0x61: {  	v54 =	vld [tilespmem:s6+$0x80];
	v18 =	vmul.f32 v26, v18;
	v55 =	vmul.f32 v9, v29  }
0x62: {  	v56 =	vld [tilespmem:s8+$0x80];
	v57 =	vmul.f32 v30, v7;
	v58 =	vmul.f32 v37, v36  }
0x63: {  	v59 =	vld [tilespmem:s6+$0x90];
	v60 =	vmul.f32 v15, v34;
	v61 =	vmul.f32 v17, v16  }
0x64: {  	v62 =	vld [tilespmem:s8+$0x90];
	v63 =	vmul.f32 v19, v5;
	v34 =	vmul.f32 v21, v20  }
0x65: {  	v2 =	vld [tilespmem:s8+$0xB0];
	v38 =	vmul.f32 v23, v22;
	v0 =	vmul.f32 v25, v24  }
0x66: {  	v4 =	vld [tilespmem:s8+$0xC0];
	v1 =	vmul.f32 v27, v10;
	v30 =	vmul.f32 v6, v28  }
0x67: {  	v26 =	vld [tilespmem:s6+$0xA0];
	v8 =	vmul.f32 v31, v8;
	v9 =	vmul.f32 v33, v32  }
0x68: {  	v25 =	vld [tilespmem:s8+$0xA0];
	v10 =	vmul.f32 v35, v14;
	v12 =	vmul.f32 v12, v11  }
0x69: {  	v29 =	vld [tilespmem:s6+$0xB0];
	v11 =	vmul.f32 v39, v13;
	v13 =	vmul.f32 v41, v40  }
0x6a: {  	v7 =	vld [tilespmem:s6+$0xC0];
	v14 =	vmul.f32 v43, v42;
	v16 =	vmul.f32 v45, v44  }
0x6b: {  	v21 =	vld [tilespmem:s6+$0xD0];
	v15 =	vmul.f32 v47, v46;
	v17 =	vmul.f32 v49, v48  }
0x6c: {  	v28 =	vld [tilespmem:s8+$0xD0];
	v20 =	vmul.f32 v51, v50;
	v22 =	vmul.f32 v53, v52  }
0x6d: {  	v40 =	vimm.f32 $0.0e+00;
	v27 =	vld [tilespmem:s6+$0xE0];
	v23 =	vmul.f32 v56, v54;
	v18 =	vadd.f32 v55, v18  }
0x6e: {  	v24 =	vmul.f32 v62, v59;
	v32 =	vld [tilespmem:s8+$0xE0];
	v19 =	vadd.f32 v58, v57;
	v30 =	vadd.f32 v30, v1  }
0x6f: {  	s5 =	sadd.s32 $0x200, s6;
	v33 =	vld [tilespmem:s6+$0xF0];
	v31 =	vmul.f32 v25, v26;
	v25 =	vadd.f32 v61, v60;
	v26 =	vadd.f32 v34, v63  }
0x70: {  	s4 =	simm.s32 $0x1;
	s7 =	smov.u32 s8;
	s13 =	simm.s32 $0x0;
	v35 =	vld [tilespmem:s8+$0xF0];
	v34 =	vmul.f32 v2, v29;
	v29 =	vadd.f32 v0, v38;
	v36 =	vmul.f32 v4, v7  }
.LBB2_4:
0x71: {  	v7 =	vld [tilespmem:s5+$0xFFFFFF00]  }
0x72: {  	v0 =	vld [tilespmem:$0x1FFE0]  }
0x73: {  	v59 =	vld [tilespmem:$0x1FFB0]  }
0x74: {  	v60 =	vld [tilespmem:$0x1FFF0]  }
0x75: {  	v61 =	vld [tilespmem:$0x1FFD0]  }
0x76: {  	v4 =	vld [tilespmem:$0x1FFC0]  }
0x77: {  	v38 =	vld [tilespmem:s5+$0x0]  }
0x78: {  	v42 =	vld [tilespmem:s5+$0x20]  }
0x79: {  	v44 =	vld [tilespmem:s5+$0x30]  }
0x7a: {  	v46 =	vld [tilespmem:s5+$0x40]  }
0x7b: {  	v48 =	vld [tilespmem:s5+$0x50]  }
0x7c: {  	v50 =	vld [tilespmem:s5+$0x60]  }
0x7d: {  	v52 =	vld [tilespmem:s5+$0x70]  }
0x7e: {  	v54 =	vld [tilespmem:s5+$0x80]  }
0x7f: {  	v57 =	vld [tilespmem:s5+$0x90]  }
0x80: {  	v2 =	vld [tilespmem:s5+$0xB0]  }
0x81: {  	s7 =	sadd.s32 $0x200, s7;
	v6 =	vld [tilespmem:s5+$0xC0]  }
0x82: {  	v5 =	vadd.f32 v9, v8;
	v8 =	vld [tilespmem:s7+$0xFFFFFF00]  }
0x83: {  	v9 =	vld [tilespmem:s5+$0xFFFFFF10]  }
0x84: {  	v12 =	vadd.f32 v12, v10;
	v10 =	vld [tilespmem:s7+$0xFFFFFF10]  }
0x85: {  	v13 =	vadd.f32 v13, v11;
	v11 =	vld [tilespmem:s5+$0xFFFFFF20]  }
0x86: {  	v15 =	vadd.f32 v17, v15;
	v1 =	vld [tilespmem:s7+$0xFFFFFF20]  }
0x87: {  	v17 =	vadd.f32 v22, v20;
	v22 =	vadd.f32 v24, v23;
	v24 =	vld [tilespmem:s5+$0xFFFFFF30]  }
0x88: {  	v18 =	vadd.f32 v19, v18;
	v19 =	vadd.f32 v26, v25;
	v26 =	vld [tilespmem:s5+$0xFFFFFF70]  }
0x89: {  	v25 =	vadd.f32 v30, v29;
	v29 =	vld [tilespmem:s5+$0xFFFFFFB0]  }
0x8a: {  	v23 =	vadd.f32 v34, v31;
	v31 =	vld [tilespmem:s7+$0xFFFFFFB0]  }
0x8b: {  	v37 =	vld [tilespmem:s7+$0xFFFFFFE0]  }
0x8c: {  	v34 =	vld [tilespmem:s5+$0xFFFFFFF0]  }
0x8d: {  	v39 =	vld [tilespmem:s7+$0x0]  }
0x8e: {  	v41 =	vld [tilespmem:s7+$0x10]  }
0x8f: {  	v43 =	vld [tilespmem:s7+$0x20]  }
0x90: {  	v45 =	vld [tilespmem:s7+$0x30]  }
0x91: {  	v47 =	vld [tilespmem:s7+$0x40]  }
0x92: {  	v49 =	vld [tilespmem:s7+$0x50]  }
0x93: {  	v14 =	vadd.f32 v16, v14;
	v51 =	vld [tilespmem:s7+$0x60];
	v21 =	vmul.f32 v28, v21  }
0x94: {  	v53 =	vld [tilespmem:s7+$0x70];
	v16 =	vmul.f32 v32, v27;
	v20 =	vmul.f32 v35, v33  }
0x95: {  	v55 =	vld [tilespmem:s7+$0x80];
	v5 =	vadd.f32 v12, v5;
	v13 =	vadd.f32 v14, v13  }
0x96: {  	v12 =	vld [tilespmem:s7+$0xFFFFFF30];
	v21 =	vadd.f32 v21, v36;
	v16 =	vadd.f32 v20, v16  }
0x97: {  	v14 =	vadd.f32 v17, v15;
	v15 =	vld [tilespmem:s5+$0xFFFFFF40];
	v17 =	vadd.f32 v23, v22  }
0x98: {  	v18 =	vadd.f32 v19, v18;
	v19 =	vld [tilespmem:s5+$0xFFFFFF50];
	v16 =	vadd.f32 v16, v21  }
0x99: {  	v27 =	vld [tilespmem:s5+$0xFFFFFF90];
	v5 =	vadd.f32 v5, v25  }
0x9a: {  	v28 =	vld [tilespmem:s7+$0xFFFFFF90];
	v13 =	vadd.f32 v14, v13;
	v14 =	vadd.f32 v16, v17  }
0x9b: {  	v32 =	vld [tilespmem:s5+$0xFFFFFFC0]  }
0x9c: {  	v33 =	vld [tilespmem:s5+$0xFFFFFFD0];
	v22 =	vsel vm0, v5, v18;
	v23 =	vsel vm0, v14, v13  }
0x9d: {  	v35 =	vld [tilespmem:s7+$0xFFFFFFD0];
	v22 =	vperm.xlane v22, v0;
	v23 =	vperm.xlane v23, v0  }
0x9e: {  	v25 =	vld [tilespmem:s7+$0xFFFFFF60];
	v5 =	vsel vm0, v18, v5;
	v13 =	vsel vm0, v13, v14  }
0x9f: {  	v36 =	vld [tilespmem:s5+$0xFFFFFFE0];
	v5 =	vadd.f32 v5, v22;
	v13 =	vadd.f32 v13, v23  }
0xa0: {  	v3 =	vmul.f32 v31, v29;
	v29 =	vld [tilespmem:s7+$0xB0]  }
0xa1: {  	v18 =	vld [tilespmem:s5+$0xFFFFFF80];
	v23 =	vsel vm1, v13, v5  }
0xa2: {  	v21 =	vld [tilespmem:s7+$0xFFFFFF40];
	v23 =	vperm.xlane v23, v59  }
0xa3: {  	v17 =	vld [tilespmem:s5+$0xFFFFFF60];
	v5 =	vsel vm1, v5, v13  }
0xa4: {  	v16 =	vld [tilespmem:s7+$0xFFFFFF50];
	v5 =	vadd.f32 v5, v23  }
0xa5: {  	v56 =	vmul.f32 v10, v9;
	v22 =	vld [tilespmem:s7+$0xFFFFFF80]  }
0xa6: {  	v10 =	vmul.f32 v37, v36;
	v37 =	vld [tilespmem:s7+$0xC0];
	v30 =	vperm.xlane v5, v60  }
0xa7: {  	v63 =	vmov s13;
	v14 =	vld [tilespmem:s7+$0xFFFFFF70]  }
0xa8: {  	vm2 =	veq.s32 v63, v4;
	v63 =	vmul.f32 v25, v17;
	v25 =	vld [tilespmem:s7+$0xA0];
	v5 =	vadd.f32 v5, v30  }
0xa9: {  	v7 =	vmul.f32 v8, v7;
	v58 =	vmul.f32 v1, v11;
	v13 =	vld [tilespmem:s5+$0xFFFFFFA0]  }
0xaa: {  	v59 =	vmul.f32 v12, v24;
	v24 =	vld [tilespmem:s7+$0x90];
	v62 =	vperm.xlane v5, v61  }
0xab: {  	v11 =	vmul.f32 v39, v38;
	v1 =	vmul.f32 v28, v27;
	v23 =	vld [tilespmem:s7+$0xFFFFFFA0]  }
0xac: {  	v9 =	vmul.f32 v35, v33;
	v0 =	vmul.f32 v22, v18;
	v30 =	vld [tilespmem:s7+$0xFFFFFFC0];
	v5 =	vadd.f32 v5, v62  }
0xad: {  	v17 =	vmul.f32 v49, v48;
	v22 =	vmul.f32 v53, v52;
	v62 =	vld [tilespmem:s5+$0xA0]  }
0xae: {  	v36 =	vmul.f32 v37, v6;
	v26 =	vmul.f32 v14, v26;
	v20 =	vsel vm2, v5, v40;
	v5 =	vld [tilespmem:s7+$0xFFFFFFF0]  }
0xaf: {  	v14 =	vmul.f32 v43, v42;
	v60 =	vmul.f32 v21, v15;
	v40 =	vld [tilespmem:s5+$0x10]  }
0xb0: {  	p0 =	sne.s32 s4, $0x3;
	v28 =	vld [tilespmem:s7+$0xD0];
	v18 =	vadd.f32 v56, v7;
	v15 =	vmul.f32 v47, v46;
	v24 =	vmul.f32 v24, v57  }
.Ltmp0:
0xb1: {  	v27 =	vld [tilespmem:s5+$0xE0];
	v26 =	vadd.f32 v26, v63;
	v4 =	vmul.f32 v23, v13;
	v23 =	vmul.f32 v55, v54;
	(pc) =	sbr.rel @p0 .LBB2_4-.Ltmp0, $4  }
0xb2: {  	v33 =	vld [tilespmem:s5+$0xF0];
	v61 =	vmul.f32 v16, v19;
	v16 =	vmul.f32 v45, v44;
	v19 =	vadd.f32 v59, v58  }
0xb3: {  	v35 =	vld [tilespmem:s7+$0xF0];
	v8 =	vmul.f32 v30, v32;
	v30 =	vadd.f32 v3, v4;
	v31 =	vmul.f32 v25, v62  }
0xb4: {  	v21 =	vld [tilespmem:s5+$0xD0];
	v25 =	vadd.f32 v61, v60;
	v12 =	vmul.f32 v5, v34;
	v13 =	vmul.f32 v41, v40  }
0xb5: {  	s13 =	smov.u32 s4;
	s4 =	sadd.s32 $0x1, s4;
	v32 =	vld [tilespmem:s7+$0xE0];
	s5 =	sadd.s32 $0x200, s5;
	v40 =	vmovc v20;
	v20 =	vmul.f32 v51, v50;
	v34 =	vmul.f32 v29, v2;
	v29 =	vadd.f32 v1, v0  }
0xb6: {  	v0 =	vadd.f32 v9, v8  }
0xb7: {  	v1 =	vadd.f32 v12, v10;
	v3 =	vadd.f32 v13, v11  }
0xb8: {  	v4 =	vadd.f32 v16, v14;
	v6 =	vadd.f32 v17, v15  }
0xb9: {  	v45 =	vadd.f32 v24, v23;
	v47 =	vadd.f32 v19, v18  }
0xba: {  	v48 =	vadd.f32 v26, v25;
	v7 =	vadd.f32 v22, v20;
	v44 =	vmul.f32 v35, v33  }
0xbb: {  	v46 =	vadd.f32 v34, v31;
	v2 =	vmul.f32 v28, v21;
	v5 =	vmul.f32 v32, v27  }
0xbc: {  	v49 =	vadd.f32 v30, v29;
	v0 =	vadd.f32 v1, v0  }
0xbd: {  	v2 =	vadd.f32 v2, v36;
	v5 =	vadd.f32 v44, v5  }
0xbe: {  	v50 =	vadd.f32 v4, v3;
	v51 =	vadd.f32 v7, v6  }
0xbf: {  	v55 =	vld [tilespmem:$0x1FFE0];
	v52 =	vadd.f32 v46, v45;
	v2 =	vadd.f32 v5, v2  }
0xc0: {  	v53 =	vadd.f32 v48, v47;
	v0 =	vadd.f32 v0, v49  }
0xc1: {  	v1 =	vadd.f32 v51, v50;
	v2 =	vadd.f32 v2, v52;
	_ =	sdelay $0x1  }
0xc2: {  	v54 =	vsel vm0, v0, v53;
	v4 =	vsel vm0, v2, v1  }
0xc3: {  	v57 =	vld [tilespmem:$0x1FFB0];
	v3 =	vperm.xlane v54, v55;
	v4 =	vperm.xlane v4, v55  }
0xc4: {  	v0 =	vsel vm0, v53, v0;
	v1 =	vsel vm0, v1, v2  }
0xc5: {  	v0 =	vadd.f32 v0, v3;
	v1 =	vadd.f32 v1, v4;
	_ =	sdelay $0x1  }
0xc6: {  	v58 =	vld [tilespmem:$0x1FFF0];
	v56 =	vsel vm1, v1, v0  }
0xc7: {  	v2 =	vperm.xlane v56, v57  }
0xc8: {  	v0 =	vsel vm1, v0, v1  }
0xc9: {  	v0 =	vadd.f32 v0, v2  }
0xca: {  	v60 =	vld [tilespmem:$0x1FFD0]  }
0xcb: {  	v59 =	vperm.xlane v0, v58  }
0xcc: {  	v63 =	vld [tilespmem:$0x1FFA0]  }
0xcd: {  	v62 =	vld [tilespmem:$0x1FFC0];
	v0 =	vadd.f32 v0, v59  }
0xce: {  	s4 =	sshll.u32 s9, $0x4;
	s9 =	sadd.s32 $0x1, s9  }
0xcf: {  	p0 =	sne.s32 s9, $0x5;
	v1 =	vperm.xlane v0, v60  }
.Ltmp1:
0xd0: {  	_ = 	snop;
	(pc) =	sbr.rel @p0 .LBB2_3-.Ltmp1, $4  }
0xd1: {  	v61 =	vmov s13;
	v0 =	vadd.f32 v0, v1  }
0xd2: {  	vm2 =	veq.s32 v61, v62  }
0xd3: {  	s4 =	sand.u32 $0x3FFFFFF0, s4;
	v0 =	vsel vm2, v0, v40  }
0xd4: {  	s6 =	sadd.s32 $0x800, s6;
	s8 =	sadd.s32 $0x800, s8;
	[tilespmem:v63+s4+$0x0 ss:$0x1] =	vst.idx.msk $0xffff, v0  }
0xd5: {  	_ =	swait.ge [sflag:s25], $0x2800  }
0xd6: {  	[sflag:s25] =	ssyncset.done $0x0  }
0xd7: {  	[sflag:s25] =	ssyncadd.s32 $0xFFFFD800  }
0xd8: {  	_ =	swait.ge [sflag:s26], $0x2800  }
0xd9: {  	[sflag:s26] =	ssyncset.done $0x0  }
0xda: {  	s4 =	sadd.s32 $0x140, s15;
	[sflag:s26] =	ssyncadd.s32 $0xFFFFD800  }
0xdb: {  	[tilespmem:s11], [sflag:$0x1] =	stream.indirect.gather [hbm4b:s1+s10], $0x80, s4, s10, $0xb8;
	[tilespmem:$0x1B680] =	vst v63  }
0xdc: {  	s9 =	sadd.s32 $0x28C0, s15;
	s13 =	sadd.s32 $0x4F50, s19  }
0xdd: {  	v0 =	vmov s13;
	[tilespmem:s12], [sflag:$0x5] =	stream.indirect.gather [hbm4b:s2+s10], $0x80, s9, s10, $0xb8;
	[tilespmem:$0x1B680] =	vst v63  }
0xde: {  	s6 =	simm.s32 $0x9F80;
	s7 =	simm.s32 $0x13F80;
	[tilespmem:$0x1FF90] =	vst v0;
	s9 =	simm.s32 $0x0  }
.LBB2_7:
0xdf: {  	v0 =	vld [tilespmem:s6+$0xFFFFFF00]  }
0xe0: {  	v1 =	vld [tilespmem:s7+$0xFFFFFF00]  }
0xe1: {  	v2 =	vld [tilespmem:s6+$0xFFFFFF10]  }
0xe2: {  	v3 =	vld [tilespmem:s7+$0xFFFFFF10]  }
0xe3: {  	v4 =	vld [tilespmem:s6+$0xFFFFFF20]  }
0xe4: {  	v6 =	vld [tilespmem:s7+$0xFFFFFF20]  }
0xe5: {  	v7 =	vld [tilespmem:s6+$0xFFFFFF30]  }
0xe6: {  	v8 =	vld [tilespmem:s7+$0xFFFFFF30]  }
0xe7: {  	v9 =	vld [tilespmem:s6+$0xFFFFFF40]  }
0xe8: {  	v10 =	vld [tilespmem:s7+$0xFFFFFF40]  }
0xe9: {  	v11 =	vld [tilespmem:s6+$0xFFFFFF50]  }
0xea: {  	v12 =	vld [tilespmem:s7+$0xFFFFFF50]  }
0xeb: {  	v13 =	vld [tilespmem:s6+$0xFFFFFF60]  }
0xec: {  	v14 =	vld [tilespmem:s7+$0xFFFFFF60]  }
0xed: {  	v15 =	vld [tilespmem:s6+$0xFFFFFF70]  }
0xee: {  	v16 =	vld [tilespmem:s7+$0xFFFFFF70]  }
0xef: {  	v17 =	vld [tilespmem:s6+$0xFFFFFF80]  }
0xf0: {  	v18 =	vld [tilespmem:s7+$0xFFFFFF80]  }
0xf1: {  	v19 =	vld [tilespmem:s6+$0xFFFFFF90]  }
0xf2: {  	v20 =	vld [tilespmem:s7+$0xFFFFFF90]  }
0xf3: {  	v21 =	vld [tilespmem:s6+$0xFFFFFFA0]  }
0xf4: {  	v22 =	vld [tilespmem:s7+$0xFFFFFFA0]  }
0xf5: {  	v23 =	vld [tilespmem:s6+$0xFFFFFFB0]  }
0xf6: {  	v24 =	vld [tilespmem:s7+$0xFFFFFFB0]  }
0xf7: {  	v25 =	vld [tilespmem:s6+$0xFFFFFFC0]  }
0xf8: {  	v26 =	vld [tilespmem:s7+$0xFFFFFFC0]  }
0xf9: {  	v27 =	vld [tilespmem:s6+$0xFFFFFFD0]  }
0xfa: {  	v28 =	vld [tilespmem:s7+$0xFFFFFFD0]  }
0xfb: {  	v29 =	vld [tilespmem:s6+$0xFFFFFFE0]  }
0xfc: {  	v30 =	vld [tilespmem:s7+$0xFFFFFFE0]  }
0xfd: {  	v31 =	vld [tilespmem:s6+$0xFFFFFFF0]  }
0xfe: {  	v32 =	vld [tilespmem:s7+$0xFFFFFFF0]  }
0xff: {  	v33 =	vld [tilespmem:s6+$0x0]  }
0x100: {  	v34 =	vld [tilespmem:s7+$0x0]  }
0x101: {  	v35 =	vld [tilespmem:s6+$0x10]  }
0x102: {  	v36 =	vld [tilespmem:s7+$0x10]  }
0x103: {  	v37 =	vld [tilespmem:s6+$0x20]  }
0x104: {  	v38 =	vld [tilespmem:s7+$0x20]  }
0x105: {  	v39 =	vld [tilespmem:s6+$0x30]  }
0x106: {  	v40 =	vld [tilespmem:s7+$0x30]  }
0x107: {  	v41 =	vld [tilespmem:s6+$0x40]  }
0x108: {  	v42 =	vld [tilespmem:s7+$0x40]  }
0x109: {  	v43 =	vld [tilespmem:s6+$0x50]  }
0x10a: {  	v44 =	vld [tilespmem:s7+$0x50]  }
0x10b: {  	v45 =	vld [tilespmem:s6+$0x60]  }
0x10c: {  	v46 =	vld [tilespmem:s7+$0x60]  }
0x10d: {  	v47 =	vld [tilespmem:s6+$0x70]  }
0x10e: {  	v48 =	vld [tilespmem:s7+$0x70]  }
0x10f: {  	v49 =	vld [tilespmem:s6+$0x80];
	v0 =	vmul.f32 v1, v0;
	v1 =	vmul.f32 v3, v2  }
0x110: {  	v52 =	vld [tilespmem:s7+$0x90];
	v3 =	vmul.f32 v6, v4;
	v4 =	vmul.f32 v8, v7  }
0x111: {  	v55 =	vld [tilespmem:s6+$0xA0];
	v50 =	vmul.f32 v10, v9;
	v51 =	vmul.f32 v12, v11  }
0x112: {  	v58 =	vld [tilespmem:s7+$0xA0];
	v53 =	vmul.f32 v14, v13;
	v54 =	vmul.f32 v16, v15  }
0x113: {  	v61 =	vld [tilespmem:s6+$0xB0];
	v56 =	vmul.f32 v18, v17;
	v57 =	vmul.f32 v20, v19  }
0x114: {  	v62 =	vld [tilespmem:s7+$0xB0];
	v59 =	vmul.f32 v22, v21;
	v60 =	vmul.f32 v24, v23  }
0x115: {  	v63 =	vld [tilespmem:s6+$0xC0];
	v8 =	vmul.f32 v26, v25;
	v9 =	vmul.f32 v28, v27  }
0x116: {  	v5 =	vld [tilespmem:s7+$0xC0];
	v10 =	vmul.f32 v30, v29;
	v12 =	vmul.f32 v32, v31  }
0x117: {  	v2 =	vld [tilespmem:s7+$0x80];
	v11 =	vmul.f32 v34, v33;
	v13 =	vmul.f32 v36, v35  }
0x118: {  	v7 =	vld [tilespmem:s6+$0x90];
	v14 =	vmul.f32 v38, v37;
	v16 =	vmul.f32 v40, v39  }
0x119: {  	v21 =	vld [tilespmem:s6+$0xD0];
	v15 =	vmul.f32 v42, v41;
	v17 =	vmul.f32 v44, v43  }
0x11a: {  	v28 =	vld [tilespmem:s7+$0xD0];
	v20 =	vmul.f32 v46, v45;
	v22 =	vmul.f32 v48, v47  }
0x11b: {  	v37 =	vimm.f32 $0.0e+00;
	v27 =	vld [tilespmem:s6+$0xE0];
	v31 =	vmul.f32 v58, v55;
	v18 =	vadd.f32 v1, v0  }
0x11c: {  	v32 =	vld [tilespmem:s7+$0xE0];
	v34 =	vmul.f32 v62, v61;
	v19 =	vadd.f32 v4, v3;
	v25 =	vadd.f32 v51, v50  }
0x11d: {  	s5 =	sadd.s32 $0x200, s6;
	v33 =	vld [tilespmem:s6+$0xF0];
	v36 =	vmul.f32 v5, v63;
	v26 =	vadd.f32 v54, v53;
	v29 =	vadd.f32 v57, v56  }
0x11e: {  	s4 =	simm.s32 $0x1;
	s8 =	smov.u32 s7;
	s13 =	simm.s32 $0x0;
	v35 =	vld [tilespmem:s7+$0xF0];
	v30 =	vadd.f32 v60, v59;
	v23 =	vmul.f32 v2, v49;
	v24 =	vmul.f32 v52, v7  }
.LBB2_8:
0x11f: {  	v7 =	vld [tilespmem:s5+$0xFFFFFF00]  }
0x120: {  	v5 =	vld [tilespmem:$0x1FFE0]  }
0x121: {  	v60 =	vld [tilespmem:$0x1FFB0]  }
0x122: {  	v61 =	vld [tilespmem:$0x1FFF0]  }
0x123: {  	v62 =	vld [tilespmem:$0x1FFD0]  }
0x124: {  	v63 =	vld [tilespmem:$0x1FFC0]  }
0x125: {  	v38 =	vld [tilespmem:s5+$0x20]  }
0x126: {  	v40 =	vld [tilespmem:s5+$0x30]  }
0x127: {  	v42 =	vld [tilespmem:s5+$0x40]  }
0x128: {  	v44 =	vld [tilespmem:s5+$0x50]  }
0x129: {  	v46 =	vld [tilespmem:s5+$0x60]  }
0x12a: {  	v48 =	vld [tilespmem:s5+$0x70]  }
0x12b: {  	v50 =	vld [tilespmem:s5+$0x80]  }
0x12c: {  	v53 =	vld [tilespmem:s5+$0x90]  }
0x12d: {  	s8 =	sadd.s32 $0x200, s8;
	v57 =	vld [tilespmem:s5+$0xA0]  }
0x12e: {  	v0 =	vadd.f32 v9, v8;
	v8 =	vld [tilespmem:s8+$0xFFFFFF00]  }
0x12f: {  	v9 =	vld [tilespmem:s5+$0xFFFFFF10]  }
0x130: {  	v1 =	vadd.f32 v12, v10;
	v10 =	vld [tilespmem:s8+$0xFFFFFF10]  }
0x131: {  	v3 =	vadd.f32 v13, v11;
	v11 =	vld [tilespmem:s5+$0xFFFFFF20]  }
0x132: {  	v6 =	vld [tilespmem:s8+$0xFFFFFF20]  }
0x133: {  	v4 =	vadd.f32 v16, v14;
	v14 =	vadd.f32 v22, v20;
	v20 =	vld [tilespmem:s5+$0xFFFFFF30]  }
0x134: {  	v58 =	vld [tilespmem:s8+$0xFFFFFF30]  }
0x135: {  	v22 =	vld [tilespmem:s5+$0xFFFFFF70]  }
0x136: {  	v16 =	vadd.f32 v24, v23;
	v23 =	vld [tilespmem:s5+$0xFFFFFF90]  }
0x137: {  	v24 =	vld [tilespmem:s8+$0xFFFFFF90]  }
0x138: {  	v18 =	vadd.f32 v19, v18;
	v19 =	vadd.f32 v26, v25;
	v25 =	vld [tilespmem:s5+$0xFFFFFFB0]  }
0x139: {  	v13 =	vadd.f32 v17, v15;
	v17 =	vadd.f32 v34, v31;
	v31 =	vld [tilespmem:s8+$0xFFFFFFD0]  }
0x13a: {  	v34 =	vld [tilespmem:s5+$0x0]  }
0x13b: {  	v39 =	vld [tilespmem:s8+$0x20]  }
0x13c: {  	v41 =	vld [tilespmem:s8+$0x30]  }
0x13d: {  	v43 =	vld [tilespmem:s8+$0x40]  }
0x13e: {  	v45 =	vld [tilespmem:s8+$0x50];
	v2 =	vmul.f32 v28, v21  }
0x13f: {  	v47 =	vld [tilespmem:s8+$0x60];
	v12 =	vmul.f32 v32, v27;
	v15 =	vmul.f32 v35, v33  }
0x140: {  	v49 =	vld [tilespmem:s8+$0x70];
	v0 =	vadd.f32 v1, v0;
	v3 =	vadd.f32 v4, v3  }
0x141: {  	v51 =	vld [tilespmem:s8+$0x80];
	v2 =	vadd.f32 v2, v36;
	v12 =	vadd.f32 v15, v12  }
0x142: {  	v55 =	vld [tilespmem:s8+$0x90];
	v59 =	vadd.f32 v14, v13;
	v14 =	vadd.f32 v17, v16  }
0x143: {  	v13 =	vld [tilespmem:s5+$0xFFFFFF40];
	v21 =	vadd.f32 v30, v29;
	v2 =	vadd.f32 v12, v2  }
0x144: {  	v16 =	vadd.f32 v19, v18;
	v17 =	vld [tilespmem:s5+$0xFFFFFF50];
	v3 =	vadd.f32 v59, v3  }
0x145: {  	v4 =	vld [tilespmem:s8+$0xFFFFFF50];
	v0 =	vadd.f32 v0, v21;
	v2 =	vadd.f32 v2, v14  }
0x146: {  	v27 =	vld [tilespmem:s8+$0xFFFFFFB0]  }
0x147: {  	v28 =	vld [tilespmem:s5+$0xFFFFFFC0];
	v18 =	vsel vm0, v0, v16;
	v19 =	vsel vm0, v2, v3  }
0x148: {  	v29 =	vld [tilespmem:s5+$0xFFFFFFD0];
	v18 =	vperm.xlane v18, v5;
	v19 =	vperm.xlane v19, v5  }
0x149: {  	v32 =	vld [tilespmem:s5+$0xFFFFFFE0];
	v0 =	vsel vm0, v16, v0;
	v2 =	vsel vm0, v3, v2  }
0x14a: {  	v33 =	vld [tilespmem:s8+$0xFFFFFFE0];
	v0 =	vadd.f32 v0, v18;
	v2 =	vadd.f32 v2, v19  }
0x14b: {  	v35 =	vld [tilespmem:s8+$0x0]  }
0x14c: {  	v59 =	vld [tilespmem:s8+$0xA0];
	v19 =	vsel vm1, v2, v0  }
0x14d: {  	v21 =	vld [tilespmem:s8+$0xFFFFFF60];
	v19 =	vperm.xlane v19, v60  }
0x14e: {  	v36 =	vld [tilespmem:s5+$0x10];
	v0 =	vsel vm1, v0, v2  }
0x14f: {  	v54 =	vmul.f32 v6, v11;
	v6 =	vld [tilespmem:s5+$0xC0];
	v0 =	vadd.f32 v0, v19  }
0x150: {  	v12 =	vld [tilespmem:s8+$0xFFFFFF40]  }
0x151: {  	v16 =	vld [tilespmem:s5+$0xFFFFFF80];
	v26 =	vperm.xlane v0, v61  }
0x152: {  	v52 =	vmul.f32 v10, v9;
	v10 =	vmul.f32 v33, v32;
	v32 =	vld [tilespmem:s8+$0xE0]  }
0x153: {  	v14 =	vld [tilespmem:s5+$0xFFFFFF60];
	v0 =	vadd.f32 v0, v26  }
0x154: {  	v18 =	vld [tilespmem:s8+$0xFFFFFF80]  }
0x155: {  	v3 =	vld [tilespmem:s8+$0xFFFFFF70];
	v30 =	vperm.xlane v0, v62  }
0x156: {  	v7 =	vmul.f32 v8, v7;
	v1 =	vmul.f32 v58, v20;
	v5 =	vld [tilespmem:s8+$0xB0]  }
0x157: {  	v20 =	vmul.f32 v47, v46;
	v2 =	vld [tilespmem:s5+$0xFFFFFFA0];
	v0 =	vadd.f32 v0, v30;
	v30 =	vmov s13  }
0x158: {  	v4 =	vmul.f32 v4, v17;
	v17 =	vmul.f32 v45, v44;
	vm2 =	veq.s32 v30, v63;
	v30 =	vld [tilespmem:s5+$0xFFFFFFF0]  }
0x159: {  	v9 =	vmul.f32 v31, v29;
	v11 =	vmul.f32 v35, v34;
	v15 =	vsel vm2, v0, v37;
	v0 =	vld [tilespmem:s8+$0xFFFFFFF0]  }
0x15a: {  	v31 =	vmul.f32 v59, v57;
	v56 =	vmul.f32 v12, v13;
	v19 =	vld [tilespmem:s8+$0xFFFFFFA0]  }
0x15b: {  	v58 =	vmul.f32 v21, v14;
	v14 =	vmul.f32 v39, v38;
	v26 =	vld [tilespmem:s8+$0xFFFFFFC0]  }
0x15c: {  	v3 =	vmul.f32 v3, v22;
	v22 =	vmul.f32 v49, v48;
	v62 =	vld [tilespmem:s5+$0xB0]  }
0x15d: {  	v60 =	vmul.f32 v18, v16;
	v16 =	vmul.f32 v41, v40;
	v37 =	vld [tilespmem:s8+$0x10]  }
0x15e: {  	p0 =	sne.s32 s4, $0x3;
	v61 =	vmul.f32 v24, v23;
	v12 =	vmul.f32 v0, v30;
	v0 =	vld [tilespmem:s8+$0xC0]  }
.Ltmp2:
0x15f: {  	v33 =	vld [tilespmem:s5+$0xF0];
	v18 =	vadd.f32 v52, v7;
	v23 =	vmul.f32 v51, v50;
	v24 =	vmul.f32 v55, v53;
	(pc) =	sbr.rel @p0 .LBB2_8-.Ltmp2, $4  }
0x160: {  	v35 =	vld [tilespmem:s8+$0xF0];
	v29 =	vadd.f32 v61, v60;
	v2 =	vmul.f32 v19, v2;
	v19 =	vadd.f32 v1, v54  }
0x161: {  	v21 =	vld [tilespmem:s5+$0xD0];
	v63 =	vmul.f32 v27, v25;
	v8 =	vmul.f32 v26, v28;
	v25 =	vadd.f32 v4, v56  }
0x162: {  	v28 =	vld [tilespmem:s8+$0xD0];
	v26 =	vadd.f32 v3, v58;
	v34 =	vmul.f32 v5, v62;
	v13 =	vmul.f32 v37, v36  }
0x163: {  	s13 =	smov.u32 s4;
	s4 =	sadd.s32 $0x1, s4;
	v27 =	vld [tilespmem:s5+$0xE0];
	s5 =	sadd.s32 $0x200, s5;
	v37 =	vmovc v15;
	v15 =	vmul.f32 v43, v42;
	v30 =	vadd.f32 v63, v2;
	v36 =	vmul.f32 v0, v6  }
0x164: {  	v0 =	vadd.f32 v9, v8  }
0x165: {  	v1 =	vadd.f32 v12, v10;
	v3 =	vadd.f32 v13, v11  }
0x166: {  	v4 =	vadd.f32 v16, v14;
	v7 =	vadd.f32 v22, v20  }
0x167: {  	v45 =	vadd.f32 v24, v23;
	v46 =	vadd.f32 v34, v31  }
0x168: {  	v47 =	vadd.f32 v19, v18;
	v48 =	vadd.f32 v26, v25;
	v44 =	vmul.f32 v35, v33  }
0x169: {  	v6 =	vadd.f32 v17, v15;
	v2 =	vmul.f32 v28, v21;
	v5 =	vmul.f32 v32, v27  }
0x16a: {  	v49 =	vadd.f32 v30, v29;
	v0 =	vadd.f32 v1, v0  }
0x16b: {  	v2 =	vadd.f32 v2, v36;
	v5 =	vadd.f32 v44, v5  }
0x16c: {  	v50 =	vadd.f32 v4, v3;
	v52 =	vadd.f32 v46, v45  }
0x16d: {  	v55 =	vld [tilespmem:$0x1FFE0];
	v51 =	vadd.f32 v7, v6;
	v2 =	vadd.f32 v5, v2  }
0x16e: {  	v53 =	vadd.f32 v48, v47;
	v0 =	vadd.f32 v0, v49  }
0x16f: {  	v1 =	vadd.f32 v51, v50;
	v2 =	vadd.f32 v2, v52;
	_ =	sdelay $0x1  }
0x170: {  	v54 =	vsel vm0, v0, v53;
	v4 =	vsel vm0, v2, v1  }
0x171: {  	v57 =	vld [tilespmem:$0x1FFB0];
	v3 =	vperm.xlane v54, v55;
	v4 =	vperm.xlane v4, v55  }
0x172: {  	v0 =	vsel vm0, v53, v0;
	v1 =	vsel vm0, v1, v2  }
0x173: {  	v0 =	vadd.f32 v0, v3;
	v1 =	vadd.f32 v1, v4;
	_ =	sdelay $0x1  }
0x174: {  	v58 =	vld [tilespmem:$0x1FFF0];
	v56 =	vsel vm1, v1, v0  }
0x175: {  	v2 =	vperm.xlane v56, v57  }
0x176: {  	v0 =	vsel vm1, v0, v1  }
0x177: {  	v0 =	vadd.f32 v0, v2  }
0x178: {  	v60 =	vld [tilespmem:$0x1FFD0]  }
0x179: {  	v59 =	vperm.xlane v0, v58  }
0x17a: {  	v63 =	vld [tilespmem:$0x1FF90]  }
0x17b: {  	v62 =	vld [tilespmem:$0x1FFC0];
	v0 =	vadd.f32 v0, v59  }
0x17c: {  	s4 =	sshll.u32 s9, $0x4;
	s9 =	sadd.s32 $0x1, s9  }
0x17d: {  	p0 =	sne.s32 s9, $0x5;
	v1 =	vperm.xlane v0, v60  }
.Ltmp3:
0x17e: {  	_ = 	snop;
	(pc) =	sbr.rel @p0 .LBB2_7-.Ltmp3, $4  }
0x17f: {  	v61 =	vmov s13;
	v0 =	vadd.f32 v0, v1  }
0x180: {  	vm2 =	veq.s32 v61, v62  }
0x181: {  	s4 =	sand.u32 $0x3FFFFFF0, s4;
	v0 =	vsel vm2, v0, v37  }
0x182: {  	s6 =	sadd.s32 $0x800, s6;
	s7 =	sadd.s32 $0x800, s7;
	[tilespmem:v63+s4+$0x0 ss:$0x1] =	vst.idx.msk $0xffff, v0  }
0x183: {  	_ =	swait.ge [sflag:s28], $0x2800  }
0x184: {  	[sflag:s28] =	ssyncset.done $0x0  }
0x185: {  	[sflag:s28] =	ssyncadd.s32 $0xFFFFD800  }
0x186: {  	_ =	swait.ge [sflag:s29], $0x2800  }
0x187: {  	s4 =	sadd.s32 $0x190, s15;
	[sflag:s29] =	ssyncset.done $0x0  }
0x188: {  	s13 =	sadd.s32 $0x2910, s15;
	s19 =	sadd.s32 $0x4FA0, s19;
	[sflag:s29] =	ssyncadd.s32 $0xFFFFD800  }
0x189: {  	v0 =	vmov s19;
	[tilespmem:s14], [sflag:$0x2] =	stream.indirect.gather [hbm4b:s1+s10], $0x80, s4, s10, $0xb8;
	[tilespmem:$0x1B680] =	vst v63  }
0x18a: {  	s9 =	simm.s32 $0x0;
	s6 =	simm.s32 $0xC780;
	s7 =	simm.s32 $0x16780;
	[tilespmem:$0x1FF80] =	vst v0  }
0x18b: {  	[tilespmem:s16], [sflag:$0x6] =	stream.indirect.gather [hbm4b:s2+s10], $0x80, s13, s10, $0xb8;
	[tilespmem:$0x1B680] =	vst v63  }
.LBB2_11:
0x18c: {  	v0 =	vld [tilespmem:s6+$0xFFFFFF00]  }
0x18d: {  	v1 =	vld [tilespmem:s7+$0xFFFFFF00]  }
0x18e: {  	v2 =	vld [tilespmem:s6+$0xFFFFFF10]  }
0x18f: {  	v3 =	vld [tilespmem:s7+$0xFFFFFF10]  }
0x190: {  	v4 =	vld [tilespmem:s6+$0xFFFFFF20]  }
0x191: {  	v6 =	vld [tilespmem:s7+$0xFFFFFF20]  }
0x192: {  	v7 =	vld [tilespmem:s6+$0xFFFFFF30]  }
0x193: {  	v8 =	vld [tilespmem:s7+$0xFFFFFF30]  }
0x194: {  	v9 =	vld [tilespmem:s6+$0xFFFFFF40]  }
0x195: {  	v10 =	vld [tilespmem:s7+$0xFFFFFF40]  }
0x196: {  	v11 =	vld [tilespmem:s6+$0xFFFFFF50]  }
0x197: {  	v12 =	vld [tilespmem:s7+$0xFFFFFF50]  }
0x198: {  	v13 =	vld [tilespmem:s6+$0xFFFFFF60]  }
0x199: {  	v14 =	vld [tilespmem:s7+$0xFFFFFF60]  }
0x19a: {  	v15 =	vld [tilespmem:s6+$0xFFFFFF70]  }
0x19b: {  	v16 =	vld [tilespmem:s7+$0xFFFFFF70]  }
0x19c: {  	v17 =	vld [tilespmem:s6+$0xFFFFFF80]  }
0x19d: {  	v18 =	vld [tilespmem:s7+$0xFFFFFF80]  }
0x19e: {  	v19 =	vld [tilespmem:s6+$0xFFFFFF90]  }
0x19f: {  	v20 =	vld [tilespmem:s7+$0xFFFFFF90]  }
0x1a0: {  	v21 =	vld [tilespmem:s6+$0xFFFFFFA0]  }
0x1a1: {  	v22 =	vld [tilespmem:s7+$0xFFFFFFA0]  }
0x1a2: {  	v23 =	vld [tilespmem:s6+$0xFFFFFFB0]  }
0x1a3: {  	v24 =	vld [tilespmem:s7+$0xFFFFFFB0]  }
0x1a4: {  	v25 =	vld [tilespmem:s6+$0xFFFFFFC0]  }
0x1a5: {  	v26 =	vld [tilespmem:s7+$0xFFFFFFC0]  }
0x1a6: {  	v27 =	vld [tilespmem:s6+$0xFFFFFFD0]  }
0x1a7: {  	v28 =	vld [tilespmem:s7+$0xFFFFFFD0]  }
0x1a8: {  	v29 =	vld [tilespmem:s6+$0xFFFFFFE0]  }
0x1a9: {  	v30 =	vld [tilespmem:s7+$0xFFFFFFE0]  }
0x1aa: {  	v31 =	vld [tilespmem:s6+$0xFFFFFFF0]  }
0x1ab: {  	v32 =	vld [tilespmem:s7+$0xFFFFFFF0]  }
0x1ac: {  	v33 =	vld [tilespmem:s6+$0x0]  }
0x1ad: {  	v34 =	vld [tilespmem:s7+$0x0]  }
0x1ae: {  	v35 =	vld [tilespmem:s6+$0x10]  }
0x1af: {  	v36 =	vld [tilespmem:s7+$0x10]  }
0x1b0: {  	v37 =	vld [tilespmem:s6+$0x20]  }
0x1b1: {  	v38 =	vld [tilespmem:s7+$0x20]  }
0x1b2: {  	v39 =	vld [tilespmem:s6+$0x30]  }
0x1b3: {  	v40 =	vld [tilespmem:s7+$0x30]  }
0x1b4: {  	v41 =	vld [tilespmem:s6+$0x40]  }
0x1b5: {  	v42 =	vld [tilespmem:s7+$0x40]  }
0x1b6: {  	v43 =	vld [tilespmem:s6+$0x50]  }
0x1b7: {  	v44 =	vld [tilespmem:s7+$0x50]  }
0x1b8: {  	v45 =	vld [tilespmem:s6+$0x60]  }
0x1b9: {  	v46 =	vld [tilespmem:s7+$0x60]  }
0x1ba: {  	v47 =	vld [tilespmem:s6+$0x70]  }
0x1bb: {  	v48 =	vld [tilespmem:s7+$0x70]  }
0x1bc: {  	v49 =	vld [tilespmem:s6+$0x80];
	v0 =	vmul.f32 v1, v0;
	v1 =	vmul.f32 v3, v2  }
0x1bd: {  	v52 =	vld [tilespmem:s7+$0x90];
	v3 =	vmul.f32 v6, v4;
	v4 =	vmul.f32 v8, v7  }
0x1be: {  	v55 =	vld [tilespmem:s6+$0xA0];
	v50 =	vmul.f32 v10, v9;
	v51 =	vmul.f32 v12, v11  }
0x1bf: {  	v58 =	vld [tilespmem:s7+$0xA0];
	v53 =	vmul.f32 v14, v13;
	v54 =	vmul.f32 v16, v15  }
0x1c0: {  	v61 =	vld [tilespmem:s6+$0xB0];
	v56 =	vmul.f32 v18, v17;
	v57 =	vmul.f32 v20, v19  }
0x1c1: {  	v62 =	vld [tilespmem:s7+$0xB0];
	v59 =	vmul.f32 v22, v21;
	v60 =	vmul.f32 v24, v23  }
0x1c2: {  	v63 =	vld [tilespmem:s6+$0xC0];
	v8 =	vmul.f32 v26, v25;
	v9 =	vmul.f32 v28, v27  }
0x1c3: {  	v5 =	vld [tilespmem:s7+$0xC0];
	v10 =	vmul.f32 v30, v29;
	v12 =	vmul.f32 v32, v31  }
0x1c4: {  	v2 =	vld [tilespmem:s7+$0x80];
	v11 =	vmul.f32 v34, v33;
	v13 =	vmul.f32 v36, v35  }
0x1c5: {  	v7 =	vld [tilespmem:s6+$0x90];
	v14 =	vmul.f32 v38, v37;
	v16 =	vmul.f32 v40, v39  }
0x1c6: {  	v21 =	vld [tilespmem:s6+$0xD0];
	v15 =	vmul.f32 v42, v41;
	v17 =	vmul.f32 v44, v43  }
0x1c7: {  	v28 =	vld [tilespmem:s7+$0xD0];
	v20 =	vmul.f32 v46, v45;
	v22 =	vmul.f32 v48, v47  }
0x1c8: {  	v37 =	vimm.f32 $0.0e+00;
	v27 =	vld [tilespmem:s6+$0xE0];
	v31 =	vmul.f32 v58, v55;
	v18 =	vadd.f32 v1, v0  }
0x1c9: {  	v32 =	vld [tilespmem:s7+$0xE0];
	v34 =	vmul.f32 v62, v61;
	v19 =	vadd.f32 v4, v3;
	v25 =	vadd.f32 v51, v50  }
0x1ca: {  	s5 =	sadd.s32 $0x200, s6;
	v33 =	vld [tilespmem:s6+$0xF0];
	v36 =	vmul.f32 v5, v63;
	v26 =	vadd.f32 v54, v53;
	v29 =	vadd.f32 v57, v56  }
0x1cb: {  	s4 =	simm.s32 $0x1;
	s8 =	smov.u32 s7;
	s13 =	simm.s32 $0x0;
	v35 =	vld [tilespmem:s7+$0xF0];
	v30 =	vadd.f32 v60, v59;
	v23 =	vmul.f32 v2, v49;
	v24 =	vmul.f32 v52, v7  }
.LBB2_12:
0x1cc: {  	v7 =	vld [tilespmem:s5+$0xFFFFFF00]  }
0x1cd: {  	v5 =	vld [tilespmem:$0x1FFE0]  }
0x1ce: {  	v60 =	vld [tilespmem:$0x1FFB0]  }
0x1cf: {  	v61 =	vld [tilespmem:$0x1FFF0]  }
0x1d0: {  	v62 =	vld [tilespmem:$0x1FFD0]  }
0x1d1: {  	v63 =	vld [tilespmem:$0x1FFC0]  }
0x1d2: {  	v38 =	vld [tilespmem:s5+$0x20]  }
0x1d3: {  	v40 =	vld [tilespmem:s5+$0x30]  }
0x1d4: {  	v42 =	vld [tilespmem:s5+$0x40]  }
0x1d5: {  	v44 =	vld [tilespmem:s5+$0x50]  }
0x1d6: {  	v46 =	vld [tilespmem:s5+$0x60]  }
0x1d7: {  	v48 =	vld [tilespmem:s5+$0x70]  }
0x1d8: {  	v50 =	vld [tilespmem:s5+$0x80]  }
0x1d9: {  	v53 =	vld [tilespmem:s5+$0x90]  }
0x1da: {  	s8 =	sadd.s32 $0x200, s8;
	v57 =	vld [tilespmem:s5+$0xA0]  }
0x1db: {  	v0 =	vadd.f32 v9, v8;
	v8 =	vld [tilespmem:s8+$0xFFFFFF00]  }
0x1dc: {  	v9 =	vld [tilespmem:s5+$0xFFFFFF10]  }
0x1dd: {  	v1 =	vadd.f32 v12, v10;
	v10 =	vld [tilespmem:s8+$0xFFFFFF10]  }
0x1de: {  	v3 =	vadd.f32 v13, v11;
	v11 =	vld [tilespmem:s5+$0xFFFFFF20]  }
0x1df: {  	v6 =	vld [tilespmem:s8+$0xFFFFFF20]  }
0x1e0: {  	v4 =	vadd.f32 v16, v14;
	v14 =	vadd.f32 v22, v20;
	v20 =	vld [tilespmem:s5+$0xFFFFFF30]  }
0x1e1: {  	v58 =	vld [tilespmem:s8+$0xFFFFFF30]  }
0x1e2: {  	v22 =	vld [tilespmem:s5+$0xFFFFFF70]  }
0x1e3: {  	v16 =	vadd.f32 v24, v23;
	v23 =	vld [tilespmem:s5+$0xFFFFFF90]  }
0x1e4: {  	v24 =	vld [tilespmem:s8+$0xFFFFFF90]  }
0x1e5: {  	v18 =	vadd.f32 v19, v18;
	v19 =	vadd.f32 v26, v25;
	v25 =	vld [tilespmem:s5+$0xFFFFFFB0]  }
0x1e6: {  	v13 =	vadd.f32 v17, v15;
	v17 =	vadd.f32 v34, v31;
	v31 =	vld [tilespmem:s8+$0xFFFFFFD0]  }
0x1e7: {  	v34 =	vld [tilespmem:s5+$0x0]  }
0x1e8: {  	v39 =	vld [tilespmem:s8+$0x20]  }
0x1e9: {  	v41 =	vld [tilespmem:s8+$0x30]  }
0x1ea: {  	v43 =	vld [tilespmem:s8+$0x40]  }
0x1eb: {  	v45 =	vld [tilespmem:s8+$0x50];
	v2 =	vmul.f32 v28, v21  }
0x1ec: {  	v47 =	vld [tilespmem:s8+$0x60];
	v12 =	vmul.f32 v32, v27;
	v15 =	vmul.f32 v35, v33  }
0x1ed: {  	v49 =	vld [tilespmem:s8+$0x70];
	v0 =	vadd.f32 v1, v0;
	v3 =	vadd.f32 v4, v3  }
0x1ee: {  	v51 =	vld [tilespmem:s8+$0x80];
	v2 =	vadd.f32 v2, v36;
	v12 =	vadd.f32 v15, v12  }
0x1ef: {  	v55 =	vld [tilespmem:s8+$0x90];
	v59 =	vadd.f32 v14, v13;
	v14 =	vadd.f32 v17, v16  }
0x1f0: {  	v13 =	vld [tilespmem:s5+$0xFFFFFF40];
	v21 =	vadd.f32 v30, v29;
	v2 =	vadd.f32 v12, v2  }
0x1f1: {  	v16 =	vadd.f32 v19, v18;
	v17 =	vld [tilespmem:s5+$0xFFFFFF50];
	v3 =	vadd.f32 v59, v3  }
0x1f2: {  	v4 =	vld [tilespmem:s8+$0xFFFFFF50];
	v0 =	vadd.f32 v0, v21;
	v2 =	vadd.f32 v2, v14  }
0x1f3: {  	v27 =	vld [tilespmem:s8+$0xFFFFFFB0]  }
0x1f4: {  	v28 =	vld [tilespmem:s5+$0xFFFFFFC0];
	v18 =	vsel vm0, v0, v16;
	v19 =	vsel vm0, v2, v3  }
0x1f5: {  	v29 =	vld [tilespmem:s5+$0xFFFFFFD0];
	v18 =	vperm.xlane v18, v5;
	v19 =	vperm.xlane v19, v5  }
0x1f6: {  	v32 =	vld [tilespmem:s5+$0xFFFFFFE0];
	v0 =	vsel vm0, v16, v0;
	v2 =	vsel vm0, v3, v2  }
0x1f7: {  	v33 =	vld [tilespmem:s8+$0xFFFFFFE0];
	v0 =	vadd.f32 v0, v18;
	v2 =	vadd.f32 v2, v19  }
0x1f8: {  	v35 =	vld [tilespmem:s8+$0x0]  }
0x1f9: {  	v59 =	vld [tilespmem:s8+$0xA0];
	v19 =	vsel vm1, v2, v0  }
0x1fa: {  	v21 =	vld [tilespmem:s8+$0xFFFFFF60];
	v19 =	vperm.xlane v19, v60  }
0x1fb: {  	v36 =	vld [tilespmem:s5+$0x10];
	v0 =	vsel vm1, v0, v2  }
0x1fc: {  	v54 =	vmul.f32 v6, v11;
	v6 =	vld [tilespmem:s5+$0xC0];
	v0 =	vadd.f32 v0, v19  }
0x1fd: {  	v12 =	vld [tilespmem:s8+$0xFFFFFF40]  }
0x1fe: {  	v16 =	vld [tilespmem:s5+$0xFFFFFF80];
	v26 =	vperm.xlane v0, v61  }
0x1ff: {  	v52 =	vmul.f32 v10, v9;
	v10 =	vmul.f32 v33, v32;
	v32 =	vld [tilespmem:s8+$0xE0]  }
0x200: {  	v14 =	vld [tilespmem:s5+$0xFFFFFF60];
	v0 =	vadd.f32 v0, v26  }
0x201: {  	v18 =	vld [tilespmem:s8+$0xFFFFFF80]  }
0x202: {  	v3 =	vld [tilespmem:s8+$0xFFFFFF70];
	v30 =	vperm.xlane v0, v62  }
0x203: {  	v7 =	vmul.f32 v8, v7;
	v1 =	vmul.f32 v58, v20;
	v5 =	vld [tilespmem:s8+$0xB0]  }
0x204: {  	v20 =	vmul.f32 v47, v46;
	v2 =	vld [tilespmem:s5+$0xFFFFFFA0];
	v0 =	vadd.f32 v0, v30;
	v30 =	vmov s13  }
0x205: {  	v4 =	vmul.f32 v4, v17;
	v17 =	vmul.f32 v45, v44;
	vm2 =	veq.s32 v30, v63;
	v30 =	vld [tilespmem:s5+$0xFFFFFFF0]  }
0x206: {  	v9 =	vmul.f32 v31, v29;
	v11 =	vmul.f32 v35, v34;
	v15 =	vsel vm2, v0, v37;
	v0 =	vld [tilespmem:s8+$0xFFFFFFF0]  }
0x207: {  	v31 =	vmul.f32 v59, v57;
	v56 =	vmul.f32 v12, v13;
	v19 =	vld [tilespmem:s8+$0xFFFFFFA0]  }
0x208: {  	v58 =	vmul.f32 v21, v14;
	v14 =	vmul.f32 v39, v38;
	v26 =	vld [tilespmem:s8+$0xFFFFFFC0]  }
0x209: {  	v3 =	vmul.f32 v3, v22;
	v22 =	vmul.f32 v49, v48;
	v62 =	vld [tilespmem:s5+$0xB0]  }
0x20a: {  	v60 =	vmul.f32 v18, v16;
	v16 =	vmul.f32 v41, v40;
	v37 =	vld [tilespmem:s8+$0x10]  }
0x20b: {  	p0 =	sne.s32 s4, $0x3;
	v61 =	vmul.f32 v24, v23;
	v12 =	vmul.f32 v0, v30;
	v0 =	vld [tilespmem:s8+$0xC0]  }
.Ltmp4:
0x20c: {  	v33 =	vld [tilespmem:s5+$0xF0];
	v18 =	vadd.f32 v52, v7;
	v23 =	vmul.f32 v51, v50;
	v24 =	vmul.f32 v55, v53;
	(pc) =	sbr.rel @p0 .LBB2_12-.Ltmp4, $4  }
0x20d: {  	v35 =	vld [tilespmem:s8+$0xF0];
	v29 =	vadd.f32 v61, v60;
	v2 =	vmul.f32 v19, v2;
	v19 =	vadd.f32 v1, v54  }
0x20e: {  	v21 =	vld [tilespmem:s5+$0xD0];
	v63 =	vmul.f32 v27, v25;
	v8 =	vmul.f32 v26, v28;
	v25 =	vadd.f32 v4, v56  }
0x20f: {  	v28 =	vld [tilespmem:s8+$0xD0];
	v26 =	vadd.f32 v3, v58;
	v34 =	vmul.f32 v5, v62;
	v13 =	vmul.f32 v37, v36  }
0x210: {  	s13 =	smov.u32 s4;
	s4 =	sadd.s32 $0x1, s4;
	v27 =	vld [tilespmem:s5+$0xE0];
	s5 =	sadd.s32 $0x200, s5;
	v37 =	vmovc v15;
	v15 =	vmul.f32 v43, v42;
	v30 =	vadd.f32 v63, v2;
	v36 =	vmul.f32 v0, v6  }
0x211: {  	v0 =	vadd.f32 v9, v8  }
0x212: {  	v1 =	vadd.f32 v12, v10;
	v3 =	vadd.f32 v13, v11  }
0x213: {  	v4 =	vadd.f32 v16, v14;
	v7 =	vadd.f32 v22, v20  }
0x214: {  	v45 =	vadd.f32 v24, v23;
	v46 =	vadd.f32 v34, v31  }
0x215: {  	v47 =	vadd.f32 v19, v18;
	v48 =	vadd.f32 v26, v25;
	v44 =	vmul.f32 v35, v33  }
0x216: {  	v6 =	vadd.f32 v17, v15;
	v2 =	vmul.f32 v28, v21;
	v5 =	vmul.f32 v32, v27  }
0x217: {  	v49 =	vadd.f32 v30, v29;
	v0 =	vadd.f32 v1, v0  }
0x218: {  	v2 =	vadd.f32 v2, v36;
	v5 =	vadd.f32 v44, v5  }
0x219: {  	v50 =	vadd.f32 v4, v3;
	v52 =	vadd.f32 v46, v45  }
0x21a: {  	v55 =	vld [tilespmem:$0x1FFE0];
	v51 =	vadd.f32 v7, v6;
	v2 =	vadd.f32 v5, v2  }
0x21b: {  	v53 =	vadd.f32 v48, v47;
	v0 =	vadd.f32 v0, v49  }
0x21c: {  	v1 =	vadd.f32 v51, v50;
	v2 =	vadd.f32 v2, v52;
	_ =	sdelay $0x1  }
0x21d: {  	v54 =	vsel vm0, v0, v53;
	v4 =	vsel vm0, v2, v1  }
0x21e: {  	v57 =	vld [tilespmem:$0x1FFB0];
	v3 =	vperm.xlane v54, v55;
	v4 =	vperm.xlane v4, v55  }
0x21f: {  	v0 =	vsel vm0, v53, v0;
	v1 =	vsel vm0, v1, v2  }
0x220: {  	v0 =	vadd.f32 v0, v3;
	v1 =	vadd.f32 v1, v4;
	_ =	sdelay $0x1  }
0x221: {  	v58 =	vld [tilespmem:$0x1FFF0];
	v56 =	vsel vm1, v1, v0  }
0x222: {  	v2 =	vperm.xlane v56, v57  }
0x223: {  	v0 =	vsel vm1, v0, v1  }
0x224: {  	v0 =	vadd.f32 v0, v2  }
0x225: {  	v60 =	vld [tilespmem:$0x1FFD0]  }
0x226: {  	v59 =	vperm.xlane v0, v58  }
0x227: {  	v63 =	vld [tilespmem:$0x1FF80]  }
0x228: {  	v62 =	vld [tilespmem:$0x1FFC0];
	v0 =	vadd.f32 v0, v59  }
0x229: {  	s4 =	sshll.u32 s9, $0x4;
	s9 =	sadd.s32 $0x1, s9  }
0x22a: {  	p0 =	sne.s32 s9, $0x5;
	v1 =	vperm.xlane v0, v60  }
.Ltmp5:
0x22b: {  	_ = 	snop;
	(pc) =	sbr.rel @p0 .LBB2_11-.Ltmp5, $4  }
0x22c: {  	v61 =	vmov s13;
	v0 =	vadd.f32 v0, v1  }
0x22d: {  	vm2 =	veq.s32 v61, v62  }
0x22e: {  	s4 =	sand.u32 $0x3FFFFFF0, s4;
	v0 =	vsel vm2, v0, v37  }
0x22f: {  	s6 =	sadd.s32 $0x800, s6;
	s7 =	sadd.s32 $0x800, s7;
	[tilespmem:v63+s4+$0x0 ss:$0x1] =	vst.idx.msk $0xffff, v0  }
0x230: {  	_ =	swait.ge [sflag:s30], $0x2800  }
0x231: {  	[sflag:s30] =	ssyncset.done $0x0  }
0x232: {  	[sflag:s30] =	ssyncadd.s32 $0xFFFFD800  }
0x233: {  	_ =	swait.ge [sflag:s31], $0x2800  }
0x234: {  	s4 =	sadd.s32 $0x1E0, s15;
	[sflag:s31] =	ssyncset.done $0x0  }
0x235: {  	s15 =	sadd.s32 $0x2960, s15;
	s19 =	sadd.s32 $0x4F00, s17;
	[sflag:s31] =	ssyncadd.s32 $0xFFFFD800  }
0x236: {  	v0 =	vmov s19;
	[tilespmem:s18], [sflag:$0x3] =	stream.indirect.gather [hbm4b:s1+s10], $0x80, s4, s10, $0xb8;
	[tilespmem:$0x1B680] =	vst v63  }
0x237: {  	s9 =	simm.s32 $0x0;
	s6 =	simm.s32 $0xEF80;
	s7 =	simm.s32 $0x18F80;
	[tilespmem:$0x1FF70] =	vst v0  }
0x238: {  	[tilespmem:s20], [sflag:$0x7] =	stream.indirect.gather [hbm4b:s2+s10], $0x80, s15, s10, $0xb8;
	[tilespmem:$0x1B680] =	vst v63  }
.LBB2_15:
0x239: {  	v0 =	vld [tilespmem:s6+$0xFFFFFF00]  }
0x23a: {  	v1 =	vld [tilespmem:s7+$0xFFFFFF00]  }
0x23b: {  	v2 =	vld [tilespmem:s6+$0xFFFFFF10]  }
0x23c: {  	v3 =	vld [tilespmem:s7+$0xFFFFFF10]  }
0x23d: {  	v4 =	vld [tilespmem:s6+$0xFFFFFF20]  }
0x23e: {  	v6 =	vld [tilespmem:s7+$0xFFFFFF20]  }
0x23f: {  	v7 =	vld [tilespmem:s6+$0xFFFFFF30]  }
0x240: {  	v8 =	vld [tilespmem:s7+$0xFFFFFF30]  }
0x241: {  	v9 =	vld [tilespmem:s6+$0xFFFFFF40]  }
0x242: {  	v10 =	vld [tilespmem:s7+$0xFFFFFF40]  }
0x243: {  	v11 =	vld [tilespmem:s6+$0xFFFFFF50]  }
0x244: {  	v12 =	vld [tilespmem:s7+$0xFFFFFF50]  }
0x245: {  	v13 =	vld [tilespmem:s6+$0xFFFFFF60]  }
0x246: {  	v14 =	vld [tilespmem:s7+$0xFFFFFF60]  }
0x247: {  	v15 =	vld [tilespmem:s6+$0xFFFFFF70]  }
0x248: {  	v16 =	vld [tilespmem:s7+$0xFFFFFF70]  }
0x249: {  	v17 =	vld [tilespmem:s6+$0xFFFFFF80]  }
0x24a: {  	v18 =	vld [tilespmem:s7+$0xFFFFFF80]  }
0x24b: {  	v19 =	vld [tilespmem:s6+$0xFFFFFF90]  }
0x24c: {  	v20 =	vld [tilespmem:s7+$0xFFFFFF90]  }
0x24d: {  	v21 =	vld [tilespmem:s6+$0xFFFFFFA0]  }
0x24e: {  	v22 =	vld [tilespmem:s7+$0xFFFFFFA0]  }
0x24f: {  	v23 =	vld [tilespmem:s6+$0xFFFFFFB0]  }
0x250: {  	v24 =	vld [tilespmem:s7+$0xFFFFFFB0]  }
0x251: {  	v25 =	vld [tilespmem:s6+$0xFFFFFFC0]  }
0x252: {  	v26 =	vld [tilespmem:s7+$0xFFFFFFC0]  }
0x253: {  	v27 =	vld [tilespmem:s6+$0xFFFFFFD0]  }
0x254: {  	v28 =	vld [tilespmem:s7+$0xFFFFFFD0]  }
0x255: {  	v29 =	vld [tilespmem:s6+$0xFFFFFFE0]  }
0x256: {  	v30 =	vld [tilespmem:s7+$0xFFFFFFE0]  }
0x257: {  	v31 =	vld [tilespmem:s6+$0xFFFFFFF0]  }
0x258: {  	v32 =	vld [tilespmem:s7+$0xFFFFFFF0]  }
0x259: {  	v33 =	vld [tilespmem:s6+$0x0]  }
0x25a: {  	v34 =	vld [tilespmem:s7+$0x0]  }
0x25b: {  	v35 =	vld [tilespmem:s6+$0x10]  }
0x25c: {  	v36 =	vld [tilespmem:s7+$0x10]  }
0x25d: {  	v37 =	vld [tilespmem:s6+$0x20]  }
0x25e: {  	v38 =	vld [tilespmem:s7+$0x20]  }
0x25f: {  	v39 =	vld [tilespmem:s6+$0x30]  }
0x260: {  	v40 =	vld [tilespmem:s7+$0x30]  }
0x261: {  	v41 =	vld [tilespmem:s6+$0x40]  }
0x262: {  	v42 =	vld [tilespmem:s7+$0x40]  }
0x263: {  	v43 =	vld [tilespmem:s6+$0x50]  }
0x264: {  	v44 =	vld [tilespmem:s7+$0x50]  }
0x265: {  	v45 =	vld [tilespmem:s6+$0x60]  }
0x266: {  	v46 =	vld [tilespmem:s7+$0x60]  }
0x267: {  	v47 =	vld [tilespmem:s6+$0x70]  }
0x268: {  	v48 =	vld [tilespmem:s7+$0x70]  }
0x269: {  	v49 =	vld [tilespmem:s6+$0x80];
	v0 =	vmul.f32 v1, v0;
	v1 =	vmul.f32 v3, v2  }
0x26a: {  	v52 =	vld [tilespmem:s7+$0x90];
	v3 =	vmul.f32 v6, v4;
	v4 =	vmul.f32 v8, v7  }
0x26b: {  	v55 =	vld [tilespmem:s6+$0xA0];
	v50 =	vmul.f32 v10, v9;
	v51 =	vmul.f32 v12, v11  }
0x26c: {  	v58 =	vld [tilespmem:s7+$0xA0];
	v53 =	vmul.f32 v14, v13;
	v54 =	vmul.f32 v16, v15  }
0x26d: {  	v61 =	vld [tilespmem:s6+$0xB0];
	v56 =	vmul.f32 v18, v17;
	v57 =	vmul.f32 v20, v19  }
0x26e: {  	v62 =	vld [tilespmem:s7+$0xB0];
	v59 =	vmul.f32 v22, v21;
	v60 =	vmul.f32 v24, v23  }
0x26f: {  	v63 =	vld [tilespmem:s6+$0xC0];
	v8 =	vmul.f32 v26, v25;
	v9 =	vmul.f32 v28, v27  }
0x270: {  	v5 =	vld [tilespmem:s7+$0xC0];
	v10 =	vmul.f32 v30, v29;
	v12 =	vmul.f32 v32, v31  }
0x271: {  	v2 =	vld [tilespmem:s7+$0x80];
	v11 =	vmul.f32 v34, v33;
	v13 =	vmul.f32 v36, v35  }
0x272: {  	v7 =	vld [tilespmem:s6+$0x90];
	v14 =	vmul.f32 v38, v37;
	v16 =	vmul.f32 v40, v39  }
0x273: {  	v21 =	vld [tilespmem:s6+$0xD0];
	v15 =	vmul.f32 v42, v41;
	v17 =	vmul.f32 v44, v43  }
0x274: {  	v28 =	vld [tilespmem:s7+$0xD0];
	v20 =	vmul.f32 v46, v45;
	v22 =	vmul.f32 v48, v47  }
0x275: {  	v37 =	vimm.f32 $0.0e+00;
	v27 =	vld [tilespmem:s6+$0xE0];
	v31 =	vmul.f32 v58, v55;
	v18 =	vadd.f32 v1, v0  }
0x276: {  	v32 =	vld [tilespmem:s7+$0xE0];
	v34 =	vmul.f32 v62, v61;
	v19 =	vadd.f32 v4, v3;
	v25 =	vadd.f32 v51, v50  }
0x277: {  	s5 =	sadd.s32 $0x200, s6;
	v33 =	vld [tilespmem:s6+$0xF0];
	v36 =	vmul.f32 v5, v63;
	v26 =	vadd.f32 v54, v53;
	v29 =	vadd.f32 v57, v56  }
0x278: {  	s4 =	simm.s32 $0x1;
	s8 =	smov.u32 s7;
	s13 =	simm.s32 $0x0;
	v35 =	vld [tilespmem:s7+$0xF0];
	v30 =	vadd.f32 v60, v59;
	v23 =	vmul.f32 v2, v49;
	v24 =	vmul.f32 v52, v7  }
.LBB2_16:
0x279: {  	v7 =	vld [tilespmem:s5+$0xFFFFFF00]  }
0x27a: {  	v5 =	vld [tilespmem:$0x1FFE0]  }
0x27b: {  	v60 =	vld [tilespmem:$0x1FFB0]  }
0x27c: {  	v61 =	vld [tilespmem:$0x1FFF0]  }
0x27d: {  	v62 =	vld [tilespmem:$0x1FFD0]  }
0x27e: {  	v63 =	vld [tilespmem:$0x1FFC0]  }
0x27f: {  	v38 =	vld [tilespmem:s5+$0x20]  }
0x280: {  	v40 =	vld [tilespmem:s5+$0x30]  }
0x281: {  	v42 =	vld [tilespmem:s5+$0x40]  }
0x282: {  	v44 =	vld [tilespmem:s5+$0x50]  }
0x283: {  	v46 =	vld [tilespmem:s5+$0x60]  }
0x284: {  	v48 =	vld [tilespmem:s5+$0x70]  }
0x285: {  	v50 =	vld [tilespmem:s5+$0x80]  }
0x286: {  	v53 =	vld [tilespmem:s5+$0x90]  }
0x287: {  	s8 =	sadd.s32 $0x200, s8;
	v57 =	vld [tilespmem:s5+$0xA0]  }
0x288: {  	v0 =	vadd.f32 v9, v8;
	v8 =	vld [tilespmem:s8+$0xFFFFFF00]  }
0x289: {  	v9 =	vld [tilespmem:s5+$0xFFFFFF10]  }
0x28a: {  	v1 =	vadd.f32 v12, v10;
	v10 =	vld [tilespmem:s8+$0xFFFFFF10]  }
0x28b: {  	v3 =	vadd.f32 v13, v11;
	v11 =	vld [tilespmem:s5+$0xFFFFFF20]  }
0x28c: {  	v6 =	vld [tilespmem:s8+$0xFFFFFF20]  }
0x28d: {  	v4 =	vadd.f32 v16, v14;
	v14 =	vadd.f32 v22, v20;
	v20 =	vld [tilespmem:s5+$0xFFFFFF30]  }
0x28e: {  	v58 =	vld [tilespmem:s8+$0xFFFFFF30]  }
0x28f: {  	v22 =	vld [tilespmem:s5+$0xFFFFFF70]  }
0x290: {  	v16 =	vadd.f32 v24, v23;
	v23 =	vld [tilespmem:s5+$0xFFFFFF90]  }
0x291: {  	v24 =	vld [tilespmem:s8+$0xFFFFFF90]  }
0x292: {  	v18 =	vadd.f32 v19, v18;
	v19 =	vadd.f32 v26, v25;
	v25 =	vld [tilespmem:s5+$0xFFFFFFB0]  }
0x293: {  	v13 =	vadd.f32 v17, v15;
	v17 =	vadd.f32 v34, v31;
	v31 =	vld [tilespmem:s8+$0xFFFFFFD0]  }
0x294: {  	v34 =	vld [tilespmem:s5+$0x0]  }
0x295: {  	v39 =	vld [tilespmem:s8+$0x20]  }
0x296: {  	v41 =	vld [tilespmem:s8+$0x30]  }
0x297: {  	v43 =	vld [tilespmem:s8+$0x40]  }
0x298: {  	v45 =	vld [tilespmem:s8+$0x50];
	v2 =	vmul.f32 v28, v21  }
0x299: {  	v47 =	vld [tilespmem:s8+$0x60];
	v12 =	vmul.f32 v32, v27;
	v15 =	vmul.f32 v35, v33  }
0x29a: {  	v49 =	vld [tilespmem:s8+$0x70];
	v0 =	vadd.f32 v1, v0;
	v3 =	vadd.f32 v4, v3  }
0x29b: {  	v51 =	vld [tilespmem:s8+$0x80];
	v2 =	vadd.f32 v2, v36;
	v12 =	vadd.f32 v15, v12  }
0x29c: {  	v55 =	vld [tilespmem:s8+$0x90];
	v59 =	vadd.f32 v14, v13;
	v14 =	vadd.f32 v17, v16  }
0x29d: {  	v13 =	vld [tilespmem:s5+$0xFFFFFF40];
	v21 =	vadd.f32 v30, v29;
	v2 =	vadd.f32 v12, v2  }
0x29e: {  	v16 =	vadd.f32 v19, v18;
	v17 =	vld [tilespmem:s5+$0xFFFFFF50];
	v3 =	vadd.f32 v59, v3  }
0x29f: {  	v4 =	vld [tilespmem:s8+$0xFFFFFF50];
	v0 =	vadd.f32 v0, v21;
	v2 =	vadd.f32 v2, v14  }
0x2a0: {  	v27 =	vld [tilespmem:s8+$0xFFFFFFB0]  }
0x2a1: {  	v28 =	vld [tilespmem:s5+$0xFFFFFFC0];
	v18 =	vsel vm0, v0, v16;
	v19 =	vsel vm0, v2, v3  }
0x2a2: {  	v29 =	vld [tilespmem:s5+$0xFFFFFFD0];
	v18 =	vperm.xlane v18, v5;
	v19 =	vperm.xlane v19, v5  }
0x2a3: {  	v32 =	vld [tilespmem:s5+$0xFFFFFFE0];
	v0 =	vsel vm0, v16, v0;
	v2 =	vsel vm0, v3, v2  }
0x2a4: {  	v33 =	vld [tilespmem:s8+$0xFFFFFFE0];
	v0 =	vadd.f32 v0, v18;
	v2 =	vadd.f32 v2, v19  }
0x2a5: {  	v35 =	vld [tilespmem:s8+$0x0]  }
0x2a6: {  	v59 =	vld [tilespmem:s8+$0xA0];
	v19 =	vsel vm1, v2, v0  }
0x2a7: {  	v21 =	vld [tilespmem:s8+$0xFFFFFF60];
	v19 =	vperm.xlane v19, v60  }
0x2a8: {  	v36 =	vld [tilespmem:s5+$0x10];
	v0 =	vsel vm1, v0, v2  }
0x2a9: {  	v54 =	vmul.f32 v6, v11;
	v6 =	vld [tilespmem:s5+$0xC0];
	v0 =	vadd.f32 v0, v19  }
0x2aa: {  	v12 =	vld [tilespmem:s8+$0xFFFFFF40]  }
0x2ab: {  	v16 =	vld [tilespmem:s5+$0xFFFFFF80];
	v26 =	vperm.xlane v0, v61  }
0x2ac: {  	v52 =	vmul.f32 v10, v9;
	v10 =	vmul.f32 v33, v32;
	v32 =	vld [tilespmem:s8+$0xE0]  }
0x2ad: {  	v14 =	vld [tilespmem:s5+$0xFFFFFF60];
	v0 =	vadd.f32 v0, v26  }
0x2ae: {  	v18 =	vld [tilespmem:s8+$0xFFFFFF80]  }
0x2af: {  	v3 =	vld [tilespmem:s8+$0xFFFFFF70];
	v30 =	vperm.xlane v0, v62  }
0x2b0: {  	v7 =	vmul.f32 v8, v7;
	v1 =	vmul.f32 v58, v20;
	v5 =	vld [tilespmem:s8+$0xB0]  }
0x2b1: {  	v20 =	vmul.f32 v47, v46;
	v2 =	vld [tilespmem:s5+$0xFFFFFFA0];
	v0 =	vadd.f32 v0, v30;
	v30 =	vmov s13  }
0x2b2: {  	v4 =	vmul.f32 v4, v17;
	v17 =	vmul.f32 v45, v44;
	vm2 =	veq.s32 v30, v63;
	v30 =	vld [tilespmem:s5+$0xFFFFFFF0]  }
0x2b3: {  	v9 =	vmul.f32 v31, v29;
	v11 =	vmul.f32 v35, v34;
	v15 =	vsel vm2, v0, v37;
	v0 =	vld [tilespmem:s8+$0xFFFFFFF0]  }
0x2b4: {  	v31 =	vmul.f32 v59, v57;
	v56 =	vmul.f32 v12, v13;
	v19 =	vld [tilespmem:s8+$0xFFFFFFA0]  }
0x2b5: {  	v58 =	vmul.f32 v21, v14;
	v14 =	vmul.f32 v39, v38;
	v26 =	vld [tilespmem:s8+$0xFFFFFFC0]  }
0x2b6: {  	v3 =	vmul.f32 v3, v22;
	v22 =	vmul.f32 v49, v48;
	v62 =	vld [tilespmem:s5+$0xB0]  }
0x2b7: {  	v60 =	vmul.f32 v18, v16;
	v16 =	vmul.f32 v41, v40;
	v37 =	vld [tilespmem:s8+$0x10]  }
0x2b8: {  	p0 =	sne.s32 s4, $0x3;
	v61 =	vmul.f32 v24, v23;
	v12 =	vmul.f32 v0, v30;
	v0 =	vld [tilespmem:s8+$0xC0]  }
.Ltmp6:
0x2b9: {  	v33 =	vld [tilespmem:s5+$0xF0];
	v18 =	vadd.f32 v52, v7;
	v23 =	vmul.f32 v51, v50;
	v24 =	vmul.f32 v55, v53;
	(pc) =	sbr.rel @p0 .LBB2_16-.Ltmp6, $4  }
0x2ba: {  	v35 =	vld [tilespmem:s8+$0xF0];
	v29 =	vadd.f32 v61, v60;
	v2 =	vmul.f32 v19, v2;
	v19 =	vadd.f32 v1, v54  }
0x2bb: {  	v21 =	vld [tilespmem:s5+$0xD0];
	v63 =	vmul.f32 v27, v25;
	v8 =	vmul.f32 v26, v28;
	v25 =	vadd.f32 v4, v56  }
0x2bc: {  	v28 =	vld [tilespmem:s8+$0xD0];
	v26 =	vadd.f32 v3, v58;
	v34 =	vmul.f32 v5, v62;
	v13 =	vmul.f32 v37, v36  }
0x2bd: {  	s13 =	smov.u32 s4;
	s4 =	sadd.s32 $0x1, s4;
	v27 =	vld [tilespmem:s5+$0xE0];
	s5 =	sadd.s32 $0x200, s5;
	v37 =	vmovc v15;
	v15 =	vmul.f32 v43, v42;
	v30 =	vadd.f32 v63, v2;
	v36 =	vmul.f32 v0, v6  }
0x2be: {  	v0 =	vadd.f32 v9, v8  }
0x2bf: {  	v1 =	vadd.f32 v12, v10;
	v3 =	vadd.f32 v13, v11  }
0x2c0: {  	v4 =	vadd.f32 v16, v14;
	v7 =	vadd.f32 v22, v20  }
0x2c1: {  	v45 =	vadd.f32 v24, v23;
	v46 =	vadd.f32 v34, v31  }
0x2c2: {  	v47 =	vadd.f32 v19, v18;
	v48 =	vadd.f32 v26, v25;
	v44 =	vmul.f32 v35, v33  }
0x2c3: {  	v6 =	vadd.f32 v17, v15;
	v2 =	vmul.f32 v28, v21;
	v5 =	vmul.f32 v32, v27  }
0x2c4: {  	v49 =	vadd.f32 v30, v29;
	v0 =	vadd.f32 v1, v0  }
0x2c5: {  	v2 =	vadd.f32 v2, v36;
	v5 =	vadd.f32 v44, v5  }
0x2c6: {  	v50 =	vadd.f32 v4, v3;
	v52 =	vadd.f32 v46, v45  }
0x2c7: {  	v55 =	vld [tilespmem:$0x1FFE0];
	v51 =	vadd.f32 v7, v6;
	v2 =	vadd.f32 v5, v2  }
0x2c8: {  	v53 =	vadd.f32 v48, v47;
	v0 =	vadd.f32 v0, v49  }
0x2c9: {  	v1 =	vadd.f32 v51, v50;
	v2 =	vadd.f32 v2, v52;
	_ =	sdelay $0x1  }
0x2ca: {  	v54 =	vsel vm0, v0, v53;
	v4 =	vsel vm0, v2, v1  }
0x2cb: {  	v63 =	vld [tilespmem:$0x1FFB0];
	v3 =	vperm.xlane v54, v55;
	v4 =	vperm.xlane v4, v55  }
0x2cc: {  	v0 =	vsel vm0, v53, v0;
	v1 =	vsel vm0, v1, v2  }
0x2cd: {  	v0 =	vadd.f32 v0, v3;
	v1 =	vadd.f32 v1, v4;
	_ =	sdelay $0x1  }
0x2ce: {  	v57 =	vld [tilespmem:$0x1FFF0];
	v56 =	vsel vm1, v1, v0  }
0x2cf: {  	v2 =	vperm.xlane v56, v63  }
0x2d0: {  	v0 =	vsel vm1, v0, v1  }
0x2d1: {  	v0 =	vadd.f32 v0, v2  }
0x2d2: {  	v59 =	vld [tilespmem:$0x1FFD0]  }
0x2d3: {  	v58 =	vperm.xlane v0, v57  }
0x2d4: {  	v62 =	vld [tilespmem:$0x1FF70]  }
0x2d5: {  	v61 =	vld [tilespmem:$0x1FFC0];
	v0 =	vadd.f32 v0, v58  }
0x2d6: {  	s4 =	sshll.u32 s9, $0x4;
	s9 =	sadd.s32 $0x1, s9  }
0x2d7: {  	p0 =	sne.s32 s9, $0x5;
	v1 =	vperm.xlane v0, v59  }
.Ltmp7:
0x2d8: {  	_ = 	snop;
	(pc) =	sbr.rel @p0 .LBB2_15-.Ltmp7, $4  }
0x2d9: {  	v60 =	vmov s13;
	v0 =	vadd.f32 v0, v1  }
0x2da: {  	vm2 =	veq.s32 v60, v61  }
0x2db: {  	s4 =	sand.u32 $0x3FFFFFF0, s4;
	v0 =	vsel vm2, v0, v37  }
0x2dc: {  	s6 =	sadd.s32 $0x800, s6;
	s7 =	sadd.s32 $0x800, s7;
	[tilespmem:v62+s4+$0x0 ss:$0x1] =	vst.idx.msk $0xffff, v0  }
0x2dd: {  	s0 =	sadd.s32 $0x1, s0  }
0x2de: {  	p0 =	sne.s32 s0, $0x1E  }
.Ltmp8:
0x2df: {  	_ = 	snop;
	(pc) =	sbr.rel @p0 .LBB2_2-.Ltmp8, $1  }
0x2e0: {  	_ =	sdelay $0x3  }
0x2e1: {  	_ =	swait.ge [sflag:s21], $0x2800  }
0x2e2: {  	[sflag:s21] =	ssyncset.done $0x0  }
0x2e3: {  	[sflag:s21] =	ssyncadd.s32 $0xFFFFD800  }
0x2e4: {  	_ =	swait.ge [sflag:s22], $0x2800  }
0x2e5: {  	[sflag:s22] =	ssyncset.done $0x0  }
0x2e6: {  	s0 =	simm.s32 $0x2670;
	s19 =	simm.s32 $0x4DF0;
	[sflag:s22] =	ssyncadd.s32 $0xFFFFD800  }
0x2e7: {  	[tilespmem:s23], [sflag:$0x4] =	stream.indirect.gather [hbm4b:s1+s10], $0x80, s0, s10, $0xb8;
	[tilespmem:$0x1B680] =	vst v63  }
0x2e8: {  	s6 =	simm.s32 $0x7780;
	s7 =	simm.s32 $0x11780;
	s0 =	simm.s32 $0x0  }
0x2e9: {  	[tilespmem:s24], [sflag:$0x8] =	stream.indirect.gather [hbm4b:s2+s10], $0x80, s19, s10, $0xb8;
	[tilespmem:$0x1B680] =	vst v63  }
.LBB2_20:
0x2ea: {  	v0 =	vld [tilespmem:s6+$0xFFFFFF00]  }
0x2eb: {  	v1 =	vld [tilespmem:s7+$0xFFFFFF00]  }
0x2ec: {  	v2 =	vld [tilespmem:s6+$0xFFFFFF10]  }
0x2ed: {  	v3 =	vld [tilespmem:s7+$0xFFFFFF10]  }
0x2ee: {  	v4 =	vld [tilespmem:s6+$0xFFFFFF20]  }
0x2ef: {  	v5 =	vld [tilespmem:s7+$0xFFFFFF20]  }
0x2f0: {  	v6 =	vld [tilespmem:s6+$0xFFFFFF30]  }
0x2f1: {  	v7 =	vld [tilespmem:s7+$0xFFFFFF30]  }
0x2f2: {  	v8 =	vld [tilespmem:s6+$0xFFFFFF40]  }
0x2f3: {  	v9 =	vld [tilespmem:s7+$0xFFFFFF40]  }
0x2f4: {  	v10 =	vld [tilespmem:s6+$0xFFFFFF50]  }
0x2f5: {  	v11 =	vld [tilespmem:s7+$0xFFFFFF50]  }
0x2f6: {  	v12 =	vld [tilespmem:s6+$0xFFFFFF60]  }
0x2f7: {  	v13 =	vld [tilespmem:s7+$0xFFFFFF60]  }
0x2f8: {  	v14 =	vld [tilespmem:s6+$0xFFFFFF70]  }
0x2f9: {  	v15 =	vld [tilespmem:s7+$0xFFFFFF70]  }
0x2fa: {  	v16 =	vld [tilespmem:s6+$0xFFFFFF80]  }
0x2fb: {  	v17 =	vld [tilespmem:s7+$0xFFFFFF80]  }
0x2fc: {  	v18 =	vld [tilespmem:s6+$0xFFFFFF90]  }
0x2fd: {  	v19 =	vld [tilespmem:s7+$0xFFFFFF90]  }
0x2fe: {  	v20 =	vld [tilespmem:s6+$0xFFFFFFA0]  }
0x2ff: {  	v21 =	vld [tilespmem:s7+$0xFFFFFFA0]  }
0x300: {  	v22 =	vld [tilespmem:s6+$0xFFFFFFB0]  }
0x301: {  	v23 =	vld [tilespmem:s7+$0xFFFFFFB0]  }
0x302: {  	v24 =	vld [tilespmem:s6+$0xFFFFFFC0]  }
0x303: {  	v25 =	vld [tilespmem:s7+$0xFFFFFFC0]  }
0x304: {  	v26 =	vld [tilespmem:s6+$0xFFFFFFD0]  }
0x305: {  	v27 =	vld [tilespmem:s7+$0xFFFFFFD0]  }
0x306: {  	v28 =	vld [tilespmem:s6+$0xFFFFFFE0]  }
0x307: {  	v29 =	vld [tilespmem:s7+$0xFFFFFFE0]  }
0x308: {  	v30 =	vld [tilespmem:s6+$0xFFFFFFF0]  }
0x309: {  	v31 =	vld [tilespmem:s7+$0xFFFFFFF0]  }
0x30a: {  	v32 =	vld [tilespmem:s6+$0x0]  }
0x30b: {  	v33 =	vld [tilespmem:s7+$0x0]  }
0x30c: {  	v34 =	vld [tilespmem:s6+$0x10]  }
0x30d: {  	v35 =	vld [tilespmem:s7+$0x10]  }
0x30e: {  	v36 =	vld [tilespmem:s6+$0x20]  }
0x30f: {  	v37 =	vld [tilespmem:s7+$0x20]  }
0x310: {  	v38 =	vld [tilespmem:s6+$0x30]  }
0x311: {  	v39 =	vld [tilespmem:s7+$0x30]  }
0x312: {  	v40 =	vld [tilespmem:s6+$0x40]  }
0x313: {  	v41 =	vld [tilespmem:s7+$0x40]  }
0x314: {  	v42 =	vld [tilespmem:s6+$0x50]  }
0x315: {  	v43 =	vld [tilespmem:s7+$0x50]  }
0x316: {  	v44 =	vld [tilespmem:s6+$0x60]  }
0x317: {  	v45 =	vld [tilespmem:s7+$0x60]  }
0x318: {  	v46 =	vld [tilespmem:s6+$0x70]  }
0x319: {  	v47 =	vld [tilespmem:s7+$0x70]  }
0x31a: {  	v48 =	vld [tilespmem:s6+$0x80];
	v0 =	vmul.f32 v1, v0;
	v1 =	vmul.f32 v3, v2  }
0x31b: {  	v51 =	vld [tilespmem:s7+$0x90];
	v3 =	vmul.f32 v5, v4;
	v4 =	vmul.f32 v7, v6  }
0x31c: {  	v54 =	vld [tilespmem:s6+$0xA0];
	v49 =	vmul.f32 v9, v8;
	v50 =	vmul.f32 v11, v10  }
0x31d: {  	v57 =	vld [tilespmem:s7+$0xA0];
	v52 =	vmul.f32 v13, v12;
	v53 =	vmul.f32 v15, v14  }
0x31e: {  	v60 =	vld [tilespmem:s6+$0xB0];
	v55 =	vmul.f32 v17, v16;
	v56 =	vmul.f32 v19, v18  }
0x31f: {  	v61 =	vld [tilespmem:s7+$0xB0];
	v58 =	vmul.f32 v21, v20;
	v59 =	vmul.f32 v23, v22  }
0x320: {  	v62 =	vld [tilespmem:s6+$0xC0];
	v7 =	vmul.f32 v25, v24;
	v8 =	vmul.f32 v27, v26  }
0x321: {  	v2 =	vld [tilespmem:s7+$0x80];
	v9 =	vmul.f32 v29, v28;
	v11 =	vmul.f32 v31, v30  }
0x322: {  	v6 =	vld [tilespmem:s6+$0x90];
	v10 =	vmul.f32 v33, v32;
	v12 =	vmul.f32 v35, v34  }
0x323: {  	v35 =	vld [tilespmem:s7+$0xC0];
	v13 =	vmul.f32 v37, v36;
	v15 =	vmul.f32 v39, v38  }
0x324: {  	v20 =	vld [tilespmem:s6+$0xD0];
	v14 =	vmul.f32 v41, v40;
	v16 =	vmul.f32 v43, v42  }
0x325: {  	v27 =	vld [tilespmem:s7+$0xD0];
	v19 =	vmul.f32 v45, v44;
	v21 =	vmul.f32 v47, v46  }
0x326: {  	v36 =	vimm.f32 $0.0e+00;
	v26 =	vld [tilespmem:s6+$0xE0];
	v30 =	vmul.f32 v57, v54;
	v17 =	vadd.f32 v1, v0  }
0x327: {  	v31 =	vld [tilespmem:s7+$0xE0];
	v33 =	vmul.f32 v61, v60;
	v18 =	vadd.f32 v4, v3;
	v24 =	vadd.f32 v50, v49  }
0x328: {  	s5 =	sadd.s32 $0x200, s6;
	v32 =	vld [tilespmem:s6+$0xF0];
	v25 =	vadd.f32 v53, v52;
	v28 =	vadd.f32 v56, v55;
	v22 =	vmul.f32 v2, v48  }
0x329: {  	s4 =	simm.s32 $0x1;
	s8 =	smov.u32 s7;
	s9 =	simm.s32 $0x0;
	v34 =	vld [tilespmem:s7+$0xF0];
	v29 =	vadd.f32 v59, v58;
	v23 =	vmul.f32 v51, v6;
	v35 =	vmul.f32 v35, v62  }
.LBB2_21:
0x32a: {  	v6 =	vld [tilespmem:s5+$0xFFFFFF00]  }
0x32b: {  	v5 =	vld [tilespmem:$0x1FFE0]  }
0x32c: {  	v37 =	vld [tilespmem:s5+$0x20]  }
0x32d: {  	v39 =	vld [tilespmem:s5+$0x30]  }
0x32e: {  	v41 =	vld [tilespmem:s5+$0x40]  }
0x32f: {  	v43 =	vld [tilespmem:s5+$0x50]  }
0x330: {  	v45 =	vld [tilespmem:s5+$0x60]  }
0x331: {  	v47 =	vld [tilespmem:s5+$0x70]  }
0x332: {  	v49 =	vld [tilespmem:s5+$0x80]  }
0x333: {  	v52 =	vld [tilespmem:s5+$0x90]  }
0x334: {  	s8 =	sadd.s32 $0x200, s8;
	v56 =	vld [tilespmem:s5+$0xA0]  }
0x335: {  	v0 =	vadd.f32 v8, v7;
	v7 =	vld [tilespmem:s8+$0xFFFFFF00]  }
0x336: {  	v8 =	vld [tilespmem:s5+$0xFFFFFF10]  }
0x337: {  	v1 =	vadd.f32 v11, v9;
	v9 =	vld [tilespmem:s8+$0xFFFFFF10]  }
0x338: {  	v3 =	vadd.f32 v12, v10;
	v10 =	vld [tilespmem:s5+$0xFFFFFF20]  }
0x339: {  	v53 =	vld [tilespmem:s8+$0xFFFFFF20]  }
0x33a: {  	v4 =	vadd.f32 v15, v13;
	v13 =	vadd.f32 v21, v19;
	v19 =	vld [tilespmem:s5+$0xFFFFFF30]  }
0x33b: {  	v61 =	vld [tilespmem:s8+$0xFFFFFF30]  }
0x33c: {  	v21 =	vld [tilespmem:s5+$0xFFFFFF70]  }
0x33d: {  	v62 =	vld [tilespmem:s8+$0xFFFFFF70]  }
0x33e: {  	v15 =	vadd.f32 v23, v22;
	v22 =	vld [tilespmem:s5+$0xFFFFFF90]  }
0x33f: {  	v23 =	vld [tilespmem:s8+$0xFFFFFF90]  }
0x340: {  	v17 =	vadd.f32 v18, v17;
	v18 =	vadd.f32 v25, v24;
	v24 =	vld [tilespmem:s5+$0xFFFFFFB0]  }
0x341: {  	v12 =	vadd.f32 v16, v14;
	v16 =	vadd.f32 v33, v30;
	v30 =	vld [tilespmem:s8+$0xFFFFFFD0]  }
0x342: {  	v33 =	vld [tilespmem:s5+$0x0]  }
0x343: {  	v38 =	vld [tilespmem:s8+$0x20]  }
0x344: {  	v40 =	vld [tilespmem:s8+$0x30]  }
0x345: {  	v42 =	vld [tilespmem:s8+$0x40]  }
0x346: {  	v44 =	vld [tilespmem:s8+$0x50];
	v2 =	vmul.f32 v27, v20  }
0x347: {  	v46 =	vld [tilespmem:s8+$0x60];
	v11 =	vmul.f32 v31, v26;
	v14 =	vmul.f32 v34, v32  }
0x348: {  	v48 =	vld [tilespmem:s8+$0x70];
	v0 =	vadd.f32 v1, v0;
	v3 =	vadd.f32 v4, v3  }
0x349: {  	v50 =	vld [tilespmem:s8+$0x80];
	v2 =	vadd.f32 v2, v35;
	v11 =	vadd.f32 v14, v11  }
0x34a: {  	v54 =	vld [tilespmem:s8+$0x90];
	v4 =	vadd.f32 v13, v12;
	v13 =	vadd.f32 v16, v15  }
0x34b: {  	v58 =	vld [tilespmem:s8+$0xA0];
	v20 =	vadd.f32 v29, v28;
	v2 =	vadd.f32 v11, v2  }
0x34c: {  	v12 =	vld [tilespmem:s5+$0xFFFFFF40];
	v15 =	vadd.f32 v18, v17;
	v3 =	vadd.f32 v4, v3  }
0x34d: {  	v16 =	vld [tilespmem:s5+$0xFFFFFF50];
	v0 =	vadd.f32 v0, v20;
	v2 =	vadd.f32 v2, v13  }
0x34e: {  	v26 =	vld [tilespmem:s8+$0xFFFFFFB0]  }
0x34f: {  	v27 =	vld [tilespmem:s5+$0xFFFFFFC0];
	v17 =	vsel vm0, v0, v15;
	v18 =	vsel vm0, v2, v3  }
0x350: {  	v28 =	vld [tilespmem:s5+$0xFFFFFFD0];
	v17 =	vperm.xlane v17, v5;
	v18 =	vperm.xlane v18, v5  }
0x351: {  	v31 =	vld [tilespmem:s5+$0xFFFFFFE0];
	v0 =	vsel vm0, v15, v0;
	v2 =	vsel vm0, v3, v2  }
0x352: {  	v32 =	vld [tilespmem:s8+$0xFFFFFFE0];
	v0 =	vadd.f32 v0, v17;
	v2 =	vadd.f32 v2, v18  }
0x353: {  	v34 =	vld [tilespmem:s8+$0x0]  }
0x354: {  	v5 =	vld [tilespmem:$0x1FFF0];
	v18 =	vsel vm1, v2, v0  }
0x355: {  	v4 =	vld [tilespmem:s8+$0xFFFFFF50];
	v18 =	vperm.xlane v18, v63  }
0x356: {  	v20 =	vld [tilespmem:s8+$0xFFFFFF60];
	v0 =	vsel vm1, v0, v2  }
0x357: {  	v35 =	vld [tilespmem:s5+$0x10];
	v0 =	vadd.f32 v0, v18  }
0x358: {  	v1 =	vmul.f32 v61, v19;
	v61 =	vld [tilespmem:s5+$0xB0]  }
0x359: {  	v25 =	vperm.xlane v0, v5;
	v5 =	vld [tilespmem:$0x1FFD0]  }
0x35a: {  	v11 =	vld [tilespmem:s8+$0xFFFFFF40]  }
0x35b: {  	v15 =	vld [tilespmem:s5+$0xFFFFFF80]  }
0x35c: {  	v51 =	vmul.f32 v9, v8;
	v9 =	vmul.f32 v32, v31;
	v31 =	vld [tilespmem:s8+$0xE0];
	v0 =	vadd.f32 v0, v25  }
0x35d: {  	v32 =	vld [tilespmem:s5+$0xF0]  }
0x35e: {  	v29 =	vperm.xlane v0, v5;
	v5 =	vld [tilespmem:$0x1FFC0]  }
0x35f: {  	v13 =	vld [tilespmem:s5+$0xFFFFFF60]  }
0x360: {  	v17 =	vld [tilespmem:s8+$0xFFFFFF80]  }
0x361: {  	v6 =	vmul.f32 v7, v6;
	v53 =	vmul.f32 v53, v10;
	v2 =	vld [tilespmem:s5+$0xFFFFFFA0]  }
0x362: {  	v60 =	vmul.f32 v23, v22;
	v63 =	vld [tilespmem:s8+$0xB0];
	v0 =	vadd.f32 v0, v29;
	v29 =	vmov s9  }
0x363: {  	v19 =	vmul.f32 v46, v45;
	v22 =	vmul.f32 v50, v49;
	vm2 =	veq.s32 v29, v5;
	v29 =	vld [tilespmem:s5+$0xFFFFFFF0]  }
0x364: {  	v23 =	vmul.f32 v54, v52;
	v8 =	vmul.f32 v30, v28;
	v14 =	vsel vm2, v0, v36;
	v0 =	vld [tilespmem:s8+$0xFFFFFFF0]  }
0x365: {  	v10 =	vmul.f32 v34, v33;
	v30 =	vmul.f32 v58, v56;
	v18 =	vld [tilespmem:s8+$0xFFFFFFA0]  }
0x366: {  	v4 =	vmul.f32 v4, v16;
	v16 =	vmul.f32 v44, v43;
	v25 =	vld [tilespmem:s8+$0xFFFFFFC0]  }
0x367: {  	v3 =	vmul.f32 v62, v21;
	v62 =	vmul.f32 v26, v24;
	v5 =	vld [tilespmem:s5+$0xC0]  }
0x368: {  	v21 =	vmul.f32 v48, v47;
	v55 =	vmul.f32 v11, v12;
	v36 =	vld [tilespmem:s8+$0x10]  }
0x369: {  	p0 =	sne.s32 s4, $0x3;
	v59 =	vmul.f32 v17, v15;
	v11 =	vmul.f32 v0, v29;
	v0 =	vld [tilespmem:s8+$0xC0]  }
.Ltmp9:
0x36a: {  	v34 =	vld [tilespmem:s8+$0xF0];
	v57 =	vmul.f32 v20, v13;
	v13 =	vmul.f32 v38, v37;
	v24 =	vadd.f32 v4, v55;
	(pc) =	sbr.rel @p0 .LBB2_21-.Ltmp9, $4  }
0x36b: {  	v26 =	vld [tilespmem:s5+$0xE0];
	v15 =	vmul.f32 v40, v39;
	v17 =	vadd.f32 v51, v6;
	v28 =	vadd.f32 v60, v59  }
0x36c: {  	v20 =	vld [tilespmem:s5+$0xD0];
	v33 =	vmul.f32 v63, v61;
	v2 =	vmul.f32 v18, v2;
	v18 =	vadd.f32 v1, v53  }
0x36d: {  	v63 =	vld [tilespmem:$0x1FFB0];
	v7 =	vmul.f32 v25, v27;
	v25 =	vadd.f32 v3, v57;
	v12 =	vmul.f32 v36, v35  }
0x36e: {  	s9 =	smov.u32 s4;
	v27 =	vld [tilespmem:s8+$0xD0];
	s4 =	sadd.s32 $0x1, s4;
	s5 =	sadd.s32 $0x200, s5;
	v36 =	vmovc v14;
	v14 =	vmul.f32 v42, v41;
	v29 =	vadd.f32 v62, v2;
	v35 =	vmul.f32 v0, v5  }
0x36f: {  	v0 =	vadd.f32 v8, v7  }
0x370: {  	v1 =	vadd.f32 v11, v9;
	v3 =	vadd.f32 v12, v10  }
0x371: {  	v4 =	vadd.f32 v15, v13;
	v44 =	vadd.f32 v21, v19  }
0x372: {  	v46 =	vadd.f32 v23, v22;
	v47 =	vadd.f32 v33, v30  }
0x373: {  	v45 =	vmul.f32 v34, v32;
	v48 =	vadd.f32 v18, v17;
	v49 =	vadd.f32 v25, v24  }
0x374: {  	v5 =	vmul.f32 v31, v26;
	v6 =	vadd.f32 v16, v14;
	v2 =	vmul.f32 v27, v20  }
0x375: {  	v50 =	vadd.f32 v29, v28;
	v0 =	vadd.f32 v1, v0  }
0x376: {  	v5 =	vadd.f32 v45, v5;
	v2 =	vadd.f32 v2, v35  }
0x377: {  	v51 =	vadd.f32 v4, v3;
	v53 =	vadd.f32 v47, v46  }
0x378: {  	v56 =	vld [tilespmem:$0x1FFE0];
	v52 =	vadd.f32 v44, v6;
	v2 =	vadd.f32 v5, v2  }
0x379: {  	v54 =	vadd.f32 v49, v48;
	v0 =	vadd.f32 v0, v50  }
0x37a: {  	v1 =	vadd.f32 v52, v51;
	v2 =	vadd.f32 v2, v53;
	_ =	sdelay $0x1  }
0x37b: {  	v55 =	vsel vm0, v0, v54;
	v4 =	vsel vm0, v2, v1  }
0x37c: {  	v3 =	vperm.xlane v55, v56;
	v4 =	vperm.xlane v4, v56  }
0x37d: {  	v0 =	vsel vm0, v54, v0;
	v1 =	vsel vm0, v1, v2  }
0x37e: {  	v0 =	vadd.f32 v0, v3;
	v1 =	vadd.f32 v1, v4;
	_ =	sdelay $0x1  }
0x37f: {  	v58 =	vld [tilespmem:$0x1FFF0];
	v57 =	vsel vm1, v1, v0  }
0x380: {  	v2 =	vperm.xlane v57, v63  }
0x381: {  	v0 =	vsel vm1, v0, v1  }
0x382: {  	v0 =	vadd.f32 v0, v2  }
0x383: {  	v60 =	vld [tilespmem:$0x1FFD0]  }
0x384: {  	v59 =	vperm.xlane v0, v58;
	_ =	sdelay $0x1  }
0x385: {  	v62 =	vld [tilespmem:$0x1FFC0];
	v0 =	vadd.f32 v0, v59  }
0x386: {  	s4 =	sshll.u32 s0, $0x4;
	s0 =	sadd.s32 $0x1, s0  }
0x387: {  	p0 =	sne.s32 s0, $0x5;
	v1 =	vperm.xlane v0, v60  }
.Ltmp10:
0x388: {  	_ = 	snop;
	(pc) =	sbr.rel @p0 .LBB2_20-.Ltmp10, $4  }
0x389: {  	v61 =	vmov s9;
	v0 =	vadd.f32 v0, v1  }
0x38a: {  	vm2 =	veq.s32 v61, v62  }
0x38b: {  	s4 =	sand.u32 $0x3FFFFFF0, s4;
	v0 =	vsel vm2, v0, v36  }
0x38c: {  	s6 =	sadd.s32 $0x800, s6;
	s7 =	sadd.s32 $0x800, s7;
	[tilespmem:s4+$0x7480] =	vst v0  }
0x38d: {  	_ =	swait.ge [sflag:s25], $0x2800  }
0x38e: {  	[sflag:s25] =	ssyncset.done $0x0  }
0x38f: {  	[sflag:s25] =	ssyncadd.s32 $0xFFFFD800  }
0x390: {  	_ =	swait.ge [sflag:s26], $0x2800  }
0x391: {  	[sflag:s26] =	ssyncset.done $0x0  }
0x392: {  	s0 =	simm.s32 $0x26C0;
	s19 =	simm.s32 $0x4E40;
	[sflag:s26] =	ssyncadd.s32 $0xFFFFD800  }
0x393: {  	[tilespmem:s11], [sflag:$0x1] =	stream.indirect.gather [hbm4b:s1+s10], $0x80, s0, s10, $0xb8;
	[tilespmem:$0x1B680] =	vst v63  }
0x394: {  	s6 =	simm.s32 $0x9F80;
	s7 =	simm.s32 $0x13F80;
	s0 =	simm.s32 $0x0  }
0x395: {  	[tilespmem:s12], [sflag:$0x5] =	stream.indirect.gather [hbm4b:s2+s10], $0x80, s19, s10, $0xb8;
	[tilespmem:$0x1B680] =	vst v63  }
.LBB2_24:
0x396: {  	v0 =	vld [tilespmem:s6+$0xFFFFFF00]  }
0x397: {  	v1 =	vld [tilespmem:s7+$0xFFFFFF00]  }
0x398: {  	v2 =	vld [tilespmem:s6+$0xFFFFFF10]  }
0x399: {  	v3 =	vld [tilespmem:s7+$0xFFFFFF10]  }
0x39a: {  	v4 =	vld [tilespmem:s6+$0xFFFFFF20]  }
0x39b: {  	v5 =	vld [tilespmem:s7+$0xFFFFFF20]  }
0x39c: {  	v6 =	vld [tilespmem:s6+$0xFFFFFF30]  }
0x39d: {  	v7 =	vld [tilespmem:s7+$0xFFFFFF30]  }
0x39e: {  	v8 =	vld [tilespmem:s6+$0xFFFFFF40]  }
0x39f: {  	v9 =	vld [tilespmem:s7+$0xFFFFFF40]  }
0x3a0: {  	v10 =	vld [tilespmem:s6+$0xFFFFFF50]  }
0x3a1: {  	v11 =	vld [tilespmem:s7+$0xFFFFFF50]  }
0x3a2: {  	v12 =	vld [tilespmem:s6+$0xFFFFFF60]  }
0x3a3: {  	v13 =	vld [tilespmem:s7+$0xFFFFFF60]  }
0x3a4: {  	v14 =	vld [tilespmem:s6+$0xFFFFFF70]  }
0x3a5: {  	v15 =	vld [tilespmem:s7+$0xFFFFFF70]  }
0x3a6: {  	v16 =	vld [tilespmem:s6+$0xFFFFFF80]  }
0x3a7: {  	v17 =	vld [tilespmem:s7+$0xFFFFFF80]  }
0x3a8: {  	v18 =	vld [tilespmem:s6+$0xFFFFFF90]  }
0x3a9: {  	v19 =	vld [tilespmem:s7+$0xFFFFFF90]  }
0x3aa: {  	v20 =	vld [tilespmem:s6+$0xFFFFFFA0]  }
0x3ab: {  	v21 =	vld [tilespmem:s7+$0xFFFFFFA0]  }
0x3ac: {  	v22 =	vld [tilespmem:s6+$0xFFFFFFB0]  }
0x3ad: {  	v23 =	vld [tilespmem:s7+$0xFFFFFFB0]  }
0x3ae: {  	v24 =	vld [tilespmem:s6+$0xFFFFFFC0]  }
0x3af: {  	v25 =	vld [tilespmem:s7+$0xFFFFFFC0]  }
0x3b0: {  	v26 =	vld [tilespmem:s6+$0xFFFFFFD0]  }
0x3b1: {  	v27 =	vld [tilespmem:s7+$0xFFFFFFD0]  }
0x3b2: {  	v28 =	vld [tilespmem:s6+$0xFFFFFFE0]  }
0x3b3: {  	v29 =	vld [tilespmem:s7+$0xFFFFFFE0]  }
0x3b4: {  	v30 =	vld [tilespmem:s6+$0xFFFFFFF0]  }
0x3b5: {  	v31 =	vld [tilespmem:s7+$0xFFFFFFF0]  }
0x3b6: {  	v32 =	vld [tilespmem:s6+$0x0]  }
0x3b7: {  	v33 =	vld [tilespmem:s7+$0x0]  }
0x3b8: {  	v34 =	vld [tilespmem:s6+$0x10]  }
0x3b9: {  	v35 =	vld [tilespmem:s7+$0x10]  }
0x3ba: {  	v36 =	vld [tilespmem:s6+$0x20]  }
0x3bb: {  	v37 =	vld [tilespmem:s7+$0x20]  }
0x3bc: {  	v38 =	vld [tilespmem:s6+$0x30]  }
0x3bd: {  	v39 =	vld [tilespmem:s7+$0x30]  }
0x3be: {  	v40 =	vld [tilespmem:s6+$0x40]  }
0x3bf: {  	v41 =	vld [tilespmem:s7+$0x40]  }
0x3c0: {  	v42 =	vld [tilespmem:s6+$0x50]  }
0x3c1: {  	v43 =	vld [tilespmem:s7+$0x50]  }
0x3c2: {  	v44 =	vld [tilespmem:s6+$0x60]  }
0x3c3: {  	v45 =	vld [tilespmem:s7+$0x60]  }
0x3c4: {  	v46 =	vld [tilespmem:s6+$0x70]  }
0x3c5: {  	v47 =	vld [tilespmem:s7+$0x70]  }
0x3c6: {  	v48 =	vld [tilespmem:s6+$0x80];
	v0 =	vmul.f32 v1, v0;
	v1 =	vmul.f32 v3, v2  }
0x3c7: {  	v51 =	vld [tilespmem:s7+$0x90];
	v3 =	vmul.f32 v5, v4;
	v4 =	vmul.f32 v7, v6  }
0x3c8: {  	v54 =	vld [tilespmem:s6+$0xA0];
	v49 =	vmul.f32 v9, v8;
	v50 =	vmul.f32 v11, v10  }
0x3c9: {  	v57 =	vld [tilespmem:s7+$0xA0];
	v52 =	vmul.f32 v13, v12;
	v53 =	vmul.f32 v15, v14  }
0x3ca: {  	v60 =	vld [tilespmem:s6+$0xB0];
	v55 =	vmul.f32 v17, v16;
	v56 =	vmul.f32 v19, v18  }
0x3cb: {  	v61 =	vld [tilespmem:s7+$0xB0];
	v58 =	vmul.f32 v21, v20;
	v59 =	vmul.f32 v23, v22  }
0x3cc: {  	v62 =	vld [tilespmem:s6+$0xC0];
	v7 =	vmul.f32 v25, v24;
	v8 =	vmul.f32 v27, v26  }
0x3cd: {  	v2 =	vld [tilespmem:s7+$0x80];
	v9 =	vmul.f32 v29, v28;
	v11 =	vmul.f32 v31, v30  }
0x3ce: {  	v6 =	vld [tilespmem:s6+$0x90];
	v10 =	vmul.f32 v33, v32;
	v12 =	vmul.f32 v35, v34  }
0x3cf: {  	v35 =	vld [tilespmem:s7+$0xC0];
	v13 =	vmul.f32 v37, v36;
	v15 =	vmul.f32 v39, v38  }
0x3d0: {  	v20 =	vld [tilespmem:s6+$0xD0];
	v14 =	vmul.f32 v41, v40;
	v16 =	vmul.f32 v43, v42  }
0x3d1: {  	v27 =	vld [tilespmem:s7+$0xD0];
	v19 =	vmul.f32 v45, v44;
	v21 =	vmul.f32 v47, v46  }
0x3d2: {  	v36 =	vimm.f32 $0.0e+00;
	v26 =	vld [tilespmem:s6+$0xE0];
	v30 =	vmul.f32 v57, v54;
	v17 =	vadd.f32 v1, v0  }
0x3d3: {  	v31 =	vld [tilespmem:s7+$0xE0];
	v33 =	vmul.f32 v61, v60;
	v18 =	vadd.f32 v4, v3;
	v24 =	vadd.f32 v50, v49  }
0x3d4: {  	s5 =	sadd.s32 $0x200, s6;
	v32 =	vld [tilespmem:s6+$0xF0];
	v25 =	vadd.f32 v53, v52;
	v28 =	vadd.f32 v56, v55;
	v22 =	vmul.f32 v2, v48  }
0x3d5: {  	s4 =	simm.s32 $0x1;
	s8 =	smov.u32 s7;
	s9 =	simm.s32 $0x0;
	v34 =	vld [tilespmem:s7+$0xF0];
	v29 =	vadd.f32 v59, v58;
	v23 =	vmul.f32 v51, v6;
	v35 =	vmul.f32 v35, v62  }
.LBB2_25:
0x3d6: {  	v6 =	vld [tilespmem:s5+$0xFFFFFF00]  }
0x3d7: {  	v5 =	vld [tilespmem:$0x1FFE0]  }
0x3d8: {  	v37 =	vld [tilespmem:s5+$0x20]  }
0x3d9: {  	v39 =	vld [tilespmem:s5+$0x30]  }
0x3da: {  	v41 =	vld [tilespmem:s5+$0x40]  }
0x3db: {  	v43 =	vld [tilespmem:s5+$0x50]  }
0x3dc: {  	v45 =	vld [tilespmem:s5+$0x60]  }
0x3dd: {  	v47 =	vld [tilespmem:s5+$0x70]  }
0x3de: {  	v49 =	vld [tilespmem:s5+$0x80]  }
0x3df: {  	v52 =	vld [tilespmem:s5+$0x90]  }
0x3e0: {  	s8 =	sadd.s32 $0x200, s8;
	v56 =	vld [tilespmem:s5+$0xA0]  }
0x3e1: {  	v0 =	vadd.f32 v8, v7;
	v7 =	vld [tilespmem:s8+$0xFFFFFF00]  }
0x3e2: {  	v8 =	vld [tilespmem:s5+$0xFFFFFF10]  }
0x3e3: {  	v1 =	vadd.f32 v11, v9;
	v9 =	vld [tilespmem:s8+$0xFFFFFF10]  }
0x3e4: {  	v3 =	vadd.f32 v12, v10;
	v10 =	vld [tilespmem:s5+$0xFFFFFF20]  }
0x3e5: {  	v53 =	vld [tilespmem:s8+$0xFFFFFF20]  }
0x3e6: {  	v4 =	vadd.f32 v15, v13;
	v13 =	vadd.f32 v21, v19;
	v19 =	vld [tilespmem:s5+$0xFFFFFF30]  }
0x3e7: {  	v61 =	vld [tilespmem:s8+$0xFFFFFF30]  }
0x3e8: {  	v21 =	vld [tilespmem:s5+$0xFFFFFF70]  }
0x3e9: {  	v62 =	vld [tilespmem:s8+$0xFFFFFF70]  }
0x3ea: {  	v15 =	vadd.f32 v23, v22;
	v22 =	vld [tilespmem:s5+$0xFFFFFF90]  }
0x3eb: {  	v23 =	vld [tilespmem:s8+$0xFFFFFF90]  }
0x3ec: {  	v17 =	vadd.f32 v18, v17;
	v18 =	vadd.f32 v25, v24;
	v24 =	vld [tilespmem:s5+$0xFFFFFFB0]  }
0x3ed: {  	v12 =	vadd.f32 v16, v14;
	v16 =	vadd.f32 v33, v30;
	v30 =	vld [tilespmem:s8+$0xFFFFFFD0]  }
0x3ee: {  	v33 =	vld [tilespmem:s5+$0x0]  }
0x3ef: {  	v38 =	vld [tilespmem:s8+$0x20]  }
0x3f0: {  	v40 =	vld [tilespmem:s8+$0x30]  }
0x3f1: {  	v42 =	vld [tilespmem:s8+$0x40]  }
0x3f2: {  	v44 =	vld [tilespmem:s8+$0x50];
	v2 =	vmul.f32 v27, v20  }
0x3f3: {  	v46 =	vld [tilespmem:s8+$0x60];
	v11 =	vmul.f32 v31, v26;
	v14 =	vmul.f32 v34, v32  }
0x3f4: {  	v48 =	vld [tilespmem:s8+$0x70];
	v0 =	vadd.f32 v1, v0;
	v3 =	vadd.f32 v4, v3  }
0x3f5: {  	v50 =	vld [tilespmem:s8+$0x80];
	v2 =	vadd.f32 v2, v35;
	v11 =	vadd.f32 v14, v11  }
0x3f6: {  	v54 =	vld [tilespmem:s8+$0x90];
	v4 =	vadd.f32 v13, v12;
	v13 =	vadd.f32 v16, v15  }
0x3f7: {  	v58 =	vld [tilespmem:s8+$0xA0];
	v20 =	vadd.f32 v29, v28;
	v2 =	vadd.f32 v11, v2  }
0x3f8: {  	v12 =	vld [tilespmem:s5+$0xFFFFFF40];
	v15 =	vadd.f32 v18, v17;
	v3 =	vadd.f32 v4, v3  }
0x3f9: {  	v16 =	vld [tilespmem:s5+$0xFFFFFF50];
	v0 =	vadd.f32 v0, v20;
	v2 =	vadd.f32 v2, v13  }
0x3fa: {  	v26 =	vld [tilespmem:s8+$0xFFFFFFB0]  }
0x3fb: {  	v27 =	vld [tilespmem:s5+$0xFFFFFFC0];
	v17 =	vsel vm0, v0, v15;
	v18 =	vsel vm0, v2, v3  }
0x3fc: {  	v28 =	vld [tilespmem:s5+$0xFFFFFFD0];
	v17 =	vperm.xlane v17, v5;
	v18 =	vperm.xlane v18, v5  }
0x3fd: {  	v31 =	vld [tilespmem:s5+$0xFFFFFFE0];
	v0 =	vsel vm0, v15, v0;
	v2 =	vsel vm0, v3, v2  }
0x3fe: {  	v32 =	vld [tilespmem:s8+$0xFFFFFFE0];
	v0 =	vadd.f32 v0, v17;
	v2 =	vadd.f32 v2, v18  }
0x3ff: {  	v34 =	vld [tilespmem:s8+$0x0]  }
0x400: {  	v5 =	vld [tilespmem:$0x1FFF0];
	v18 =	vsel vm1, v2, v0  }
0x401: {  	v4 =	vld [tilespmem:s8+$0xFFFFFF50];
	v18 =	vperm.xlane v18, v63  }
0x402: {  	v20 =	vld [tilespmem:s8+$0xFFFFFF60];
	v0 =	vsel vm1, v0, v2  }
0x403: {  	v35 =	vld [tilespmem:s5+$0x10];
	v0 =	vadd.f32 v0, v18  }
0x404: {  	v1 =	vmul.f32 v61, v19;
	v61 =	vld [tilespmem:s5+$0xB0]  }
0x405: {  	v25 =	vperm.xlane v0, v5;
	v5 =	vld [tilespmem:$0x1FFD0]  }
0x406: {  	v11 =	vld [tilespmem:s8+$0xFFFFFF40]  }
0x407: {  	v15 =	vld [tilespmem:s5+$0xFFFFFF80]  }
0x408: {  	v51 =	vmul.f32 v9, v8;
	v9 =	vmul.f32 v32, v31;
	v31 =	vld [tilespmem:s8+$0xE0];
	v0 =	vadd.f32 v0, v25  }
0x409: {  	v32 =	vld [tilespmem:s5+$0xF0]  }
0x40a: {  	v29 =	vperm.xlane v0, v5;
	v5 =	vld [tilespmem:$0x1FFC0]  }
0x40b: {  	v13 =	vld [tilespmem:s5+$0xFFFFFF60]  }
0x40c: {  	v17 =	vld [tilespmem:s8+$0xFFFFFF80]  }
0x40d: {  	v6 =	vmul.f32 v7, v6;
	v53 =	vmul.f32 v53, v10;
	v2 =	vld [tilespmem:s5+$0xFFFFFFA0]  }
0x40e: {  	v60 =	vmul.f32 v23, v22;
	v63 =	vld [tilespmem:s8+$0xB0];
	v0 =	vadd.f32 v0, v29;
	v29 =	vmov s9  }
0x40f: {  	v19 =	vmul.f32 v46, v45;
	v22 =	vmul.f32 v50, v49;
	vm2 =	veq.s32 v29, v5;
	v29 =	vld [tilespmem:s5+$0xFFFFFFF0]  }
0x410: {  	v23 =	vmul.f32 v54, v52;
	v8 =	vmul.f32 v30, v28;
	v14 =	vsel vm2, v0, v36;
	v0 =	vld [tilespmem:s8+$0xFFFFFFF0]  }
0x411: {  	v10 =	vmul.f32 v34, v33;
	v30 =	vmul.f32 v58, v56;
	v18 =	vld [tilespmem:s8+$0xFFFFFFA0]  }
0x412: {  	v4 =	vmul.f32 v4, v16;
	v16 =	vmul.f32 v44, v43;
	v25 =	vld [tilespmem:s8+$0xFFFFFFC0]  }
0x413: {  	v3 =	vmul.f32 v62, v21;
	v62 =	vmul.f32 v26, v24;
	v5 =	vld [tilespmem:s5+$0xC0]  }
0x414: {  	v21 =	vmul.f32 v48, v47;
	v55 =	vmul.f32 v11, v12;
	v36 =	vld [tilespmem:s8+$0x10]  }
0x415: {  	p0 =	sne.s32 s4, $0x3;
	v59 =	vmul.f32 v17, v15;
	v11 =	vmul.f32 v0, v29;
	v0 =	vld [tilespmem:s8+$0xC0]  }
.Ltmp11:
0x416: {  	v34 =	vld [tilespmem:s8+$0xF0];
	v57 =	vmul.f32 v20, v13;
	v13 =	vmul.f32 v38, v37;
	v24 =	vadd.f32 v4, v55;
	(pc) =	sbr.rel @p0 .LBB2_25-.Ltmp11, $4  }
0x417: {  	v26 =	vld [tilespmem:s5+$0xE0];
	v15 =	vmul.f32 v40, v39;
	v17 =	vadd.f32 v51, v6;
	v28 =	vadd.f32 v60, v59  }
0x418: {  	v20 =	vld [tilespmem:s5+$0xD0];
	v33 =	vmul.f32 v63, v61;
	v2 =	vmul.f32 v18, v2;
	v18 =	vadd.f32 v1, v53  }
0x419: {  	v63 =	vld [tilespmem:$0x1FFB0];
	v7 =	vmul.f32 v25, v27;
	v25 =	vadd.f32 v3, v57;
	v12 =	vmul.f32 v36, v35  }
0x41a: {  	s9 =	smov.u32 s4;
	v27 =	vld [tilespmem:s8+$0xD0];
	s4 =	sadd.s32 $0x1, s4;
	s5 =	sadd.s32 $0x200, s5;
	v36 =	vmovc v14;
	v14 =	vmul.f32 v42, v41;
	v29 =	vadd.f32 v62, v2;
	v35 =	vmul.f32 v0, v5  }
0x41b: {  	v0 =	vadd.f32 v8, v7  }
0x41c: {  	v1 =	vadd.f32 v11, v9;
	v3 =	vadd.f32 v12, v10  }
0x41d: {  	v4 =	vadd.f32 v15, v13;
	v44 =	vadd.f32 v21, v19  }
0x41e: {  	v46 =	vadd.f32 v23, v22;
	v47 =	vadd.f32 v33, v30  }
0x41f: {  	v45 =	vmul.f32 v34, v32;
	v48 =	vadd.f32 v18, v17;
	v49 =	vadd.f32 v25, v24  }
0x420: {  	v5 =	vmul.f32 v31, v26;
	v6 =	vadd.f32 v16, v14;
	v2 =	vmul.f32 v27, v20  }
0x421: {  	v50 =	vadd.f32 v29, v28;
	v0 =	vadd.f32 v1, v0  }
0x422: {  	v5 =	vadd.f32 v45, v5;
	v2 =	vadd.f32 v2, v35  }
0x423: {  	v51 =	vadd.f32 v4, v3;
	v53 =	vadd.f32 v47, v46  }
0x424: {  	v56 =	vld [tilespmem:$0x1FFE0];
	v52 =	vadd.f32 v44, v6;
	v2 =	vadd.f32 v5, v2  }
0x425: {  	v54 =	vadd.f32 v49, v48;
	v0 =	vadd.f32 v0, v50  }
0x426: {  	v1 =	vadd.f32 v52, v51;
	v2 =	vadd.f32 v2, v53;
	_ =	sdelay $0x1  }
0x427: {  	v55 =	vsel vm0, v0, v54;
	v4 =	vsel vm0, v2, v1  }
0x428: {  	v3 =	vperm.xlane v55, v56;
	v4 =	vperm.xlane v4, v56  }
0x429: {  	v0 =	vsel vm0, v54, v0;
	v1 =	vsel vm0, v1, v2  }
0x42a: {  	v0 =	vadd.f32 v0, v3;
	v1 =	vadd.f32 v1, v4;
	_ =	sdelay $0x1  }
0x42b: {  	v58 =	vld [tilespmem:$0x1FFF0];
	v57 =	vsel vm1, v1, v0  }
0x42c: {  	v2 =	vperm.xlane v57, v63  }
0x42d: {  	v0 =	vsel vm1, v0, v1  }
0x42e: {  	v0 =	vadd.f32 v0, v2  }
0x42f: {  	v60 =	vld [tilespmem:$0x1FFD0]  }
0x430: {  	v59 =	vperm.xlane v0, v58;
	_ =	sdelay $0x1  }
0x431: {  	v62 =	vld [tilespmem:$0x1FFC0];
	v0 =	vadd.f32 v0, v59  }
0x432: {  	s4 =	sshll.u32 s0, $0x4;
	s0 =	sadd.s32 $0x1, s0  }
0x433: {  	p0 =	sne.s32 s0, $0x5;
	v1 =	vperm.xlane v0, v60  }
.Ltmp12:
0x434: {  	_ = 	snop;
	(pc) =	sbr.rel @p0 .LBB2_24-.Ltmp12, $4  }
0x435: {  	v61 =	vmov s9;
	v0 =	vadd.f32 v0, v1  }
0x436: {  	vm2 =	veq.s32 v61, v62  }
0x437: {  	s4 =	sand.u32 $0x3FFFFFF0, s4;
	v0 =	vsel vm2, v0, v36  }
0x438: {  	s6 =	sadd.s32 $0x800, s6;
	s7 =	sadd.s32 $0x800, s7;
	[tilespmem:s4+$0x74D0] =	vst v0  }
0x439: {  	_ =	swait.ge [sflag:s28], $0x2800  }
0x43a: {  	[sflag:s28] =	ssyncset.done $0x0  }
0x43b: {  	[sflag:s28] =	ssyncadd.s32 $0xFFFFD800  }
0x43c: {  	_ =	swait.ge [sflag:s29], $0x2800  }
0x43d: {  	s0 =	simm.s32 $0x0;
	[sflag:s29] =	ssyncset.done $0x0  }
0x43e: {  	s6 =	simm.s32 $0xC780;
	s7 =	simm.s32 $0x16780;
	[sflag:s29] =	ssyncadd.s32 $0xFFFFD800  }
.LBB2_28:
0x43f: {  	v0 =	vld [tilespmem:s6+$0xFFFFFF00]  }
0x440: {  	v1 =	vld [tilespmem:s7+$0xFFFFFF00]  }
0x441: {  	v2 =	vld [tilespmem:s6+$0xFFFFFF10]  }
0x442: {  	v3 =	vld [tilespmem:s7+$0xFFFFFF10]  }
0x443: {  	v4 =	vld [tilespmem:s6+$0xFFFFFF20]  }
0x444: {  	v5 =	vld [tilespmem:s7+$0xFFFFFF20]  }
0x445: {  	v6 =	vld [tilespmem:s6+$0xFFFFFF30]  }
0x446: {  	v7 =	vld [tilespmem:s7+$0xFFFFFF30]  }
0x447: {  	v8 =	vld [tilespmem:s6+$0xFFFFFF40]  }
0x448: {  	v9 =	vld [tilespmem:s7+$0xFFFFFF40]  }
0x449: {  	v10 =	vld [tilespmem:s6+$0xFFFFFF50]  }
0x44a: {  	v11 =	vld [tilespmem:s7+$0xFFFFFF50]  }
0x44b: {  	v12 =	vld [tilespmem:s6+$0xFFFFFF60]  }
0x44c: {  	v13 =	vld [tilespmem:s7+$0xFFFFFF60]  }
0x44d: {  	v14 =	vld [tilespmem:s6+$0xFFFFFF70]  }
0x44e: {  	v15 =	vld [tilespmem:s7+$0xFFFFFF70]  }
0x44f: {  	v16 =	vld [tilespmem:s6+$0xFFFFFF80]  }
0x450: {  	v17 =	vld [tilespmem:s7+$0xFFFFFF80]  }
0x451: {  	v18 =	vld [tilespmem:s6+$0xFFFFFF90]  }
0x452: {  	v19 =	vld [tilespmem:s7+$0xFFFFFF90]  }
0x453: {  	v20 =	vld [tilespmem:s6+$0xFFFFFFA0]  }
0x454: {  	v21 =	vld [tilespmem:s7+$0xFFFFFFA0]  }
0x455: {  	v22 =	vld [tilespmem:s6+$0xFFFFFFB0]  }
0x456: {  	v23 =	vld [tilespmem:s7+$0xFFFFFFB0]  }
0x457: {  	v24 =	vld [tilespmem:s6+$0xFFFFFFC0]  }
0x458: {  	v25 =	vld [tilespmem:s7+$0xFFFFFFC0]  }
0x459: {  	v26 =	vld [tilespmem:s6+$0xFFFFFFD0]  }
0x45a: {  	v27 =	vld [tilespmem:s7+$0xFFFFFFD0]  }
0x45b: {  	v28 =	vld [tilespmem:s6+$0xFFFFFFE0]  }
0x45c: {  	v29 =	vld [tilespmem:s7+$0xFFFFFFE0]  }
0x45d: {  	v30 =	vld [tilespmem:s6+$0xFFFFFFF0]  }
0x45e: {  	v31 =	vld [tilespmem:s7+$0xFFFFFFF0]  }
0x45f: {  	v32 =	vld [tilespmem:s6+$0x0]  }
0x460: {  	v33 =	vld [tilespmem:s7+$0x0]  }
0x461: {  	v34 =	vld [tilespmem:s6+$0x10]  }
0x462: {  	v35 =	vld [tilespmem:s7+$0x10]  }
0x463: {  	v36 =	vld [tilespmem:s6+$0x20]  }
0x464: {  	v37 =	vld [tilespmem:s7+$0x20]  }
0x465: {  	v38 =	vld [tilespmem:s6+$0x30]  }
0x466: {  	v39 =	vld [tilespmem:s7+$0x30]  }
0x467: {  	v40 =	vld [tilespmem:s6+$0x40]  }
0x468: {  	v41 =	vld [tilespmem:s7+$0x40]  }
0x469: {  	v42 =	vld [tilespmem:s6+$0x50]  }
0x46a: {  	v43 =	vld [tilespmem:s7+$0x50]  }
0x46b: {  	v44 =	vld [tilespmem:s6+$0x60]  }
0x46c: {  	v45 =	vld [tilespmem:s7+$0x60]  }
0x46d: {  	v46 =	vld [tilespmem:s6+$0x70]  }
0x46e: {  	v47 =	vld [tilespmem:s7+$0x70]  }
0x46f: {  	v48 =	vld [tilespmem:s6+$0x80];
	v0 =	vmul.f32 v1, v0;
	v1 =	vmul.f32 v3, v2  }
0x470: {  	v51 =	vld [tilespmem:s7+$0x90];
	v3 =	vmul.f32 v5, v4;
	v4 =	vmul.f32 v7, v6  }
0x471: {  	v54 =	vld [tilespmem:s6+$0xA0];
	v49 =	vmul.f32 v9, v8;
	v50 =	vmul.f32 v11, v10  }
0x472: {  	v57 =	vld [tilespmem:s7+$0xA0];
	v52 =	vmul.f32 v13, v12;
	v53 =	vmul.f32 v15, v14  }
0x473: {  	v60 =	vld [tilespmem:s6+$0xB0];
	v55 =	vmul.f32 v17, v16;
	v56 =	vmul.f32 v19, v18  }
0x474: {  	v61 =	vld [tilespmem:s7+$0xB0];
	v58 =	vmul.f32 v21, v20;
	v59 =	vmul.f32 v23, v22  }
0x475: {  	v62 =	vld [tilespmem:s6+$0xC0];
	v7 =	vmul.f32 v25, v24;
	v8 =	vmul.f32 v27, v26  }
0x476: {  	v2 =	vld [tilespmem:s7+$0x80];
	v9 =	vmul.f32 v29, v28;
	v11 =	vmul.f32 v31, v30  }
0x477: {  	v6 =	vld [tilespmem:s6+$0x90];
	v10 =	vmul.f32 v33, v32;
	v12 =	vmul.f32 v35, v34  }
0x478: {  	v35 =	vld [tilespmem:s7+$0xC0];
	v13 =	vmul.f32 v37, v36;
	v15 =	vmul.f32 v39, v38  }
0x479: {  	v20 =	vld [tilespmem:s6+$0xD0];
	v14 =	vmul.f32 v41, v40;
	v16 =	vmul.f32 v43, v42  }
0x47a: {  	v27 =	vld [tilespmem:s7+$0xD0];
	v19 =	vmul.f32 v45, v44;
	v21 =	vmul.f32 v47, v46  }
0x47b: {  	v36 =	vimm.f32 $0.0e+00;
	v26 =	vld [tilespmem:s6+$0xE0];
	v30 =	vmul.f32 v57, v54;
	v17 =	vadd.f32 v1, v0  }
0x47c: {  	v31 =	vld [tilespmem:s7+$0xE0];
	v33 =	vmul.f32 v61, v60;
	v18 =	vadd.f32 v4, v3;
	v24 =	vadd.f32 v50, v49  }
0x47d: {  	s5 =	sadd.s32 $0x200, s6;
	v32 =	vld [tilespmem:s6+$0xF0];
	v25 =	vadd.f32 v53, v52;
	v28 =	vadd.f32 v56, v55;
	v22 =	vmul.f32 v2, v48  }
0x47e: {  	s4 =	simm.s32 $0x1;
	s8 =	smov.u32 s7;
	s9 =	simm.s32 $0x0;
	v34 =	vld [tilespmem:s7+$0xF0];
	v29 =	vadd.f32 v59, v58;
	v23 =	vmul.f32 v51, v6;
	v35 =	vmul.f32 v35, v62  }
.LBB2_29:
0x47f: {  	v6 =	vld [tilespmem:s5+$0xFFFFFF00]  }
0x480: {  	v5 =	vld [tilespmem:$0x1FFE0]  }
0x481: {  	v37 =	vld [tilespmem:s5+$0x20]  }
0x482: {  	v39 =	vld [tilespmem:s5+$0x30]  }
0x483: {  	v41 =	vld [tilespmem:s5+$0x40]  }
0x484: {  	v43 =	vld [tilespmem:s5+$0x50]  }
0x485: {  	v45 =	vld [tilespmem:s5+$0x60]  }
0x486: {  	v47 =	vld [tilespmem:s5+$0x70]  }
0x487: {  	v49 =	vld [tilespmem:s5+$0x80]  }
0x488: {  	v52 =	vld [tilespmem:s5+$0x90]  }
0x489: {  	s8 =	sadd.s32 $0x200, s8;
	v56 =	vld [tilespmem:s5+$0xA0]  }
0x48a: {  	v0 =	vadd.f32 v8, v7;
	v7 =	vld [tilespmem:s8+$0xFFFFFF00]  }
0x48b: {  	v8 =	vld [tilespmem:s5+$0xFFFFFF10]  }
0x48c: {  	v1 =	vadd.f32 v11, v9;
	v9 =	vld [tilespmem:s8+$0xFFFFFF10]  }
0x48d: {  	v3 =	vadd.f32 v12, v10;
	v10 =	vld [tilespmem:s5+$0xFFFFFF20]  }
0x48e: {  	v53 =	vld [tilespmem:s8+$0xFFFFFF20]  }
0x48f: {  	v4 =	vadd.f32 v15, v13;
	v13 =	vadd.f32 v21, v19;
	v19 =	vld [tilespmem:s5+$0xFFFFFF30]  }
0x490: {  	v61 =	vld [tilespmem:s8+$0xFFFFFF30]  }
0x491: {  	v21 =	vld [tilespmem:s5+$0xFFFFFF70]  }
0x492: {  	v62 =	vld [tilespmem:s8+$0xFFFFFF70]  }
0x493: {  	v15 =	vadd.f32 v23, v22;
	v22 =	vld [tilespmem:s5+$0xFFFFFF90]  }
0x494: {  	v23 =	vld [tilespmem:s8+$0xFFFFFF90]  }
0x495: {  	v17 =	vadd.f32 v18, v17;
	v18 =	vadd.f32 v25, v24;
	v24 =	vld [tilespmem:s5+$0xFFFFFFB0]  }
0x496: {  	v12 =	vadd.f32 v16, v14;
	v16 =	vadd.f32 v33, v30;
	v30 =	vld [tilespmem:s8+$0xFFFFFFD0]  }
0x497: {  	v33 =	vld [tilespmem:s5+$0x0]  }
0x498: {  	v38 =	vld [tilespmem:s8+$0x20]  }
0x499: {  	v40 =	vld [tilespmem:s8+$0x30]  }
0x49a: {  	v42 =	vld [tilespmem:s8+$0x40]  }
0x49b: {  	v44 =	vld [tilespmem:s8+$0x50];
	v2 =	vmul.f32 v27, v20  }
0x49c: {  	v46 =	vld [tilespmem:s8+$0x60];
	v11 =	vmul.f32 v31, v26;
	v14 =	vmul.f32 v34, v32  }
0x49d: {  	v48 =	vld [tilespmem:s8+$0x70];
	v0 =	vadd.f32 v1, v0;
	v3 =	vadd.f32 v4, v3  }
0x49e: {  	v50 =	vld [tilespmem:s8+$0x80];
	v2 =	vadd.f32 v2, v35;
	v11 =	vadd.f32 v14, v11  }
0x49f: {  	v54 =	vld [tilespmem:s8+$0x90];
	v4 =	vadd.f32 v13, v12;
	v13 =	vadd.f32 v16, v15  }
0x4a0: {  	v58 =	vld [tilespmem:s8+$0xA0];
	v20 =	vadd.f32 v29, v28;
	v2 =	vadd.f32 v11, v2  }
0x4a1: {  	v12 =	vld [tilespmem:s5+$0xFFFFFF40];
	v15 =	vadd.f32 v18, v17;
	v3 =	vadd.f32 v4, v3  }
0x4a2: {  	v16 =	vld [tilespmem:s5+$0xFFFFFF50];
	v0 =	vadd.f32 v0, v20;
	v2 =	vadd.f32 v2, v13  }
0x4a3: {  	v26 =	vld [tilespmem:s8+$0xFFFFFFB0]  }
0x4a4: {  	v27 =	vld [tilespmem:s5+$0xFFFFFFC0];
	v17 =	vsel vm0, v0, v15;
	v18 =	vsel vm0, v2, v3  }
0x4a5: {  	v28 =	vld [tilespmem:s5+$0xFFFFFFD0];
	v17 =	vperm.xlane v17, v5;
	v18 =	vperm.xlane v18, v5  }
0x4a6: {  	v31 =	vld [tilespmem:s5+$0xFFFFFFE0];
	v0 =	vsel vm0, v15, v0;
	v2 =	vsel vm0, v3, v2  }
0x4a7: {  	v32 =	vld [tilespmem:s8+$0xFFFFFFE0];
	v0 =	vadd.f32 v0, v17;
	v2 =	vadd.f32 v2, v18  }
0x4a8: {  	v34 =	vld [tilespmem:s8+$0x0]  }
0x4a9: {  	v5 =	vld [tilespmem:$0x1FFF0];
	v18 =	vsel vm1, v2, v0  }
0x4aa: {  	v4 =	vld [tilespmem:s8+$0xFFFFFF50];
	v18 =	vperm.xlane v18, v63  }
0x4ab: {  	v20 =	vld [tilespmem:s8+$0xFFFFFF60];
	v0 =	vsel vm1, v0, v2  }
0x4ac: {  	v35 =	vld [tilespmem:s5+$0x10];
	v0 =	vadd.f32 v0, v18  }
0x4ad: {  	v1 =	vmul.f32 v61, v19;
	v61 =	vld [tilespmem:s5+$0xB0]  }
0x4ae: {  	v25 =	vperm.xlane v0, v5;
	v5 =	vld [tilespmem:$0x1FFD0]  }
0x4af: {  	v11 =	vld [tilespmem:s8+$0xFFFFFF40]  }
0x4b0: {  	v15 =	vld [tilespmem:s5+$0xFFFFFF80]  }
0x4b1: {  	v51 =	vmul.f32 v9, v8;
	v9 =	vmul.f32 v32, v31;
	v31 =	vld [tilespmem:s8+$0xE0];
	v0 =	vadd.f32 v0, v25  }
0x4b2: {  	v32 =	vld [tilespmem:s5+$0xF0]  }
0x4b3: {  	v29 =	vperm.xlane v0, v5;
	v5 =	vld [tilespmem:$0x1FFC0]  }
0x4b4: {  	v13 =	vld [tilespmem:s5+$0xFFFFFF60]  }
0x4b5: {  	v17 =	vld [tilespmem:s8+$0xFFFFFF80]  }
0x4b6: {  	v6 =	vmul.f32 v7, v6;
	v53 =	vmul.f32 v53, v10;
	v2 =	vld [tilespmem:s5+$0xFFFFFFA0]  }
0x4b7: {  	v60 =	vmul.f32 v23, v22;
	v63 =	vld [tilespmem:s8+$0xB0];
	v0 =	vadd.f32 v0, v29;
	v29 =	vmov s9  }
0x4b8: {  	v19 =	vmul.f32 v46, v45;
	v22 =	vmul.f32 v50, v49;
	vm2 =	veq.s32 v29, v5;
	v29 =	vld [tilespmem:s5+$0xFFFFFFF0]  }
0x4b9: {  	v23 =	vmul.f32 v54, v52;
	v8 =	vmul.f32 v30, v28;
	v14 =	vsel vm2, v0, v36;
	v0 =	vld [tilespmem:s8+$0xFFFFFFF0]  }
0x4ba: {  	v10 =	vmul.f32 v34, v33;
	v30 =	vmul.f32 v58, v56;
	v18 =	vld [tilespmem:s8+$0xFFFFFFA0]  }
0x4bb: {  	v4 =	vmul.f32 v4, v16;
	v16 =	vmul.f32 v44, v43;
	v25 =	vld [tilespmem:s8+$0xFFFFFFC0]  }
0x4bc: {  	v3 =	vmul.f32 v62, v21;
	v62 =	vmul.f32 v26, v24;
	v5 =	vld [tilespmem:s5+$0xC0]  }
0x4bd: {  	v21 =	vmul.f32 v48, v47;
	v55 =	vmul.f32 v11, v12;
	v36 =	vld [tilespmem:s8+$0x10]  }
0x4be: {  	p0 =	sne.s32 s4, $0x3;
	v59 =	vmul.f32 v17, v15;
	v11 =	vmul.f32 v0, v29;
	v0 =	vld [tilespmem:s8+$0xC0]  }
.Ltmp13:
0x4bf: {  	v34 =	vld [tilespmem:s8+$0xF0];
	v57 =	vmul.f32 v20, v13;
	v13 =	vmul.f32 v38, v37;
	v24 =	vadd.f32 v4, v55;
	(pc) =	sbr.rel @p0 .LBB2_29-.Ltmp13, $4  }
0x4c0: {  	v26 =	vld [tilespmem:s5+$0xE0];
	v15 =	vmul.f32 v40, v39;
	v17 =	vadd.f32 v51, v6;
	v28 =	vadd.f32 v60, v59  }
0x4c1: {  	v20 =	vld [tilespmem:s5+$0xD0];
	v33 =	vmul.f32 v63, v61;
	v2 =	vmul.f32 v18, v2;
	v18 =	vadd.f32 v1, v53  }
0x4c2: {  	v63 =	vld [tilespmem:$0x1FFB0];
	v7 =	vmul.f32 v25, v27;
	v25 =	vadd.f32 v3, v57;
	v12 =	vmul.f32 v36, v35  }
0x4c3: {  	s9 =	smov.u32 s4;
	v27 =	vld [tilespmem:s8+$0xD0];
	s4 =	sadd.s32 $0x1, s4;
	s5 =	sadd.s32 $0x200, s5;
	v36 =	vmovc v14;
	v14 =	vmul.f32 v42, v41;
	v29 =	vadd.f32 v62, v2;
	v35 =	vmul.f32 v0, v5  }
0x4c4: {  	v0 =	vadd.f32 v8, v7  }
0x4c5: {  	v1 =	vadd.f32 v11, v9;
	v3 =	vadd.f32 v12, v10  }
0x4c6: {  	v4 =	vadd.f32 v15, v13;
	v44 =	vadd.f32 v21, v19  }
0x4c7: {  	v46 =	vadd.f32 v23, v22;
	v47 =	vadd.f32 v33, v30  }
0x4c8: {  	v45 =	vmul.f32 v34, v32;
	v48 =	vadd.f32 v18, v17;
	v49 =	vadd.f32 v25, v24  }
0x4c9: {  	v5 =	vmul.f32 v31, v26;
	v6 =	vadd.f32 v16, v14;
	v2 =	vmul.f32 v27, v20  }
0x4ca: {  	v50 =	vadd.f32 v29, v28;
	v0 =	vadd.f32 v1, v0  }
0x4cb: {  	v5 =	vadd.f32 v45, v5;
	v2 =	vadd.f32 v2, v35  }
0x4cc: {  	v51 =	vadd.f32 v4, v3;
	v53 =	vadd.f32 v47, v46  }
0x4cd: {  	v56 =	vld [tilespmem:$0x1FFE0];
	v52 =	vadd.f32 v44, v6;
	v2 =	vadd.f32 v5, v2  }
0x4ce: {  	v54 =	vadd.f32 v49, v48;
	v0 =	vadd.f32 v0, v50  }
0x4cf: {  	v1 =	vadd.f32 v52, v51;
	v2 =	vadd.f32 v2, v53;
	_ =	sdelay $0x1  }
0x4d0: {  	v55 =	vsel vm0, v0, v54;
	v4 =	vsel vm0, v2, v1  }
0x4d1: {  	v3 =	vperm.xlane v55, v56;
	v4 =	vperm.xlane v4, v56  }
0x4d2: {  	v0 =	vsel vm0, v54, v0;
	v1 =	vsel vm0, v1, v2  }
0x4d3: {  	v0 =	vadd.f32 v0, v3;
	v1 =	vadd.f32 v1, v4;
	_ =	sdelay $0x1  }
0x4d4: {  	v58 =	vld [tilespmem:$0x1FFF0];
	v57 =	vsel vm1, v1, v0  }
0x4d5: {  	v2 =	vperm.xlane v57, v63  }
0x4d6: {  	v0 =	vsel vm1, v0, v1  }
0x4d7: {  	v0 =	vadd.f32 v0, v2  }
0x4d8: {  	v60 =	vld [tilespmem:$0x1FFD0]  }
0x4d9: {  	v59 =	vperm.xlane v0, v58;
	_ =	sdelay $0x1  }
0x4da: {  	v62 =	vld [tilespmem:$0x1FFC0];
	v0 =	vadd.f32 v0, v59  }
0x4db: {  	s4 =	sshll.u32 s0, $0x4;
	s0 =	sadd.s32 $0x1, s0  }
0x4dc: {  	p0 =	sne.s32 s0, $0x5;
	v1 =	vperm.xlane v0, v60  }
.Ltmp14:
0x4dd: {  	_ = 	snop;
	(pc) =	sbr.rel @p0 .LBB2_28-.Ltmp14, $4  }
0x4de: {  	v61 =	vmov s9;
	v0 =	vadd.f32 v0, v1  }
0x4df: {  	vm2 =	veq.s32 v61, v62  }
0x4e0: {  	s4 =	sand.u32 $0x3FFFFFF0, s4;
	v0 =	vsel vm2, v0, v36  }
0x4e1: {  	s6 =	sadd.s32 $0x800, s6;
	s7 =	sadd.s32 $0x800, s7;
	[tilespmem:s4+$0x7520] =	vst v0  }
0x4e2: {  	_ =	swait.ge [sflag:s30], $0x2800  }
0x4e3: {  	[sflag:s30] =	ssyncset.done $0x0  }
0x4e4: {  	[sflag:s30] =	ssyncadd.s32 $0xFFFFD800  }
0x4e5: {  	_ =	swait.ge [sflag:s31], $0x2800  }
0x4e6: {  	s0 =	simm.s32 $0x0;
	[sflag:s31] =	ssyncset.done $0x0  }
0x4e7: {  	s6 =	simm.s32 $0xEF80;
	s7 =	simm.s32 $0x18F80;
	[sflag:s31] =	ssyncadd.s32 $0xFFFFD800  }
.LBB2_32:
0x4e8: {  	v0 =	vld [tilespmem:s6+$0xFFFFFF00]  }
0x4e9: {  	v1 =	vld [tilespmem:s7+$0xFFFFFF00]  }
0x4ea: {  	v2 =	vld [tilespmem:s6+$0xFFFFFF10]  }
0x4eb: {  	v3 =	vld [tilespmem:s7+$0xFFFFFF10]  }
0x4ec: {  	v4 =	vld [tilespmem:s6+$0xFFFFFF20]  }
0x4ed: {  	v5 =	vld [tilespmem:s7+$0xFFFFFF20]  }
0x4ee: {  	v6 =	vld [tilespmem:s6+$0xFFFFFF30]  }
0x4ef: {  	v7 =	vld [tilespmem:s7+$0xFFFFFF30]  }
0x4f0: {  	v8 =	vld [tilespmem:s6+$0xFFFFFF40]  }
0x4f1: {  	v9 =	vld [tilespmem:s7+$0xFFFFFF40]  }
0x4f2: {  	v10 =	vld [tilespmem:s6+$0xFFFFFF50]  }
0x4f3: {  	v11 =	vld [tilespmem:s7+$0xFFFFFF50]  }
0x4f4: {  	v12 =	vld [tilespmem:s6+$0xFFFFFF60]  }
0x4f5: {  	v13 =	vld [tilespmem:s7+$0xFFFFFF60]  }
0x4f6: {  	v14 =	vld [tilespmem:s6+$0xFFFFFF70]  }
0x4f7: {  	v15 =	vld [tilespmem:s7+$0xFFFFFF70]  }
0x4f8: {  	v16 =	vld [tilespmem:s6+$0xFFFFFF80]  }
0x4f9: {  	v17 =	vld [tilespmem:s7+$0xFFFFFF80]  }
0x4fa: {  	v18 =	vld [tilespmem:s6+$0xFFFFFF90]  }
0x4fb: {  	v19 =	vld [tilespmem:s7+$0xFFFFFF90]  }
0x4fc: {  	v20 =	vld [tilespmem:s6+$0xFFFFFFA0]  }
0x4fd: {  	v21 =	vld [tilespmem:s7+$0xFFFFFFA0]  }
0x4fe: {  	v22 =	vld [tilespmem:s6+$0xFFFFFFB0]  }
0x4ff: {  	v23 =	vld [tilespmem:s7+$0xFFFFFFB0]  }
0x500: {  	v24 =	vld [tilespmem:s6+$0xFFFFFFC0]  }
0x501: {  	v25 =	vld [tilespmem:s7+$0xFFFFFFC0]  }
0x502: {  	v26 =	vld [tilespmem:s6+$0xFFFFFFD0]  }
0x503: {  	v27 =	vld [tilespmem:s7+$0xFFFFFFD0]  }
0x504: {  	v28 =	vld [tilespmem:s6+$0xFFFFFFE0]  }
0x505: {  	v29 =	vld [tilespmem:s7+$0xFFFFFFE0]  }
0x506: {  	v30 =	vld [tilespmem:s6+$0xFFFFFFF0]  }
0x507: {  	v31 =	vld [tilespmem:s7+$0xFFFFFFF0]  }
0x508: {  	v32 =	vld [tilespmem:s6+$0x0]  }
0x509: {  	v33 =	vld [tilespmem:s7+$0x0]  }
0x50a: {  	v34 =	vld [tilespmem:s6+$0x10]  }
0x50b: {  	v35 =	vld [tilespmem:s7+$0x10]  }
0x50c: {  	v36 =	vld [tilespmem:s6+$0x20]  }
0x50d: {  	v37 =	vld [tilespmem:s7+$0x20]  }
0x50e: {  	v38 =	vld [tilespmem:s6+$0x30]  }
0x50f: {  	v39 =	vld [tilespmem:s7+$0x30]  }
0x510: {  	v40 =	vld [tilespmem:s6+$0x40]  }
0x511: {  	v41 =	vld [tilespmem:s7+$0x40]  }
0x512: {  	v42 =	vld [tilespmem:s6+$0x50]  }
0x513: {  	v43 =	vld [tilespmem:s7+$0x50]  }
0x514: {  	v44 =	vld [tilespmem:s6+$0x60]  }
0x515: {  	v45 =	vld [tilespmem:s7+$0x60]  }
0x516: {  	v46 =	vld [tilespmem:s6+$0x70]  }
0x517: {  	v47 =	vld [tilespmem:s7+$0x70]  }
0x518: {  	v48 =	vld [tilespmem:s6+$0x80];
	v0 =	vmul.f32 v1, v0;
	v1 =	vmul.f32 v3, v2  }
0x519: {  	v51 =	vld [tilespmem:s7+$0x90];
	v3 =	vmul.f32 v5, v4;
	v4 =	vmul.f32 v7, v6  }
0x51a: {  	v54 =	vld [tilespmem:s6+$0xA0];
	v49 =	vmul.f32 v9, v8;
	v50 =	vmul.f32 v11, v10  }
0x51b: {  	v57 =	vld [tilespmem:s7+$0xA0];
	v52 =	vmul.f32 v13, v12;
	v53 =	vmul.f32 v15, v14  }
0x51c: {  	v60 =	vld [tilespmem:s6+$0xB0];
	v55 =	vmul.f32 v17, v16;
	v56 =	vmul.f32 v19, v18  }
0x51d: {  	v61 =	vld [tilespmem:s7+$0xB0];
	v58 =	vmul.f32 v21, v20;
	v59 =	vmul.f32 v23, v22  }
0x51e: {  	v62 =	vld [tilespmem:s6+$0xC0];
	v7 =	vmul.f32 v25, v24;
	v8 =	vmul.f32 v27, v26  }
0x51f: {  	v2 =	vld [tilespmem:s7+$0x80];
	v9 =	vmul.f32 v29, v28;
	v11 =	vmul.f32 v31, v30  }
0x520: {  	v6 =	vld [tilespmem:s6+$0x90];
	v10 =	vmul.f32 v33, v32;
	v12 =	vmul.f32 v35, v34  }
0x521: {  	v35 =	vld [tilespmem:s7+$0xC0];
	v13 =	vmul.f32 v37, v36;
	v15 =	vmul.f32 v39, v38  }
0x522: {  	v20 =	vld [tilespmem:s6+$0xD0];
	v14 =	vmul.f32 v41, v40;
	v16 =	vmul.f32 v43, v42  }
0x523: {  	v27 =	vld [tilespmem:s7+$0xD0];
	v19 =	vmul.f32 v45, v44;
	v21 =	vmul.f32 v47, v46  }
0x524: {  	v36 =	vimm.f32 $0.0e+00;
	v26 =	vld [tilespmem:s6+$0xE0];
	v30 =	vmul.f32 v57, v54;
	v17 =	vadd.f32 v1, v0  }
0x525: {  	v31 =	vld [tilespmem:s7+$0xE0];
	v33 =	vmul.f32 v61, v60;
	v18 =	vadd.f32 v4, v3;
	v24 =	vadd.f32 v50, v49  }
0x526: {  	s5 =	sadd.s32 $0x200, s6;
	v32 =	vld [tilespmem:s6+$0xF0];
	v25 =	vadd.f32 v53, v52;
	v28 =	vadd.f32 v56, v55;
	v22 =	vmul.f32 v2, v48  }
0x527: {  	s4 =	simm.s32 $0x1;
	s8 =	smov.u32 s7;
	s9 =	simm.s32 $0x0;
	v34 =	vld [tilespmem:s7+$0xF0];
	v29 =	vadd.f32 v59, v58;
	v23 =	vmul.f32 v51, v6;
	v35 =	vmul.f32 v35, v62  }
.LBB2_33:
0x528: {  	v6 =	vld [tilespmem:s5+$0xFFFFFF00]  }
0x529: {  	v5 =	vld [tilespmem:$0x1FFE0]  }
0x52a: {  	v37 =	vld [tilespmem:s5+$0x20]  }
0x52b: {  	v39 =	vld [tilespmem:s5+$0x30]  }
0x52c: {  	v41 =	vld [tilespmem:s5+$0x40]  }
0x52d: {  	v43 =	vld [tilespmem:s5+$0x50]  }
0x52e: {  	v45 =	vld [tilespmem:s5+$0x60]  }
0x52f: {  	v47 =	vld [tilespmem:s5+$0x70]  }
0x530: {  	v49 =	vld [tilespmem:s5+$0x80]  }
0x531: {  	v52 =	vld [tilespmem:s5+$0x90]  }
0x532: {  	s8 =	sadd.s32 $0x200, s8;
	v56 =	vld [tilespmem:s5+$0xA0]  }
0x533: {  	v0 =	vadd.f32 v8, v7;
	v7 =	vld [tilespmem:s8+$0xFFFFFF00]  }
0x534: {  	v8 =	vld [tilespmem:s5+$0xFFFFFF10]  }
0x535: {  	v1 =	vadd.f32 v11, v9;
	v9 =	vld [tilespmem:s8+$0xFFFFFF10]  }
0x536: {  	v3 =	vadd.f32 v12, v10;
	v10 =	vld [tilespmem:s5+$0xFFFFFF20]  }
0x537: {  	v53 =	vld [tilespmem:s8+$0xFFFFFF20]  }
0x538: {  	v4 =	vadd.f32 v15, v13;
	v13 =	vadd.f32 v21, v19;
	v19 =	vld [tilespmem:s5+$0xFFFFFF30]  }
0x539: {  	v61 =	vld [tilespmem:s8+$0xFFFFFF30]  }
0x53a: {  	v21 =	vld [tilespmem:s5+$0xFFFFFF70]  }
0x53b: {  	v62 =	vld [tilespmem:s8+$0xFFFFFF70]  }
0x53c: {  	v15 =	vadd.f32 v23, v22;
	v22 =	vld [tilespmem:s5+$0xFFFFFF90]  }
0x53d: {  	v23 =	vld [tilespmem:s8+$0xFFFFFF90]  }
0x53e: {  	v17 =	vadd.f32 v18, v17;
	v18 =	vadd.f32 v25, v24;
	v24 =	vld [tilespmem:s5+$0xFFFFFFB0]  }
0x53f: {  	v12 =	vadd.f32 v16, v14;
	v16 =	vadd.f32 v33, v30;
	v30 =	vld [tilespmem:s8+$0xFFFFFFD0]  }
0x540: {  	v33 =	vld [tilespmem:s5+$0x0]  }
0x541: {  	v38 =	vld [tilespmem:s8+$0x20]  }
0x542: {  	v40 =	vld [tilespmem:s8+$0x30]  }
0x543: {  	v42 =	vld [tilespmem:s8+$0x40]  }
0x544: {  	v44 =	vld [tilespmem:s8+$0x50];
	v2 =	vmul.f32 v27, v20  }
0x545: {  	v46 =	vld [tilespmem:s8+$0x60];
	v11 =	vmul.f32 v31, v26;
	v14 =	vmul.f32 v34, v32  }
0x546: {  	v48 =	vld [tilespmem:s8+$0x70];
	v0 =	vadd.f32 v1, v0;
	v3 =	vadd.f32 v4, v3  }
0x547: {  	v50 =	vld [tilespmem:s8+$0x80];
	v2 =	vadd.f32 v2, v35;
	v11 =	vadd.f32 v14, v11  }
0x548: {  	v54 =	vld [tilespmem:s8+$0x90];
	v4 =	vadd.f32 v13, v12;
	v13 =	vadd.f32 v16, v15  }
0x549: {  	v58 =	vld [tilespmem:s8+$0xA0];
	v20 =	vadd.f32 v29, v28;
	v2 =	vadd.f32 v11, v2  }
0x54a: {  	v12 =	vld [tilespmem:s5+$0xFFFFFF40];
	v15 =	vadd.f32 v18, v17;
	v3 =	vadd.f32 v4, v3  }
0x54b: {  	v16 =	vld [tilespmem:s5+$0xFFFFFF50];
	v0 =	vadd.f32 v0, v20;
	v2 =	vadd.f32 v2, v13  }
0x54c: {  	v26 =	vld [tilespmem:s8+$0xFFFFFFB0]  }
0x54d: {  	v27 =	vld [tilespmem:s5+$0xFFFFFFC0];
	v17 =	vsel vm0, v0, v15;
	v18 =	vsel vm0, v2, v3  }
0x54e: {  	v28 =	vld [tilespmem:s5+$0xFFFFFFD0];
	v17 =	vperm.xlane v17, v5;
	v18 =	vperm.xlane v18, v5  }
0x54f: {  	v31 =	vld [tilespmem:s5+$0xFFFFFFE0];
	v0 =	vsel vm0, v15, v0;
	v2 =	vsel vm0, v3, v2  }
0x550: {  	v32 =	vld [tilespmem:s8+$0xFFFFFFE0];
	v0 =	vadd.f32 v0, v17;
	v2 =	vadd.f32 v2, v18  }
0x551: {  	v34 =	vld [tilespmem:s8+$0x0]  }
0x552: {  	v5 =	vld [tilespmem:$0x1FFF0];
	v18 =	vsel vm1, v2, v0  }
0x553: {  	v4 =	vld [tilespmem:s8+$0xFFFFFF50];
	v18 =	vperm.xlane v18, v63  }
0x554: {  	v20 =	vld [tilespmem:s8+$0xFFFFFF60];
	v0 =	vsel vm1, v0, v2  }
0x555: {  	v35 =	vld [tilespmem:s5+$0x10];
	v0 =	vadd.f32 v0, v18  }
0x556: {  	v1 =	vmul.f32 v61, v19;
	v61 =	vld [tilespmem:s5+$0xB0]  }
0x557: {  	v25 =	vperm.xlane v0, v5;
	v5 =	vld [tilespmem:$0x1FFD0]  }
0x558: {  	v11 =	vld [tilespmem:s8+$0xFFFFFF40]  }
0x559: {  	v15 =	vld [tilespmem:s5+$0xFFFFFF80]  }
0x55a: {  	v51 =	vmul.f32 v9, v8;
	v9 =	vmul.f32 v32, v31;
	v31 =	vld [tilespmem:s8+$0xE0];
	v0 =	vadd.f32 v0, v25  }
0x55b: {  	v32 =	vld [tilespmem:s5+$0xF0]  }
0x55c: {  	v29 =	vperm.xlane v0, v5;
	v5 =	vld [tilespmem:$0x1FFC0]  }
0x55d: {  	v13 =	vld [tilespmem:s5+$0xFFFFFF60]  }
0x55e: {  	v17 =	vld [tilespmem:s8+$0xFFFFFF80]  }
0x55f: {  	v6 =	vmul.f32 v7, v6;
	v53 =	vmul.f32 v53, v10;
	v2 =	vld [tilespmem:s5+$0xFFFFFFA0]  }
0x560: {  	v60 =	vmul.f32 v23, v22;
	v63 =	vld [tilespmem:s8+$0xB0];
	v0 =	vadd.f32 v0, v29;
	v29 =	vmov s9  }
0x561: {  	v19 =	vmul.f32 v46, v45;
	v22 =	vmul.f32 v50, v49;
	vm2 =	veq.s32 v29, v5;
	v29 =	vld [tilespmem:s5+$0xFFFFFFF0]  }
0x562: {  	v23 =	vmul.f32 v54, v52;
	v8 =	vmul.f32 v30, v28;
	v14 =	vsel vm2, v0, v36;
	v0 =	vld [tilespmem:s8+$0xFFFFFFF0]  }
0x563: {  	v10 =	vmul.f32 v34, v33;
	v30 =	vmul.f32 v58, v56;
	v18 =	vld [tilespmem:s8+$0xFFFFFFA0]  }
0x564: {  	v4 =	vmul.f32 v4, v16;
	v16 =	vmul.f32 v44, v43;
	v25 =	vld [tilespmem:s8+$0xFFFFFFC0]  }
0x565: {  	v3 =	vmul.f32 v62, v21;
	v62 =	vmul.f32 v26, v24;
	v5 =	vld [tilespmem:s5+$0xC0]  }
0x566: {  	v21 =	vmul.f32 v48, v47;
	v55 =	vmul.f32 v11, v12;
	v36 =	vld [tilespmem:s8+$0x10]  }
0x567: {  	p0 =	sne.s32 s4, $0x3;
	v59 =	vmul.f32 v17, v15;
	v11 =	vmul.f32 v0, v29;
	v0 =	vld [tilespmem:s8+$0xC0]  }
.Ltmp15:
0x568: {  	v34 =	vld [tilespmem:s8+$0xF0];
	v57 =	vmul.f32 v20, v13;
	v13 =	vmul.f32 v38, v37;
	v24 =	vadd.f32 v4, v55;
	(pc) =	sbr.rel @p0 .LBB2_33-.Ltmp15, $4  }
0x569: {  	v26 =	vld [tilespmem:s5+$0xE0];
	v15 =	vmul.f32 v40, v39;
	v17 =	vadd.f32 v51, v6;
	v28 =	vadd.f32 v60, v59  }
0x56a: {  	v20 =	vld [tilespmem:s5+$0xD0];
	v33 =	vmul.f32 v63, v61;
	v2 =	vmul.f32 v18, v2;
	v18 =	vadd.f32 v1, v53  }
0x56b: {  	v63 =	vld [tilespmem:$0x1FFB0];
	v7 =	vmul.f32 v25, v27;
	v25 =	vadd.f32 v3, v57;
	v12 =	vmul.f32 v36, v35  }
0x56c: {  	s9 =	smov.u32 s4;
	v27 =	vld [tilespmem:s8+$0xD0];
	s4 =	sadd.s32 $0x1, s4;
	s5 =	sadd.s32 $0x200, s5;
	v36 =	vmovc v14;
	v14 =	vmul.f32 v42, v41;
	v29 =	vadd.f32 v62, v2;
	v35 =	vmul.f32 v0, v5  }
0x56d: {  	v0 =	vadd.f32 v8, v7  }
0x56e: {  	v1 =	vadd.f32 v11, v9;
	v3 =	vadd.f32 v12, v10  }
0x56f: {  	v4 =	vadd.f32 v15, v13;
	v44 =	vadd.f32 v21, v19  }
0x570: {  	v46 =	vadd.f32 v23, v22;
	v47 =	vadd.f32 v33, v30  }
0x571: {  	v45 =	vmul.f32 v34, v32;
	v48 =	vadd.f32 v18, v17;
	v49 =	vadd.f32 v25, v24  }
0x572: {  	v5 =	vmul.f32 v31, v26;
	v6 =	vadd.f32 v16, v14;
	v2 =	vmul.f32 v27, v20  }
0x573: {  	v50 =	vadd.f32 v29, v28;
	v0 =	vadd.f32 v1, v0  }
0x574: {  	v5 =	vadd.f32 v45, v5;
	v2 =	vadd.f32 v2, v35  }
0x575: {  	v51 =	vadd.f32 v4, v3;
	v53 =	vadd.f32 v47, v46  }
0x576: {  	v56 =	vld [tilespmem:$0x1FFE0];
	v52 =	vadd.f32 v44, v6;
	v2 =	vadd.f32 v5, v2  }
0x577: {  	v54 =	vadd.f32 v49, v48;
	v0 =	vadd.f32 v0, v50  }
0x578: {  	v1 =	vadd.f32 v52, v51;
	v2 =	vadd.f32 v2, v53;
	_ =	sdelay $0x1  }
0x579: {  	v55 =	vsel vm0, v0, v54;
	v4 =	vsel vm0, v2, v1  }
0x57a: {  	v3 =	vperm.xlane v55, v56;
	v4 =	vperm.xlane v4, v56  }
0x57b: {  	v0 =	vsel vm0, v54, v0;
	v1 =	vsel vm0, v1, v2  }
0x57c: {  	v0 =	vadd.f32 v0, v3;
	v1 =	vadd.f32 v1, v4;
	_ =	sdelay $0x1  }
0x57d: {  	v58 =	vld [tilespmem:$0x1FFF0];
	v57 =	vsel vm1, v1, v0  }
0x57e: {  	v2 =	vperm.xlane v57, v63  }
0x57f: {  	v0 =	vsel vm1, v0, v1  }
0x580: {  	v0 =	vadd.f32 v0, v2  }
0x581: {  	v60 =	vld [tilespmem:$0x1FFD0]  }
0x582: {  	v59 =	vperm.xlane v0, v58;
	_ =	sdelay $0x1  }
0x583: {  	v62 =	vld [tilespmem:$0x1FFC0];
	v0 =	vadd.f32 v0, v59  }
0x584: {  	s4 =	sshll.u32 s0, $0x4;
	s0 =	sadd.s32 $0x1, s0  }
0x585: {  	p0 =	sne.s32 s0, $0x5;
	v1 =	vperm.xlane v0, v60  }
.Ltmp16:
0x586: {  	_ = 	snop;
	(pc) =	sbr.rel @p0 .LBB2_32-.Ltmp16, $4  }
0x587: {  	v61 =	vmov s9;
	v0 =	vadd.f32 v0, v1  }
0x588: {  	vm2 =	veq.s32 v61, v62  }
0x589: {  	s4 =	sand.u32 $0x3FFFFFF0, s4;
	v0 =	vsel vm2, v0, v36  }
0x58a: {  	s6 =	sadd.s32 $0x800, s6;
	s7 =	sadd.s32 $0x800, s7;
	[tilespmem:s4+$0x7570] =	vst v0  }
0x58b: {  	_ =	swait.ge [sflag:s21], $0x2800  }
0x58c: {  	[sflag:s21] =	ssyncset.done $0x0  }
0x58d: {  	[sflag:s21] =	ssyncadd.s32 $0xFFFFD800  }
0x58e: {  	_ =	swait.ge [sflag:s22], $0x2800  }
0x58f: {  	s0 =	simm.s32 $0x0;
	[sflag:s22] =	ssyncset.done $0x0  }
0x590: {  	s6 =	simm.s32 $0x7780;
	s7 =	simm.s32 $0x11780;
	[sflag:s22] =	ssyncadd.s32 $0xFFFFD800  }
.LBB2_36:
0x591: {  	v0 =	vld [tilespmem:s6+$0xFFFFFF00]  }
0x592: {  	v1 =	vld [tilespmem:s7+$0xFFFFFF00]  }
0x593: {  	v2 =	vld [tilespmem:s6+$0xFFFFFF10]  }
0x594: {  	v3 =	vld [tilespmem:s7+$0xFFFFFF10]  }
0x595: {  	v4 =	vld [tilespmem:s6+$0xFFFFFF20]  }
0x596: {  	v5 =	vld [tilespmem:s7+$0xFFFFFF20]  }
0x597: {  	v6 =	vld [tilespmem:s6+$0xFFFFFF30]  }
0x598: {  	v7 =	vld [tilespmem:s7+$0xFFFFFF30]  }
0x599: {  	v8 =	vld [tilespmem:s6+$0xFFFFFF40]  }
0x59a: {  	v9 =	vld [tilespmem:s7+$0xFFFFFF40]  }
0x59b: {  	v10 =	vld [tilespmem:s6+$0xFFFFFF50]  }
0x59c: {  	v11 =	vld [tilespmem:s7+$0xFFFFFF50]  }
0x59d: {  	v12 =	vld [tilespmem:s6+$0xFFFFFF60]  }
0x59e: {  	v13 =	vld [tilespmem:s7+$0xFFFFFF60]  }
0x59f: {  	v14 =	vld [tilespmem:s6+$0xFFFFFF70]  }
0x5a0: {  	v15 =	vld [tilespmem:s7+$0xFFFFFF70]  }
0x5a1: {  	v16 =	vld [tilespmem:s6+$0xFFFFFF80]  }
0x5a2: {  	v17 =	vld [tilespmem:s7+$0xFFFFFF80]  }
0x5a3: {  	v18 =	vld [tilespmem:s6+$0xFFFFFF90]  }
0x5a4: {  	v19 =	vld [tilespmem:s7+$0xFFFFFF90]  }
0x5a5: {  	v20 =	vld [tilespmem:s6+$0xFFFFFFA0]  }
0x5a6: {  	v21 =	vld [tilespmem:s7+$0xFFFFFFA0]  }
0x5a7: {  	v22 =	vld [tilespmem:s6+$0xFFFFFFB0]  }
0x5a8: {  	v23 =	vld [tilespmem:s7+$0xFFFFFFB0]  }
0x5a9: {  	v24 =	vld [tilespmem:s6+$0xFFFFFFC0]  }
0x5aa: {  	v25 =	vld [tilespmem:s7+$0xFFFFFFC0]  }
0x5ab: {  	v26 =	vld [tilespmem:s6+$0xFFFFFFD0]  }
0x5ac: {  	v27 =	vld [tilespmem:s7+$0xFFFFFFD0]  }
0x5ad: {  	v28 =	vld [tilespmem:s6+$0xFFFFFFE0]  }
0x5ae: {  	v29 =	vld [tilespmem:s7+$0xFFFFFFE0]  }
0x5af: {  	v30 =	vld [tilespmem:s6+$0xFFFFFFF0]  }
0x5b0: {  	v31 =	vld [tilespmem:s7+$0xFFFFFFF0]  }
0x5b1: {  	v32 =	vld [tilespmem:s6+$0x0]  }
0x5b2: {  	v33 =	vld [tilespmem:s7+$0x0]  }
0x5b3: {  	v34 =	vld [tilespmem:s6+$0x10]  }
0x5b4: {  	v35 =	vld [tilespmem:s7+$0x10]  }
0x5b5: {  	v36 =	vld [tilespmem:s6+$0x20]  }
0x5b6: {  	v37 =	vld [tilespmem:s7+$0x20]  }
0x5b7: {  	v38 =	vld [tilespmem:s6+$0x30]  }
0x5b8: {  	v39 =	vld [tilespmem:s7+$0x30]  }
0x5b9: {  	v40 =	vld [tilespmem:s6+$0x40]  }
0x5ba: {  	v41 =	vld [tilespmem:s7+$0x40]  }
0x5bb: {  	v42 =	vld [tilespmem:s6+$0x50]  }
0x5bc: {  	v43 =	vld [tilespmem:s7+$0x50]  }
0x5bd: {  	v44 =	vld [tilespmem:s6+$0x60]  }
0x5be: {  	v45 =	vld [tilespmem:s7+$0x60]  }
0x5bf: {  	v46 =	vld [tilespmem:s6+$0x70]  }
0x5c0: {  	v47 =	vld [tilespmem:s7+$0x70]  }
0x5c1: {  	v48 =	vld [tilespmem:s6+$0x80];
	v0 =	vmul.f32 v1, v0;
	v1 =	vmul.f32 v3, v2  }
0x5c2: {  	v51 =	vld [tilespmem:s7+$0x90];
	v3 =	vmul.f32 v5, v4;
	v4 =	vmul.f32 v7, v6  }
0x5c3: {  	v54 =	vld [tilespmem:s6+$0xA0];
	v49 =	vmul.f32 v9, v8;
	v50 =	vmul.f32 v11, v10  }
0x5c4: {  	v57 =	vld [tilespmem:s7+$0xA0];
	v52 =	vmul.f32 v13, v12;
	v53 =	vmul.f32 v15, v14  }
0x5c5: {  	v60 =	vld [tilespmem:s6+$0xB0];
	v55 =	vmul.f32 v17, v16;
	v56 =	vmul.f32 v19, v18  }
0x5c6: {  	v61 =	vld [tilespmem:s7+$0xB0];
	v58 =	vmul.f32 v21, v20;
	v59 =	vmul.f32 v23, v22  }
0x5c7: {  	v62 =	vld [tilespmem:s6+$0xC0];
	v7 =	vmul.f32 v25, v24;
	v8 =	vmul.f32 v27, v26  }
0x5c8: {  	v2 =	vld [tilespmem:s7+$0x80];
	v9 =	vmul.f32 v29, v28;
	v11 =	vmul.f32 v31, v30  }
0x5c9: {  	v6 =	vld [tilespmem:s6+$0x90];
	v10 =	vmul.f32 v33, v32;
	v12 =	vmul.f32 v35, v34  }
0x5ca: {  	v35 =	vld [tilespmem:s7+$0xC0];
	v13 =	vmul.f32 v37, v36;
	v15 =	vmul.f32 v39, v38  }
0x5cb: {  	v20 =	vld [tilespmem:s6+$0xD0];
	v14 =	vmul.f32 v41, v40;
	v16 =	vmul.f32 v43, v42  }
0x5cc: {  	v27 =	vld [tilespmem:s7+$0xD0];
	v19 =	vmul.f32 v45, v44;
	v21 =	vmul.f32 v47, v46  }
0x5cd: {  	v36 =	vimm.f32 $0.0e+00;
	v26 =	vld [tilespmem:s6+$0xE0];
	v30 =	vmul.f32 v57, v54;
	v17 =	vadd.f32 v1, v0  }
0x5ce: {  	v31 =	vld [tilespmem:s7+$0xE0];
	v33 =	vmul.f32 v61, v60;
	v18 =	vadd.f32 v4, v3;
	v24 =	vadd.f32 v50, v49  }
0x5cf: {  	s5 =	sadd.s32 $0x200, s6;
	v32 =	vld [tilespmem:s6+$0xF0];
	v25 =	vadd.f32 v53, v52;
	v28 =	vadd.f32 v56, v55;
	v22 =	vmul.f32 v2, v48  }
0x5d0: {  	s4 =	simm.s32 $0x1;
	s8 =	smov.u32 s7;
	s9 =	simm.s32 $0x0;
	v34 =	vld [tilespmem:s7+$0xF0];
	v29 =	vadd.f32 v59, v58;
	v23 =	vmul.f32 v51, v6;
	v35 =	vmul.f32 v35, v62  }
.LBB2_37:
0x5d1: {  	v6 =	vld [tilespmem:s5+$0xFFFFFF00]  }
0x5d2: {  	v5 =	vld [tilespmem:$0x1FFE0]  }
0x5d3: {  	v37 =	vld [tilespmem:s5+$0x20]  }
0x5d4: {  	v39 =	vld [tilespmem:s5+$0x30]  }
0x5d5: {  	v41 =	vld [tilespmem:s5+$0x40]  }
0x5d6: {  	v43 =	vld [tilespmem:s5+$0x50]  }
0x5d7: {  	v45 =	vld [tilespmem:s5+$0x60]  }
0x5d8: {  	v47 =	vld [tilespmem:s5+$0x70]  }
0x5d9: {  	v49 =	vld [tilespmem:s5+$0x80]  }
0x5da: {  	v52 =	vld [tilespmem:s5+$0x90]  }
0x5db: {  	s8 =	sadd.s32 $0x200, s8;
	v56 =	vld [tilespmem:s5+$0xA0]  }
0x5dc: {  	v0 =	vadd.f32 v8, v7;
	v7 =	vld [tilespmem:s8+$0xFFFFFF00]  }
0x5dd: {  	v8 =	vld [tilespmem:s5+$0xFFFFFF10]  }
0x5de: {  	v1 =	vadd.f32 v11, v9;
	v9 =	vld [tilespmem:s8+$0xFFFFFF10]  }
0x5df: {  	v3 =	vadd.f32 v12, v10;
	v10 =	vld [tilespmem:s5+$0xFFFFFF20]  }
0x5e0: {  	v53 =	vld [tilespmem:s8+$0xFFFFFF20]  }
0x5e1: {  	v4 =	vadd.f32 v15, v13;
	v13 =	vadd.f32 v21, v19;
	v19 =	vld [tilespmem:s5+$0xFFFFFF30]  }
0x5e2: {  	v61 =	vld [tilespmem:s8+$0xFFFFFF30]  }
0x5e3: {  	v21 =	vld [tilespmem:s5+$0xFFFFFF70]  }
0x5e4: {  	v62 =	vld [tilespmem:s8+$0xFFFFFF70]  }
0x5e5: {  	v15 =	vadd.f32 v23, v22;
	v22 =	vld [tilespmem:s5+$0xFFFFFF90]  }
0x5e6: {  	v23 =	vld [tilespmem:s8+$0xFFFFFF90]  }
0x5e7: {  	v17 =	vadd.f32 v18, v17;
	v18 =	vadd.f32 v25, v24;
	v24 =	vld [tilespmem:s5+$0xFFFFFFB0]  }
0x5e8: {  	v12 =	vadd.f32 v16, v14;
	v16 =	vadd.f32 v33, v30;
	v30 =	vld [tilespmem:s8+$0xFFFFFFD0]  }
0x5e9: {  	v33 =	vld [tilespmem:s5+$0x0]  }
0x5ea: {  	v38 =	vld [tilespmem:s8+$0x20]  }
0x5eb: {  	v40 =	vld [tilespmem:s8+$0x30]  }
0x5ec: {  	v42 =	vld [tilespmem:s8+$0x40]  }
0x5ed: {  	v44 =	vld [tilespmem:s8+$0x50];
	v2 =	vmul.f32 v27, v20  }
0x5ee: {  	v46 =	vld [tilespmem:s8+$0x60];
	v11 =	vmul.f32 v31, v26;
	v14 =	vmul.f32 v34, v32  }
0x5ef: {  	v48 =	vld [tilespmem:s8+$0x70];
	v0 =	vadd.f32 v1, v0;
	v3 =	vadd.f32 v4, v3  }
0x5f0: {  	v50 =	vld [tilespmem:s8+$0x80];
	v2 =	vadd.f32 v2, v35;
	v11 =	vadd.f32 v14, v11  }
0x5f1: {  	v54 =	vld [tilespmem:s8+$0x90];
	v4 =	vadd.f32 v13, v12;
	v13 =	vadd.f32 v16, v15  }
0x5f2: {  	v58 =	vld [tilespmem:s8+$0xA0];
	v20 =	vadd.f32 v29, v28;
	v2 =	vadd.f32 v11, v2  }
0x5f3: {  	v12 =	vld [tilespmem:s5+$0xFFFFFF40];
	v15 =	vadd.f32 v18, v17;
	v3 =	vadd.f32 v4, v3  }
0x5f4: {  	v16 =	vld [tilespmem:s5+$0xFFFFFF50];
	v0 =	vadd.f32 v0, v20;
	v2 =	vadd.f32 v2, v13  }
0x5f5: {  	v26 =	vld [tilespmem:s8+$0xFFFFFFB0]  }
0x5f6: {  	v27 =	vld [tilespmem:s5+$0xFFFFFFC0];
	v17 =	vsel vm0, v0, v15;
	v18 =	vsel vm0, v2, v3  }
0x5f7: {  	v28 =	vld [tilespmem:s5+$0xFFFFFFD0];
	v17 =	vperm.xlane v17, v5;
	v18 =	vperm.xlane v18, v5  }
0x5f8: {  	v31 =	vld [tilespmem:s5+$0xFFFFFFE0];
	v0 =	vsel vm0, v15, v0;
	v2 =	vsel vm0, v3, v2  }
0x5f9: {  	v32 =	vld [tilespmem:s8+$0xFFFFFFE0];
	v0 =	vadd.f32 v0, v17;
	v2 =	vadd.f32 v2, v18  }
0x5fa: {  	v34 =	vld [tilespmem:s8+$0x0]  }
0x5fb: {  	v5 =	vld [tilespmem:$0x1FFF0];
	v18 =	vsel vm1, v2, v0  }
0x5fc: {  	v4 =	vld [tilespmem:s8+$0xFFFFFF50];
	v18 =	vperm.xlane v18, v63  }
0x5fd: {  	v20 =	vld [tilespmem:s8+$0xFFFFFF60];
	v0 =	vsel vm1, v0, v2  }
0x5fe: {  	v35 =	vld [tilespmem:s5+$0x10];
	v0 =	vadd.f32 v0, v18  }
0x5ff: {  	v1 =	vmul.f32 v61, v19;
	v61 =	vld [tilespmem:s5+$0xB0]  }
0x600: {  	v25 =	vperm.xlane v0, v5;
	v5 =	vld [tilespmem:$0x1FFD0]  }
0x601: {  	v11 =	vld [tilespmem:s8+$0xFFFFFF40]  }
0x602: {  	v15 =	vld [tilespmem:s5+$0xFFFFFF80]  }
0x603: {  	v51 =	vmul.f32 v9, v8;
	v9 =	vmul.f32 v32, v31;
	v31 =	vld [tilespmem:s8+$0xE0];
	v0 =	vadd.f32 v0, v25  }
0x604: {  	v32 =	vld [tilespmem:s5+$0xF0]  }
0x605: {  	v29 =	vperm.xlane v0, v5;
	v5 =	vld [tilespmem:$0x1FFC0]  }
0x606: {  	v13 =	vld [tilespmem:s5+$0xFFFFFF60]  }
0x607: {  	v17 =	vld [tilespmem:s8+$0xFFFFFF80]  }
0x608: {  	v6 =	vmul.f32 v7, v6;
	v53 =	vmul.f32 v53, v10;
	v2 =	vld [tilespmem:s5+$0xFFFFFFA0]  }
0x609: {  	v60 =	vmul.f32 v23, v22;
	v63 =	vld [tilespmem:s8+$0xB0];
	v0 =	vadd.f32 v0, v29;
	v29 =	vmov s9  }
0x60a: {  	v19 =	vmul.f32 v46, v45;
	v22 =	vmul.f32 v50, v49;
	vm2 =	veq.s32 v29, v5;
	v29 =	vld [tilespmem:s5+$0xFFFFFFF0]  }
0x60b: {  	v23 =	vmul.f32 v54, v52;
	v8 =	vmul.f32 v30, v28;
	v14 =	vsel vm2, v0, v36;
	v0 =	vld [tilespmem:s8+$0xFFFFFFF0]  }
0x60c: {  	v10 =	vmul.f32 v34, v33;
	v30 =	vmul.f32 v58, v56;
	v18 =	vld [tilespmem:s8+$0xFFFFFFA0]  }
0x60d: {  	v4 =	vmul.f32 v4, v16;
	v16 =	vmul.f32 v44, v43;
	v25 =	vld [tilespmem:s8+$0xFFFFFFC0]  }
0x60e: {  	v3 =	vmul.f32 v62, v21;
	v62 =	vmul.f32 v26, v24;
	v5 =	vld [tilespmem:s5+$0xC0]  }
0x60f: {  	v21 =	vmul.f32 v48, v47;
	v55 =	vmul.f32 v11, v12;
	v36 =	vld [tilespmem:s8+$0x10]  }
0x610: {  	p0 =	sne.s32 s4, $0x3;
	v59 =	vmul.f32 v17, v15;
	v11 =	vmul.f32 v0, v29;
	v0 =	vld [tilespmem:s8+$0xC0]  }
.Ltmp17:
0x611: {  	v34 =	vld [tilespmem:s8+$0xF0];
	v57 =	vmul.f32 v20, v13;
	v13 =	vmul.f32 v38, v37;
	v24 =	vadd.f32 v4, v55;
	(pc) =	sbr.rel @p0 .LBB2_37-.Ltmp17, $4  }
0x612: {  	v26 =	vld [tilespmem:s5+$0xE0];
	v15 =	vmul.f32 v40, v39;
	v17 =	vadd.f32 v51, v6;
	v28 =	vadd.f32 v60, v59  }
0x613: {  	v20 =	vld [tilespmem:s5+$0xD0];
	v33 =	vmul.f32 v63, v61;
	v2 =	vmul.f32 v18, v2;
	v18 =	vadd.f32 v1, v53  }
0x614: {  	v63 =	vld [tilespmem:$0x1FFB0];
	v7 =	vmul.f32 v25, v27;
	v25 =	vadd.f32 v3, v57;
	v12 =	vmul.f32 v36, v35  }
0x615: {  	s9 =	smov.u32 s4;
	v27 =	vld [tilespmem:s8+$0xD0];
	s4 =	sadd.s32 $0x1, s4;
	s5 =	sadd.s32 $0x200, s5;
	v36 =	vmovc v14;
	v14 =	vmul.f32 v42, v41;
	v29 =	vadd.f32 v62, v2;
	v35 =	vmul.f32 v0, v5  }
0x616: {  	v0 =	vadd.f32 v8, v7  }
0x617: {  	v1 =	vadd.f32 v11, v9;
	v3 =	vadd.f32 v12, v10  }
0x618: {  	v4 =	vadd.f32 v15, v13;
	v44 =	vadd.f32 v21, v19  }
0x619: {  	v46 =	vadd.f32 v23, v22;
	v47 =	vadd.f32 v33, v30  }
0x61a: {  	v45 =	vmul.f32 v34, v32;
	v48 =	vadd.f32 v18, v17;
	v49 =	vadd.f32 v25, v24  }
0x61b: {  	v5 =	vmul.f32 v31, v26;
	v6 =	vadd.f32 v16, v14;
	v2 =	vmul.f32 v27, v20  }
0x61c: {  	v50 =	vadd.f32 v29, v28;
	v0 =	vadd.f32 v1, v0  }
0x61d: {  	v5 =	vadd.f32 v45, v5;
	v2 =	vadd.f32 v2, v35  }
0x61e: {  	v51 =	vadd.f32 v4, v3;
	v53 =	vadd.f32 v47, v46  }
0x61f: {  	v56 =	vld [tilespmem:$0x1FFE0];
	v52 =	vadd.f32 v44, v6;
	v2 =	vadd.f32 v5, v2  }
0x620: {  	v54 =	vadd.f32 v49, v48;
	v0 =	vadd.f32 v0, v50  }
0x621: {  	v1 =	vadd.f32 v52, v51;
	v2 =	vadd.f32 v2, v53;
	_ =	sdelay $0x1  }
0x622: {  	v55 =	vsel vm0, v0, v54;
	v4 =	vsel vm0, v2, v1  }
0x623: {  	v3 =	vperm.xlane v55, v56;
	v4 =	vperm.xlane v4, v56  }
0x624: {  	v0 =	vsel vm0, v54, v0;
	v1 =	vsel vm0, v1, v2  }
0x625: {  	v0 =	vadd.f32 v0, v3;
	v1 =	vadd.f32 v1, v4;
	_ =	sdelay $0x1  }
0x626: {  	v58 =	vld [tilespmem:$0x1FFF0];
	v57 =	vsel vm1, v1, v0  }
0x627: {  	v2 =	vperm.xlane v57, v63  }
0x628: {  	v0 =	vsel vm1, v0, v1  }
0x629: {  	v0 =	vadd.f32 v0, v2  }
0x62a: {  	v60 =	vld [tilespmem:$0x1FFD0]  }
0x62b: {  	v59 =	vperm.xlane v0, v58;
	_ =	sdelay $0x1  }
0x62c: {  	v62 =	vld [tilespmem:$0x1FFC0];
	v0 =	vadd.f32 v0, v59  }
0x62d: {  	s4 =	sshll.u32 s0, $0x4;
	s0 =	sadd.s32 $0x1, s0  }
0x62e: {  	p0 =	sne.s32 s0, $0x5;
	v1 =	vperm.xlane v0, v60  }
.Ltmp18:
0x62f: {  	_ = 	snop;
	(pc) =	sbr.rel @p0 .LBB2_36-.Ltmp18, $4  }
0x630: {  	v61 =	vmov s9;
	v0 =	vadd.f32 v0, v1  }
0x631: {  	vm2 =	veq.s32 v61, v62  }
0x632: {  	s4 =	sand.u32 $0x3FFFFFF0, s4;
	v0 =	vsel vm2, v0, v36  }
0x633: {  	s6 =	sadd.s32 $0x800, s6;
	s7 =	sadd.s32 $0x800, s7;
	[tilespmem:s4+$0x75C0] =	vst v0  }
0x634: {  	s7 =	simm.s32 $0x0;
	s0 =	rddreg [dreg:$0x7];
	s4 =	simm.s32 $0x4F00  }
0x635: {  	[hbm4b:s0+s7] =	stream.linear.scatter [tilespmem:s4], [sflag:$0x9], $0x2710, $0x38;
	[tilespmem:$0x1B680] =	vst v63  }
0x636: {  	s4 =	simm.s32 $0x9  }
0x637: {  	_ =	swait.ge [sflag:s4], $0x2710  }
0x638: {  	s3 =	sadd.s32 $0x1, s3;
	s19 =	rddreg [dreg:$0x8]  }
0x639: {  	p0 =	sne.s32 s3, s19  }
.Ltmp19:
0x63a: {  	_ = 	snop;
	(pc) =	sbr.rel @p0 .LBB2_1-.Ltmp19, $3  }
0x63b: {  	_ =	sdelay $0x1  }
0x63c: {  	[sflag:s4] =	ssyncset.done $0x0  }
0x63d: {  	[sflag:s4] =	ssyncadd.s32 $0xFFFFD8F0  }
0x63e: {  	_ =	sfence.sel $0x180000  }
0x63f: {  	[bflag:$0x0] =	sbarrier.arrive $0xFFFF  }
0x640: {  	_ =	strace $0x90000047  }
0x641: {  	s0 =	stileid.u32;
	[bflag:$0x2] =	sbarrier.arrive $0xFFFF  }
0x642: {  	p0 =	sne.s32 s0, $0x0;
	s0 =	rddreg [dreg:$0x4]  }
0x643: {  	s0 =	sadd.s32 @!p0 $0x100000, s0  }
0x644: {  	[sflag:s0] =	ssyncadd.tile.s32 @!p0 $0x1;
	_ =	shalt  }
.Lfunc_end2:
_tile_overlayer_lowered:
.L_overlay_start_2:
0x645: {  	(tag) =	ssettag $0x2  }
0x646: {  	s0 =	rddreg [dreg:$0x0];
	s2 =	stileid.u32  }
0x647: {  	s1 =	rddreg [dreg:$0x1];
	p0 =	sne.s32 s2, $0x0  }
0x648: {  	s3 =	rddreg [dreg:$0x2];
	[bflag:$0x3] =	sbarrier.arrive $0xFFFF;
	s2 =	simm.s32 @!p0 $0x1C09  }
0x649: {  	[timem:s3], [sflag:s2] =	dma.local @!p0 [hbm:s0], s1  }
0x64a: {  	s0 =	simm.s32 @!p0 $0x9  }
0x64b: {  	_ =	swait.ge @!p0 [sflag:s0], s1  }
0x64c: {  	s1 =	ssub.s32 @!p0 $0x0, s1;
	[sflag:s0] =	ssyncset.done @!p0 $0x0  }
0x64d: {  	[sflag:s0] =	ssyncadd.s32 @!p0 s1  }
0x64e: {  	[bflag:$0x3] =	sbarrier.arrive $0xFFFF  }
0x64f: {  	_ =	shalt  }

</sc_bundles>
